<compile_context>
chip_gen: v7x
topology: tpu7x:2x2x1
jax: 0.10.2.dev20260603
libtpu: 0.0.44.dev20260713+nightly
codegen_flags: <defaults>
</compile_context>

<pallas_src>
import functools
import math

import jax
import jax.numpy as jnp
from jax import lax
from jax.experimental import pallas as pl
from jax.experimental.pallas import tpu as pltpu
from jax.experimental.pallas import tpu_sc as plsc

D_MODEL = 64
SCALE_F = float(math.sqrt(D_MODEL))
CLEN = 128
LANES = 16

_info = plsc.get_sparse_core_info()
_NC = _info.num_cores
_NS = _info.num_subcores
_NW = _NC * _NS


@functools.lru_cache(maxsize=None)
def _make_sc_gather(n_i: int, n_t: int, vocab_pairs: int):
    cb_total = n_i // CLEN
    cb_per_w = cb_total // _NW
    n_chunks = cb_per_w * n_t
    mesh = plsc.VectorSubcoreMesh(core_axis_name="c", subcore_axis_name="s")

    @functools.partial(
        pl.kernel,
        mesh=mesh,
        out_type=jax.ShapeDtypeStruct((n_t, D_MODEL, n_i), jnp.float32),
        scratch_types=[
            pltpu.VMEM((n_chunks, CLEN), jnp.int32),
            pltpu.VMEM((n_chunks, CLEN), jnp.int32),
            pltpu.VMEM((2, CLEN, 128), jnp.float32),
            pltpu.VMEM((2, D_MODEL, CLEN), jnp.float32),
            pltpu.SemaphoreType.DMA((2,)),
            pltpu.SemaphoreType.DMA((2,)),
        ],
        compiler_params=pltpu.CompilerParams(
            use_tc_tiling_on_sc=True, needs_layout_passes=False
        ),
    )
    def k(table_hbm, pair_hbm, half_hbm, out_hbm, pair_v, half_v, gbuf,
          stg, gsem, ssem):
        c = lax.axis_index("c")
        s = lax.axis_index("s")
        wid = s * _NC + c
        pltpu.sync_copy(pair_hbm.at[wid], pair_v)
        pltpu.sync_copy(half_hbm.at[wid], half_v)
        c0 = wid * cb_per_w
        iot = lax.iota(jnp.int32, LANES)

        for b in range(2):
            pltpu.async_copy(
                table_hbm.at[pair_v.at[b]], gbuf.at[b], gsem.at[b]
            )

        def chunk_body(g2, carry):
            for b in range(2):
                g = g2 * 2 + b
                pltpu.make_async_copy(
                    table_hbm.at[pair_v.at[g]], gbuf.at[b], gsem.at[b]
                ).wait()

                @pl.when(g >= 2)
                def _wait_prev_store(b=b):
                    pltpu.make_async_copy(
                        stg.at[b], out_hbm.at[0, :, pl.ds(0, CLEN)],
                        ssem.at[b],
                    ).wait()

                def blk_body(rb, cc, b=b, g=g):
                    r0 = rb * LANES
                    rows = iot + r0
                    h16 = half_v[g, pl.ds(r0, LANES)]
                    for jb in range(D_MODEL // LANES):
                        j0 = jb * LANES
                        for d in range(LANES):
                            jrot = ((iot + d) & (LANES - 1)) + j0
                            v = plsc.load_gather(
                                gbuf.at[b], [rows, h16 + jrot]
                            )
                            plsc.store_scatter(
                                stg.at[b], [jrot, rows], v * SCALE_F
                            )
                    return cc

                lax.fori_loop(0, CLEN // LANES, blk_body, 0)

                t = g // cb_per_w
                cl = lax.rem(g, cb_per_w)
                i0 = (c0 + cl) * CLEN
                pltpu.make_async_copy(
                    stg.at[b], out_hbm.at[t, :, pl.ds(i0, CLEN)], ssem.at[b]
                ).start()

                @pl.when(g + 2 < n_chunks)
                def _next_gather(g=g, b=b):
                    pltpu.async_copy(
                        table_hbm.at[pair_v.at[g + 2]], gbuf.at[b],
                        gsem.at[b],
                    )
            return carry

        lax.fori_loop(0, n_chunks // 2, chunk_body, 0)

        for b in range(2):
            pltpu.make_async_copy(
                stg.at[b], out_hbm.at[0, :, pl.ds(0, CLEN)], ssem.at[b]
            ).wait()

    return k


def kernel(x, table):
    n_b, n_t = x.shape
    vocab = table.shape[0]
    n_i = n_b
    assert n_i % (_NW * CLEN) == 0 and vocab % 2 == 0
    cb_per_w = n_i // (_NW * CLEN)

    xi = x.astype(jnp.int32)
    xw = (
        xi.T.reshape(n_t, _NW, cb_per_w, CLEN)
        .transpose(1, 0, 2, 3)
        .reshape(_NW, n_t * cb_per_w, CLEN)
    )
    pairs = xw >> 1
    halves = (xw & 1) * D_MODEL
    table2 = table.reshape(vocab // 2, 2 * D_MODEL)
    out = _make_sc_gather(n_i, n_t, vocab // 2)(table2, pairs, halves)
    return jnp.transpose(out, (2, 0, 1))

# --- scband reference (transcript-rebuilt; emitter-appended) ---
"""Pipeline reference for scband-learned-embedding-32169305047608 (READ-ONLY COPY).

The authoritative reference and input builder live on the scoring server;
editing this copy changes nothing except your own understanding.
"""

import math
import jax, jax.numpy as jnp
import numpy as np

VOCAB = 1000000
D_MODEL = 64
SCALE = math.sqrt(D_MODEL)


def setup_inputs(seed: int = 0) -> dict:
    key = jax.random.key(seed)
    k1, k2 = jax.random.split(key)
    x = jax.random.randint(k1, (16384, 50), 0, VOCAB, dtype=jnp.int64 if jax.config.jax_enable_x64 else jnp.int32)
    table = jax.random.normal(k2, (VOCAB, D_MODEL), dtype=jnp.float32) * 0.02
    return {"x": x, "table": table}


def reference(x, table):
    # nn.Embedding lookup followed by sqrt(d_model) scaling
    emb = jnp.take(table, x, axis=0)
    return emb * SCALE

if __name__ == "__main__":
    import jax
    _d = setup_inputs()
    print(jax.jit(kernel)(*tuple(_d.values())))

</pallas_src>

<mosaic_0001>
#map = affine_map<(d0, d1) -> (0, 0)>
#map1 = affine_map<(d0, d1) -> (0, 0, 0)>
module attributes {stable_mosaic.version = 14 : i64} {
  func.func @k(%arg0: i32, %arg1: i32, %arg2: memref<500000x128xf32, #tpu.memory_space<hbm>>, %arg3: memref<32x200x128xi32, #tpu.memory_space<hbm>>, %arg4: memref<32x200x128xi32, #tpu.memory_space<hbm>>, %arg5: memref<50x64x16384xf32, #tpu.memory_space<hbm>>, %arg6: memref<200x128xi32, #tpu.memory_space<vmem>>, %arg7: memref<200x128xi32, #tpu.memory_space<vmem>>, %arg8: memref<2x128x128xf32, #tpu.memory_space<vmem>>, %arg9: memref<2x64x128xf32, #tpu.memory_space<vmem>>, %arg10: memref<2x!tpu.dma_semaphore, #tpu.memory_space<semaphore_mem>>, %arg11: memref<2x!tpu.dma_semaphore, #tpu.memory_space<semaphore_mem>>) attributes {dimension_semantics = [#tpu.dimension_semantics<core_parallel>, #tpu.dimension_semantics<subcore_parallel>], iteration_bounds = array<i64: 2, 16>, scalar_prefetch = 0 : i64, scratch_operands = 6 : i64, tpu.core_type = #tpu.core_type<sc_vector_subcore>, window_params = [{transform_indices = #map}, {transform_indices = #map1}, {transform_indices = #map1}, {transform_indices = #map1}]} {
    %mul3A = arith.constant 2 : i32
    %mul3A_0 = arith.muli %arg1, %mul3A : i32
    %add3A = arith.addi %mul3A_0, %arg0 : i32
    "tpu.region"() ({
      %run_scoped3A = tpu.sem_alloc : memref<!tpu.dma_semaphore, #tpu.memory_space<semaphore_mem>>
      %dma_start3A_78 = arith.constant 0 : i32
      %dma_start3A_79 = arith.constant 0 : i32
      %dma_start3A_80 = tpu.memref_slice %arg3[%add3A, %dma_start3A_78, %dma_start3A_79] : memref<32x200x128xi32, #tpu.memory_space<hbm>> -> memref<1x200x128xi32, #tpu.memory_space<hbm>>
      %dma_start3A_81 = tpu.memref_squeeze %dma_start3A_80 : memref<1x200x128xi32, #tpu.memory_space<hbm>> -> memref<200x128xi32, #tpu.memory_space<hbm>>
      %dma_start3A_82 = arith.constant 0 : i32
      %dma_start3A_83 = arith.constant 0 : i32
      %dma_start3A_84 = tpu.memref_slice %arg3[%add3A, %dma_start3A_82, %dma_start3A_83] : memref<32x200x128xi32, #tpu.memory_space<hbm>> -> memref<1x200x128xi32, #tpu.memory_space<hbm>>
      %dma_start3A_85 = tpu.memref_squeeze %dma_start3A_84 : memref<1x200x128xi32, #tpu.memory_space<hbm>> -> memref<200x128xi32, #tpu.memory_space<hbm>>
      tpu.enqueue_dma source(%dma_start3A_85 : memref<200x128xi32, #tpu.memory_space<hbm>>) target(%arg6 : memref<200x128xi32, #tpu.memory_space<vmem>>) target_semaphore(%run_scoped3A : memref<!tpu.dma_semaphore, #tpu.memory_space<semaphore_mem>>)
      %dma_wait3A_86 = arith.constant 0 : i32
      %dma_wait3A_87 = arith.constant 0 : i32
      %dma_wait3A_88 = tpu.memref_slice %arg3[%add3A, %dma_wait3A_86, %dma_wait3A_87] : memref<32x200x128xi32, #tpu.memory_space<hbm>> -> memref<1x200x128xi32, #tpu.memory_space<hbm>>
      %dma_wait3A_89 = tpu.memref_squeeze %dma_wait3A_88 : memref<1x200x128xi32, #tpu.memory_space<hbm>> -> memref<200x128xi32, #tpu.memory_space<hbm>>
      %dma_wait3A_90 = arith.constant 0 : i32
      %dma_wait3A_91 = arith.constant 0 : i32
      %dma_wait3A_92 = tpu.memref_slice %arg3[%add3A, %dma_wait3A_90, %dma_wait3A_91] : memref<32x200x128xi32, #tpu.memory_space<hbm>> -> memref<1x200x128xi32, #tpu.memory_space<hbm>>
      %dma_wait3A_93 = tpu.memref_squeeze %dma_wait3A_92 : memref<1x200x128xi32, #tpu.memory_space<hbm>> -> memref<200x128xi32, #tpu.memory_space<hbm>>
      tpu.wait_dma2 semaphore(%run_scoped3A : memref<!tpu.dma_semaphore, #tpu.memory_space<semaphore_mem>>) src(%dma_wait3A_93 : memref<200x128xi32, #tpu.memory_space<hbm>>) dst(%arg6 : memref<200x128xi32, #tpu.memory_space<vmem>>)
      tpu.yield
    }) : () -> ()
    "tpu.region"() ({
      %run_scoped3A = tpu.sem_alloc : memref<!tpu.dma_semaphore, #tpu.memory_space<semaphore_mem>>
      %dma_start3A_78 = arith.constant 0 : i32
      %dma_start3A_79 = arith.constant 0 : i32
      %dma_start3A_80 = tpu.memref_slice %arg4[%add3A, %dma_start3A_78, %dma_start3A_79] : memref<32x200x128xi32, #tpu.memory_space<hbm>> -> memref<1x200x128xi32, #tpu.memory_space<hbm>>
      %dma_start3A_81 = tpu.memref_squeeze %dma_start3A_80 : memref<1x200x128xi32, #tpu.memory_space<hbm>> -> memref<200x128xi32, #tpu.memory_space<hbm>>
      %dma_start3A_82 = arith.constant 0 : i32
      %dma_start3A_83 = arith.constant 0 : i32
      %dma_start3A_84 = tpu.memref_slice %arg4[%add3A, %dma_start3A_82, %dma_start3A_83] : memref<32x200x128xi32, #tpu.memory_space<hbm>> -> memref<1x200x128xi32, #tpu.memory_space<hbm>>
      %dma_start3A_85 = tpu.memref_squeeze %dma_start3A_84 : memref<1x200x128xi32, #tpu.memory_space<hbm>> -> memref<200x128xi32, #tpu.memory_space<hbm>>
      tpu.enqueue_dma source(%dma_start3A_85 : memref<200x128xi32, #tpu.memory_space<hbm>>) target(%arg7 : memref<200x128xi32, #tpu.memory_space<vmem>>) target_semaphore(%run_scoped3A : memref<!tpu.dma_semaphore, #tpu.memory_space<semaphore_mem>>)
      %dma_wait3A_86 = arith.constant 0 : i32
      %dma_wait3A_87 = arith.constant 0 : i32
      %dma_wait3A_88 = tpu.memref_slice %arg4[%add3A, %dma_wait3A_86, %dma_wait3A_87] : memref<32x200x128xi32, #tpu.memory_space<hbm>> -> memref<1x200x128xi32, #tpu.memory_space<hbm>>
      %dma_wait3A_89 = tpu.memref_squeeze %dma_wait3A_88 : memref<1x200x128xi32, #tpu.memory_space<hbm>> -> memref<200x128xi32, #tpu.memory_space<hbm>>
      %dma_wait3A_90 = arith.constant 0 : i32
      %dma_wait3A_91 = arith.constant 0 : i32
      %dma_wait3A_92 = tpu.memref_slice %arg4[%add3A, %dma_wait3A_90, %dma_wait3A_91] : memref<32x200x128xi32, #tpu.memory_space<hbm>> -> memref<1x200x128xi32, #tpu.memory_space<hbm>>
      %dma_wait3A_93 = tpu.memref_squeeze %dma_wait3A_92 : memref<1x200x128xi32, #tpu.memory_space<hbm>> -> memref<200x128xi32, #tpu.memory_space<hbm>>
      tpu.wait_dma2 semaphore(%run_scoped3A : memref<!tpu.dma_semaphore, #tpu.memory_space<semaphore_mem>>) src(%dma_wait3A_93 : memref<200x128xi32, #tpu.memory_space<hbm>>) dst(%arg7 : memref<200x128xi32, #tpu.memory_space<vmem>>)
      tpu.yield
    }) : () -> ()
    %mul3A_1 = arith.constant 4 : i32
    %mul3A_2 = arith.muli %add3A, %mul3A_1 : i32
    %iota3A = tpu.iota {dimensions = array<i32: 0>} : vector<16xi32>
    %dma_start3A = arith.constant 0 : i32
    %dma_start3A_3 = arith.constant 0 : i32
    %dma_start3A_4 = arith.constant 0 : i32
    %dma_start3A_5 = arith.constant 0 : i32
    %dma_start3A_6 = arith.constant 0 : i32
    %dma_start3A_7 = tpu.memref_slice %arg8[%dma_start3A_3, %dma_start3A_5, %dma_start3A_6] : memref<2x128x128xf32, #tpu.memory_space<vmem>> -> memref<1x128x128xf32, #tpu.memory_space<vmem>>
    %dma_start3A_8 = tpu.memref_squeeze %dma_start3A_7 : memref<1x128x128xf32, #tpu.memory_space<vmem>> -> memref<128x128xf32, #tpu.memory_space<vmem>>
    %dma_start3A_9 = arith.constant 0 : i32
    %dma_start3A_10 = tpu.memref_slice %arg6[%dma_start3A, %dma_start3A_9] : memref<200x128xi32, #tpu.memory_space<vmem>> -> memref<1x128xi32, #tpu.memory_space<vmem>>
    %dma_start3A_11 = tpu.memref_squeeze %dma_start3A_10 : memref<1x128xi32, #tpu.memory_space<vmem>> -> memref<128xi32, #tpu.memory_space<vmem>>
    %dma_start3A_12 = arith.constant 0 : i32
    %dma_start3A_13 = arith.constant 0 : i32
    %dma_start3A_14 = tpu.memref_slice %arg2[%dma_start3A_12, %dma_start3A_13] : memref<500000x128xf32, #tpu.memory_space<hbm>> -> memref<500000x128xf32, #tpu.memory_space<hbm>>
    %dma_start3A_15 = tpu.memref_slice %arg10[%dma_start3A_4] : memref<2x!tpu.dma_semaphore, #tpu.memory_space<semaphore_mem>> -> memref<1x!tpu.dma_semaphore, #tpu.memory_space<semaphore_mem>>
    %dma_start3A_16 = tpu.memref_squeeze %dma_start3A_15 : memref<1x!tpu.dma_semaphore, #tpu.memory_space<semaphore_mem>> -> memref<!tpu.dma_semaphore, #tpu.memory_space<semaphore_mem>>
    tpu.enqueue_indirect_dma source(%dma_start3A_14 : memref<500000x128xf32, #tpu.memory_space<hbm>>) target(%dma_start3A_8 : memref<128x128xf32, #tpu.memory_space<vmem>>) offsets(%dma_start3A_11 : memref<128xi32, #tpu.memory_space<vmem>>) semaphore(%dma_start3A_16 : memref<!tpu.dma_semaphore, #tpu.memory_space<semaphore_mem>>)
    %dma_start3A_17 = arith.constant 1 : i32
    %dma_start3A_18 = arith.constant 1 : i32
    %dma_start3A_19 = arith.constant 1 : i32
    %dma_start3A_20 = arith.constant 0 : i32
    %dma_start3A_21 = arith.constant 0 : i32
    %dma_start3A_22 = tpu.memref_slice %arg8[%dma_start3A_18, %dma_start3A_20, %dma_start3A_21] : memref<2x128x128xf32, #tpu.memory_space<vmem>> -> memref<1x128x128xf32, #tpu.memory_space<vmem>>
    %dma_start3A_23 = tpu.memref_squeeze %dma_start3A_22 : memref<1x128x128xf32, #tpu.memory_space<vmem>> -> memref<128x128xf32, #tpu.memory_space<vmem>>
    %dma_start3A_24 = arith.constant 0 : i32
    %dma_start3A_25 = tpu.memref_slice %arg6[%dma_start3A_17, %dma_start3A_24] : memref<200x128xi32, #tpu.memory_space<vmem>> -> memref<1x128xi32, #tpu.memory_space<vmem>>
    %dma_start3A_26 = tpu.memref_squeeze %dma_start3A_25 : memref<1x128xi32, #tpu.memory_space<vmem>> -> memref<128xi32, #tpu.memory_space<vmem>>
    %dma_start3A_27 = arith.constant 0 : i32
    %dma_start3A_28 = arith.constant 0 : i32
    %dma_start3A_29 = tpu.memref_slice %arg2[%dma_start3A_27, %dma_start3A_28] : memref<500000x128xf32, #tpu.memory_space<hbm>> -> memref<500000x128xf32, #tpu.memory_space<hbm>>
    %dma_start3A_30 = tpu.memref_slice %arg10[%dma_start3A_19] : memref<2x!tpu.dma_semaphore, #tpu.memory_space<semaphore_mem>> -> memref<1x!tpu.dma_semaphore, #tpu.memory_space<semaphore_mem>>
    %dma_start3A_31 = tpu.memref_squeeze %dma_start3A_30 : memref<1x!tpu.dma_semaphore, #tpu.memory_space<semaphore_mem>> -> memref<!tpu.dma_semaphore, #tpu.memory_space<semaphore_mem>>
    tpu.enqueue_indirect_dma source(%dma_start3A_29 : memref<500000x128xf32, #tpu.memory_space<hbm>>) target(%dma_start3A_23 : memref<128x128xf32, #tpu.memory_space<vmem>>) offsets(%dma_start3A_26 : memref<128xi32, #tpu.memory_space<vmem>>) semaphore(%dma_start3A_31 : memref<!tpu.dma_semaphore, #tpu.memory_space<semaphore_mem>>)
    %scan3A = arith.constant 0 : i32
    %scan3A_32 = arith.constant 0 : i32
    %scan3A_33 = arith.constant 100 : i32
    %scan3A_34 = arith.addi %scan3A_32, %scan3A_33 : i32
    %scan3A_35 = arith.constant 1 : i32
    scf.for %scan3A_78 = %scan3A_32 to %scan3A_34 step %scan3A_35  : i32 {
      %mul3A_79 = arith.constant 2 : i32
      %mul3A_80 = arith.muli %scan3A_78, %mul3A_79 : i32
      %add3A_81 = arith.constant 0 : i32
      %add3A_82 = arith.addi %mul3A_80, %add3A_81 : i32
      %dma_wait3A_83 = arith.constant 0 : i32
      %dma_wait3A_84 = arith.constant 0 : i32
      %dma_wait3A_85 = arith.constant 0 : i32
      %dma_wait3A_86 = arith.constant 0 : i32
      %dma_wait3A_87 = tpu.memref_slice %arg8[%dma_wait3A_83, %dma_wait3A_85, %dma_wait3A_86] : memref<2x128x128xf32, #tpu.memory_space<vmem>> -> memref<1x128x128xf32, #tpu.memory_space<vmem>>
      %dma_wait3A_88 = tpu.memref_squeeze %dma_wait3A_87 : memref<1x128x128xf32, #tpu.memory_space<vmem>> -> memref<128x128xf32, #tpu.memory_space<vmem>>
      %dma_wait3A_89 = arith.constant 0 : i32
      %dma_wait3A_90 = tpu.memref_slice %arg6[%add3A_82, %dma_wait3A_89] : memref<200x128xi32, #tpu.memory_space<vmem>> -> memref<1x128xi32, #tpu.memory_space<vmem>>
      %dma_wait3A_91 = tpu.memref_squeeze %dma_wait3A_90 : memref<1x128xi32, #tpu.memory_space<vmem>> -> memref<128xi32, #tpu.memory_space<vmem>>
      %dma_wait3A_92 = arith.constant 0 : i32
      %dma_wait3A_93 = arith.constant 0 : i32
      %dma_wait3A_94 = tpu.memref_slice %arg2[%dma_wait3A_92, %dma_wait3A_93] : memref<500000x128xf32, #tpu.memory_space<hbm>> -> memref<500000x128xf32, #tpu.memory_space<hbm>>
      %dma_wait3A_95 = tpu.memref_slice %arg10[%dma_wait3A_84] : memref<2x!tpu.dma_semaphore, #tpu.memory_space<semaphore_mem>> -> memref<1x!tpu.dma_semaphore, #tpu.memory_space<semaphore_mem>>
      %dma_wait3A_96 = tpu.memref_squeeze %dma_wait3A_95 : memref<1x!tpu.dma_semaphore, #tpu.memory_space<semaphore_mem>> -> memref<!tpu.dma_semaphore, #tpu.memory_space<semaphore_mem>>
      tpu.wait_indirect_dma semaphore(%dma_wait3A_96 : memref<!tpu.dma_semaphore, #tpu.memory_space<semaphore_mem>>) src(%dma_wait3A_94 : memref<500000x128xf32, #tpu.memory_space<hbm>>) dst(%dma_wait3A_88 : memref<128x128xf32, #tpu.memory_space<vmem>>)
      %ge3A = arith.constant 2 : i32
      %ge3A_97 = arith.cmpi sge, %add3A_82, %ge3A : i32
      %convert_element_type3A = arith.extui %ge3A_97 : i1 to i32
      %cond3A = arith.constant 0 : i32
      %cond3A_98 = arith.cmpi ne, %convert_element_type3A, %cond3A : i32
      scf.if %cond3A_98 {
        %dma_wait3A_233 = arith.constant 0 : i32
        %dma_wait3A_234 = arith.constant 0 : i32
        %dma_wait3A_235 = arith.constant 0 : i32
        %dma_wait3A_236 = arith.constant 0 : i32
        %dma_wait3A_237 = arith.constant 0 : i32
        %dma_wait3A_238 = tpu.memref_slice %arg9[%dma_wait3A_233, %dma_wait3A_236, %dma_wait3A_237] : memref<2x64x128xf32, #tpu.memory_space<vmem>> -> memref<1x64x128xf32, #tpu.memory_space<vmem>>
        %dma_wait3A_239 = tpu.memref_squeeze %dma_wait3A_238 : memref<1x64x128xf32, #tpu.memory_space<vmem>> -> memref<64x128xf32, #tpu.memory_space<vmem>>
        %dma_wait3A_240 = arith.constant 0 : i32
        %dma_wait3A_241 = arith.constant 0 : i32
        %dma_wait3A_242 = tpu.memref_slice %arg5[%dma_wait3A_234, %dma_wait3A_240, %dma_wait3A_241] : memref<50x64x16384xf32, #tpu.memory_space<hbm>> -> memref<1x64x128xf32, #tpu.memory_space<hbm>>
        %dma_wait3A_243 = tpu.memref_squeeze %dma_wait3A_242 : memref<1x64x128xf32, #tpu.memory_space<hbm>> -> memref<64x128xf32, #tpu.memory_space<hbm>>
        %dma_wait3A_244 = tpu.memref_slice %arg11[%dma_wait3A_235] : memref<2x!tpu.dma_semaphore, #tpu.memory_space<semaphore_mem>> -> memref<1x!tpu.dma_semaphore, #tpu.memory_space<semaphore_mem>>
        %dma_wait3A_245 = tpu.memref_squeeze %dma_wait3A_244 : memref<1x!tpu.dma_semaphore, #tpu.memory_space<semaphore_mem>> -> memref<!tpu.dma_semaphore, #tpu.memory_space<semaphore_mem>>
        %dma_wait3A_246 = arith.constant 0 : i32
        %dma_wait3A_247 = arith.constant 0 : i32
        %dma_wait3A_248 = tpu.memref_slice %arg5[%dma_wait3A_234, %dma_wait3A_246, %dma_wait3A_247] : memref<50x64x16384xf32, #tpu.memory_space<hbm>> -> memref<1x64x128xf32, #tpu.memory_space<hbm>>
        %dma_wait3A_249 = tpu.memref_squeeze %dma_wait3A_248 : memref<1x64x128xf32, #tpu.memory_space<hbm>> -> memref<64x128xf32, #tpu.memory_space<hbm>>
        %dma_wait3A_250 = arith.constant 0 : i32
        %dma_wait3A_251 = arith.constant 0 : i32
        %dma_wait3A_252 = tpu.memref_slice %arg9[%dma_wait3A_233, %dma_wait3A_250, %dma_wait3A_251] : memref<2x64x128xf32, #tpu.memory_space<vmem>> -> memref<1x64x128xf32, #tpu.memory_space<vmem>>
        %dma_wait3A_253 = tpu.memref_squeeze %dma_wait3A_252 : memref<1x64x128xf32, #tpu.memory_space<vmem>> -> memref<64x128xf32, #tpu.memory_space<vmem>>
        tpu.wait_dma2 semaphore(%dma_wait3A_245 : memref<!tpu.dma_semaphore, #tpu.memory_space<semaphore_mem>>) src(%dma_wait3A_253 : memref<64x128xf32, #tpu.memory_space<vmem>>) dst(%dma_wait3A_249 : memref<64x128xf32, #tpu.memory_space<hbm>>)
      } else {
      }
      %scan3A_99 = arith.constant 0 : i32
      %scan3A_100 = arith.constant 0 : i32
      %scan3A_101 = arith.constant 8 : i32
      %scan3A_102 = arith.addi %scan3A_100, %scan3A_101 : i32
      %scan3A_103 = arith.constant 1 : i32
      scf.for %scan3A_233 = %scan3A_100 to %scan3A_102 step %scan3A_103  : i32 {
        %mul3A_234 = arith.constant 16 : i32
        %mul3A_235 = arith.muli %scan3A_233, %mul3A_234 : i32
        %add3A_236 = vector.broadcast %mul3A_235 : i32 to vector<16xi32>
        %add3A_237 = arith.addi %iota3A, %add3A_236 : vector<16xi32>
        %get3A = arith.index_cast %add3A_82 : i32 to index
        %get3A_238 = arith.index_cast %mul3A_235 : i32 to index
        %get3A_239 = tpu.vector_load %arg7[%get3A, %get3A_238] {strides = array<i32>} : memref<200x128xi32, #tpu.memory_space<vmem>>, vector<16xi32>,
        %add3A_240 = arith.constant 0 : i32
        %add3A_241 = vector.broadcast %add3A_240 : i32 to vector<16xi32>
        %add3A_242 = arith.addi %iota3A, %add3A_241 : vector<16xi32>
        %and3A_243 = arith.constant 15 : i32
        %and3A_244 = vector.broadcast %and3A_243 : i32 to vector<16xi32>
        %and3A_245 = arith.andi %add3A_242, %and3A_244 : vector<16xi32>
        %add3A_246 = arith.constant 0 : i32
        %add3A_247 = vector.broadcast %add3A_246 : i32 to vector<16xi32>
        %add3A_248 = arith.addi %and3A_245, %add3A_247 : vector<16xi32>
        %add3A_249 = arith.addi %get3A_239, %add3A_248 : vector<16xi32>
        %gather3A = arith.constant 0 : i32
        %gather3A_250 = arith.constant 0 : i32
        %gather3A_251 = arith.constant 0 : i32
        %gather3A_252 = tpu.memref_slice %arg8[%gather3A, %gather3A_250, %gather3A_251] : memref<2x128x128xf32, #tpu.memory_space<vmem>> -> memref<1x128x128xf32, #tpu.memory_space<vmem>>
        %gather3A_253 = tpu.memref_squeeze %gather3A_252 : memref<1x128x128xf32, #tpu.memory_space<vmem>> -> memref<128x128xf32, #tpu.memory_space<vmem>>
        %gather3A_254 = tpu.vector_load_idx %gather3A_253[%add3A_237, %add3A_249] : memref<128x128xf32, #tpu.memory_space<vmem>>[vector<16xi32>, vector<16xi32>], vector<16xf32>,
        %mul3A_255 = arith.constant 8.000000e+00 : f32
        %mul3A_256 = vector.broadcast %mul3A_255 : f32 to vector<16xf32>
        %mul3A_257 = arith.mulf %gather3A_254, %mul3A_256 : vector<16xf32>
        %scatter3A = arith.constant 0 : i32
        %scatter3A_258 = arith.constant 0 : i32
        %scatter3A_259 = arith.constant 0 : i32
        %scatter3A_260 = tpu.memref_slice %arg9[%scatter3A, %scatter3A_258, %scatter3A_259] : memref<2x64x128xf32, #tpu.memory_space<vmem>> -> memref<1x64x128xf32, #tpu.memory_space<vmem>>
        %scatter3A_261 = tpu.memref_squeeze %scatter3A_260 : memref<1x64x128xf32, #tpu.memory_space<vmem>> -> memref<64x128xf32, #tpu.memory_space<vmem>>
        tpu.vector_store_idx %scatter3A_261[%add3A_248, %add3A_237], %mul3A_257 : memref<64x128xf32, #tpu.memory_space<vmem>>[vector<16xi32>, vector<16xi32>], vector<16xf32>,
        %add3A_262 = arith.constant 1 : i32
        %add3A_263 = vector.broadcast %add3A_262 : i32 to vector<16xi32>
        %add3A_264 = arith.addi %iota3A, %add3A_263 : vector<16xi32>
        %and3A_265 = arith.constant 15 : i32
        %and3A_266 = vector.broadcast %and3A_265 : i32 to vector<16xi32>
        %and3A_267 = arith.andi %add3A_264, %and3A_266 : vector<16xi32>
        %add3A_268 = arith.constant 0 : i32
        %add3A_269 = vector.broadcast %add3A_268 : i32 to vector<16xi32>
        %add3A_270 = arith.addi %and3A_267, %add3A_269 : vector<16xi32>
        %add3A_271 = arith.addi %get3A_239, %add3A_270 : vector<16xi32>
        %gather3A_272 = arith.constant 0 : i32
        %gather3A_273 = arith.constant 0 : i32
        %gather3A_274 = arith.constant 0 : i32
        %gather3A_275 = tpu.memref_slice %arg8[%gather3A_272, %gather3A_273, %gather3A_274] : memref<2x128x128xf32, #tpu.memory_space<vmem>> -> memref<1x128x128xf32, #tpu.memory_space<vmem>>
        %gather3A_276 = tpu.memref_squeeze %gather3A_275 : memref<1x128x128xf32, #tpu.memory_space<vmem>> -> memref<128x128xf32, #tpu.memory_space<vmem>>
        %gather3A_277 = tpu.vector_load_idx %gather3A_276[%add3A_237, %add3A_271] : memref<128x128xf32, #tpu.memory_space<vmem>>[vector<16xi32>, vector<16xi32>], vector<16xf32>,
        %mul3A_278 = arith.constant 8.000000e+00 : f32
        %mul3A_279 = vector.broadcast %mul3A_278 : f32 to vector<16xf32>
        %mul3A_280 = arith.mulf %gather3A_277, %mul3A_279 : vector<16xf32>
        %scatter3A_281 = arith.constant 0 : i32
        %scatter3A_282 = arith.constant 0 : i32
        %scatter3A_283 = arith.constant 0 : i32
        %scatter3A_284 = tpu.memref_slice %arg9[%scatter3A_281, %scatter3A_282, %scatter3A_283] : memref<2x64x128xf32, #tpu.memory_space<vmem>> -> memref<1x64x128xf32, #tpu.memory_space<vmem>>
        %scatter3A_285 = tpu.memref_squeeze %scatter3A_284 : memref<1x64x128xf32, #tpu.memory_space<vmem>> -> memref<64x128xf32, #tpu.memory_space<vmem>>
        tpu.vector_store_idx %scatter3A_285[%add3A_270, %add3A_237], %mul3A_280 : memref<64x128xf32, #tpu.memory_space<vmem>>[vector<16xi32>, vector<16xi32>], vector<16xf32>,
        %add3A_286 = arith.constant 2 : i32
        %add3A_287 = vector.broadcast %add3A_286 : i32 to vector<16xi32>
        %add3A_288 = arith.addi %iota3A, %add3A_287 : vector<16xi32>
        %and3A_289 = arith.constant 15 : i32
        %and3A_290 = vector.broadcast %and3A_289 : i32 to vector<16xi32>
        %and3A_291 = arith.andi %add3A_288, %and3A_290 : vector<16xi32>
        %add3A_292 = arith.constant 0 : i32
        %add3A_293 = vector.broadcast %add3A_292 : i32 to vector<16xi32>
        %add3A_294 = arith.addi %and3A_291, %add3A_293 : vector<16xi32>
        %add3A_295 = arith.addi %get3A_239, %add3A_294 : vector<16xi32>
        %gather3A_296 = arith.constant 0 : i32
        %gather3A_297 = arith.constant 0 : i32
        %gather3A_298 = arith.constant 0 : i32
        %gather3A_299 = tpu.memref_slice %arg8[%gather3A_296, %gather3A_297, %gather3A_298] : memref<2x128x128xf32, #tpu.memory_space<vmem>> -> memref<1x128x128xf32, #tpu.memory_space<vmem>>
        %gather3A_300 = tpu.memref_squeeze %gather3A_299 : memref<1x128x128xf32, #tpu.memory_space<vmem>> -> memref<128x128xf32, #tpu.memory_space<vmem>>
        %gather3A_301 = tpu.vector_load_idx %gather3A_300[%add3A_237, %add3A_295] : memref<128x128xf32, #tpu.memory_space<vmem>>[vector<16xi32>, vector<16xi32>], vector<16xf32>,
        %mul3A_302 = arith.constant 8.000000e+00 : f32
        %mul3A_303 = vector.broadcast %mul3A_302 : f32 to vector<16xf32>
        %mul3A_304 = arith.mulf %gather3A_301, %mul3A_303 : vector<16xf32>
        %scatter3A_305 = arith.constant 0 : i32
        %scatter3A_306 = arith.constant 0 : i32
        %scatter3A_307 = arith.constant 0 : i32
        %scatter3A_308 = tpu.memref_slice %arg9[%scatter3A_305, %scatter3A_306, %scatter3A_307] : memref<2x64x128xf32, #tpu.memory_space<vmem>> -> memref<1x64x128xf32, #tpu.memory_space<vmem>>
        %scatter3A_309 = tpu.memref_squeeze %scatter3A_308 : memref<1x64x128xf32, #tpu.memory_space<vmem>> -> memref<64x128xf32, #tpu.memory_space<vmem>>
        tpu.vector_store_idx %scatter3A_309[%add3A_294, %add3A_237], %mul3A_304 : memref<64x128xf32, #tpu.memory_space<vmem>>[vector<16xi32>, vector<16xi32>], vector<16xf32>,
        %add3A_310 = arith.constant 3 : i32
        %add3A_311 = vector.broadcast %add3A_310 : i32 to vector<16xi32>
        %add3A_312 = arith.addi %iota3A, %add3A_311 : vector<16xi32>
        %and3A_313 = arith.constant 15 : i32
        %and3A_314 = vector.broadcast %and3A_313 : i32 to vector<16xi32>
        %and3A_315 = arith.andi %add3A_312, %and3A_314 : vector<16xi32>
        %add3A_316 = arith.constant 0 : i32
        %add3A_317 = vector.broadcast %add3A_316 : i32 to vector<16xi32>
        %add3A_318 = arith.addi %and3A_315, %add3A_317 : vector<16xi32>
        %add3A_319 = arith.addi %get3A_239, %add3A_318 : vector<16xi32>
        %gather3A_320 = arith.constant 0 : i32
        %gather3A_321 = arith.constant 0 : i32
        %gather3A_322 = arith.constant 0 : i32
        %gather3A_323 = tpu.memref_slice %arg8[%gather3A_320, %gather3A_321, %gather3A_322] : memref<2x128x128xf32, #tpu.memory_space<vmem>> -> memref<1x128x128xf32, #tpu.memory_space<vmem>>
        %gather3A_324 = tpu.memref_squeeze %gather3A_323 : memref<1x128x128xf32, #tpu.memory_space<vmem>> -> memref<128x128xf32, #tpu.memory_space<vmem>>
        %gather3A_325 = tpu.vector_load_idx %gather3A_324[%add3A_237, %add3A_319] : memref<128x128xf32, #tpu.memory_space<vmem>>[vector<16xi32>, vector<16xi32>], vector<16xf32>,
        %mul3A_326 = arith.constant 8.000000e+00 : f32
        %mul3A_327 = vector.broadcast %mul3A_326 : f32 to vector<16xf32>
        %mul3A_328 = arith.mulf %gather3A_325, %mul3A_327 : vector<16xf32>
        %scatter3A_329 = arith.constant 0 : i32
        %scatter3A_330 = arith.constant 0 : i32
        %scatter3A_331 = arith.constant 0 : i32
        %scatter3A_332 = tpu.memref_slice %arg9[%scatter3A_329, %scatter3A_330, %scatter3A_331] : memref<2x64x128xf32, #tpu.memory_space<vmem>> -> memref<1x64x128xf32, #tpu.memory_space<vmem>>
        %scatter3A_333 = tpu.memref_squeeze %scatter3A_332 : memref<1x64x128xf32, #tpu.memory_space<vmem>> -> memref<64x128xf32, #tpu.memory_space<vmem>>
        tpu.vector_store_idx %scatter3A_333[%add3A_318, %add3A_237], %mul3A_328 : memref<64x128xf32, #tpu.memory_space<vmem>>[vector<16xi32>, vector<16xi32>], vector<16xf32>,
        %add3A_334 = arith.constant 4 : i32
        %add3A_335 = vector.broadcast %add3A_334 : i32 to vector<16xi32>
        %add3A_336 = arith.addi %iota3A, %add3A_335 : vector<16xi32>
        %and3A_337 = arith.constant 15 : i32
        %and3A_338 = vector.broadcast %and3A_337 : i32 to vector<16xi32>
        %and3A_339 = arith.andi %add3A_336, %and3A_338 : vector<16xi32>
        %add3A_340 = arith.constant 0 : i32
        %add3A_341 = vector.broadcast %add3A_340 : i32 to vector<16xi32>
        %add3A_342 = arith.addi %and3A_339, %add3A_341 : vector<16xi32>
        %add3A_343 = arith.addi %get3A_239, %add3A_342 : vector<16xi32>
        %gather3A_344 = arith.constant 0 : i32
        %gather3A_345 = arith.constant 0 : i32
        %gather3A_346 = arith.constant 0 : i32
        %gather3A_347 = tpu.memref_slice %arg8[%gather3A_344, %gather3A_345, %gather3A_346] : memref<2x128x128xf32, #tpu.memory_space<vmem>> -> memref<1x128x128xf32, #tpu.memory_space<vmem>>
        %gather3A_348 = tpu.memref_squeeze %gather3A_347 : memref<1x128x128xf32, #tpu.memory_space<vmem>> -> memref<128x128xf32, #tpu.memory_space<vmem>>
        %gather3A_349 = tpu.vector_load_idx %gather3A_348[%add3A_237, %add3A_343] : memref<128x128xf32, #tpu.memory_space<vmem>>[vector<16xi32>, vector<16xi32>], vector<16xf32>,
        %mul3A_350 = arith.constant 8.000000e+00 : f32
        %mul3A_351 = vector.broadcast %mul3A_350 : f32 to vector<16xf32>
        %mul3A_352 = arith.mulf %gather3A_349, %mul3A_351 : vector<16xf32>
        %scatter3A_353 = arith.constant 0 : i32
        %scatter3A_354 = arith.constant 0 : i32
        %scatter3A_355 = arith.constant 0 : i32
        %scatter3A_356 = tpu.memref_slice %arg9[%scatter3A_353, %scatter3A_354, %scatter3A_355] : memref<2x64x128xf32, #tpu.memory_space<vmem>> -> memref<1x64x128xf32, #tpu.memory_space<vmem>>
        %scatter3A_357 = tpu.memref_squeeze %scatter3A_356 : memref<1x64x128xf32, #tpu.memory_space<vmem>> -> memref<64x128xf32, #tpu.memory_space<vmem>>
        tpu.vector_store_idx %scatter3A_357[%add3A_342, %add3A_237], %mul3A_352 : memref<64x128xf32, #tpu.memory_space<vmem>>[vector<16xi32>, vector<16xi32>], vector<16xf32>,
        %add3A_358 = arith.constant 5 : i32
        %add3A_359 = vector.broadcast %add3A_358 : i32 to vector<16xi32>
        %add3A_360 = arith.addi %iota3A, %add3A_359 : vector<16xi32>
        %and3A_361 = arith.constant 15 : i32
        %and3A_362 = vector.broadcast %and3A_361 : i32 to vector<16xi32>
        %and3A_363 = arith.andi %add3A_360, %and3A_362 : vector<16xi32>
        %add3A_364 = arith.constant 0 : i32
        %add3A_365 = vector.broadcast %add3A_364 : i32 to vector<16xi32>
        %add3A_366 = arith.addi %and3A_363, %add3A_365 : vector<16xi32>
        %add3A_367 = arith.addi %get3A_239, %add3A_366 : vector<16xi32>
        %gather3A_368 = arith.constant 0 : i32
        %gather3A_369 = arith.constant 0 : i32
        %gather3A_370 = arith.constant 0 : i32
        %gather3A_371 = tpu.memref_slice %arg8[%gather3A_368, %gather3A_369, %gather3A_370] : memref<2x128x128xf32, #tpu.memory_space<vmem>> -> memref<1x128x128xf32, #tpu.memory_space<vmem>>
        %gather3A_372 = tpu.memref_squeeze %gather3A_371 : memref<1x128x128xf32, #tpu.memory_space<vmem>> -> memref<128x128xf32, #tpu.memory_space<vmem>>
        %gather3A_373 = tpu.vector_load_idx %gather3A_372[%add3A_237, %add3A_367] : memref<128x128xf32, #tpu.memory_space<vmem>>[vector<16xi32>, vector<16xi32>], vector<16xf32>,
        %mul3A_374 = arith.constant 8.000000e+00 : f32
        %mul3A_375 = vector.broadcast %mul3A_374 : f32 to vector<16xf32>
        %mul3A_376 = arith.mulf %gather3A_373, %mul3A_375 : vector<16xf32>
        %scatter3A_377 = arith.constant 0 : i32
        %scatter3A_378 = arith.constant 0 : i32
        %scatter3A_379 = arith.constant 0 : i32
        %scatter3A_380 = tpu.memref_slice %arg9[%scatter3A_377, %scatter3A_378, %scatter3A_379] : memref<2x64x128xf32, #tpu.memory_space<vmem>> -> memref<1x64x128xf32, #tpu.memory_space<vmem>>
        %scatter3A_381 = tpu.memref_squeeze %scatter3A_380 : memref<1x64x128xf32, #tpu.memory_space<vmem>> -> memref<64x128xf32, #tpu.memory_space<vmem>>
        tpu.vector_store_idx %scatter3A_381[%add3A_366, %add3A_237], %mul3A_376 : memref<64x128xf32, #tpu.memory_space<vmem>>[vector<16xi32>, vector<16xi32>], vector<16xf32>,
        %add3A_382 = arith.constant 6 : i32
        %add3A_383 = vector.broadcast %add3A_382 : i32 to vector<16xi32>
        %add3A_384 = arith.addi %iota3A, %add3A_383 : vector<16xi32>
        %and3A_385 = arith.constant 15 : i32
        %and3A_386 = vector.broadcast %and3A_385 : i32 to vector<16xi32>
        %and3A_387 = arith.andi %add3A_384, %and3A_386 : vector<16xi32>
        %add3A_388 = arith.constant 0 : i32
        %add3A_389 = vector.broadcast %add3A_388 : i32 to vector<16xi32>
        %add3A_390 = arith.addi %and3A_387, %add3A_389 : vector<16xi32>
        %add3A_391 = arith.addi %get3A_239, %add3A_390 : vector<16xi32>
        %gather3A_392 = arith.constant 0 : i32
        %gather3A_393 = arith.constant 0 : i32
        %gather3A_394 = arith.constant 0 : i32
        %gather3A_395 = tpu.memref_slice %arg8[%gather3A_392, %gather3A_393, %gather3A_394] : memref<2x128x128xf32, #tpu.memory_space<vmem>> -> memref<1x128x128xf32, #tpu.memory_space<vmem>>
        %gather3A_396 = tpu.memref_squeeze %gather3A_395 : memref<1x128x128xf32, #tpu.memory_space<vmem>> -> memref<128x128xf32, #tpu.memory_space<vmem>>
        %gather3A_397 = tpu.vector_load_idx %gather3A_396[%add3A_237, %add3A_391] : memref<128x128xf32, #tpu.memory_space<vmem>>[vector<16xi32>, vector<16xi32>], vector<16xf32>,
        %mul3A_398 = arith.constant 8.000000e+00 : f32
        %mul3A_399 = vector.broadcast %mul3A_398 : f32 to vector<16xf32>
        %mul3A_400 = arith.mulf %gather3A_397, %mul3A_399 : vector<16xf32>
        %scatter3A_401 = arith.constant 0 : i32
        %scatter3A_402 = arith.constant 0 : i32
        %scatter3A_403 = arith.constant 0 : i32
        %scatter3A_404 = tpu.memref_slice %arg9[%scatter3A_401, %scatter3A_402, %scatter3A_403] : memref<2x64x128xf32, #tpu.memory_space<vmem>> -> memref<1x64x128xf32, #tpu.memory_space<vmem>>
        %scatter3A_405 = tpu.memref_squeeze %scatter3A_404 : memref<1x64x128xf32, #tpu.memory_space<vmem>> -> memref<64x128xf32, #tpu.memory_space<vmem>>
        tpu.vector_store_idx %scatter3A_405[%add3A_390, %add3A_237], %mul3A_400 : memref<64x128xf32, #tpu.memory_space<vmem>>[vector<16xi32>, vector<16xi32>], vector<16xf32>,
        %add3A_406 = arith.constant 7 : i32
        %add3A_407 = vector.broadcast %add3A_406 : i32 to vector<16xi32>
        %add3A_408 = arith.addi %iota3A, %add3A_407 : vector<16xi32>
        %and3A_409 = arith.constant 15 : i32
        %and3A_410 = vector.broadcast %and3A_409 : i32 to vector<16xi32>
        %and3A_411 = arith.andi %add3A_408, %and3A_410 : vector<16xi32>
        %add3A_412 = arith.constant 0 : i32
        %add3A_413 = vector.broadcast %add3A_412 : i32 to vector<16xi32>
        %add3A_414 = arith.addi %and3A_411, %add3A_413 : vector<16xi32>
        %add3A_415 = arith.addi %get3A_239, %add3A_414 : vector<16xi32>
        %gather3A_416 = arith.constant 0 : i32
        %gather3A_417 = arith.constant 0 : i32
        %gather3A_418 = arith.constant 0 : i32
        %gather3A_419 = tpu.memref_slice %arg8[%gather3A_416, %gather3A_417, %gather3A_418] : memref<2x128x128xf32, #tpu.memory_space<vmem>> -> memref<1x128x128xf32, #tpu.memory_space<vmem>>
        %gather3A_420 = tpu.memref_squeeze %gather3A_419 : memref<1x128x128xf32, #tpu.memory_space<vmem>> -> memref<128x128xf32, #tpu.memory_space<vmem>>
        %gather3A_421 = tpu.vector_load_idx %gather3A_420[%add3A_237, %add3A_415] : memref<128x128xf32, #tpu.memory_space<vmem>>[vector<16xi32>, vector<16xi32>], vector<16xf32>,
        %mul3A_422 = arith.constant 8.000000e+00 : f32
        %mul3A_423 = vector.broadcast %mul3A_422 : f32 to vector<16xf32>
        %mul3A_424 = arith.mulf %gather3A_421, %mul3A_423 : vector<16xf32>
        %scatter3A_425 = arith.constant 0 : i32
        %scatter3A_426 = arith.constant 0 : i32
        %scatter3A_427 = arith.constant 0 : i32
        %scatter3A_428 = tpu.memref_slice %arg9[%scatter3A_425, %scatter3A_426, %scatter3A_427] : memref<2x64x128xf32, #tpu.memory_space<vmem>> -> memref<1x64x128xf32, #tpu.memory_space<vmem>>
        %scatter3A_429 = tpu.memref_squeeze %scatter3A_428 : memref<1x64x128xf32, #tpu.memory_space<vmem>> -> memref<64x128xf32, #tpu.memory_space<vmem>>
        tpu.vector_store_idx %scatter3A_429[%add3A_414, %add3A_237], %mul3A_424 : memref<64x128xf32, #tpu.memory_space<vmem>>[vector<16xi32>, vector<16xi32>], vector<16xf32>,
        %add3A_430 = arith.constant 8 : i32
        %add3A_431 = vector.broadcast %add3A_430 : i32 to vector<16xi32>
        %add3A_432 = arith.addi %iota3A, %add3A_431 : vector<16xi32>
        %and3A_433 = arith.constant 15 : i32
        %and3A_434 = vector.broadcast %and3A_433 : i32 to vector<16xi32>
        %and3A_435 = arith.andi %add3A_432, %and3A_434 : vector<16xi32>
        %add3A_436 = arith.constant 0 : i32
        %add3A_437 = vector.broadcast %add3A_436 : i32 to vector<16xi32>
        %add3A_438 = arith.addi %and3A_435, %add3A_437 : vector<16xi32>
        %add3A_439 = arith.addi %get3A_239, %add3A_438 : vector<16xi32>
        %gather3A_440 = arith.constant 0 : i32
        %gather3A_441 = arith.constant 0 : i32
        %gather3A_442 = arith.constant 0 : i32
        %gather3A_443 = tpu.memref_slice %arg8[%gather3A_440, %gather3A_441, %gather3A_442] : memref<2x128x128xf32, #tpu.memory_space<vmem>> -> memref<1x128x128xf32, #tpu.memory_space<vmem>>
        %gather3A_444 = tpu.memref_squeeze %gather3A_443 : memref<1x128x128xf32, #tpu.memory_space<vmem>> -> memref<128x128xf32, #tpu.memory_space<vmem>>
        %gather3A_445 = tpu.vector_load_idx %gather3A_444[%add3A_237, %add3A_439] : memref<128x128xf32, #tpu.memory_space<vmem>>[vector<16xi32>, vector<16xi32>], vector<16xf32>,
        %mul3A_446 = arith.constant 8.000000e+00 : f32
        %mul3A_447 = vector.broadcast %mul3A_446 : f32 to vector<16xf32>
        %mul3A_448 = arith.mulf %gather3A_445, %mul3A_447 : vector<16xf32>
        %scatter3A_449 = arith.constant 0 : i32
        %scatter3A_450 = arith.constant 0 : i32
        %scatter3A_451 = arith.constant 0 : i32
        %scatter3A_452 = tpu.memref_slice %arg9[%scatter3A_449, %scatter3A_450, %scatter3A_451] : memref<2x64x128xf32, #tpu.memory_space<vmem>> -> memref<1x64x128xf32, #tpu.memory_space<vmem>>
        %scatter3A_453 = tpu.memref_squeeze %scatter3A_452 : memref<1x64x128xf32, #tpu.memory_space<vmem>> -> memref<64x128xf32, #tpu.memory_space<vmem>>
        tpu.vector_store_idx %scatter3A_453[%add3A_438, %add3A_237], %mul3A_448 : memref<64x128xf32, #tpu.memory_space<vmem>>[vector<16xi32>, vector<16xi32>], vector<16xf32>,
        %add3A_454 = arith.constant 9 : i32
        %add3A_455 = vector.broadcast %add3A_454 : i32 to vector<16xi32>
        %add3A_456 = arith.addi %iota3A, %add3A_455 : vector<16xi32>
        %and3A_457 = arith.constant 15 : i32
        %and3A_458 = vector.broadcast %and3A_457 : i32 to vector<16xi32>
        %and3A_459 = arith.andi %add3A_456, %and3A_458 : vector<16xi32>
        %add3A_460 = arith.constant 0 : i32
        %add3A_461 = vector.broadcast %add3A_460 : i32 to vector<16xi32>
        %add3A_462 = arith.addi %and3A_459, %add3A_461 : vector<16xi32>
        %add3A_463 = arith.addi %get3A_239, %add3A_462 : vector<16xi32>
        %gather3A_464 = arith.constant 0 : i32
        %gather3A_465 = arith.constant 0 : i32
        %gather3A_466 = arith.constant 0 : i32
        %gather3A_467 = tpu.memref_slice %arg8[%gather3A_464, %gather3A_465, %gather3A_466] : memref<2x128x128xf32, #tpu.memory_space<vmem>> -> memref<1x128x128xf32, #tpu.memory_space<vmem>>
        %gather3A_468 = tpu.memref_squeeze %gather3A_467 : memref<1x128x128xf32, #tpu.memory_space<vmem>> -> memref<128x128xf32, #tpu.memory_space<vmem>>
        %gather3A_469 = tpu.vector_load_idx %gather3A_468[%add3A_237, %add3A_463] : memref<128x128xf32, #tpu.memory_space<vmem>>[vector<16xi32>, vector<16xi32>], vector<16xf32>,
        %mul3A_470 = arith.constant 8.000000e+00 : f32
        %mul3A_471 = vector.broadcast %mul3A_470 : f32 to vector<16xf32>
        %mul3A_472 = arith.mulf %gather3A_469, %mul3A_471 : vector<16xf32>
        %scatter3A_473 = arith.constant 0 : i32
        %scatter3A_474 = arith.constant 0 : i32
        %scatter3A_475 = arith.constant 0 : i32
        %scatter3A_476 = tpu.memref_slice %arg9[%scatter3A_473, %scatter3A_474, %scatter3A_475] : memref<2x64x128xf32, #tpu.memory_space<vmem>> -> memref<1x64x128xf32, #tpu.memory_space<vmem>>
        %scatter3A_477 = tpu.memref_squeeze %scatter3A_476 : memref<1x64x128xf32, #tpu.memory_space<vmem>> -> memref<64x128xf32, #tpu.memory_space<vmem>>
        tpu.vector_store_idx %scatter3A_477[%add3A_462, %add3A_237], %mul3A_472 : memref<64x128xf32, #tpu.memory_space<vmem>>[vector<16xi32>, vector<16xi32>], vector<16xf32>,
        %add3A_478 = arith.constant 10 : i32
        %add3A_479 = vector.broadcast %add3A_478 : i32 to vector<16xi32>
        %add3A_480 = arith.addi %iota3A, %add3A_479 : vector<16xi32>
        %and3A_481 = arith.constant 15 : i32
        %and3A_482 = vector.broadcast %and3A_481 : i32 to vector<16xi32>
        %and3A_483 = arith.andi %add3A_480, %and3A_482 : vector<16xi32>
        %add3A_484 = arith.constant 0 : i32
        %add3A_485 = vector.broadcast %add3A_484 : i32 to vector<16xi32>
        %add3A_486 = arith.addi %and3A_483, %add3A_485 : vector<16xi32>
        %add3A_487 = arith.addi %get3A_239, %add3A_486 : vector<16xi32>
        %gather3A_488 = arith.constant 0 : i32
        %gather3A_489 = arith.constant 0 : i32
        %gather3A_490 = arith.constant 0 : i32
        %gather3A_491 = tpu.memref_slice %arg8[%gather3A_488, %gather3A_489, %gather3A_490] : memref<2x128x128xf32, #tpu.memory_space<vmem>> -> memref<1x128x128xf32, #tpu.memory_space<vmem>>
        %gather3A_492 = tpu.memref_squeeze %gather3A_491 : memref<1x128x128xf32, #tpu.memory_space<vmem>> -> memref<128x128xf32, #tpu.memory_space<vmem>>
        %gather3A_493 = tpu.vector_load_idx %gather3A_492[%add3A_237, %add3A_487] : memref<128x128xf32, #tpu.memory_space<vmem>>[vector<16xi32>, vector<16xi32>], vector<16xf32>,
        %mul3A_494 = arith.constant 8.000000e+00 : f32
        %mul3A_495 = vector.broadcast %mul3A_494 : f32 to vector<16xf32>
        %mul3A_496 = arith.mulf %gather3A_493, %mul3A_495 : vector<16xf32>
        %scatter3A_497 = arith.constant 0 : i32
        %scatter3A_498 = arith.constant 0 : i32
        %scatter3A_499 = arith.constant 0 : i32
        %scatter3A_500 = tpu.memref_slice %arg9[%scatter3A_497, %scatter3A_498, %scatter3A_499] : memref<2x64x128xf32, #tpu.memory_space<vmem>> -> memref<1x64x128xf32, #tpu.memory_space<vmem>>
        %scatter3A_501 = tpu.memref_squeeze %scatter3A_500 : memref<1x64x128xf32, #tpu.memory_space<vmem>> -> memref<64x128xf32, #tpu.memory_space<vmem>>
        tpu.vector_store_idx %scatter3A_501[%add3A_486, %add3A_237], %mul3A_496 : memref<64x128xf32, #tpu.memory_space<vmem>>[vector<16xi32>, vector<16xi32>], vector<16xf32>,
        %add3A_502 = arith.constant 11 : i32
        %add3A_503 = vector.broadcast %add3A_502 : i32 to vector<16xi32>
        %add3A_504 = arith.addi %iota3A, %add3A_503 : vector<16xi32>
        %and3A_505 = arith.constant 15 : i32
        %and3A_506 = vector.broadcast %and3A_505 : i32 to vector<16xi32>
        %and3A_507 = arith.andi %add3A_504, %and3A_506 : vector<16xi32>
        %add3A_508 = arith.constant 0 : i32
        %add3A_509 = vector.broadcast %add3A_508 : i32 to vector<16xi32>
        %add3A_510 = arith.addi %and3A_507, %add3A_509 : vector<16xi32>
        %add3A_511 = arith.addi %get3A_239, %add3A_510 : vector<16xi32>
        %gather3A_512 = arith.constant 0 : i32
        %gather3A_513 = arith.constant 0 : i32
        %gather3A_514 = arith.constant 0 : i32
        %gather3A_515 = tpu.memref_slice %arg8[%gather3A_512, %gather3A_513, %gather3A_514] : memref<2x128x128xf32, #tpu.memory_space<vmem>> -> memref<1x128x128xf32, #tpu.memory_space<vmem>>
        %gather3A_516 = tpu.memref_squeeze %gather3A_515 : memref<1x128x128xf32, #tpu.memory_space<vmem>> -> memref<128x128xf32, #tpu.memory_space<vmem>>
        %gather3A_517 = tpu.vector_load_idx %gather3A_516[%add3A_237, %add3A_511] : memref<128x128xf32, #tpu.memory_space<vmem>>[vector<16xi32>, vector<16xi32>], vector<16xf32>,
        %mul3A_518 = arith.constant 8.000000e+00 : f32
        %mul3A_519 = vector.broadcast %mul3A_518 : f32 to vector<16xf32>
        %mul3A_520 = arith.mulf %gather3A_517, %mul3A_519 : vector<16xf32>
        %scatter3A_521 = arith.constant 0 : i32
        %scatter3A_522 = arith.constant 0 : i32
        %scatter3A_523 = arith.constant 0 : i32
        %scatter3A_524 = tpu.memref_slice %arg9[%scatter3A_521, %scatter3A_522, %scatter3A_523] : memref<2x64x128xf32, #tpu.memory_space<vmem>> -> memref<1x64x128xf32, #tpu.memory_space<vmem>>
        %scatter3A_525 = tpu.memref_squeeze %scatter3A_524 : memref<1x64x128xf32, #tpu.memory_space<vmem>> -> memref<64x128xf32, #tpu.memory_space<vmem>>
        tpu.vector_store_idx %scatter3A_525[%add3A_510, %add3A_237], %mul3A_520 : memref<64x128xf32, #tpu.memory_space<vmem>>[vector<16xi32>, vector<16xi32>], vector<16xf32>,
        %add3A_526 = arith.constant 12 : i32
        %add3A_527 = vector.broadcast %add3A_526 : i32 to vector<16xi32>
        %add3A_528 = arith.addi %iota3A, %add3A_527 : vector<16xi32>
        %and3A_529 = arith.constant 15 : i32
        %and3A_530 = vector.broadcast %and3A_529 : i32 to vector<16xi32>
        %and3A_531 = arith.andi %add3A_528, %and3A_530 : vector<16xi32>
        %add3A_532 = arith.constant 0 : i32
        %add3A_533 = vector.broadcast %add3A_532 : i32 to vector<16xi32>
        %add3A_534 = arith.addi %and3A_531, %add3A_533 : vector<16xi32>
        %add3A_535 = arith.addi %get3A_239, %add3A_534 : vector<16xi32>
        %gather3A_536 = arith.constant 0 : i32
        %gather3A_537 = arith.constant 0 : i32
        %gather3A_538 = arith.constant 0 : i32
        %gather3A_539 = tpu.memref_slice %arg8[%gather3A_536, %gather3A_537, %gather3A_538] : memref<2x128x128xf32, #tpu.memory_space<vmem>> -> memref<1x128x128xf32, #tpu.memory_space<vmem>>
        %gather3A_540 = tpu.memref_squeeze %gather3A_539 : memref<1x128x128xf32, #tpu.memory_space<vmem>> -> memref<128x128xf32, #tpu.memory_space<vmem>>
        %gather3A_541 = tpu.vector_load_idx %gather3A_540[%add3A_237, %add3A_535] : memref<128x128xf32, #tpu.memory_space<vmem>>[vector<16xi32>, vector<16xi32>], vector<16xf32>,
        %mul3A_542 = arith.constant 8.000000e+00 : f32
        %mul3A_543 = vector.broadcast %mul3A_542 : f32 to vector<16xf32>
        %mul3A_544 = arith.mulf %gather3A_541, %mul3A_543 : vector<16xf32>
        %scatter3A_545 = arith.constant 0 : i32
        %scatter3A_546 = arith.constant 0 : i32
        %scatter3A_547 = arith.constant 0 : i32
        %scatter3A_548 = tpu.memref_slice %arg9[%scatter3A_545, %scatter3A_546, %scatter3A_547] : memref<2x64x128xf32, #tpu.memory_space<vmem>> -> memref<1x64x128xf32, #tpu.memory_space<vmem>>
        %scatter3A_549 = tpu.memref_squeeze %scatter3A_548 : memref<1x64x128xf32, #tpu.memory_space<vmem>> -> memref<64x128xf32, #tpu.memory_space<vmem>>
        tpu.vector_store_idx %scatter3A_549[%add3A_534, %add3A_237], %mul3A_544 : memref<64x128xf32, #tpu.memory_space<vmem>>[vector<16xi32>, vector<16xi32>], vector<16xf32>,
        %add3A_550 = arith.constant 13 : i32
        %add3A_551 = vector.broadcast %add3A_550 : i32 to vector<16xi32>
        %add3A_552 = arith.addi %iota3A, %add3A_551 : vector<16xi32>
        %and3A_553 = arith.constant 15 : i32
        %and3A_554 = vector.broadcast %and3A_553 : i32 to vector<16xi32>
        %and3A_555 = arith.andi %add3A_552, %and3A_554 : vector<16xi32>
        %add3A_556 = arith.constant 0 : i32
        %add3A_557 = vector.broadcast %add3A_556 : i32 to vector<16xi32>
        %add3A_558 = arith.addi %and3A_555, %add3A_557 : vector<16xi32>
        %add3A_559 = arith.addi %get3A_239, %add3A_558 : vector<16xi32>
        %gather3A_560 = arith.constant 0 : i32
        %gather3A_561 = arith.constant 0 : i32
        %gather3A_562 = arith.constant 0 : i32
        %gather3A_563 = tpu.memref_slice %arg8[%gather3A_560, %gather3A_561, %gather3A_562] : memref<2x128x128xf32, #tpu.memory_space<vmem>> -> memref<1x128x128xf32, #tpu.memory_space<vmem>>
        %gather3A_564 = tpu.memref_squeeze %gather3A_563 : memref<1x128x128xf32, #tpu.memory_space<vmem>> -> memref<128x128xf32, #tpu.memory_space<vmem>>
        %gather3A_565 = tpu.vector_load_idx %gather3A_564[%add3A_237, %add3A_559] : memref<128x128xf32, #tpu.memory_space<vmem>>[vector<16xi32>, vector<16xi32>], vector<16xf32>,
        %mul3A_566 = arith.constant 8.000000e+00 : f32
        %mul3A_567 = vector.broadcast %mul3A_566 : f32 to vector<16xf32>
        %mul3A_568 = arith.mulf %gather3A_565, %mul3A_567 : vector<16xf32>
        %scatter3A_569 = arith.constant 0 : i32
        %scatter3A_570 = arith.constant 0 : i32
        %scatter3A_571 = arith.constant 0 : i32
        %scatter3A_572 = tpu.memref_slice %arg9[%scatter3A_569, %scatter3A_570, %scatter3A_571] : memref<2x64x128xf32, #tpu.memory_space<vmem>> -> memref<1x64x128xf32, #tpu.memory_space<vmem>>
        %scatter3A_573 = tpu.memref_squeeze %scatter3A_572 : memref<1x64x128xf32, #tpu.memory_space<vmem>> -> memref<64x128xf32, #tpu.memory_space<vmem>>
        tpu.vector_store_idx %scatter3A_573[%add3A_558, %add3A_237], %mul3A_568 : memref<64x128xf32, #tpu.memory_space<vmem>>[vector<16xi32>, vector<16xi32>], vector<16xf32>,
        %add3A_574 = arith.constant 14 : i32
        %add3A_575 = vector.broadcast %add3A_574 : i32 to vector<16xi32>
        %add3A_576 = arith.addi %iota3A, %add3A_575 : vector<16xi32>
        %and3A_577 = arith.constant 15 : i32
        %and3A_578 = vector.broadcast %and3A_577 : i32 to vector<16xi32>
        %and3A_579 = arith.andi %add3A_576, %and3A_578 : vector<16xi32>
        %add3A_580 = arith.constant 0 : i32
        %add3A_581 = vector.broadcast %add3A_580 : i32 to vector<16xi32>
        %add3A_582 = arith.addi %and3A_579, %add3A_581 : vector<16xi32>
        %add3A_583 = arith.addi %get3A_239, %add3A_582 : vector<16xi32>
        %gather3A_584 = arith.constant 0 : i32
        %gather3A_585 = arith.constant 0 : i32
        %gather3A_586 = arith.constant 0 : i32
        %gather3A_587 = tpu.memref_slice %arg8[%gather3A_584, %gather3A_585, %gather3A_586] : memref<2x128x128xf32, #tpu.memory_space<vmem>> -> memref<1x128x128xf32, #tpu.memory_space<vmem>>
        %gather3A_588 = tpu.memref_squeeze %gather3A_587 : memref<1x128x128xf32, #tpu.memory_space<vmem>> -> memref<128x128xf32, #tpu.memory_space<vmem>>
        %gather3A_589 = tpu.vector_load_idx %gather3A_588[%add3A_237, %add3A_583] : memref<128x128xf32, #tpu.memory_space<vmem>>[vector<16xi32>, vector<16xi32>], vector<16xf32>,
        %mul3A_590 = arith.constant 8.000000e+00 : f32
        %mul3A_591 = vector.broadcast %mul3A_590 : f32 to vector<16xf32>
        %mul3A_592 = arith.mulf %gather3A_589, %mul3A_591 : vector<16xf32>
        %scatter3A_593 = arith.constant 0 : i32
        %scatter3A_594 = arith.constant 0 : i32
        %scatter3A_595 = arith.constant 0 : i32
        %scatter3A_596 = tpu.memref_slice %arg9[%scatter3A_593, %scatter3A_594, %scatter3A_595] : memref<2x64x128xf32, #tpu.memory_space<vmem>> -> memref<1x64x128xf32, #tpu.memory_space<vmem>>
        %scatter3A_597 = tpu.memref_squeeze %scatter3A_596 : memref<1x64x128xf32, #tpu.memory_space<vmem>> -> memref<64x128xf32, #tpu.memory_space<vmem>>
        tpu.vector_store_idx %scatter3A_597[%add3A_582, %add3A_237], %mul3A_592 : memref<64x128xf32, #tpu.memory_space<vmem>>[vector<16xi32>, vector<16xi32>], vector<16xf32>,
        %add3A_598 = arith.constant 15 : i32
        %add3A_599 = vector.broadcast %add3A_598 : i32 to vector<16xi32>
        %add3A_600 = arith.addi %iota3A, %add3A_599 : vector<16xi32>
        %and3A_601 = arith.constant 15 : i32
        %and3A_602 = vector.broadcast %and3A_601 : i32 to vector<16xi32>
        %and3A_603 = arith.andi %add3A_600, %and3A_602 : vector<16xi32>
        %add3A_604 = arith.constant 0 : i32
        %add3A_605 = vector.broadcast %add3A_604 : i32 to vector<16xi32>
        %add3A_606 = arith.addi %and3A_603, %add3A_605 : vector<16xi32>
        %add3A_607 = arith.addi %get3A_239, %add3A_606 : vector<16xi32>
        %gather3A_608 = arith.constant 0 : i32
        %gather3A_609 = arith.constant 0 : i32
        %gather3A_610 = arith.constant 0 : i32
        %gather3A_611 = tpu.memref_slice %arg8[%gather3A_608, %gather3A_609, %gather3A_610] : memref<2x128x128xf32, #tpu.memory_space<vmem>> -> memref<1x128x128xf32, #tpu.memory_space<vmem>>
        %gather3A_612 = tpu.memref_squeeze %gather3A_611 : memref<1x128x128xf32, #tpu.memory_space<vmem>> -> memref<128x128xf32, #tpu.memory_space<vmem>>
        %gather3A_613 = tpu.vector_load_idx %gather3A_612[%add3A_237, %add3A_607] : memref<128x128xf32, #tpu.memory_space<vmem>>[vector<16xi32>, vector<16xi32>], vector<16xf32>,
        %mul3A_614 = arith.constant 8.000000e+00 : f32
        %mul3A_615 = vector.broadcast %mul3A_614 : f32 to vector<16xf32>
        %mul3A_616 = arith.mulf %gather3A_613, %mul3A_615 : vector<16xf32>
        %scatter3A_617 = arith.constant 0 : i32
        %scatter3A_618 = arith.constant 0 : i32
        %scatter3A_619 = arith.constant 0 : i32
        %scatter3A_620 = tpu.memref_slice %arg9[%scatter3A_617, %scatter3A_618, %scatter3A_619] : memref<2x64x128xf32, #tpu.memory_space<vmem>> -> memref<1x64x128xf32, #tpu.memory_space<vmem>>
        %scatter3A_621 = tpu.memref_squeeze %scatter3A_620 : memref<1x64x128xf32, #tpu.memory_space<vmem>> -> memref<64x128xf32, #tpu.memory_space<vmem>>
        tpu.vector_store_idx %scatter3A_621[%add3A_606, %add3A_237], %mul3A_616 : memref<64x128xf32, #tpu.memory_space<vmem>>[vector<16xi32>, vector<16xi32>], vector<16xf32>,
        %add3A_622 = arith.constant 0 : i32
        %add3A_623 = vector.broadcast %add3A_622 : i32 to vector<16xi32>
        %add3A_624 = arith.addi %iota3A, %add3A_623 : vector<16xi32>
        %and3A_625 = arith.constant 15 : i32
        %and3A_626 = vector.broadcast %and3A_625 : i32 to vector<16xi32>
        %and3A_627 = arith.andi %add3A_624, %and3A_626 : vector<16xi32>
        %add3A_628 = arith.constant 16 : i32
        %add3A_629 = vector.broadcast %add3A_628 : i32 to vector<16xi32>
        %add3A_630 = arith.addi %and3A_627, %add3A_629 : vector<16xi32>
        %add3A_631 = arith.addi %get3A_239, %add3A_630 : vector<16xi32>
        %gather3A_632 = arith.constant 0 : i32
        %gather3A_633 = arith.constant 0 : i32
        %gather3A_634 = arith.constant 0 : i32
        %gather3A_635 = tpu.memref_slice %arg8[%gather3A_632, %gather3A_633, %gather3A_634] : memref<2x128x128xf32, #tpu.memory_space<vmem>> -> memref<1x128x128xf32, #tpu.memory_space<vmem>>
        %gather3A_636 = tpu.memref_squeeze %gather3A_635 : memref<1x128x128xf32, #tpu.memory_space<vmem>> -> memref<128x128xf32, #tpu.memory_space<vmem>>
        %gather3A_637 = tpu.vector_load_idx %gather3A_636[%add3A_237, %add3A_631] : memref<128x128xf32, #tpu.memory_space<vmem>>[vector<16xi32>, vector<16xi32>], vector<16xf32>,
        %mul3A_638 = arith.constant 8.000000e+00 : f32
        %mul3A_639 = vector.broadcast %mul3A_638 : f32 to vector<16xf32>
        %mul3A_640 = arith.mulf %gather3A_637, %mul3A_639 : vector<16xf32>
        %scatter3A_641 = arith.constant 0 : i32
        %scatter3A_642 = arith.constant 0 : i32
        %scatter3A_643 = arith.constant 0 : i32
        %scatter3A_644 = tpu.memref_slice %arg9[%scatter3A_641, %scatter3A_642, %scatter3A_643] : memref<2x64x128xf32, #tpu.memory_space<vmem>> -> memref<1x64x128xf32, #tpu.memory_space<vmem>>
        %scatter3A_645 = tpu.memref_squeeze %scatter3A_644 : memref<1x64x128xf32, #tpu.memory_space<vmem>> -> memref<64x128xf32, #tpu.memory_space<vmem>>
        tpu.vector_store_idx %scatter3A_645[%add3A_630, %add3A_237], %mul3A_640 : memref<64x128xf32, #tpu.memory_space<vmem>>[vector<16xi32>, vector<16xi32>], vector<16xf32>,
        %add3A_646 = arith.constant 1 : i32
        %add3A_647 = vector.broadcast %add3A_646 : i32 to vector<16xi32>
        %add3A_648 = arith.addi %iota3A, %add3A_647 : vector<16xi32>
        %and3A_649 = arith.constant 15 : i32
        %and3A_650 = vector.broadcast %and3A_649 : i32 to vector<16xi32>
        %and3A_651 = arith.andi %add3A_648, %and3A_650 : vector<16xi32>
        %add3A_652 = arith.constant 16 : i32
        %add3A_653 = vector.broadcast %add3A_652 : i32 to vector<16xi32>
        %add3A_654 = arith.addi %and3A_651, %add3A_653 : vector<16xi32>
        %add3A_655 = arith.addi %get3A_239, %add3A_654 : vector<16xi32>
        %gather3A_656 = arith.constant 0 : i32
        %gather3A_657 = arith.constant 0 : i32
        %gather3A_658 = arith.constant 0 : i32
        %gather3A_659 = tpu.memref_slice %arg8[%gather3A_656, %gather3A_657, %gather3A_658] : memref<2x128x128xf32, #tpu.memory_space<vmem>> -> memref<1x128x128xf32, #tpu.memory_space<vmem>>
        %gather3A_660 = tpu.memref_squeeze %gather3A_659 : memref<1x128x128xf32, #tpu.memory_space<vmem>> -> memref<128x128xf32, #tpu.memory_space<vmem>>
        %gather3A_661 = tpu.vector_load_idx %gather3A_660[%add3A_237, %add3A_655] : memref<128x128xf32, #tpu.memory_space<vmem>>[vector<16xi32>, vector<16xi32>], vector<16xf32>,
        %mul3A_662 = arith.constant 8.000000e+00 : f32
        %mul3A_663 = vector.broadcast %mul3A_662 : f32 to vector<16xf32>
        %mul3A_664 = arith.mulf %gather3A_661, %mul3A_663 : vector<16xf32>
        %scatter3A_665 = arith.constant 0 : i32
        %scatter3A_666 = arith.constant 0 : i32
        %scatter3A_667 = arith.constant 0 : i32
        %scatter3A_668 = tpu.memref_slice %arg9[%scatter3A_665, %scatter3A_666, %scatter3A_667] : memref<2x64x128xf32, #tpu.memory_space<vmem>> -> memref<1x64x128xf32, #tpu.memory_space<vmem>>
        %scatter3A_669 = tpu.memref_squeeze %scatter3A_668 : memref<1x64x128xf32, #tpu.memory_space<vmem>> -> memref<64x128xf32, #tpu.memory_space<vmem>>
        tpu.vector_store_idx %scatter3A_669[%add3A_654, %add3A_237], %mul3A_664 : memref<64x128xf32, #tpu.memory_space<vmem>>[vector<16xi32>, vector<16xi32>], vector<16xf32>,
        %add3A_670 = arith.constant 2 : i32
        %add3A_671 = vector.broadcast %add3A_670 : i32 to vector<16xi32>
        %add3A_672 = arith.addi %iota3A, %add3A_671 : vector<16xi32>
        %and3A_673 = arith.constant 15 : i32
        %and3A_674 = vector.broadcast %and3A_673 : i32 to vector<16xi32>
        %and3A_675 = arith.andi %add3A_672, %and3A_674 : vector<16xi32>
        %add3A_676 = arith.constant 16 : i32
        %add3A_677 = vector.broadcast %add3A_676 : i32 to vector<16xi32>
        %add3A_678 = arith.addi %and3A_675, %add3A_677 : vector<16xi32>
        %add3A_679 = arith.addi %get3A_239, %add3A_678 : vector<16xi32>
        %gather3A_680 = arith.constant 0 : i32
        %gather3A_681 = arith.constant 0 : i32
        %gather3A_682 = arith.constant 0 : i32
        %gather3A_683 = tpu.memref_slice %arg8[%gather3A_680, %gather3A_681, %gather3A_682] : memref<2x128x128xf32, #tpu.memory_space<vmem>> -> memref<1x128x128xf32, #tpu.memory_space<vmem>>
        %gather3A_684 = tpu.memref_squeeze %gather3A_683 : memref<1x128x128xf32, #tpu.memory_space<vmem>> -> memref<128x128xf32, #tpu.memory_space<vmem>>
        %gather3A_685 = tpu.vector_load_idx %gather3A_684[%add3A_237, %add3A_679] : memref<128x128xf32, #tpu.memory_space<vmem>>[vector<16xi32>, vector<16xi32>], vector<16xf32>,
        %mul3A_686 = arith.constant 8.000000e+00 : f32
        %mul3A_687 = vector.broadcast %mul3A_686 : f32 to vector<16xf32>
        %mul3A_688 = arith.mulf %gather3A_685, %mul3A_687 : vector<16xf32>
        %scatter3A_689 = arith.constant 0 : i32
        %scatter3A_690 = arith.constant 0 : i32
        %scatter3A_691 = arith.constant 0 : i32
        %scatter3A_692 = tpu.memref_slice %arg9[%scatter3A_689, %scatter3A_690, %scatter3A_691] : memref<2x64x128xf32, #tpu.memory_space<vmem>> -> memref<1x64x128xf32, #tpu.memory_space<vmem>>
        %scatter3A_693 = tpu.memref_squeeze %scatter3A_692 : memref<1x64x128xf32, #tpu.memory_space<vmem>> -> memref<64x128xf32, #tpu.memory_space<vmem>>
        tpu.vector_store_idx %scatter3A_693[%add3A_678, %add3A_237], %mul3A_688 : memref<64x128xf32, #tpu.memory_space<vmem>>[vector<16xi32>, vector<16xi32>], vector<16xf32>,
        %add3A_694 = arith.constant 3 : i32
        %add3A_695 = vector.broadcast %add3A_694 : i32 to vector<16xi32>
        %add3A_696 = arith.addi %iota3A, %add3A_695 : vector<16xi32>
        %and3A_697 = arith.constant 15 : i32
        %and3A_698 = vector.broadcast %and3A_697 : i32 to vector<16xi32>
        %and3A_699 = arith.andi %add3A_696, %and3A_698 : vector<16xi32>
        %add3A_700 = arith.constant 16 : i32
        %add3A_701 = vector.broadcast %add3A_700 : i32 to vector<16xi32>
        %add3A_702 = arith.addi %and3A_699, %add3A_701 : vector<16xi32>
        %add3A_703 = arith.addi %get3A_239, %add3A_702 : vector<16xi32>
        %gather3A_704 = arith.constant 0 : i32
        %gather3A_705 = arith.constant 0 : i32
        %gather3A_706 = arith.constant 0 : i32
        %gather3A_707 = tpu.memref_slice %arg8[%gather3A_704, %gather3A_705, %gather3A_706] : memref<2x128x128xf32, #tpu.memory_space<vmem>> -> memref<1x128x128xf32, #tpu.memory_space<vmem>>
        %gather3A_708 = tpu.memref_squeeze %gather3A_707 : memref<1x128x128xf32, #tpu.memory_space<vmem>> -> memref<128x128xf32, #tpu.memory_space<vmem>>
        %gather3A_709 = tpu.vector_load_idx %gather3A_708[%add3A_237, %add3A_703] : memref<128x128xf32, #tpu.memory_space<vmem>>[vector<16xi32>, vector<16xi32>], vector<16xf32>,
        %mul3A_710 = arith.constant 8.000000e+00 : f32
        %mul3A_711 = vector.broadcast %mul3A_710 : f32 to vector<16xf32>
        %mul3A_712 = arith.mulf %gather3A_709, %mul3A_711 : vector<16xf32>
        %scatter3A_713 = arith.constant 0 : i32
        %scatter3A_714 = arith.constant 0 : i32
        %scatter3A_715 = arith.constant 0 : i32
        %scatter3A_716 = tpu.memref_slice %arg9[%scatter3A_713, %scatter3A_714, %scatter3A_715] : memref<2x64x128xf32, #tpu.memory_space<vmem>> -> memref<1x64x128xf32, #tpu.memory_space<vmem>>
        %scatter3A_717 = tpu.memref_squeeze %scatter3A_716 : memref<1x64x128xf32, #tpu.memory_space<vmem>> -> memref<64x128xf32, #tpu.memory_space<vmem>>
        tpu.vector_store_idx %scatter3A_717[%add3A_702, %add3A_237], %mul3A_712 : memref<64x128xf32, #tpu.memory_space<vmem>>[vector<16xi32>, vector<16xi32>], vector<16xf32>,
        %add3A_718 = arith.constant 4 : i32
        %add3A_719 = vector.broadcast %add3A_718 : i32 to vector<16xi32>
        %add3A_720 = arith.addi %iota3A, %add3A_719 : vector<16xi32>
        %and3A_721 = arith.constant 15 : i32
        %and3A_722 = vector.broadcast %and3A_721 : i32 to vector<16xi32>
        %and3A_723 = arith.andi %add3A_720, %and3A_722 : vector<16xi32>
        %add3A_724 = arith.constant 16 : i32
        %add3A_725 = vector.broadcast %add3A_724 : i32 to vector<16xi32>
        %add3A_726 = arith.addi %and3A_723, %add3A_725 : vector<16xi32>
        %add3A_727 = arith.addi %get3A_239, %add3A_726 : vector<16xi32>
        %gather3A_728 = arith.constant 0 : i32
        %gather3A_729 = arith.constant 0 : i32
        %gather3A_730 = arith.constant 0 : i32
        %gather3A_731 = tpu.memref_slice %arg8[%gather3A_728, %gather3A_729, %gather3A_730] : memref<2x128x128xf32, #tpu.memory_space<vmem>> -> memref<1x128x128xf32, #tpu.memory_space<vmem>>
        %gather3A_732 = tpu.memref_squeeze %gather3A_731 : memref<1x128x128xf32, #tpu.memory_space<vmem>> -> memref<128x128xf32, #tpu.memory_space<vmem>>
        %gather3A_733 = tpu.vector_load_idx %gather3A_732[%add3A_237, %add3A_727] : memref<128x128xf32, #tpu.memory_space<vmem>>[vector<16xi32>, vector<16xi32>], vector<16xf32>,
        %mul3A_734 = arith.constant 8.000000e+00 : f32
        %mul3A_735 = vector.broadcast %mul3A_734 : f32 to vector<16xf32>
        %mul3A_736 = arith.mulf %gather3A_733, %mul3A_735 : vector<16xf32>
        %scatter3A_737 = arith.constant 0 : i32
        %scatter3A_738 = arith.constant 0 : i32
        %scatter3A_739 = arith.constant 0 : i32
        %scatter3A_740 = tpu.memref_slice %arg9[%scatter3A_737, %scatter3A_738, %scatter3A_739] : memref<2x64x128xf32, #tpu.memory_space<vmem>> -> memref<1x64x128xf32, #tpu.memory_space<vmem>>
        %scatter3A_741 = tpu.memref_squeeze %scatter3A_740 : memref<1x64x128xf32, #tpu.memory_space<vmem>> -> memref<64x128xf32, #tpu.memory_space<vmem>>
        tpu.vector_store_idx %scatter3A_741[%add3A_726, %add3A_237], %mul3A_736 : memref<64x128xf32, #tpu.memory_space<vmem>>[vector<16xi32>, vector<16xi32>], vector<16xf32>,
        %add3A_742 = arith.constant 5 : i32
        %add3A_743 = vector.broadcast %add3A_742 : i32 to vector<16xi32>
        %add3A_744 = arith.addi %iota3A, %add3A_743 : vector<16xi32>
        %and3A_745 = arith.constant 15 : i32
        %and3A_746 = vector.broadcast %and3A_745 : i32 to vector<16xi32>
        %and3A_747 = arith.andi %add3A_744, %and3A_746 : vector<16xi32>
        %add3A_748 = arith.constant 16 : i32
        %add3A_749 = vector.broadcast %add3A_748 : i32 to vector<16xi32>
        %add3A_750 = arith.addi %and3A_747, %add3A_749 : vector<16xi32>
        %add3A_751 = arith.addi %get3A_239, %add3A_750 : vector<16xi32>
        %gather3A_752 = arith.constant 0 : i32
        %gather3A_753 = arith.constant 0 : i32
        %gather3A_754 = arith.constant 0 : i32
        %gather3A_755 = tpu.memref_slice %arg8[%gather3A_752, %gather3A_753, %gather3A_754] : memref<2x128x128xf32, #tpu.memory_space<vmem>> -> memref<1x128x128xf32, #tpu.memory_space<vmem>>
        %gather3A_756 = tpu.memref_squeeze %gather3A_755 : memref<1x128x128xf32, #tpu.memory_space<vmem>> -> memref<128x128xf32, #tpu.memory_space<vmem>>
        %gather3A_757 = tpu.vector_load_idx %gather3A_756[%add3A_237, %add3A_751] : memref<128x128xf32, #tpu.memory_space<vmem>>[vector<16xi32>, vector<16xi32>], vector<16xf32>,
        %mul3A_758 = arith.constant 8.000000e+00 : f32
        %mul3A_759 = vector.broadcast %mul3A_758 : f32 to vector<16xf32>
        %mul3A_760 = arith.mulf %gather3A_757, %mul3A_759 : vector<16xf32>
        %scatter3A_761 = arith.constant 0 : i32
        %scatter3A_762 = arith.constant 0 : i32
        %scatter3A_763 = arith.constant 0 : i32
        %scatter3A_764 = tpu.memref_slice %arg9[%scatter3A_761, %scatter3A_762, %scatter3A_763] : memref<2x64x128xf32, #tpu.memory_space<vmem>> -> memref<1x64x128xf32, #tpu.memory_space<vmem>>
        %scatter3A_765 = tpu.memref_squeeze %scatter3A_764 : memref<1x64x128xf32, #tpu.memory_space<vmem>> -> memref<64x128xf32, #tpu.memory_space<vmem>>
        tpu.vector_store_idx %scatter3A_765[%add3A_750, %add3A_237], %mul3A_760 : memref<64x128xf32, #tpu.memory_space<vmem>>[vector<16xi32>, vector<16xi32>], vector<16xf32>,
        %add3A_766 = arith.constant 6 : i32
        %add3A_767 = vector.broadcast %add3A_766 : i32 to vector<16xi32>
        %add3A_768 = arith.addi %iota3A, %add3A_767 : vector<16xi32>
        %and3A_769 = arith.constant 15 : i32
        %and3A_770 = vector.broadcast %and3A_769 : i32 to vector<16xi32>
        %and3A_771 = arith.andi %add3A_768, %and3A_770 : vector<16xi32>
        %add3A_772 = arith.constant 16 : i32
        %add3A_773 = vector.broadcast %add3A_772 : i32 to vector<16xi32>
        %add3A_774 = arith.addi %and3A_771, %add3A_773 : vector<16xi32>
        %add3A_775 = arith.addi %get3A_239, %add3A_774 : vector<16xi32>
        %gather3A_776 = arith.constant 0 : i32
        %gather3A_777 = arith.constant 0 : i32
        %gather3A_778 = arith.constant 0 : i32
        %gather3A_779 = tpu.memref_slice %arg8[%gather3A_776, %gather3A_777, %gather3A_778] : memref<2x128x128xf32, #tpu.memory_space<vmem>> -> memref<1x128x128xf32, #tpu.memory_space<vmem>>
        %gather3A_780 = tpu.memref_squeeze %gather3A_779 : memref<1x128x128xf32, #tpu.memory_space<vmem>> -> memref<128x128xf32, #tpu.memory_space<vmem>>
        %gather3A_781 = tpu.vector_load_idx %gather3A_780[%add3A_237, %add3A_775] : memref<128x128xf32, #tpu.memory_space<vmem>>[vector<16xi32>, vector<16xi32>], vector<16xf32>,
        %mul3A_782 = arith.constant 8.000000e+00 : f32
        %mul3A_783 = vector.broadcast %mul3A_782 : f32 to vector<16xf32>
        %mul3A_784 = arith.mulf %gather3A_781, %mul3A_783 : vector<16xf32>
        %scatter3A_785 = arith.constant 0 : i32
        %scatter3A_786 = arith.constant 0 : i32
        %scatter3A_787 = arith.constant 0 : i32
        %scatter3A_788 = tpu.memref_slice %arg9[%scatter3A_785, %scatter3A_786, %scatter3A_787] : memref<2x64x128xf32, #tpu.memory_space<vmem>> -> memref<1x64x128xf32, #tpu.memory_space<vmem>>
        %scatter3A_789 = tpu.memref_squeeze %scatter3A_788 : memref<1x64x128xf32, #tpu.memory_space<vmem>> -> memref<64x128xf32, #tpu.memory_space<vmem>>
        tpu.vector_store_idx %scatter3A_789[%add3A_774, %add3A_237], %mul3A_784 : memref<64x128xf32, #tpu.memory_space<vmem>>[vector<16xi32>, vector<16xi32>], vector<16xf32>,
        %add3A_790 = arith.constant 7 : i32
        %add3A_791 = vector.broadcast %add3A_790 : i32 to vector<16xi32>
        %add3A_792 = arith.addi %iota3A, %add3A_791 : vector<16xi32>
        %and3A_793 = arith.constant 15 : i32
        %and3A_794 = vector.broadcast %and3A_793 : i32 to vector<16xi32>
        %and3A_795 = arith.andi %add3A_792, %and3A_794 : vector<16xi32>
        %add3A_796 = arith.constant 16 : i32
        %add3A_797 = vector.broadcast %add3A_796 : i32 to vector<16xi32>
        %add3A_798 = arith.addi %and3A_795, %add3A_797 : vector<16xi32>
        %add3A_799 = arith.addi %get3A_239, %add3A_798 : vector<16xi32>
        %gather3A_800 = arith.constant 0 : i32
        %gather3A_801 = arith.constant 0 : i32
        %gather3A_802 = arith.constant 0 : i32
        %gather3A_803 = tpu.memref_slice %arg8[%gather3A_800, %gather3A_801, %gather3A_802] : memref<2x128x128xf32, #tpu.memory_space<vmem>> -> memref<1x128x128xf32, #tpu.memory_space<vmem>>
        %gather3A_804 = tpu.memref_squeeze %gather3A_803 : memref<1x128x128xf32, #tpu.memory_space<vmem>> -> memref<128x128xf32, #tpu.memory_space<vmem>>
        %gather3A_805 = tpu.vector_load_idx %gather3A_804[%add3A_237, %add3A_799] : memref<128x128xf32, #tpu.memory_space<vmem>>[vector<16xi32>, vector<16xi32>], vector<16xf32>,
        %mul3A_806 = arith.constant 8.000000e+00 : f32
        %mul3A_807 = vector.broadcast %mul3A_806 : f32 to vector<16xf32>
        %mul3A_808 = arith.mulf %gather3A_805, %mul3A_807 : vector<16xf32>
        %scatter3A_809 = arith.constant 0 : i32
        %scatter3A_810 = arith.constant 0 : i32
        %scatter3A_811 = arith.constant 0 : i32
        %scatter3A_812 = tpu.memref_slice %arg9[%scatter3A_809, %scatter3A_810, %scatter3A_811] : memref<2x64x128xf32, #tpu.memory_space<vmem>> -> memref<1x64x128xf32, #tpu.memory_space<vmem>>
        %scatter3A_813 = tpu.memref_squeeze %scatter3A_812 : memref<1x64x128xf32, #tpu.memory_space<vmem>> -> memref<64x128xf32, #tpu.memory_space<vmem>>
        tpu.vector_store_idx %scatter3A_813[%add3A_798, %add3A_237], %mul3A_808 : memref<64x128xf32, #tpu.memory_space<vmem>>[vector<16xi32>, vector<16xi32>], vector<16xf32>,
        %add3A_814 = arith.constant 8 : i32
        %add3A_815 = vector.broadcast %add3A_814 : i32 to vector<16xi32>
        %add3A_816 = arith.addi %iota3A, %add3A_815 : vector<16xi32>
        %and3A_817 = arith.constant 15 : i32
        %and3A_818 = vector.broadcast %and3A_817 : i32 to vector<16xi32>
        %and3A_819 = arith.andi %add3A_816, %and3A_818 : vector<16xi32>
        %add3A_820 = arith.constant 16 : i32
        %add3A_821 = vector.broadcast %add3A_820 : i32 to vector<16xi32>
        %add3A_822 = arith.addi %and3A_819, %add3A_821 : vector<16xi32>
        %add3A_823 = arith.addi %get3A_239, %add3A_822 : vector<16xi32>
        %gather3A_824 = arith.constant 0 : i32
        %gather3A_825 = arith.constant 0 : i32
        %gather3A_826 = arith.constant 0 : i32
        %gather3A_827 = tpu.memref_slice %arg8[%gather3A_824, %gather3A_825, %gather3A_826] : memref<2x128x128xf32, #tpu.memory_space<vmem>> -> memref<1x128x128xf32, #tpu.memory_space<vmem>>
        %gather3A_828 = tpu.memref_squeeze %gather3A_827 : memref<1x128x128xf32, #tpu.memory_space<vmem>> -> memref<128x128xf32, #tpu.memory_space<vmem>>
        %gather3A_829 = tpu.vector_load_idx %gather3A_828[%add3A_237, %add3A_823] : memref<128x128xf32, #tpu.memory_space<vmem>>[vector<16xi32>, vector<16xi32>], vector<16xf32>,
        %mul3A_830 = arith.constant 8.000000e+00 : f32
        %mul3A_831 = vector.broadcast %mul3A_830 : f32 to vector<16xf32>
        %mul3A_832 = arith.mulf %gather3A_829, %mul3A_831 : vector<16xf32>
        %scatter3A_833 = arith.constant 0 : i32
        %scatter3A_834 = arith.constant 0 : i32
        %scatter3A_835 = arith.constant 0 : i32
        %scatter3A_836 = tpu.memref_slice %arg9[%scatter3A_833, %scatter3A_834, %scatter3A_835] : memref<2x64x128xf32, #tpu.memory_space<vmem>> -> memref<1x64x128xf32, #tpu.memory_space<vmem>>
        %scatter3A_837 = tpu.memref_squeeze %scatter3A_836 : memref<1x64x128xf32, #tpu.memory_space<vmem>> -> memref<64x128xf32, #tpu.memory_space<vmem>>
        tpu.vector_store_idx %scatter3A_837[%add3A_822, %add3A_237], %mul3A_832 : memref<64x128xf32, #tpu.memory_space<vmem>>[vector<16xi32>, vector<16xi32>], vector<16xf32>,
        %add3A_838 = arith.constant 9 : i32
        %add3A_839 = vector.broadcast %add3A_838 : i32 to vector<16xi32>
        %add3A_840 = arith.addi %iota3A, %add3A_839 : vector<16xi32>
        %and3A_841 = arith.constant 15 : i32
        %and3A_842 = vector.broadcast %and3A_841 : i32 to vector<16xi32>
        %and3A_843 = arith.andi %add3A_840, %and3A_842 : vector<16xi32>
        %add3A_844 = arith.constant 16 : i32
        %add3A_845 = vector.broadcast %add3A_844 : i32 to vector<16xi32>
        %add3A_846 = arith.addi %and3A_843, %add3A_845 : vector<16xi32>
        %add3A_847 = arith.addi %get3A_239, %add3A_846 : vector<16xi32>
        %gather3A_848 = arith.constant 0 : i32
        %gather3A_849 = arith.constant 0 : i32
        %gather3A_850 = arith.constant 0 : i32
        %gather3A_851 = tpu.memref_slice %arg8[%gather3A_848, %gather3A_849, %gather3A_850] : memref<2x128x128xf32, #tpu.memory_space<vmem>> -> memref<1x128x128xf32, #tpu.memory_space<vmem>>
        %gather3A_852 = tpu.memref_squeeze %gather3A_851 : memref<1x128x128xf32, #tpu.memory_space<vmem>> -> memref<128x128xf32, #tpu.memory_space<vmem>>
        %gather3A_853 = tpu.vector_load_idx %gather3A_852[%add3A_237, %add3A_847] : memref<128x128xf32, #tpu.memory_space<vmem>>[vector<16xi32>, vector<16xi32>], vector<16xf32>,
        %mul3A_854 = arith.constant 8.000000e+00 : f32
        %mul3A_855 = vector.broadcast %mul3A_854 : f32 to vector<16xf32>
        %mul3A_856 = arith.mulf %gather3A_853, %mul3A_855 : vector<16xf32>
        %scatter3A_857 = arith.constant 0 : i32
        %scatter3A_858 = arith.constant 0 : i32
        %scatter3A_859 = arith.constant 0 : i32
        %scatter3A_860 = tpu.memref_slice %arg9[%scatter3A_857, %scatter3A_858, %scatter3A_859] : memref<2x64x128xf32, #tpu.memory_space<vmem>> -> memref<1x64x128xf32, #tpu.memory_space<vmem>>
        %scatter3A_861 = tpu.memref_squeeze %scatter3A_860 : memref<1x64x128xf32, #tpu.memory_space<vmem>> -> memref<64x128xf32, #tpu.memory_space<vmem>>
        tpu.vector_store_idx %scatter3A_861[%add3A_846, %add3A_237], %mul3A_856 : memref<64x128xf32, #tpu.memory_space<vmem>>[vector<16xi32>, vector<16xi32>], vector<16xf32>,
        %add3A_862 = arith.constant 10 : i32
        %add3A_863 = vector.broadcast %add3A_862 : i32 to vector<16xi32>
        %add3A_864 = arith.addi %iota3A, %add3A_863 : vector<16xi32>
        %and3A_865 = arith.constant 15 : i32
        %and3A_866 = vector.broadcast %and3A_865 : i32 to vector<16xi32>
        %and3A_867 = arith.andi %add3A_864, %and3A_866 : vector<16xi32>
        %add3A_868 = arith.constant 16 : i32
        %add3A_869 = vector.broadcast %add3A_868 : i32 to vector<16xi32>
        %add3A_870 = arith.addi %and3A_867, %add3A_869 : vector<16xi32>
        %add3A_871 = arith.addi %get3A_239, %add3A_870 : vector<16xi32>
        %gather3A_872 = arith.constant 0 : i32
        %gather3A_873 = arith.constant 0 : i32
        %gather3A_874 = arith.constant 0 : i32
        %gather3A_875 = tpu.memref_slice %arg8[%gather3A_872, %gather3A_873, %gather3A_874] : memref<2x128x128xf32, #tpu.memory_space<vmem>> -> memref<1x128x128xf32, #tpu.memory_space<vmem>>
        %gather3A_876 = tpu.memref_squeeze %gather3A_875 : memref<1x128x128xf32, #tpu.memory_space<vmem>> -> memref<128x128xf32, #tpu.memory_space<vmem>>
        %gather3A_877 = tpu.vector_load_idx %gather3A_876[%add3A_237, %add3A_871] : memref<128x128xf32, #tpu.memory_space<vmem>>[vector<16xi32>, vector<16xi32>], vector<16xf32>,
        %mul3A_878 = arith.constant 8.000000e+00 : f32
        %mul3A_879 = vector.broadcast %mul3A_878 : f32 to vector<16xf32>
        %mul3A_880 = arith.mulf %gather3A_877, %mul3A_879 : vector<16xf32>
        %scatter3A_881 = arith.constant 0 : i32
        %scatter3A_882 = arith.constant 0 : i32
        %scatter3A_883 = arith.constant 0 : i32
        %scatter3A_884 = tpu.memref_slice %arg9[%scatter3A_881, %scatter3A_882, %scatter3A_883] : memref<2x64x128xf32, #tpu.memory_space<vmem>> -> memref<1x64x128xf32, #tpu.memory_space<vmem>>
        %scatter3A_885 = tpu.memref_squeeze %scatter3A_884 : memref<1x64x128xf32, #tpu.memory_space<vmem>> -> memref<64x128xf32, #tpu.memory_space<vmem>>
        tpu.vector_store_idx %scatter3A_885[%add3A_870, %add3A_237], %mul3A_880 : memref<64x128xf32, #tpu.memory_space<vmem>>[vector<16xi32>, vector<16xi32>], vector<16xf32>,
        %add3A_886 = arith.constant 11 : i32
        %add3A_887 = vector.broadcast %add3A_886 : i32 to vector<16xi32>
        %add3A_888 = arith.addi %iota3A, %add3A_887 : vector<16xi32>
        %and3A_889 = arith.constant 15 : i32
        %and3A_890 = vector.broadcast %and3A_889 : i32 to vector<16xi32>
        %and3A_891 = arith.andi %add3A_888, %and3A_890 : vector<16xi32>
        %add3A_892 = arith.constant 16 : i32
        %add3A_893 = vector.broadcast %add3A_892 : i32 to vector<16xi32>
        %add3A_894 = arith.addi %and3A_891, %add3A_893 : vector<16xi32>
        %add3A_895 = arith.addi %get3A_239, %add3A_894 : vector<16xi32>
        %gather3A_896 = arith.constant 0 : i32
        %gather3A_897 = arith.constant 0 : i32
        %gather3A_898 = arith.constant 0 : i32
        %gather3A_899 = tpu.memref_slice %arg8[%gather3A_896, %gather3A_897, %gather3A_898] : memref<2x128x128xf32, #tpu.memory_space<vmem>> -> memref<1x128x128xf32, #tpu.memory_space<vmem>>
        %gather3A_900 = tpu.memref_squeeze %gather3A_899 : memref<1x128x128xf32, #tpu.memory_space<vmem>> -> memref<128x128xf32, #tpu.memory_space<vmem>>
        %gather3A_901 = tpu.vector_load_idx %gather3A_900[%add3A_237, %add3A_895] : memref<128x128xf32, #tpu.memory_space<vmem>>[vector<16xi32>, vector<16xi32>], vector<16xf32>,
        %mul3A_902 = arith.constant 8.000000e+00 : f32
        %mul3A_903 = vector.broadcast %mul3A_902 : f32 to vector<16xf32>
        %mul3A_904 = arith.mulf %gather3A_901, %mul3A_903 : vector<16xf32>
        %scatter3A_905 = arith.constant 0 : i32
        %scatter3A_906 = arith.constant 0 : i32
        %scatter3A_907 = arith.constant 0 : i32
        %scatter3A_908 = tpu.memref_slice %arg9[%scatter3A_905, %scatter3A_906, %scatter3A_907] : memref<2x64x128xf32, #tpu.memory_space<vmem>> -> memref<1x64x128xf32, #tpu.memory_space<vmem>>
        %scatter3A_909 = tpu.memref_squeeze %scatter3A_908 : memref<1x64x128xf32, #tpu.memory_space<vmem>> -> memref<64x128xf32, #tpu.memory_space<vmem>>
        tpu.vector_store_idx %scatter3A_909[%add3A_894, %add3A_237], %mul3A_904 : memref<64x128xf32, #tpu.memory_space<vmem>>[vector<16xi32>, vector<16xi32>], vector<16xf32>,
        %add3A_910 = arith.constant 12 : i32
        %add3A_911 = vector.broadcast %add3A_910 : i32 to vector<16xi32>
        %add3A_912 = arith.addi %iota3A, %add3A_911 : vector<16xi32>
        %and3A_913 = arith.constant 15 : i32
        %and3A_914 = vector.broadcast %and3A_913 : i32 to vector<16xi32>
        %and3A_915 = arith.andi %add3A_912, %and3A_914 : vector<16xi32>
        %add3A_916 = arith.constant 16 : i32
        %add3A_917 = vector.broadcast %add3A_916 : i32 to vector<16xi32>
        %add3A_918 = arith.addi %and3A_915, %add3A_917 : vector<16xi32>
        %add3A_919 = arith.addi %get3A_239, %add3A_918 : vector<16xi32>
        %gather3A_920 = arith.constant 0 : i32
        %gather3A_921 = arith.constant 0 : i32
        %gather3A_922 = arith.constant 0 : i32
        %gather3A_923 = tpu.memref_slice %arg8[%gather3A_920, %gather3A_921, %gather3A_922] : memref<2x128x128xf32, #tpu.memory_space<vmem>> -> memref<1x128x128xf32, #tpu.memory_space<vmem>>
        %gather3A_924 = tpu.memref_squeeze %gather3A_923 : memref<1x128x128xf32, #tpu.memory_space<vmem>> -> memref<128x128xf32, #tpu.memory_space<vmem>>
        %gather3A_925 = tpu.vector_load_idx %gather3A_924[%add3A_237, %add3A_919] : memref<128x128xf32, #tpu.memory_space<vmem>>[vector<16xi32>, vector<16xi32>], vector<16xf32>,
        %mul3A_926 = arith.constant 8.000000e+00 : f32
        %mul3A_927 = vector.broadcast %mul3A_926 : f32 to vector<16xf32>
        %mul3A_928 = arith.mulf %gather3A_925, %mul3A_927 : vector<16xf32>
        %scatter3A_929 = arith.constant 0 : i32
        %scatter3A_930 = arith.constant 0 : i32
        %scatter3A_931 = arith.constant 0 : i32
        %scatter3A_932 = tpu.memref_slice %arg9[%scatter3A_929, %scatter3A_930, %scatter3A_931] : memref<2x64x128xf32, #tpu.memory_space<vmem>> -> memref<1x64x128xf32, #tpu.memory_space<vmem>>
        %scatter3A_933 = tpu.memref_squeeze %scatter3A_932 : memref<1x64x128xf32, #tpu.memory_space<vmem>> -> memref<64x128xf32, #tpu.memory_space<vmem>>
        tpu.vector_store_idx %scatter3A_933[%add3A_918, %add3A_237], %mul3A_928 : memref<64x128xf32, #tpu.memory_space<vmem>>[vector<16xi32>, vector<16xi32>], vector<16xf32>,
        %add3A_934 = arith.constant 13 : i32
        %add3A_935 = vector.broadcast %add3A_934 : i32 to vector<16xi32>
        %add3A_936 = arith.addi %iota3A, %add3A_935 : vector<16xi32>
        %and3A_937 = arith.constant 15 : i32
        %and3A_938 = vector.broadcast %and3A_937 : i32 to vector<16xi32>
        %and3A_939 = arith.andi %add3A_936, %and3A_938 : vector<16xi32>
        %add3A_940 = arith.constant 16 : i32
        %add3A_941 = vector.broadcast %add3A_940 : i32 to vector<16xi32>
        %add3A_942 = arith.addi %and3A_939, %add3A_941 : vector<16xi32>
        %add3A_943 = arith.addi %get3A_239, %add3A_942 : vector<16xi32>
        %gather3A_944 = arith.constant 0 : i32
        %gather3A_945 = arith.constant 0 : i32
        %gather3A_946 = arith.constant 0 : i32
        %gather3A_947 = tpu.memref_slice %arg8[%gather3A_944, %gather3A_945, %gather3A_946] : memref<2x128x128xf32, #tpu.memory_space<vmem>> -> memref<1x128x128xf32, #tpu.memory_space<vmem>>
        %gather3A_948 = tpu.memref_squeeze %gather3A_947 : memref<1x128x128xf32, #tpu.memory_space<vmem>> -> memref<128x128xf32, #tpu.memory_space<vmem>>
        %gather3A_949 = tpu.vector_load_idx %gather3A_948[%add3A_237, %add3A_943] : memref<128x128xf32, #tpu.memory_space<vmem>>[vector<16xi32>, vector<16xi32>], vector<16xf32>,
        %mul3A_950 = arith.constant 8.000000e+00 : f32
        %mul3A_951 = vector.broadcast %mul3A_950 : f32 to vector<16xf32>
        %mul3A_952 = arith.mulf %gather3A_949, %mul3A_951 : vector<16xf32>
        %scatter3A_953 = arith.constant 0 : i32
        %scatter3A_954 = arith.constant 0 : i32
        %scatter3A_955 = arith.constant 0 : i32
        %scatter3A_956 = tpu.memref_slice %arg9[%scatter3A_953, %scatter3A_954, %scatter3A_955] : memref<2x64x128xf32, #tpu.memory_space<vmem>> -> memref<1x64x128xf32, #tpu.memory_space<vmem>>
        %scatter3A_957 = tpu.memref_squeeze %scatter3A_956 : memref<1x64x128xf32, #tpu.memory_space<vmem>> -> memref<64x128xf32, #tpu.memory_space<vmem>>
        tpu.vector_store_idx %scatter3A_957[%add3A_942, %add3A_237], %mul3A_952 : memref<64x128xf32, #tpu.memory_space<vmem>>[vector<16xi32>, vector<16xi32>], vector<16xf32>,
        %add3A_958 = arith.constant 14 : i32
        %add3A_959 = vector.broadcast %add3A_958 : i32 to vector<16xi32>
        %add3A_960 = arith.addi %iota3A, %add3A_959 : vector<16xi32>
        %and3A_961 = arith.constant 15 : i32
        %and3A_962 = vector.broadcast %and3A_961 : i32 to vector<16xi32>
        %and3A_963 = arith.andi %add3A_960, %and3A_962 : vector<16xi32>
        %add3A_964 = arith.constant 16 : i32
        %add3A_965 = vector.broadcast %add3A_964 : i32 to vector<16xi32>
        %add3A_966 = arith.addi %and3A_963, %add3A_965 : vector<16xi32>
        %add3A_967 = arith.addi %get3A_239, %add3A_966 : vector<16xi32>
        %gather3A_968 = arith.constant 0 : i32
        %gather3A_969 = arith.constant 0 : i32
        %gather3A_970 = arith.constant 0 : i32
        %gather3A_971 = tpu.memref_slice %arg8[%gather3A_968, %gather3A_969, %gather3A_970] : memref<2x128x128xf32, #tpu.memory_space<vmem>> -> memref<1x128x128xf32, #tpu.memory_space<vmem>>
        %gather3A_972 = tpu.memref_squeeze %gather3A_971 : memref<1x128x128xf32, #tpu.memory_space<vmem>> -> memref<128x128xf32, #tpu.memory_space<vmem>>
        %gather3A_973 = tpu.vector_load_idx %gather3A_972[%add3A_237, %add3A_967] : memref<128x128xf32, #tpu.memory_space<vmem>>[vector<16xi32>, vector<16xi32>], vector<16xf32>,
        %mul3A_974 = arith.constant 8.000000e+00 : f32
        %mul3A_975 = vector.broadcast %mul3A_974 : f32 to vector<16xf32>
        %mul3A_976 = arith.mulf %gather3A_973, %mul3A_975 : vector<16xf32>
        %scatter3A_977 = arith.constant 0 : i32
        %scatter3A_978 = arith.constant 0 : i32
        %scatter3A_979 = arith.constant 0 : i32
        %scatter3A_980 = tpu.memref_slice %arg9[%scatter3A_977, %scatter3A_978, %scatter3A_979] : memref<2x64x128xf32, #tpu.memory_space<vmem>> -> memref<1x64x128xf32, #tpu.memory_space<vmem>>
        %scatter3A_981 = tpu.memref_squeeze %scatter3A_980 : memref<1x64x128xf32, #tpu.memory_space<vmem>> -> memref<64x128xf32, #tpu.memory_space<vmem>>
        tpu.vector_store_idx %scatter3A_981[%add3A_966, %add3A_237], %mul3A_976 : memref<64x128xf32, #tpu.memory_space<vmem>>[vector<16xi32>, vector<16xi32>], vector<16xf32>,
        %add3A_982 = arith.constant 15 : i32
        %add3A_983 = vector.broadcast %add3A_982 : i32 to vector<16xi32>
        %add3A_984 = arith.addi %iota3A, %add3A_983 : vector<16xi32>
        %and3A_985 = arith.constant 15 : i32
        %and3A_986 = vector.broadcast %and3A_985 : i32 to vector<16xi32>
        %and3A_987 = arith.andi %add3A_984, %and3A_986 : vector<16xi32>
        %add3A_988 = arith.constant 16 : i32
        %add3A_989 = vector.broadcast %add3A_988 : i32 to vector<16xi32>
        %add3A_990 = arith.addi %and3A_987, %add3A_989 : vector<16xi32>
        %add3A_991 = arith.addi %get3A_239, %add3A_990 : vector<16xi32>
        %gather3A_992 = arith.constant 0 : i32
        %gather3A_993 = arith.constant 0 : i32
        %gather3A_994 = arith.constant 0 : i32
        %gather3A_995 = tpu.memref_slice %arg8[%gather3A_992, %gather3A_993, %gather3A_994] : memref<2x128x128xf32, #tpu.memory_space<vmem>> -> memref<1x128x128xf32, #tpu.memory_space<vmem>>
        %gather3A_996 = tpu.memref_squeeze %gather3A_995 : memref<1x128x128xf32, #tpu.memory_space<vmem>> -> memref<128x128xf32, #tpu.memory_space<vmem>>
        %gather3A_997 = tpu.vector_load_idx %gather3A_996[%add3A_237, %add3A_991] : memref<128x128xf32, #tpu.memory_space<vmem>>[vector<16xi32>, vector<16xi32>], vector<16xf32>,
        %mul3A_998 = arith.constant 8.000000e+00 : f32
        %mul3A_999 = vector.broadcast %mul3A_998 : f32 to vector<16xf32>
        %mul3A_1000 = arith.mulf %gather3A_997, %mul3A_999 : vector<16xf32>
        %scatter3A_1001 = arith.constant 0 : i32
        %scatter3A_1002 = arith.constant 0 : i32
        %scatter3A_1003 = arith.constant 0 : i32
        %scatter3A_1004 = tpu.memref_slice %arg9[%scatter3A_1001, %scatter3A_1002, %scatter3A_1003] : memref<2x64x128xf32, #tpu.memory_space<vmem>> -> memref<1x64x128xf32, #tpu.memory_space<vmem>>
        %scatter3A_1005 = tpu.memref_squeeze %scatter3A_1004 : memref<1x64x128xf32, #tpu.memory_space<vmem>> -> memref<64x128xf32, #tpu.memory_space<vmem>>
        tpu.vector_store_idx %scatter3A_1005[%add3A_990, %add3A_237], %mul3A_1000 : memref<64x128xf32, #tpu.memory_space<vmem>>[vector<16xi32>, vector<16xi32>], vector<16xf32>,
        %add3A_1006 = arith.constant 0 : i32
        %add3A_1007 = vector.broadcast %add3A_1006 : i32 to vector<16xi32>
        %add3A_1008 = arith.addi %iota3A, %add3A_1007 : vector<16xi32>
        %and3A_1009 = arith.constant 15 : i32
        %and3A_1010 = vector.broadcast %and3A_1009 : i32 to vector<16xi32>
        %and3A_1011 = arith.andi %add3A_1008, %and3A_1010 : vector<16xi32>
        %add3A_1012 = arith.constant 32 : i32
        %add3A_1013 = vector.broadcast %add3A_1012 : i32 to vector<16xi32>
        %add3A_1014 = arith.addi %and3A_1011, %add3A_1013 : vector<16xi32>
        %add3A_1015 = arith.addi %get3A_239, %add3A_1014 : vector<16xi32>
        %gather3A_1016 = arith.constant 0 : i32
        %gather3A_1017 = arith.constant 0 : i32
        %gather3A_1018 = arith.constant 0 : i32
        %gather3A_1019 = tpu.memref_slice %arg8[%gather3A_1016, %gather3A_1017, %gather3A_1018] : memref<2x128x128xf32, #tpu.memory_space<vmem>> -> memref<1x128x128xf32, #tpu.memory_space<vmem>>
        %gather3A_1020 = tpu.memref_squeeze %gather3A_1019 : memref<1x128x128xf32, #tpu.memory_space<vmem>> -> memref<128x128xf32, #tpu.memory_space<vmem>>
        %gather3A_1021 = tpu.vector_load_idx %gather3A_1020[%add3A_237, %add3A_1015] : memref<128x128xf32, #tpu.memory_space<vmem>>[vector<16xi32>, vector<16xi32>], vector<16xf32>,
        %mul3A_1022 = arith.constant 8.000000e+00 : f32
        %mul3A_1023 = vector.broadcast %mul3A_1022 : f32 to vector<16xf32>
        %mul3A_1024 = arith.mulf %gather3A_1021, %mul3A_1023 : vector<16xf32>
        %scatter3A_1025 = arith.constant 0 : i32
        %scatter3A_1026 = arith.constant 0 : i32
        %scatter3A_1027 = arith.constant 0 : i32
        %scatter3A_1028 = tpu.memref_slice %arg9[%scatter3A_1025, %scatter3A_1026, %scatter3A_1027] : memref<2x64x128xf32, #tpu.memory_space<vmem>> -> memref<1x64x128xf32, #tpu.memory_space<vmem>>
        %scatter3A_1029 = tpu.memref_squeeze %scatter3A_1028 : memref<1x64x128xf32, #tpu.memory_space<vmem>> -> memref<64x128xf32, #tpu.memory_space<vmem>>
        tpu.vector_store_idx %scatter3A_1029[%add3A_1014, %add3A_237], %mul3A_1024 : memref<64x128xf32, #tpu.memory_space<vmem>>[vector<16xi32>, vector<16xi32>], vector<16xf32>,
        %add3A_1030 = arith.constant 1 : i32
        %add3A_1031 = vector.broadcast %add3A_1030 : i32 to vector<16xi32>
        %add3A_1032 = arith.addi %iota3A, %add3A_1031 : vector<16xi32>
        %and3A_1033 = arith.constant 15 : i32
        %and3A_1034 = vector.broadcast %and3A_1033 : i32 to vector<16xi32>
        %and3A_1035 = arith.andi %add3A_1032, %and3A_1034 : vector<16xi32>
        %add3A_1036 = arith.constant 32 : i32
        %add3A_1037 = vector.broadcast %add3A_1036 : i32 to vector<16xi32>
        %add3A_1038 = arith.addi %and3A_1035, %add3A_1037 : vector<16xi32>
        %add3A_1039 = arith.addi %get3A_239, %add3A_1038 : vector<16xi32>
        %gather3A_1040 = arith.constant 0 : i32
        %gather3A_1041 = arith.constant 0 : i32
        %gather3A_1042 = arith.constant 0 : i32
        %gather3A_1043 = tpu.memref_slice %arg8[%gather3A_1040, %gather3A_1041, %gather3A_1042] : memref<2x128x128xf32, #tpu.memory_space<vmem>> -> memref<1x128x128xf32, #tpu.memory_space<vmem>>
        %gather3A_1044 = tpu.memref_squeeze %gather3A_1043 : memref<1x128x128xf32, #tpu.memory_space<vmem>> -> memref<128x128xf32, #tpu.memory_space<vmem>>
        %gather3A_1045 = tpu.vector_load_idx %gather3A_1044[%add3A_237, %add3A_1039] : memref<128x128xf32, #tpu.memory_space<vmem>>[vector<16xi32>, vector<16xi32>], vector<16xf32>,
        %mul3A_1046 = arith.constant 8.000000e+00 : f32
        %mul3A_1047 = vector.broadcast %mul3A_1046 : f32 to vector<16xf32>
        %mul3A_1048 = arith.mulf %gather3A_1045, %mul3A_1047 : vector<16xf32>
        %scatter3A_1049 = arith.constant 0 : i32
        %scatter3A_1050 = arith.constant 0 : i32
        %scatter3A_1051 = arith.constant 0 : i32
        %scatter3A_1052 = tpu.memref_slice %arg9[%scatter3A_1049, %scatter3A_1050, %scatter3A_1051] : memref<2x64x128xf32, #tpu.memory_space<vmem>> -> memref<1x64x128xf32, #tpu.memory_space<vmem>>
        %scatter3A_1053 = tpu.memref_squeeze %scatter3A_1052 : memref<1x64x128xf32, #tpu.memory_space<vmem>> -> memref<64x128xf32, #tpu.memory_space<vmem>>
        tpu.vector_store_idx %scatter3A_1053[%add3A_1038, %add3A_237], %mul3A_1048 : memref<64x128xf32, #tpu.memory_space<vmem>>[vector<16xi32>, vector<16xi32>], vector<16xf32>,
        %add3A_1054 = arith.constant 2 : i32
        %add3A_1055 = vector.broadcast %add3A_1054 : i32 to vector<16xi32>
        %add3A_1056 = arith.addi %iota3A, %add3A_1055 : vector<16xi32>
        %and3A_1057 = arith.constant 15 : i32
        %and3A_1058 = vector.broadcast %and3A_1057 : i32 to vector<16xi32>
        %and3A_1059 = arith.andi %add3A_1056, %and3A_1058 : vector<16xi32>
        %add3A_1060 = arith.constant 32 : i32
        %add3A_1061 = vector.broadcast %add3A_1060 : i32 to vector<16xi32>
        %add3A_1062 = arith.addi %and3A_1059, %add3A_1061 : vector<16xi32>
        %add3A_1063 = arith.addi %get3A_239, %add3A_1062 : vector<16xi32>
        %gather3A_1064 = arith.constant 0 : i32
        %gather3A_1065 = arith.constant 0 : i32
        %gather3A_1066 = arith.constant 0 : i32
        %gather3A_1067 = tpu.memref_slice %arg8[%gather3A_1064, %gather3A_1065, %gather3A_1066] : memref<2x128x128xf32, #tpu.memory_space<vmem>> -> memref<1x128x128xf32, #tpu.memory_space<vmem>>
        %gather3A_1068 = tpu.memref_squeeze %gather3A_1067 : memref<1x128x128xf32, #tpu.memory_space<vmem>> -> memref<128x128xf32, #tpu.memory_space<vmem>>
        %gather3A_1069 = tpu.vector_load_idx %gather3A_1068[%add3A_237, %add3A_1063] : memref<128x128xf32, #tpu.memory_space<vmem>>[vector<16xi32>, vector<16xi32>], vector<16xf32>,
        %mul3A_1070 = arith.constant 8.000000e+00 : f32
        %mul3A_1071 = vector.broadcast %mul3A_1070 : f32 to vector<16xf32>
        %mul3A_1072 = arith.mulf %gather3A_1069, %mul3A_1071 : vector<16xf32>
        %scatter3A_1073 = arith.constant 0 : i32
        %scatter3A_1074 = arith.constant 0 : i32
        %scatter3A_1075 = arith.constant 0 : i32
        %scatter3A_1076 = tpu.memref_slice %arg9[%scatter3A_1073, %scatter3A_1074, %scatter3A_1075] : memref<2x64x128xf32, #tpu.memory_space<vmem>> -> memref<1x64x128xf32, #tpu.memory_space<vmem>>
        %scatter3A_1077 = tpu.memref_squeeze %scatter3A_1076 : memref<1x64x128xf32, #tpu.memory_space<vmem>> -> memref<64x128xf32, #tpu.memory_space<vmem>>
        tpu.vector_store_idx %scatter3A_1077[%add3A_1062, %add3A_237], %mul3A_1072 : memref<64x128xf32, #tpu.memory_space<vmem>>[vector<16xi32>, vector<16xi32>], vector<16xf32>,
        %add3A_1078 = arith.constant 3 : i32
        %add3A_1079 = vector.broadcast %add3A_1078 : i32 to vector<16xi32>
        %add3A_1080 = arith.addi %iota3A, %add3A_1079 : vector<16xi32>
        %and3A_1081 = arith.constant 15 : i32
        %and3A_1082 = vector.broadcast %and3A_1081 : i32 to vector<16xi32>
        %and3A_1083 = arith.andi %add3A_1080, %and3A_1082 : vector<16xi32>
        %add3A_1084 = arith.constant 32 : i32
        %add3A_1085 = vector.broadcast %add3A_1084 : i32 to vector<16xi32>
        %add3A_1086 = arith.addi %and3A_1083, %add3A_1085 : vector<16xi32>
        %add3A_1087 = arith.addi %get3A_239, %add3A_1086 : vector<16xi32>
        %gather3A_1088 = arith.constant 0 : i32
        %gather3A_1089 = arith.constant 0 : i32
        %gather3A_1090 = arith.constant 0 : i32
        %gather3A_1091 = tpu.memref_slice %arg8[%gather3A_1088, %gather3A_1089, %gather3A_1090] : memref<2x128x128xf32, #tpu.memory_space<vmem>> -> memref<1x128x128xf32, #tpu.memory_space<vmem>>
        %gather3A_1092 = tpu.memref_squeeze %gather3A_1091 : memref<1x128x128xf32, #tpu.memory_space<vmem>> -> memref<128x128xf32, #tpu.memory_space<vmem>>
        %gather3A_1093 = tpu.vector_load_idx %gather3A_1092[%add3A_237, %add3A_1087] : memref<128x128xf32, #tpu.memory_space<vmem>>[vector<16xi32>, vector<16xi32>], vector<16xf32>,
        %mul3A_1094 = arith.constant 8.000000e+00 : f32
        %mul3A_1095 = vector.broadcast %mul3A_1094 : f32 to vector<16xf32>
        %mul3A_1096 = arith.mulf %gather3A_1093, %mul3A_1095 : vector<16xf32>
        %scatter3A_1097 = arith.constant 0 : i32
        %scatter3A_1098 = arith.constant 0 : i32
        %scatter3A_1099 = arith.constant 0 : i32
        %scatter3A_1100 = tpu.memref_slice %arg9[%scatter3A_1097, %scatter3A_1098, %scatter3A_1099] : memref<2x64x128xf32, #tpu.memory_space<vmem>> -> memref<1x64x128xf32, #tpu.memory_space<vmem>>
        %scatter3A_1101 = tpu.memref_squeeze %scatter3A_1100 : memref<1x64x128xf32, #tpu.memory_space<vmem>> -> memref<64x128xf32, #tpu.memory_space<vmem>>
        tpu.vector_store_idx %scatter3A_1101[%add3A_1086, %add3A_237], %mul3A_1096 : memref<64x128xf32, #tpu.memory_space<vmem>>[vector<16xi32>, vector<16xi32>], vector<16xf32>,
        %add3A_1102 = arith.constant 4 : i32
        %add3A_1103 = vector.broadcast %add3A_1102 : i32 to vector<16xi32>
        %add3A_1104 = arith.addi %iota3A, %add3A_1103 : vector<16xi32>
        %and3A_1105 = arith.constant 15 : i32
        %and3A_1106 = vector.broadcast %and3A_1105 : i32 to vector<16xi32>
        %and3A_1107 = arith.andi %add3A_1104, %and3A_1106 : vector<16xi32>
        %add3A_1108 = arith.constant 32 : i32
        %add3A_1109 = vector.broadcast %add3A_1108 : i32 to vector<16xi32>
        %add3A_1110 = arith.addi %and3A_1107, %add3A_1109 : vector<16xi32>
        %add3A_1111 = arith.addi %get3A_239, %add3A_1110 : vector<16xi32>
        %gather3A_1112 = arith.constant 0 : i32
        %gather3A_1113 = arith.constant 0 : i32
        %gather3A_1114 = arith.constant 0 : i32
        %gather3A_1115 = tpu.memref_slice %arg8[%gather3A_1112, %gather3A_1113, %gather3A_1114] : memref<2x128x128xf32, #tpu.memory_space<vmem>> -> memref<1x128x128xf32, #tpu.memory_space<vmem>>
        %gather3A_1116 = tpu.memref_squeeze %gather3A_1115 : memref<1x128x128xf32, #tpu.memory_space<vmem>> -> memref<128x128xf32, #tpu.memory_space<vmem>>
        %gather3A_1117 = tpu.vector_load_idx %gather3A_1116[%add3A_237, %add3A_1111] : memref<128x128xf32, #tpu.memory_space<vmem>>[vector<16xi32>, vector<16xi32>], vector<16xf32>,
        %mul3A_1118 = arith.constant 8.000000e+00 : f32
        %mul3A_1119 = vector.broadcast %mul3A_1118 : f32 to vector<16xf32>
        %mul3A_1120 = arith.mulf %gather3A_1117, %mul3A_1119 : vector<16xf32>
        %scatter3A_1121 = arith.constant 0 : i32
        %scatter3A_1122 = arith.constant 0 : i32
        %scatter3A_1123 = arith.constant 0 : i32
        %scatter3A_1124 = tpu.memref_slice %arg9[%scatter3A_1121, %scatter3A_1122, %scatter3A_1123] : memref<2x64x128xf32, #tpu.memory_space<vmem>> -> memref<1x64x128xf32, #tpu.memory_space<vmem>>
        %scatter3A_1125 = tpu.memref_squeeze %scatter3A_1124 : memref<1x64x128xf32, #tpu.memory_space<vmem>> -> memref<64x128xf32, #tpu.memory_space<vmem>>
        tpu.vector_store_idx %scatter3A_1125[%add3A_1110, %add3A_237], %mul3A_1120 : memref<64x128xf32, #tpu.memory_space<vmem>>[vector<16xi32>, vector<16xi32>], vector<16xf32>,
        %add3A_1126 = arith.constant 5 : i32
        %add3A_1127 = vector.broadcast %add3A_1126 : i32 to vector<16xi32>
        %add3A_1128 = arith.addi %iota3A, %add3A_1127 : vector<16xi32>
        %and3A_1129 = arith.constant 15 : i32
        %and3A_1130 = vector.broadcast %and3A_1129 : i32 to vector<16xi32>
        %and3A_1131 = arith.andi %add3A_1128, %and3A_1130 : vector<16xi32>
        %add3A_1132 = arith.constant 32 : i32
        %add3A_1133 = vector.broadcast %add3A_1132 : i32 to vector<16xi32>
        %add3A_1134 = arith.addi %and3A_1131, %add3A_1133 : vector<16xi32>
        %add3A_1135 = arith.addi %get3A_239, %add3A_1134 : vector<16xi32>
        %gather3A_1136 = arith.constant 0 : i32
        %gather3A_1137 = arith.constant 0 : i32
        %gather3A_1138 = arith.constant 0 : i32
        %gather3A_1139 = tpu.memref_slice %arg8[%gather3A_1136, %gather3A_1137, %gather3A_1138] : memref<2x128x128xf32, #tpu.memory_space<vmem>> -> memref<1x128x128xf32, #tpu.memory_space<vmem>>
        %gather3A_1140 = tpu.memref_squeeze %gather3A_1139 : memref<1x128x128xf32, #tpu.memory_space<vmem>> -> memref<128x128xf32, #tpu.memory_space<vmem>>
        %gather3A_1141 = tpu.vector_load_idx %gather3A_1140[%add3A_237, %add3A_1135] : memref<128x128xf32, #tpu.memory_space<vmem>>[vector<16xi32>, vector<16xi32>], vector<16xf32>,
        %mul3A_1142 = arith.constant 8.000000e+00 : f32
        %mul3A_1143 = vector.broadcast %mul3A_1142 : f32 to vector<16xf32>
        %mul3A_1144 = arith.mulf %gather3A_1141, %mul3A_1143 : vector<16xf32>
        %scatter3A_1145 = arith.constant 0 : i32
        %scatter3A_1146 = arith.constant 0 : i32
        %scatter3A_1147 = arith.constant 0 : i32
        %scatter3A_1148 = tpu.memref_slice %arg9[%scatter3A_1145, %scatter3A_1146, %scatter3A_1147] : memref<2x64x128xf32, #tpu.memory_space<vmem>> -> memref<1x64x128xf32, #tpu.memory_space<vmem>>
        %scatter3A_1149 = tpu.memref_squeeze %scatter3A_1148 : memref<1x64x128xf32, #tpu.memory_space<vmem>> -> memref<64x128xf32, #tpu.memory_space<vmem>>
        tpu.vector_store_idx %scatter3A_1149[%add3A_1134, %add3A_237], %mul3A_1144 : memref<64x128xf32, #tpu.memory_space<vmem>>[vector<16xi32>, vector<16xi32>], vector<16xf32>,
        %add3A_1150 = arith.constant 6 : i32
        %add3A_1151 = vector.broadcast %add3A_1150 : i32 to vector<16xi32>
        %add3A_1152 = arith.addi %iota3A, %add3A_1151 : vector<16xi32>
        %and3A_1153 = arith.constant 15 : i32
        %and3A_1154 = vector.broadcast %and3A_1153 : i32 to vector<16xi32>
        %and3A_1155 = arith.andi %add3A_1152, %and3A_1154 : vector<16xi32>
        %add3A_1156 = arith.constant 32 : i32
        %add3A_1157 = vector.broadcast %add3A_1156 : i32 to vector<16xi32>
        %add3A_1158 = arith.addi %and3A_1155, %add3A_1157 : vector<16xi32>
        %add3A_1159 = arith.addi %get3A_239, %add3A_1158 : vector<16xi32>
        %gather3A_1160 = arith.constant 0 : i32
        %gather3A_1161 = arith.constant 0 : i32
        %gather3A_1162 = arith.constant 0 : i32
        %gather3A_1163 = tpu.memref_slice %arg8[%gather3A_1160, %gather3A_1161, %gather3A_1162] : memref<2x128x128xf32, #tpu.memory_space<vmem>> -> memref<1x128x128xf32, #tpu.memory_space<vmem>>
        %gather3A_1164 = tpu.memref_squeeze %gather3A_1163 : memref<1x128x128xf32, #tpu.memory_space<vmem>> -> memref<128x128xf32, #tpu.memory_space<vmem>>
        %gather3A_1165 = tpu.vector_load_idx %gather3A_1164[%add3A_237, %add3A_1159] : memref<128x128xf32, #tpu.memory_space<vmem>>[vector<16xi32>, vector<16xi32>], vector<16xf32>,
        %mul3A_1166 = arith.constant 8.000000e+00 : f32
        %mul3A_1167 = vector.broadcast %mul3A_1166 : f32 to vector<16xf32>
        %mul3A_1168 = arith.mulf %gather3A_1165, %mul3A_1167 : vector<16xf32>
        %scatter3A_1169 = arith.constant 0 : i32
        %scatter3A_1170 = arith.constant 0 : i32
        %scatter3A_1171 = arith.constant 0 : i32
        %scatter3A_1172 = tpu.memref_slice %arg9[%scatter3A_1169, %scatter3A_1170, %scatter3A_1171] : memref<2x64x128xf32, #tpu.memory_space<vmem>> -> memref<1x64x128xf32, #tpu.memory_space<vmem>>
        %scatter3A_1173 = tpu.memref_squeeze %scatter3A_1172 : memref<1x64x128xf32, #tpu.memory_space<vmem>> -> memref<64x128xf32, #tpu.memory_space<vmem>>
        tpu.vector_store_idx %scatter3A_1173[%add3A_1158, %add3A_237], %mul3A_1168 : memref<64x128xf32, #tpu.memory_space<vmem>>[vector<16xi32>, vector<16xi32>], vector<16xf32>,
        %add3A_1174 = arith.constant 7 : i32
        %add3A_1175 = vector.broadcast %add3A_1174 : i32 to vector<16xi32>
        %add3A_1176 = arith.addi %iota3A, %add3A_1175 : vector<16xi32>
        %and3A_1177 = arith.constant 15 : i32
        %and3A_1178 = vector.broadcast %and3A_1177 : i32 to vector<16xi32>
        %and3A_1179 = arith.andi %add3A_1176, %and3A_1178 : vector<16xi32>
        %add3A_1180 = arith.constant 32 : i32
        %add3A_1181 = vector.broadcast %add3A_1180 : i32 to vector<16xi32>
        %add3A_1182 = arith.addi %and3A_1179, %add3A_1181 : vector<16xi32>
        %add3A_1183 = arith.addi %get3A_239, %add3A_1182 : vector<16xi32>
        %gather3A_1184 = arith.constant 0 : i32
        %gather3A_1185 = arith.constant 0 : i32
        %gather3A_1186 = arith.constant 0 : i32
        %gather3A_1187 = tpu.memref_slice %arg8[%gather3A_1184, %gather3A_1185, %gather3A_1186] : memref<2x128x128xf32, #tpu.memory_space<vmem>> -> memref<1x128x128xf32, #tpu.memory_space<vmem>>
        %gather3A_1188 = tpu.memref_squeeze %gather3A_1187 : memref<1x128x128xf32, #tpu.memory_space<vmem>> -> memref<128x128xf32, #tpu.memory_space<vmem>>
        %gather3A_1189 = tpu.vector_load_idx %gather3A_1188[%add3A_237, %add3A_1183] : memref<128x128xf32, #tpu.memory_space<vmem>>[vector<16xi32>, vector<16xi32>], vector<16xf32>,
        %mul3A_1190 = arith.constant 8.000000e+00 : f32
        %mul3A_1191 = vector.broadcast %mul3A_1190 : f32 to vector<16xf32>
        %mul3A_1192 = arith.mulf %gather3A_1189, %mul3A_1191 : vector<16xf32>
        %scatter3A_1193 = arith.constant 0 : i32
        %scatter3A_1194 = arith.constant 0 : i32
        %scatter3A_1195 = arith.constant 0 : i32
        %scatter3A_1196 = tpu.memref_slice %arg9[%scatter3A_1193, %scatter3A_1194, %scatter3A_1195] : memref<2x64x128xf32, #tpu.memory_space<vmem>> -> memref<1x64x128xf32, #tpu.memory_space<vmem>>
        %scatter3A_1197 = tpu.memref_squeeze %scatter3A_1196 : memref<1x64x128xf32, #tpu.memory_space<vmem>> -> memref<64x128xf32, #tpu.memory_space<vmem>>
        tpu.vector_store_idx %scatter3A_1197[%add3A_1182, %add3A_237], %mul3A_1192 : memref<64x128xf32, #tpu.memory_space<vmem>>[vector<16xi32>, vector<16xi32>], vector<16xf32>,
        %add3A_1198 = arith.constant 8 : i32
        %add3A_1199 = vector.broadcast %add3A_1198 : i32 to vector<16xi32>
        %add3A_1200 = arith.addi %iota3A, %add3A_1199 : vector<16xi32>
        %and3A_1201 = arith.constant 15 : i32
        %and3A_1202 = vector.broadcast %and3A_1201 : i32 to vector<16xi32>
        %and3A_1203 = arith.andi %add3A_1200, %and3A_1202 : vector<16xi32>
        %add3A_1204 = arith.constant 32 : i32
        %add3A_1205 = vector.broadcast %add3A_1204 : i32 to vector<16xi32>
        %add3A_1206 = arith.addi %and3A_1203, %add3A_1205 : vector<16xi32>
        %add3A_1207 = arith.addi %get3A_239, %add3A_1206 : vector<16xi32>
        %gather3A_1208 = arith.constant 0 : i32
        %gather3A_1209 = arith.constant 0 : i32
        %gather3A_1210 = arith.constant 0 : i32
        %gather3A_1211 = tpu.memref_slice %arg8[%gather3A_1208, %gather3A_1209, %gather3A_1210] : memref<2x128x128xf32, #tpu.memory_space<vmem>> -> memref<1x128x128xf32, #tpu.memory_space<vmem>>
        %gather3A_1212 = tpu.memref_squeeze %gather3A_1211 : memref<1x128x128xf32, #tpu.memory_space<vmem>> -> memref<128x128xf32, #tpu.memory_space<vmem>>
        %gather3A_1213 = tpu.vector_load_idx %gather3A_1212[%add3A_237, %add3A_1207] : memref<128x128xf32, #tpu.memory_space<vmem>>[vector<16xi32>, vector<16xi32>], vector<16xf32>,
        %mul3A_1214 = arith.constant 8.000000e+00 : f32
        %mul3A_1215 = vector.broadcast %mul3A_1214 : f32 to vector<16xf32>
        %mul3A_1216 = arith.mulf %gather3A_1213, %mul3A_1215 : vector<16xf32>
        %scatter3A_1217 = arith.constant 0 : i32
        %scatter3A_1218 = arith.constant 0 : i32
        %scatter3A_1219 = arith.constant 0 : i32
        %scatter3A_1220 = tpu.memref_slice %arg9[%scatter3A_1217, %scatter3A_1218, %scatter3A_1219] : memref<2x64x128xf32, #tpu.memory_space<vmem>> -> memref<1x64x128xf32, #tpu.memory_space<vmem>>
        %scatter3A_1221 = tpu.memref_squeeze %scatter3A_1220 : memref<1x64x128xf32, #tpu.memory_space<vmem>> -> memref<64x128xf32, #tpu.memory_space<vmem>>
        tpu.vector_store_idx %scatter3A_1221[%add3A_1206, %add3A_237], %mul3A_1216 : memref<64x128xf32, #tpu.memory_space<vmem>>[vector<16xi32>, vector<16xi32>], vector<16xf32>,
        %add3A_1222 = arith.constant 9 : i32
        %add3A_1223 = vector.broadcast %add3A_1222 : i32 to vector<16xi32>
        %add3A_1224 = arith.addi %iota3A, %add3A_1223 : vector<16xi32>
        %and3A_1225 = arith.constant 15 : i32
        %and3A_1226 = vector.broadcast %and3A_1225 : i32 to vector<16xi32>
        %and3A_1227 = arith.andi %add3A_1224, %and3A_1226 : vector<16xi32>
        %add3A_1228 = arith.constant 32 : i32
        %add3A_1229 = vector.broadcast %add3A_1228 : i32 to vector<16xi32>
        %add3A_1230 = arith.addi %and3A_1227, %add3A_1229 : vector<16xi32>
        %add3A_1231 = arith.addi %get3A_239, %add3A_1230 : vector<16xi32>
        %gather3A_1232 = arith.constant 0 : i32
        %gather3A_1233 = arith.constant 0 : i32
        %gather3A_1234 = arith.constant 0 : i32
        %gather3A_1235 = tpu.memref_slice %arg8[%gather3A_1232, %gather3A_1233, %gather3A_1234] : memref<2x128x128xf32, #tpu.memory_space<vmem>> -> memref<1x128x128xf32, #tpu.memory_space<vmem>>
        %gather3A_1236 = tpu.memref_squeeze %gather3A_1235 : memref<1x128x128xf32, #tpu.memory_space<vmem>> -> memref<128x128xf32, #tpu.memory_space<vmem>>
        %gather3A_1237 = tpu.vector_load_idx %gather3A_1236[%add3A_237, %add3A_1231] : memref<128x128xf32, #tpu.memory_space<vmem>>[vector<16xi32>, vector<16xi32>], vector<16xf32>,
        %mul3A_1238 = arith.constant 8.000000e+00 : f32
        %mul3A_1239 = vector.broadcast %mul3A_1238 : f32 to vector<16xf32>
        %mul3A_1240 = arith.mulf %gather3A_1237, %mul3A_1239 : vector<16xf32>
        %scatter3A_1241 = arith.constant 0 : i32
        %scatter3A_1242 = arith.constant 0 : i32
        %scatter3A_1243 = arith.constant 0 : i32
        %scatter3A_1244 = tpu.memref_slice %arg9[%scatter3A_1241, %scatter3A_1242, %scatter3A_1243] : memref<2x64x128xf32, #tpu.memory_space<vmem>> -> memref<1x64x128xf32, #tpu.memory_space<vmem>>
        %scatter3A_1245 = tpu.memref_squeeze %scatter3A_1244 : memref<1x64x128xf32, #tpu.memory_space<vmem>> -> memref<64x128xf32, #tpu.memory_space<vmem>>
        tpu.vector_store_idx %scatter3A_1245[%add3A_1230, %add3A_237], %mul3A_1240 : memref<64x128xf32, #tpu.memory_space<vmem>>[vector<16xi32>, vector<16xi32>], vector<16xf32>,
        %add3A_1246 = arith.constant 10 : i32
        %add3A_1247 = vector.broadcast %add3A_1246 : i32 to vector<16xi32>
        %add3A_1248 = arith.addi %iota3A, %add3A_1247 : vector<16xi32>
        %and3A_1249 = arith.constant 15 : i32
        %and3A_1250 = vector.broadcast %and3A_1249 : i32 to vector<16xi32>
        %and3A_1251 = arith.andi %add3A_1248, %and3A_1250 : vector<16xi32>
        %add3A_1252 = arith.constant 32 : i32
        %add3A_1253 = vector.broadcast %add3A_1252 : i32 to vector<16xi32>
        %add3A_1254 = arith.addi %and3A_1251, %add3A_1253 : vector<16xi32>
        %add3A_1255 = arith.addi %get3A_239, %add3A_1254 : vector<16xi32>
        %gather3A_1256 = arith.constant 0 : i32
        %gather3A_1257 = arith.constant 0 : i32
        %gather3A_1258 = arith.constant 0 : i32
        %gather3A_1259 = tpu.memref_slice %arg8[%gather3A_1256, %gather3A_1257, %gather3A_1258] : memref<2x128x128xf32, #tpu.memory_space<vmem>> -> memref<1x128x128xf32, #tpu.memory_space<vmem>>
        %gather3A_1260 = tpu.memref_squeeze %gather3A_1259 : memref<1x128x128xf32, #tpu.memory_space<vmem>> -> memref<128x128xf32, #tpu.memory_space<vmem>>
        %gather3A_1261 = tpu.vector_load_idx %gather3A_1260[%add3A_237, %add3A_1255] : memref<128x128xf32, #tpu.memory_space<vmem>>[vector<16xi32>, vector<16xi32>], vector<16xf32>,
        %mul3A_1262 = arith.constant 8.000000e+00 : f32
        %mul3A_1263 = vector.broadcast %mul3A_1262 : f32 to vector<16xf32>
        %mul3A_1264 = arith.mulf %gather3A_1261, %mul3A_1263 : vector<16xf32>
        %scatter3A_1265 = arith.constant 0 : i32
        %scatter3A_1266 = arith.constant 0 : i32
        %scatter3A_1267 = arith.constant 0 : i32
        %scatter3A_1268 = tpu.memref_slice %arg9[%scatter3A_1265, %scatter3A_1266, %scatter3A_1267] : memref<2x64x128xf32, #tpu.memory_space<vmem>> -> memref<1x64x128xf32, #tpu.memory_space<vmem>>
        %scatter3A_1269 = tpu.memref_squeeze %scatter3A_1268 : memref<1x64x128xf32, #tpu.memory_space<vmem>> -> memref<64x128xf32, #tpu.memory_space<vmem>>
        tpu.vector_store_idx %scatter3A_1269[%add3A_1254, %add3A_237], %mul3A_1264 : memref<64x128xf32, #tpu.memory_space<vmem>>[vector<16xi32>, vector<16xi32>], vector<16xf32>,
        %add3A_1270 = arith.constant 11 : i32
        %add3A_1271 = vector.broadcast %add3A_1270 : i32 to vector<16xi32>
        %add3A_1272 = arith.addi %iota3A, %add3A_1271 : vector<16xi32>
        %and3A_1273 = arith.constant 15 : i32
        %and3A_1274 = vector.broadcast %and3A_1273 : i32 to vector<16xi32>
        %and3A_1275 = arith.andi %add3A_1272, %and3A_1274 : vector<16xi32>
        %add3A_1276 = arith.constant 32 : i32
        %add3A_1277 = vector.broadcast %add3A_1276 : i32 to vector<16xi32>
        %add3A_1278 = arith.addi %and3A_1275, %add3A_1277 : vector<16xi32>
        %add3A_1279 = arith.addi %get3A_239, %add3A_1278 : vector<16xi32>
        %gather3A_1280 = arith.constant 0 : i32
        %gather3A_1281 = arith.constant 0 : i32
        %gather3A_1282 = arith.constant 0 : i32
        %gather3A_1283 = tpu.memref_slice %arg8[%gather3A_1280, %gather3A_1281, %gather3A_1282] : memref<2x128x128xf32, #tpu.memory_space<vmem>> -> memref<1x128x128xf32, #tpu.memory_space<vmem>>
        %gather3A_1284 = tpu.memref_squeeze %gather3A_1283 : memref<1x128x128xf32, #tpu.memory_space<vmem>> -> memref<128x128xf32, #tpu.memory_space<vmem>>
        %gather3A_1285 = tpu.vector_load_idx %gather3A_1284[%add3A_237, %add3A_1279] : memref<128x128xf32, #tpu.memory_space<vmem>>[vector<16xi32>, vector<16xi32>], vector<16xf32>,
        %mul3A_1286 = arith.constant 8.000000e+00 : f32
        %mul3A_1287 = vector.broadcast %mul3A_1286 : f32 to vector<16xf32>
        %mul3A_1288 = arith.mulf %gather3A_1285, %mul3A_1287 : vector<16xf32>
        %scatter3A_1289 = arith.constant 0 : i32
        %scatter3A_1290 = arith.constant 0 : i32
        %scatter3A_1291 = arith.constant 0 : i32
        %scatter3A_1292 = tpu.memref_slice %arg9[%scatter3A_1289, %scatter3A_1290, %scatter3A_1291] : memref<2x64x128xf32, #tpu.memory_space<vmem>> -> memref<1x64x128xf32, #tpu.memory_space<vmem>>
        %scatter3A_1293 = tpu.memref_squeeze %scatter3A_1292 : memref<1x64x128xf32, #tpu.memory_space<vmem>> -> memref<64x128xf32, #tpu.memory_space<vmem>>
        tpu.vector_store_idx %scatter3A_1293[%add3A_1278, %add3A_237], %mul3A_1288 : memref<64x128xf32, #tpu.memory_space<vmem>>[vector<16xi32>, vector<16xi32>], vector<16xf32>,
        %add3A_1294 = arith.constant 12 : i32
        %add3A_1295 = vector.broadcast %add3A_1294 : i32 to vector<16xi32>
        %add3A_1296 = arith.addi %iota3A, %add3A_1295 : vector<16xi32>
        %and3A_1297 = arith.constant 15 : i32
        %and3A_1298 = vector.broadcast %and3A_1297 : i32 to vector<16xi32>
        %and3A_1299 = arith.andi %add3A_1296, %and3A_1298 : vector<16xi32>
        %add3A_1300 = arith.constant 32 : i32
        %add3A_1301 = vector.broadcast %add3A_1300 : i32 to vector<16xi32>
        %add3A_1302 = arith.addi %and3A_1299, %add3A_1301 : vector<16xi32>
        %add3A_1303 = arith.addi %get3A_239, %add3A_1302 : vector<16xi32>
        %gather3A_1304 = arith.constant 0 : i32
        %gather3A_1305 = arith.constant 0 : i32
        %gather3A_1306 = arith.constant 0 : i32
        %gather3A_1307 = tpu.memref_slice %arg8[%gather3A_1304, %gather3A_1305, %gather3A_1306] : memref<2x128x128xf32, #tpu.memory_space<vmem>> -> memref<1x128x128xf32, #tpu.memory_space<vmem>>
        %gather3A_1308 = tpu.memref_squeeze %gather3A_1307 : memref<1x128x128xf32, #tpu.memory_space<vmem>> -> memref<128x128xf32, #tpu.memory_space<vmem>>
        %gather3A_1309 = tpu.vector_load_idx %gather3A_1308[%add3A_237, %add3A_1303] : memref<128x128xf32, #tpu.memory_space<vmem>>[vector<16xi32>, vector<16xi32>], vector<16xf32>,
        %mul3A_1310 = arith.constant 8.000000e+00 : f32
        %mul3A_1311 = vector.broadcast %mul3A_1310 : f32 to vector<16xf32>
        %mul3A_1312 = arith.mulf %gather3A_1309, %mul3A_1311 : vector<16xf32>
        %scatter3A_1313 = arith.constant 0 : i32
        %scatter3A_1314 = arith.constant 0 : i32
        %scatter3A_1315 = arith.constant 0 : i32
        %scatter3A_1316 = tpu.memref_slice %arg9[%scatter3A_1313, %scatter3A_1314, %scatter3A_1315] : memref<2x64x128xf32, #tpu.memory_space<vmem>> -> memref<1x64x128xf32, #tpu.memory_space<vmem>>
        %scatter3A_1317 = tpu.memref_squeeze %scatter3A_1316 : memref<1x64x128xf32, #tpu.memory_space<vmem>> -> memref<64x128xf32, #tpu.memory_space<vmem>>
        tpu.vector_store_idx %scatter3A_1317[%add3A_1302, %add3A_237], %mul3A_1312 : memref<64x128xf32, #tpu.memory_space<vmem>>[vector<16xi32>, vector<16xi32>], vector<16xf32>,
        %add3A_1318 = arith.constant 13 : i32
        %add3A_1319 = vector.broadcast %add3A_1318 : i32 to vector<16xi32>
        %add3A_1320 = arith.addi %iota3A, %add3A_1319 : vector<16xi32>
        %and3A_1321 = arith.constant 15 : i32
        %and3A_1322 = vector.broadcast %and3A_1321 : i32 to vector<16xi32>
        %and3A_1323 = arith.andi %add3A_1320, %and3A_1322 : vector<16xi32>
        %add3A_1324 = arith.constant 32 : i32
        %add3A_1325 = vector.broadcast %add3A_1324 : i32 to vector<16xi32>
        %add3A_1326 = arith.addi %and3A_1323, %add3A_1325 : vector<16xi32>
        %add3A_1327 = arith.addi %get3A_239, %add3A_1326 : vector<16xi32>
        %gather3A_1328 = arith.constant 0 : i32
        %gather3A_1329 = arith.constant 0 : i32
        %gather3A_1330 = arith.constant 0 : i32
        %gather3A_1331 = tpu.memref_slice %arg8[%gather3A_1328, %gather3A_1329, %gather3A_1330] : memref<2x128x128xf32, #tpu.memory_space<vmem>> -> memref<1x128x128xf32, #tpu.memory_space<vmem>>
        %gather3A_1332 = tpu.memref_squeeze %gather3A_1331 : memref<1x128x128xf32, #tpu.memory_space<vmem>> -> memref<128x128xf32, #tpu.memory_space<vmem>>
        %gather3A_1333 = tpu.vector_load_idx %gather3A_1332[%add3A_237, %add3A_1327] : memref<128x128xf32, #tpu.memory_space<vmem>>[vector<16xi32>, vector<16xi32>], vector<16xf32>,
        %mul3A_1334 = arith.constant 8.000000e+00 : f32
        %mul3A_1335 = vector.broadcast %mul3A_1334 : f32 to vector<16xf32>
        %mul3A_1336 = arith.mulf %gather3A_1333, %mul3A_1335 : vector<16xf32>
        %scatter3A_1337 = arith.constant 0 : i32
        %scatter3A_1338 = arith.constant 0 : i32
        %scatter3A_1339 = arith.constant 0 : i32
        %scatter3A_1340 = tpu.memref_slice %arg9[%scatter3A_1337, %scatter3A_1338, %scatter3A_1339] : memref<2x64x128xf32, #tpu.memory_space<vmem>> -> memref<1x64x128xf32, #tpu.memory_space<vmem>>
        %scatter3A_1341 = tpu.memref_squeeze %scatter3A_1340 : memref<1x64x128xf32, #tpu.memory_space<vmem>> -> memref<64x128xf32, #tpu.memory_space<vmem>>
        tpu.vector_store_idx %scatter3A_1341[%add3A_1326, %add3A_237], %mul3A_1336 : memref<64x128xf32, #tpu.memory_space<vmem>>[vector<16xi32>, vector<16xi32>], vector<16xf32>,
        %add3A_1342 = arith.constant 14 : i32
        %add3A_1343 = vector.broadcast %add3A_1342 : i32 to vector<16xi32>
        %add3A_1344 = arith.addi %iota3A, %add3A_1343 : vector<16xi32>
        %and3A_1345 = arith.constant 15 : i32
        %and3A_1346 = vector.broadcast %and3A_1345 : i32 to vector<16xi32>
        %and3A_1347 = arith.andi %add3A_1344, %and3A_1346 : vector<16xi32>
        %add3A_1348 = arith.constant 32 : i32
        %add3A_1349 = vector.broadcast %add3A_1348 : i32 to vector<16xi32>
        %add3A_1350 = arith.addi %and3A_1347, %add3A_1349 : vector<16xi32>
        %add3A_1351 = arith.addi %get3A_239, %add3A_1350 : vector<16xi32>
        %gather3A_1352 = arith.constant 0 : i32
        %gather3A_1353 = arith.constant 0 : i32
        %gather3A_1354 = arith.constant 0 : i32
        %gather3A_1355 = tpu.memref_slice %arg8[%gather3A_1352, %gather3A_1353, %gather3A_1354] : memref<2x128x128xf32, #tpu.memory_space<vmem>> -> memref<1x128x128xf32, #tpu.memory_space<vmem>>
        %gather3A_1356 = tpu.memref_squeeze %gather3A_1355 : memref<1x128x128xf32, #tpu.memory_space<vmem>> -> memref<128x128xf32, #tpu.memory_space<vmem>>
        %gather3A_1357 = tpu.vector_load_idx %gather3A_1356[%add3A_237, %add3A_1351] : memref<128x128xf32, #tpu.memory_space<vmem>>[vector<16xi32>, vector<16xi32>], vector<16xf32>,
        %mul3A_1358 = arith.constant 8.000000e+00 : f32
        %mul3A_1359 = vector.broadcast %mul3A_1358 : f32 to vector<16xf32>
        %mul3A_1360 = arith.mulf %gather3A_1357, %mul3A_1359 : vector<16xf32>
        %scatter3A_1361 = arith.constant 0 : i32
        %scatter3A_1362 = arith.constant 0 : i32
        %scatter3A_1363 = arith.constant 0 : i32
        %scatter3A_1364 = tpu.memref_slice %arg9[%scatter3A_1361, %scatter3A_1362, %scatter3A_1363] : memref<2x64x128xf32, #tpu.memory_space<vmem>> -> memref<1x64x128xf32, #tpu.memory_space<vmem>>
        %scatter3A_1365 = tpu.memref_squeeze %scatter3A_1364 : memref<1x64x128xf32, #tpu.memory_space<vmem>> -> memref<64x128xf32, #tpu.memory_space<vmem>>
        tpu.vector_store_idx %scatter3A_1365[%add3A_1350, %add3A_237], %mul3A_1360 : memref<64x128xf32, #tpu.memory_space<vmem>>[vector<16xi32>, vector<16xi32>], vector<16xf32>,
        %add3A_1366 = arith.constant 15 : i32
        %add3A_1367 = vector.broadcast %add3A_1366 : i32 to vector<16xi32>
        %add3A_1368 = arith.addi %iota3A, %add3A_1367 : vector<16xi32>
        %and3A_1369 = arith.constant 15 : i32
        %and3A_1370 = vector.broadcast %and3A_1369 : i32 to vector<16xi32>
        %and3A_1371 = arith.andi %add3A_1368, %and3A_1370 : vector<16xi32>
        %add3A_1372 = arith.constant 32 : i32
        %add3A_1373 = vector.broadcast %add3A_1372 : i32 to vector<16xi32>
        %add3A_1374 = arith.addi %and3A_1371, %add3A_1373 : vector<16xi32>
        %add3A_1375 = arith.addi %get3A_239, %add3A_1374 : vector<16xi32>
        %gather3A_1376 = arith.constant 0 : i32
        %gather3A_1377 = arith.constant 0 : i32
        %gather3A_1378 = arith.constant 0 : i32
        %gather3A_1379 = tpu.memref_slice %arg8[%gather3A_1376, %gather3A_1377, %gather3A_1378] : memref<2x128x128xf32, #tpu.memory_space<vmem>> -> memref<1x128x128xf32, #tpu.memory_space<vmem>>
        %gather3A_1380 = tpu.memref_squeeze %gather3A_1379 : memref<1x128x128xf32, #tpu.memory_space<vmem>> -> memref<128x128xf32, #tpu.memory_space<vmem>>
        %gather3A_1381 = tpu.vector_load_idx %gather3A_1380[%add3A_237, %add3A_1375] : memref<128x128xf32, #tpu.memory_space<vmem>>[vector<16xi32>, vector<16xi32>], vector<16xf32>,
        %mul3A_1382 = arith.constant 8.000000e+00 : f32
        %mul3A_1383 = vector.broadcast %mul3A_1382 : f32 to vector<16xf32>
        %mul3A_1384 = arith.mulf %gather3A_1381, %mul3A_1383 : vector<16xf32>
        %scatter3A_1385 = arith.constant 0 : i32
        %scatter3A_1386 = arith.constant 0 : i32
        %scatter3A_1387 = arith.constant 0 : i32
        %scatter3A_1388 = tpu.memref_slice %arg9[%scatter3A_1385, %scatter3A_1386, %scatter3A_1387] : memref<2x64x128xf32, #tpu.memory_space<vmem>> -> memref<1x64x128xf32, #tpu.memory_space<vmem>>
        %scatter3A_1389 = tpu.memref_squeeze %scatter3A_1388 : memref<1x64x128xf32, #tpu.memory_space<vmem>> -> memref<64x128xf32, #tpu.memory_space<vmem>>
        tpu.vector_store_idx %scatter3A_1389[%add3A_1374, %add3A_237], %mul3A_1384 : memref<64x128xf32, #tpu.memory_space<vmem>>[vector<16xi32>, vector<16xi32>], vector<16xf32>,
        %add3A_1390 = arith.constant 0 : i32
        %add3A_1391 = vector.broadcast %add3A_1390 : i32 to vector<16xi32>
        %add3A_1392 = arith.addi %iota3A, %add3A_1391 : vector<16xi32>
        %and3A_1393 = arith.constant 15 : i32
        %and3A_1394 = vector.broadcast %and3A_1393 : i32 to vector<16xi32>
        %and3A_1395 = arith.andi %add3A_1392, %and3A_1394 : vector<16xi32>
        %add3A_1396 = arith.constant 48 : i32
        %add3A_1397 = vector.broadcast %add3A_1396 : i32 to vector<16xi32>
        %add3A_1398 = arith.addi %and3A_1395, %add3A_1397 : vector<16xi32>
        %add3A_1399 = arith.addi %get3A_239, %add3A_1398 : vector<16xi32>
        %gather3A_1400 = arith.constant 0 : i32
        %gather3A_1401 = arith.constant 0 : i32
        %gather3A_1402 = arith.constant 0 : i32
        %gather3A_1403 = tpu.memref_slice %arg8[%gather3A_1400, %gather3A_1401, %gather3A_1402] : memref<2x128x128xf32, #tpu.memory_space<vmem>> -> memref<1x128x128xf32, #tpu.memory_space<vmem>>
        %gather3A_1404 = tpu.memref_squeeze %gather3A_1403 : memref<1x128x128xf32, #tpu.memory_space<vmem>> -> memref<128x128xf32, #tpu.memory_space<vmem>>
        %gather3A_1405 = tpu.vector_load_idx %gather3A_1404[%add3A_237, %add3A_1399] : memref<128x128xf32, #tpu.memory_space<vmem>>[vector<16xi32>, vector<16xi32>], vector<16xf32>,
        %mul3A_1406 = arith.constant 8.000000e+00 : f32
        %mul3A_1407 = vector.broadcast %mul3A_1406 : f32 to vector<16xf32>
        %mul3A_1408 = arith.mulf %gather3A_1405, %mul3A_1407 : vector<16xf32>
        %scatter3A_1409 = arith.constant 0 : i32
        %scatter3A_1410 = arith.constant 0 : i32
        %scatter3A_1411 = arith.constant 0 : i32
        %scatter3A_1412 = tpu.memref_slice %arg9[%scatter3A_1409, %scatter3A_1410, %scatter3A_1411] : memref<2x64x128xf32, #tpu.memory_space<vmem>> -> memref<1x64x128xf32, #tpu.memory_space<vmem>>
        %scatter3A_1413 = tpu.memref_squeeze %scatter3A_1412 : memref<1x64x128xf32, #tpu.memory_space<vmem>> -> memref<64x128xf32, #tpu.memory_space<vmem>>
        tpu.vector_store_idx %scatter3A_1413[%add3A_1398, %add3A_237], %mul3A_1408 : memref<64x128xf32, #tpu.memory_space<vmem>>[vector<16xi32>, vector<16xi32>], vector<16xf32>,
        %add3A_1414 = arith.constant 1 : i32
        %add3A_1415 = vector.broadcast %add3A_1414 : i32 to vector<16xi32>
        %add3A_1416 = arith.addi %iota3A, %add3A_1415 : vector<16xi32>
        %and3A_1417 = arith.constant 15 : i32
        %and3A_1418 = vector.broadcast %and3A_1417 : i32 to vector<16xi32>
        %and3A_1419 = arith.andi %add3A_1416, %and3A_1418 : vector<16xi32>
        %add3A_1420 = arith.constant 48 : i32
        %add3A_1421 = vector.broadcast %add3A_1420 : i32 to vector<16xi32>
        %add3A_1422 = arith.addi %and3A_1419, %add3A_1421 : vector<16xi32>
        %add3A_1423 = arith.addi %get3A_239, %add3A_1422 : vector<16xi32>
        %gather3A_1424 = arith.constant 0 : i32
        %gather3A_1425 = arith.constant 0 : i32
        %gather3A_1426 = arith.constant 0 : i32
        %gather3A_1427 = tpu.memref_slice %arg8[%gather3A_1424, %gather3A_1425, %gather3A_1426] : memref<2x128x128xf32, #tpu.memory_space<vmem>> -> memref<1x128x128xf32, #tpu.memory_space<vmem>>
        %gather3A_1428 = tpu.memref_squeeze %gather3A_1427 : memref<1x128x128xf32, #tpu.memory_space<vmem>> -> memref<128x128xf32, #tpu.memory_space<vmem>>
        %gather3A_1429 = tpu.vector_load_idx %gather3A_1428[%add3A_237, %add3A_1423] : memref<128x128xf32, #tpu.memory_space<vmem>>[vector<16xi32>, vector<16xi32>], vector<16xf32>,
        %mul3A_1430 = arith.constant 8.000000e+00 : f32
        %mul3A_1431 = vector.broadcast %mul3A_1430 : f32 to vector<16xf32>
        %mul3A_1432 = arith.mulf %gather3A_1429, %mul3A_1431 : vector<16xf32>
        %scatter3A_1433 = arith.constant 0 : i32
        %scatter3A_1434 = arith.constant 0 : i32
        %scatter3A_1435 = arith.constant 0 : i32
        %scatter3A_1436 = tpu.memref_slice %arg9[%scatter3A_1433, %scatter3A_1434, %scatter3A_1435] : memref<2x64x128xf32, #tpu.memory_space<vmem>> -> memref<1x64x128xf32, #tpu.memory_space<vmem>>
        %scatter3A_1437 = tpu.memref_squeeze %scatter3A_1436 : memref<1x64x128xf32, #tpu.memory_space<vmem>> -> memref<64x128xf32, #tpu.memory_space<vmem>>
        tpu.vector_store_idx %scatter3A_1437[%add3A_1422, %add3A_237], %mul3A_1432 : memref<64x128xf32, #tpu.memory_space<vmem>>[vector<16xi32>, vector<16xi32>], vector<16xf32>,
        %add3A_1438 = arith.constant 2 : i32
        %add3A_1439 = vector.broadcast %add3A_1438 : i32 to vector<16xi32>
        %add3A_1440 = arith.addi %iota3A, %add3A_1439 : vector<16xi32>
        %and3A_1441 = arith.constant 15 : i32
        %and3A_1442 = vector.broadcast %and3A_1441 : i32 to vector<16xi32>
        %and3A_1443 = arith.andi %add3A_1440, %and3A_1442 : vector<16xi32>
        %add3A_1444 = arith.constant 48 : i32
        %add3A_1445 = vector.broadcast %add3A_1444 : i32 to vector<16xi32>
        %add3A_1446 = arith.addi %and3A_1443, %add3A_1445 : vector<16xi32>
        %add3A_1447 = arith.addi %get3A_239, %add3A_1446 : vector<16xi32>
        %gather3A_1448 = arith.constant 0 : i32
        %gather3A_1449 = arith.constant 0 : i32
        %gather3A_1450 = arith.constant 0 : i32
        %gather3A_1451 = tpu.memref_slice %arg8[%gather3A_1448, %gather3A_1449, %gather3A_1450] : memref<2x128x128xf32, #tpu.memory_space<vmem>> -> memref<1x128x128xf32, #tpu.memory_space<vmem>>
        %gather3A_1452 = tpu.memref_squeeze %gather3A_1451 : memref<1x128x128xf32, #tpu.memory_space<vmem>> -> memref<128x128xf32, #tpu.memory_space<vmem>>
        %gather3A_1453 = tpu.vector_load_idx %gather3A_1452[%add3A_237, %add3A_1447] : memref<128x128xf32, #tpu.memory_space<vmem>>[vector<16xi32>, vector<16xi32>], vector<16xf32>,
        %mul3A_1454 = arith.constant 8.000000e+00 : f32
        %mul3A_1455 = vector.broadcast %mul3A_1454 : f32 to vector<16xf32>
        %mul3A_1456 = arith.mulf %gather3A_1453, %mul3A_1455 : vector<16xf32>
        %scatter3A_1457 = arith.constant 0 : i32
        %scatter3A_1458 = arith.constant 0 : i32
        %scatter3A_1459 = arith.constant 0 : i32
        %scatter3A_1460 = tpu.memref_slice %arg9[%scatter3A_1457, %scatter3A_1458, %scatter3A_1459] : memref<2x64x128xf32, #tpu.memory_space<vmem>> -> memref<1x64x128xf32, #tpu.memory_space<vmem>>
        %scatter3A_1461 = tpu.memref_squeeze %scatter3A_1460 : memref<1x64x128xf32, #tpu.memory_space<vmem>> -> memref<64x128xf32, #tpu.memory_space<vmem>>
        tpu.vector_store_idx %scatter3A_1461[%add3A_1446, %add3A_237], %mul3A_1456 : memref<64x128xf32, #tpu.memory_space<vmem>>[vector<16xi32>, vector<16xi32>], vector<16xf32>,
        %add3A_1462 = arith.constant 3 : i32
        %add3A_1463 = vector.broadcast %add3A_1462 : i32 to vector<16xi32>
        %add3A_1464 = arith.addi %iota3A, %add3A_1463 : vector<16xi32>
        %and3A_1465 = arith.constant 15 : i32
        %and3A_1466 = vector.broadcast %and3A_1465 : i32 to vector<16xi32>
        %and3A_1467 = arith.andi %add3A_1464, %and3A_1466 : vector<16xi32>
        %add3A_1468 = arith.constant 48 : i32
        %add3A_1469 = vector.broadcast %add3A_1468 : i32 to vector<16xi32>
        %add3A_1470 = arith.addi %and3A_1467, %add3A_1469 : vector<16xi32>
        %add3A_1471 = arith.addi %get3A_239, %add3A_1470 : vector<16xi32>
        %gather3A_1472 = arith.constant 0 : i32
        %gather3A_1473 = arith.constant 0 : i32
        %gather3A_1474 = arith.constant 0 : i32
        %gather3A_1475 = tpu.memref_slice %arg8[%gather3A_1472, %gather3A_1473, %gather3A_1474] : memref<2x128x128xf32, #tpu.memory_space<vmem>> -> memref<1x128x128xf32, #tpu.memory_space<vmem>>
        %gather3A_1476 = tpu.memref_squeeze %gather3A_1475 : memref<1x128x128xf32, #tpu.memory_space<vmem>> -> memref<128x128xf32, #tpu.memory_space<vmem>>
        %gather3A_1477 = tpu.vector_load_idx %gather3A_1476[%add3A_237, %add3A_1471] : memref<128x128xf32, #tpu.memory_space<vmem>>[vector<16xi32>, vector<16xi32>], vector<16xf32>,
        %mul3A_1478 = arith.constant 8.000000e+00 : f32
        %mul3A_1479 = vector.broadcast %mul3A_1478 : f32 to vector<16xf32>
        %mul3A_1480 = arith.mulf %gather3A_1477, %mul3A_1479 : vector<16xf32>
        %scatter3A_1481 = arith.constant 0 : i32
        %scatter3A_1482 = arith.constant 0 : i32
        %scatter3A_1483 = arith.constant 0 : i32
        %scatter3A_1484 = tpu.memref_slice %arg9[%scatter3A_1481, %scatter3A_1482, %scatter3A_1483] : memref<2x64x128xf32, #tpu.memory_space<vmem>> -> memref<1x64x128xf32, #tpu.memory_space<vmem>>
        %scatter3A_1485 = tpu.memref_squeeze %scatter3A_1484 : memref<1x64x128xf32, #tpu.memory_space<vmem>> -> memref<64x128xf32, #tpu.memory_space<vmem>>
        tpu.vector_store_idx %scatter3A_1485[%add3A_1470, %add3A_237], %mul3A_1480 : memref<64x128xf32, #tpu.memory_space<vmem>>[vector<16xi32>, vector<16xi32>], vector<16xf32>,
        %add3A_1486 = arith.constant 4 : i32
        %add3A_1487 = vector.broadcast %add3A_1486 : i32 to vector<16xi32>
        %add3A_1488 = arith.addi %iota3A, %add3A_1487 : vector<16xi32>
        %and3A_1489 = arith.constant 15 : i32
        %and3A_1490 = vector.broadcast %and3A_1489 : i32 to vector<16xi32>
        %and3A_1491 = arith.andi %add3A_1488, %and3A_1490 : vector<16xi32>
        %add3A_1492 = arith.constant 48 : i32
        %add3A_1493 = vector.broadcast %add3A_1492 : i32 to vector<16xi32>
        %add3A_1494 = arith.addi %and3A_1491, %add3A_1493 : vector<16xi32>
        %add3A_1495 = arith.addi %get3A_239, %add3A_1494 : vector<16xi32>
        %gather3A_1496 = arith.constant 0 : i32
        %gather3A_1497 = arith.constant 0 : i32
        %gather3A_1498 = arith.constant 0 : i32
        %gather3A_1499 = tpu.memref_slice %arg8[%gather3A_1496, %gather3A_1497, %gather3A_1498] : memref<2x128x128xf32, #tpu.memory_space<vmem>> -> memref<1x128x128xf32, #tpu.memory_space<vmem>>
        %gather3A_1500 = tpu.memref_squeeze %gather3A_1499 : memref<1x128x128xf32, #tpu.memory_space<vmem>> -> memref<128x128xf32, #tpu.memory_space<vmem>>
        %gather3A_1501 = tpu.vector_load_idx %gather3A_1500[%add3A_237, %add3A_1495] : memref<128x128xf32, #tpu.memory_space<vmem>>[vector<16xi32>, vector<16xi32>], vector<16xf32>,
        %mul3A_1502 = arith.constant 8.000000e+00 : f32
        %mul3A_1503 = vector.broadcast %mul3A_1502 : f32 to vector<16xf32>
        %mul3A_1504 = arith.mulf %gather3A_1501, %mul3A_1503 : vector<16xf32>
        %scatter3A_1505 = arith.constant 0 : i32
        %scatter3A_1506 = arith.constant 0 : i32
        %scatter3A_1507 = arith.constant 0 : i32
        %scatter3A_1508 = tpu.memref_slice %arg9[%scatter3A_1505, %scatter3A_1506, %scatter3A_1507] : memref<2x64x128xf32, #tpu.memory_space<vmem>> -> memref<1x64x128xf32, #tpu.memory_space<vmem>>
        %scatter3A_1509 = tpu.memref_squeeze %scatter3A_1508 : memref<1x64x128xf32, #tpu.memory_space<vmem>> -> memref<64x128xf32, #tpu.memory_space<vmem>>
        tpu.vector_store_idx %scatter3A_1509[%add3A_1494, %add3A_237], %mul3A_1504 : memref<64x128xf32, #tpu.memory_space<vmem>>[vector<16xi32>, vector<16xi32>], vector<16xf32>,
        %add3A_1510 = arith.constant 5 : i32
        %add3A_1511 = vector.broadcast %add3A_1510 : i32 to vector<16xi32>
        %add3A_1512 = arith.addi %iota3A, %add3A_1511 : vector<16xi32>
        %and3A_1513 = arith.constant 15 : i32
        %and3A_1514 = vector.broadcast %and3A_1513 : i32 to vector<16xi32>
        %and3A_1515 = arith.andi %add3A_1512, %and3A_1514 : vector<16xi32>
        %add3A_1516 = arith.constant 48 : i32
        %add3A_1517 = vector.broadcast %add3A_1516 : i32 to vector<16xi32>
        %add3A_1518 = arith.addi %and3A_1515, %add3A_1517 : vector<16xi32>
        %add3A_1519 = arith.addi %get3A_239, %add3A_1518 : vector<16xi32>
        %gather3A_1520 = arith.constant 0 : i32
        %gather3A_1521 = arith.constant 0 : i32
        %gather3A_1522 = arith.constant 0 : i32
        %gather3A_1523 = tpu.memref_slice %arg8[%gather3A_1520, %gather3A_1521, %gather3A_1522] : memref<2x128x128xf32, #tpu.memory_space<vmem>> -> memref<1x128x128xf32, #tpu.memory_space<vmem>>
        %gather3A_1524 = tpu.memref_squeeze %gather3A_1523 : memref<1x128x128xf32, #tpu.memory_space<vmem>> -> memref<128x128xf32, #tpu.memory_space<vmem>>
        %gather3A_1525 = tpu.vector_load_idx %gather3A_1524[%add3A_237, %add3A_1519] : memref<128x128xf32, #tpu.memory_space<vmem>>[vector<16xi32>, vector<16xi32>], vector<16xf32>,
        %mul3A_1526 = arith.constant 8.000000e+00 : f32
        %mul3A_1527 = vector.broadcast %mul3A_1526 : f32 to vector<16xf32>
        %mul3A_1528 = arith.mulf %gather3A_1525, %mul3A_1527 : vector<16xf32>
        %scatter3A_1529 = arith.constant 0 : i32
        %scatter3A_1530 = arith.constant 0 : i32
        %scatter3A_1531 = arith.constant 0 : i32
        %scatter3A_1532 = tpu.memref_slice %arg9[%scatter3A_1529, %scatter3A_1530, %scatter3A_1531] : memref<2x64x128xf32, #tpu.memory_space<vmem>> -> memref<1x64x128xf32, #tpu.memory_space<vmem>>
        %scatter3A_1533 = tpu.memref_squeeze %scatter3A_1532 : memref<1x64x128xf32, #tpu.memory_space<vmem>> -> memref<64x128xf32, #tpu.memory_space<vmem>>
        tpu.vector_store_idx %scatter3A_1533[%add3A_1518, %add3A_237], %mul3A_1528 : memref<64x128xf32, #tpu.memory_space<vmem>>[vector<16xi32>, vector<16xi32>], vector<16xf32>,
        %add3A_1534 = arith.constant 6 : i32
        %add3A_1535 = vector.broadcast %add3A_1534 : i32 to vector<16xi32>
        %add3A_1536 = arith.addi %iota3A, %add3A_1535 : vector<16xi32>
        %and3A_1537 = arith.constant 15 : i32
        %and3A_1538 = vector.broadcast %and3A_1537 : i32 to vector<16xi32>
        %and3A_1539 = arith.andi %add3A_1536, %and3A_1538 : vector<16xi32>
        %add3A_1540 = arith.constant 48 : i32
        %add3A_1541 = vector.broadcast %add3A_1540 : i32 to vector<16xi32>
        %add3A_1542 = arith.addi %and3A_1539, %add3A_1541 : vector<16xi32>
        %add3A_1543 = arith.addi %get3A_239, %add3A_1542 : vector<16xi32>
        %gather3A_1544 = arith.constant 0 : i32
        %gather3A_1545 = arith.constant 0 : i32
        %gather3A_1546 = arith.constant 0 : i32
        %gather3A_1547 = tpu.memref_slice %arg8[%gather3A_1544, %gather3A_1545, %gather3A_1546] : memref<2x128x128xf32, #tpu.memory_space<vmem>> -> memref<1x128x128xf32, #tpu.memory_space<vmem>>
        %gather3A_1548 = tpu.memref_squeeze %gather3A_1547 : memref<1x128x128xf32, #tpu.memory_space<vmem>> -> memref<128x128xf32, #tpu.memory_space<vmem>>
        %gather3A_1549 = tpu.vector_load_idx %gather3A_1548[%add3A_237, %add3A_1543] : memref<128x128xf32, #tpu.memory_space<vmem>>[vector<16xi32>, vector<16xi32>], vector<16xf32>,
        %mul3A_1550 = arith.constant 8.000000e+00 : f32
        %mul3A_1551 = vector.broadcast %mul3A_1550 : f32 to vector<16xf32>
        %mul3A_1552 = arith.mulf %gather3A_1549, %mul3A_1551 : vector<16xf32>
        %scatter3A_1553 = arith.constant 0 : i32
        %scatter3A_1554 = arith.constant 0 : i32
        %scatter3A_1555 = arith.constant 0 : i32
        %scatter3A_1556 = tpu.memref_slice %arg9[%scatter3A_1553, %scatter3A_1554, %scatter3A_1555] : memref<2x64x128xf32, #tpu.memory_space<vmem>> -> memref<1x64x128xf32, #tpu.memory_space<vmem>>
        %scatter3A_1557 = tpu.memref_squeeze %scatter3A_1556 : memref<1x64x128xf32, #tpu.memory_space<vmem>> -> memref<64x128xf32, #tpu.memory_space<vmem>>
        tpu.vector_store_idx %scatter3A_1557[%add3A_1542, %add3A_237], %mul3A_1552 : memref<64x128xf32, #tpu.memory_space<vmem>>[vector<16xi32>, vector<16xi32>], vector<16xf32>,
        %add3A_1558 = arith.constant 7 : i32
        %add3A_1559 = vector.broadcast %add3A_1558 : i32 to vector<16xi32>
        %add3A_1560 = arith.addi %iota3A, %add3A_1559 : vector<16xi32>
        %and3A_1561 = arith.constant 15 : i32
        %and3A_1562 = vector.broadcast %and3A_1561 : i32 to vector<16xi32>
        %and3A_1563 = arith.andi %add3A_1560, %and3A_1562 : vector<16xi32>
        %add3A_1564 = arith.constant 48 : i32
        %add3A_1565 = vector.broadcast %add3A_1564 : i32 to vector<16xi32>
        %add3A_1566 = arith.addi %and3A_1563, %add3A_1565 : vector<16xi32>
        %add3A_1567 = arith.addi %get3A_239, %add3A_1566 : vector<16xi32>
        %gather3A_1568 = arith.constant 0 : i32
        %gather3A_1569 = arith.constant 0 : i32
        %gather3A_1570 = arith.constant 0 : i32
        %gather3A_1571 = tpu.memref_slice %arg8[%gather3A_1568, %gather3A_1569, %gather3A_1570] : memref<2x128x128xf32, #tpu.memory_space<vmem>> -> memref<1x128x128xf32, #tpu.memory_space<vmem>>
        %gather3A_1572 = tpu.memref_squeeze %gather3A_1571 : memref<1x128x128xf32, #tpu.memory_space<vmem>> -> memref<128x128xf32, #tpu.memory_space<vmem>>
        %gather3A_1573 = tpu.vector_load_idx %gather3A_1572[%add3A_237, %add3A_1567] : memref<128x128xf32, #tpu.memory_space<vmem>>[vector<16xi32>, vector<16xi32>], vector<16xf32>,
        %mul3A_1574 = arith.constant 8.000000e+00 : f32
        %mul3A_1575 = vector.broadcast %mul3A_1574 : f32 to vector<16xf32>
        %mul3A_1576 = arith.mulf %gather3A_1573, %mul3A_1575 : vector<16xf32>
        %scatter3A_1577 = arith.constant 0 : i32
        %scatter3A_1578 = arith.constant 0 : i32
        %scatter3A_1579 = arith.constant 0 : i32
        %scatter3A_1580 = tpu.memref_slice %arg9[%scatter3A_1577, %scatter3A_1578, %scatter3A_1579] : memref<2x64x128xf32, #tpu.memory_space<vmem>> -> memref<1x64x128xf32, #tpu.memory_space<vmem>>
        %scatter3A_1581 = tpu.memref_squeeze %scatter3A_1580 : memref<1x64x128xf32, #tpu.memory_space<vmem>> -> memref<64x128xf32, #tpu.memory_space<vmem>>
        tpu.vector_store_idx %scatter3A_1581[%add3A_1566, %add3A_237], %mul3A_1576 : memref<64x128xf32, #tpu.memory_space<vmem>>[vector<16xi32>, vector<16xi32>], vector<16xf32>,
        %add3A_1582 = arith.constant 8 : i32
        %add3A_1583 = vector.broadcast %add3A_1582 : i32 to vector<16xi32>
        %add3A_1584 = arith.addi %iota3A, %add3A_1583 : vector<16xi32>
        %and3A_1585 = arith.constant 15 : i32
        %and3A_1586 = vector.broadcast %and3A_1585 : i32 to vector<16xi32>
        %and3A_1587 = arith.andi %add3A_1584, %and3A_1586 : vector<16xi32>
        %add3A_1588 = arith.constant 48 : i32
        %add3A_1589 = vector.broadcast %add3A_1588 : i32 to vector<16xi32>
        %add3A_1590 = arith.addi %and3A_1587, %add3A_1589 : vector<16xi32>
        %add3A_1591 = arith.addi %get3A_239, %add3A_1590 : vector<16xi32>
        %gather3A_1592 = arith.constant 0 : i32
        %gather3A_1593 = arith.constant 0 : i32
        %gather3A_1594 = arith.constant 0 : i32
        %gather3A_1595 = tpu.memref_slice %arg8[%gather3A_1592, %gather3A_1593, %gather3A_1594] : memref<2x128x128xf32, #tpu.memory_space<vmem>> -> memref<1x128x128xf32, #tpu.memory_space<vmem>>
        %gather3A_1596 = tpu.memref_squeeze %gather3A_1595 : memref<1x128x128xf32, #tpu.memory_space<vmem>> -> memref<128x128xf32, #tpu.memory_space<vmem>>
        %gather3A_1597 = tpu.vector_load_idx %gather3A_1596[%add3A_237, %add3A_1591] : memref<128x128xf32, #tpu.memory_space<vmem>>[vector<16xi32>, vector<16xi32>], vector<16xf32>,
        %mul3A_1598 = arith.constant 8.000000e+00 : f32
        %mul3A_1599 = vector.broadcast %mul3A_1598 : f32 to vector<16xf32>
        %mul3A_1600 = arith.mulf %gather3A_1597, %mul3A_1599 : vector<16xf32>
        %scatter3A_1601 = arith.constant 0 : i32
        %scatter3A_1602 = arith.constant 0 : i32
        %scatter3A_1603 = arith.constant 0 : i32
        %scatter3A_1604 = tpu.memref_slice %arg9[%scatter3A_1601, %scatter3A_1602, %scatter3A_1603] : memref<2x64x128xf32, #tpu.memory_space<vmem>> -> memref<1x64x128xf32, #tpu.memory_space<vmem>>
        %scatter3A_1605 = tpu.memref_squeeze %scatter3A_1604 : memref<1x64x128xf32, #tpu.memory_space<vmem>> -> memref<64x128xf32, #tpu.memory_space<vmem>>
        tpu.vector_store_idx %scatter3A_1605[%add3A_1590, %add3A_237], %mul3A_1600 : memref<64x128xf32, #tpu.memory_space<vmem>>[vector<16xi32>, vector<16xi32>], vector<16xf32>,
        %add3A_1606 = arith.constant 9 : i32
        %add3A_1607 = vector.broadcast %add3A_1606 : i32 to vector<16xi32>
        %add3A_1608 = arith.addi %iota3A, %add3A_1607 : vector<16xi32>
        %and3A_1609 = arith.constant 15 : i32
        %and3A_1610 = vector.broadcast %and3A_1609 : i32 to vector<16xi32>
        %and3A_1611 = arith.andi %add3A_1608, %and3A_1610 : vector<16xi32>
        %add3A_1612 = arith.constant 48 : i32
        %add3A_1613 = vector.broadcast %add3A_1612 : i32 to vector<16xi32>
        %add3A_1614 = arith.addi %and3A_1611, %add3A_1613 : vector<16xi32>
        %add3A_1615 = arith.addi %get3A_239, %add3A_1614 : vector<16xi32>
        %gather3A_1616 = arith.constant 0 : i32
        %gather3A_1617 = arith.constant 0 : i32
        %gather3A_1618 = arith.constant 0 : i32
        %gather3A_1619 = tpu.memref_slice %arg8[%gather3A_1616, %gather3A_1617, %gather3A_1618] : memref<2x128x128xf32, #tpu.memory_space<vmem>> -> memref<1x128x128xf32, #tpu.memory_space<vmem>>
        %gather3A_1620 = tpu.memref_squeeze %gather3A_1619 : memref<1x128x128xf32, #tpu.memory_space<vmem>> -> memref<128x128xf32, #tpu.memory_space<vmem>>
        %gather3A_1621 = tpu.vector_load_idx %gather3A_1620[%add3A_237, %add3A_1615] : memref<128x128xf32, #tpu.memory_space<vmem>>[vector<16xi32>, vector<16xi32>], vector<16xf32>,
        %mul3A_1622 = arith.constant 8.000000e+00 : f32
        %mul3A_1623 = vector.broadcast %mul3A_1622 : f32 to vector<16xf32>
        %mul3A_1624 = arith.mulf %gather3A_1621, %mul3A_1623 : vector<16xf32>
        %scatter3A_1625 = arith.constant 0 : i32
        %scatter3A_1626 = arith.constant 0 : i32
        %scatter3A_1627 = arith.constant 0 : i32
        %scatter3A_1628 = tpu.memref_slice %arg9[%scatter3A_1625, %scatter3A_1626, %scatter3A_1627] : memref<2x64x128xf32, #tpu.memory_space<vmem>> -> memref<1x64x128xf32, #tpu.memory_space<vmem>>
        %scatter3A_1629 = tpu.memref_squeeze %scatter3A_1628 : memref<1x64x128xf32, #tpu.memory_space<vmem>> -> memref<64x128xf32, #tpu.memory_space<vmem>>
        tpu.vector_store_idx %scatter3A_1629[%add3A_1614, %add3A_237], %mul3A_1624 : memref<64x128xf32, #tpu.memory_space<vmem>>[vector<16xi32>, vector<16xi32>], vector<16xf32>,
        %add3A_1630 = arith.constant 10 : i32
        %add3A_1631 = vector.broadcast %add3A_1630 : i32 to vector<16xi32>
        %add3A_1632 = arith.addi %iota3A, %add3A_1631 : vector<16xi32>
        %and3A_1633 = arith.constant 15 : i32
        %and3A_1634 = vector.broadcast %and3A_1633 : i32 to vector<16xi32>
        %and3A_1635 = arith.andi %add3A_1632, %and3A_1634 : vector<16xi32>
        %add3A_1636 = arith.constant 48 : i32
        %add3A_1637 = vector.broadcast %add3A_1636 : i32 to vector<16xi32>
        %add3A_1638 = arith.addi %and3A_1635, %add3A_1637 : vector<16xi32>
        %add3A_1639 = arith.addi %get3A_239, %add3A_1638 : vector<16xi32>
        %gather3A_1640 = arith.constant 0 : i32
        %gather3A_1641 = arith.constant 0 : i32
        %gather3A_1642 = arith.constant 0 : i32
        %gather3A_1643 = tpu.memref_slice %arg8[%gather3A_1640, %gather3A_1641, %gather3A_1642] : memref<2x128x128xf32, #tpu.memory_space<vmem>> -> memref<1x128x128xf32, #tpu.memory_space<vmem>>
        %gather3A_1644 = tpu.memref_squeeze %gather3A_1643 : memref<1x128x128xf32, #tpu.memory_space<vmem>> -> memref<128x128xf32, #tpu.memory_space<vmem>>
        %gather3A_1645 = tpu.vector_load_idx %gather3A_1644[%add3A_237, %add3A_1639] : memref<128x128xf32, #tpu.memory_space<vmem>>[vector<16xi32>, vector<16xi32>], vector<16xf32>,
        %mul3A_1646 = arith.constant 8.000000e+00 : f32
        %mul3A_1647 = vector.broadcast %mul3A_1646 : f32 to vector<16xf32>
        %mul3A_1648 = arith.mulf %gather3A_1645, %mul3A_1647 : vector<16xf32>
        %scatter3A_1649 = arith.constant 0 : i32
        %scatter3A_1650 = arith.constant 0 : i32
        %scatter3A_1651 = arith.constant 0 : i32
        %scatter3A_1652 = tpu.memref_slice %arg9[%scatter3A_1649, %scatter3A_1650, %scatter3A_1651] : memref<2x64x128xf32, #tpu.memory_space<vmem>> -> memref<1x64x128xf32, #tpu.memory_space<vmem>>
        %scatter3A_1653 = tpu.memref_squeeze %scatter3A_1652 : memref<1x64x128xf32, #tpu.memory_space<vmem>> -> memref<64x128xf32, #tpu.memory_space<vmem>>
        tpu.vector_store_idx %scatter3A_1653[%add3A_1638, %add3A_237], %mul3A_1648 : memref<64x128xf32, #tpu.memory_space<vmem>>[vector<16xi32>, vector<16xi32>], vector<16xf32>,
        %add3A_1654 = arith.constant 11 : i32
        %add3A_1655 = vector.broadcast %add3A_1654 : i32 to vector<16xi32>
        %add3A_1656 = arith.addi %iota3A, %add3A_1655 : vector<16xi32>
        %and3A_1657 = arith.constant 15 : i32
        %and3A_1658 = vector.broadcast %and3A_1657 : i32 to vector<16xi32>
        %and3A_1659 = arith.andi %add3A_1656, %and3A_1658 : vector<16xi32>
        %add3A_1660 = arith.constant 48 : i32
        %add3A_1661 = vector.broadcast %add3A_1660 : i32 to vector<16xi32>
        %add3A_1662 = arith.addi %and3A_1659, %add3A_1661 : vector<16xi32>
        %add3A_1663 = arith.addi %get3A_239, %add3A_1662 : vector<16xi32>
        %gather3A_1664 = arith.constant 0 : i32
        %gather3A_1665 = arith.constant 0 : i32
        %gather3A_1666 = arith.constant 0 : i32
        %gather3A_1667 = tpu.memref_slice %arg8[%gather3A_1664, %gather3A_1665, %gather3A_1666] : memref<2x128x128xf32, #tpu.memory_space<vmem>> -> memref<1x128x128xf32, #tpu.memory_space<vmem>>
        %gather3A_1668 = tpu.memref_squeeze %gather3A_1667 : memref<1x128x128xf32, #tpu.memory_space<vmem>> -> memref<128x128xf32, #tpu.memory_space<vmem>>
        %gather3A_1669 = tpu.vector_load_idx %gather3A_1668[%add3A_237, %add3A_1663] : memref<128x128xf32, #tpu.memory_space<vmem>>[vector<16xi32>, vector<16xi32>], vector<16xf32>,
        %mul3A_1670 = arith.constant 8.000000e+00 : f32
        %mul3A_1671 = vector.broadcast %mul3A_1670 : f32 to vector<16xf32>
        %mul3A_1672 = arith.mulf %gather3A_1669, %mul3A_1671 : vector<16xf32>
        %scatter3A_1673 = arith.constant 0 : i32
        %scatter3A_1674 = arith.constant 0 : i32
        %scatter3A_1675 = arith.constant 0 : i32
        %scatter3A_1676 = tpu.memref_slice %arg9[%scatter3A_1673, %scatter3A_1674, %scatter3A_1675] : memref<2x64x128xf32, #tpu.memory_space<vmem>> -> memref<1x64x128xf32, #tpu.memory_space<vmem>>
        %scatter3A_1677 = tpu.memref_squeeze %scatter3A_1676 : memref<1x64x128xf32, #tpu.memory_space<vmem>> -> memref<64x128xf32, #tpu.memory_space<vmem>>
        tpu.vector_store_idx %scatter3A_1677[%add3A_1662, %add3A_237], %mul3A_1672 : memref<64x128xf32, #tpu.memory_space<vmem>>[vector<16xi32>, vector<16xi32>], vector<16xf32>,
        %add3A_1678 = arith.constant 12 : i32
        %add3A_1679 = vector.broadcast %add3A_1678 : i32 to vector<16xi32>
        %add3A_1680 = arith.addi %iota3A, %add3A_1679 : vector<16xi32>
        %and3A_1681 = arith.constant 15 : i32
        %and3A_1682 = vector.broadcast %and3A_1681 : i32 to vector<16xi32>
        %and3A_1683 = arith.andi %add3A_1680, %and3A_1682 : vector<16xi32>
        %add3A_1684 = arith.constant 48 : i32
        %add3A_1685 = vector.broadcast %add3A_1684 : i32 to vector<16xi32>
        %add3A_1686 = arith.addi %and3A_1683, %add3A_1685 : vector<16xi32>
        %add3A_1687 = arith.addi %get3A_239, %add3A_1686 : vector<16xi32>
        %gather3A_1688 = arith.constant 0 : i32
        %gather3A_1689 = arith.constant 0 : i32
        %gather3A_1690 = arith.constant 0 : i32
        %gather3A_1691 = tpu.memref_slice %arg8[%gather3A_1688, %gather3A_1689, %gather3A_1690] : memref<2x128x128xf32, #tpu.memory_space<vmem>> -> memref<1x128x128xf32, #tpu.memory_space<vmem>>
        %gather3A_1692 = tpu.memref_squeeze %gather3A_1691 : memref<1x128x128xf32, #tpu.memory_space<vmem>> -> memref<128x128xf32, #tpu.memory_space<vmem>>
        %gather3A_1693 = tpu.vector_load_idx %gather3A_1692[%add3A_237, %add3A_1687] : memref<128x128xf32, #tpu.memory_space<vmem>>[vector<16xi32>, vector<16xi32>], vector<16xf32>,
        %mul3A_1694 = arith.constant 8.000000e+00 : f32
        %mul3A_1695 = vector.broadcast %mul3A_1694 : f32 to vector<16xf32>
        %mul3A_1696 = arith.mulf %gather3A_1693, %mul3A_1695 : vector<16xf32>
        %scatter3A_1697 = arith.constant 0 : i32
        %scatter3A_1698 = arith.constant 0 : i32
        %scatter3A_1699 = arith.constant 0 : i32
        %scatter3A_1700 = tpu.memref_slice %arg9[%scatter3A_1697, %scatter3A_1698, %scatter3A_1699] : memref<2x64x128xf32, #tpu.memory_space<vmem>> -> memref<1x64x128xf32, #tpu.memory_space<vmem>>
        %scatter3A_1701 = tpu.memref_squeeze %scatter3A_1700 : memref<1x64x128xf32, #tpu.memory_space<vmem>> -> memref<64x128xf32, #tpu.memory_space<vmem>>
        tpu.vector_store_idx %scatter3A_1701[%add3A_1686, %add3A_237], %mul3A_1696 : memref<64x128xf32, #tpu.memory_space<vmem>>[vector<16xi32>, vector<16xi32>], vector<16xf32>,
        %add3A_1702 = arith.constant 13 : i32
        %add3A_1703 = vector.broadcast %add3A_1702 : i32 to vector<16xi32>
        %add3A_1704 = arith.addi %iota3A, %add3A_1703 : vector<16xi32>
        %and3A_1705 = arith.constant 15 : i32
        %and3A_1706 = vector.broadcast %and3A_1705 : i32 to vector<16xi32>
        %and3A_1707 = arith.andi %add3A_1704, %and3A_1706 : vector<16xi32>
        %add3A_1708 = arith.constant 48 : i32
        %add3A_1709 = vector.broadcast %add3A_1708 : i32 to vector<16xi32>
        %add3A_1710 = arith.addi %and3A_1707, %add3A_1709 : vector<16xi32>
        %add3A_1711 = arith.addi %get3A_239, %add3A_1710 : vector<16xi32>
        %gather3A_1712 = arith.constant 0 : i32
        %gather3A_1713 = arith.constant 0 : i32
        %gather3A_1714 = arith.constant 0 : i32
        %gather3A_1715 = tpu.memref_slice %arg8[%gather3A_1712, %gather3A_1713, %gather3A_1714] : memref<2x128x128xf32, #tpu.memory_space<vmem>> -> memref<1x128x128xf32, #tpu.memory_space<vmem>>
        %gather3A_1716 = tpu.memref_squeeze %gather3A_1715 : memref<1x128x128xf32, #tpu.memory_space<vmem>> -> memref<128x128xf32, #tpu.memory_space<vmem>>
        %gather3A_1717 = tpu.vector_load_idx %gather3A_1716[%add3A_237, %add3A_1711] : memref<128x128xf32, #tpu.memory_space<vmem>>[vector<16xi32>, vector<16xi32>], vector<16xf32>,
        %mul3A_1718 = arith.constant 8.000000e+00 : f32
        %mul3A_1719 = vector.broadcast %mul3A_1718 : f32 to vector<16xf32>
        %mul3A_1720 = arith.mulf %gather3A_1717, %mul3A_1719 : vector<16xf32>
        %scatter3A_1721 = arith.constant 0 : i32
        %scatter3A_1722 = arith.constant 0 : i32
        %scatter3A_1723 = arith.constant 0 : i32
        %scatter3A_1724 = tpu.memref_slice %arg9[%scatter3A_1721, %scatter3A_1722, %scatter3A_1723] : memref<2x64x128xf32, #tpu.memory_space<vmem>> -> memref<1x64x128xf32, #tpu.memory_space<vmem>>
        %scatter3A_1725 = tpu.memref_squeeze %scatter3A_1724 : memref<1x64x128xf32, #tpu.memory_space<vmem>> -> memref<64x128xf32, #tpu.memory_space<vmem>>
        tpu.vector_store_idx %scatter3A_1725[%add3A_1710, %add3A_237], %mul3A_1720 : memref<64x128xf32, #tpu.memory_space<vmem>>[vector<16xi32>, vector<16xi32>], vector<16xf32>,
        %add3A_1726 = arith.constant 14 : i32
        %add3A_1727 = vector.broadcast %add3A_1726 : i32 to vector<16xi32>
        %add3A_1728 = arith.addi %iota3A, %add3A_1727 : vector<16xi32>
        %and3A_1729 = arith.constant 15 : i32
        %and3A_1730 = vector.broadcast %and3A_1729 : i32 to vector<16xi32>
        %and3A_1731 = arith.andi %add3A_1728, %and3A_1730 : vector<16xi32>
        %add3A_1732 = arith.constant 48 : i32
        %add3A_1733 = vector.broadcast %add3A_1732 : i32 to vector<16xi32>
        %add3A_1734 = arith.addi %and3A_1731, %add3A_1733 : vector<16xi32>
        %add3A_1735 = arith.addi %get3A_239, %add3A_1734 : vector<16xi32>
        %gather3A_1736 = arith.constant 0 : i32
        %gather3A_1737 = arith.constant 0 : i32
        %gather3A_1738 = arith.constant 0 : i32
        %gather3A_1739 = tpu.memref_slice %arg8[%gather3A_1736, %gather3A_1737, %gather3A_1738] : memref<2x128x128xf32, #tpu.memory_space<vmem>> -> memref<1x128x128xf32, #tpu.memory_space<vmem>>
        %gather3A_1740 = tpu.memref_squeeze %gather3A_1739 : memref<1x128x128xf32, #tpu.memory_space<vmem>> -> memref<128x128xf32, #tpu.memory_space<vmem>>
        %gather3A_1741 = tpu.vector_load_idx %gather3A_1740[%add3A_237, %add3A_1735] : memref<128x128xf32, #tpu.memory_space<vmem>>[vector<16xi32>, vector<16xi32>], vector<16xf32>,
        %mul3A_1742 = arith.constant 8.000000e+00 : f32
        %mul3A_1743 = vector.broadcast %mul3A_1742 : f32 to vector<16xf32>
        %mul3A_1744 = arith.mulf %gather3A_1741, %mul3A_1743 : vector<16xf32>
        %scatter3A_1745 = arith.constant 0 : i32
        %scatter3A_1746 = arith.constant 0 : i32
        %scatter3A_1747 = arith.constant 0 : i32
        %scatter3A_1748 = tpu.memref_slice %arg9[%scatter3A_1745, %scatter3A_1746, %scatter3A_1747] : memref<2x64x128xf32, #tpu.memory_space<vmem>> -> memref<1x64x128xf32, #tpu.memory_space<vmem>>
        %scatter3A_1749 = tpu.memref_squeeze %scatter3A_1748 : memref<1x64x128xf32, #tpu.memory_space<vmem>> -> memref<64x128xf32, #tpu.memory_space<vmem>>
        tpu.vector_store_idx %scatter3A_1749[%add3A_1734, %add3A_237], %mul3A_1744 : memref<64x128xf32, #tpu.memory_space<vmem>>[vector<16xi32>, vector<16xi32>], vector<16xf32>,
        %add3A_1750 = arith.constant 15 : i32
        %add3A_1751 = vector.broadcast %add3A_1750 : i32 to vector<16xi32>
        %add3A_1752 = arith.addi %iota3A, %add3A_1751 : vector<16xi32>
        %and3A_1753 = arith.constant 15 : i32
        %and3A_1754 = vector.broadcast %and3A_1753 : i32 to vector<16xi32>
        %and3A_1755 = arith.andi %add3A_1752, %and3A_1754 : vector<16xi32>
        %add3A_1756 = arith.constant 48 : i32
        %add3A_1757 = vector.broadcast %add3A_1756 : i32 to vector<16xi32>
        %add3A_1758 = arith.addi %and3A_1755, %add3A_1757 : vector<16xi32>
        %add3A_1759 = arith.addi %get3A_239, %add3A_1758 : vector<16xi32>
        %gather3A_1760 = arith.constant 0 : i32
        %gather3A_1761 = arith.constant 0 : i32
        %gather3A_1762 = arith.constant 0 : i32
        %gather3A_1763 = tpu.memref_slice %arg8[%gather3A_1760, %gather3A_1761, %gather3A_1762] : memref<2x128x128xf32, #tpu.memory_space<vmem>> -> memref<1x128x128xf32, #tpu.memory_space<vmem>>
        %gather3A_1764 = tpu.memref_squeeze %gather3A_1763 : memref<1x128x128xf32, #tpu.memory_space<vmem>> -> memref<128x128xf32, #tpu.memory_space<vmem>>
        %gather3A_1765 = tpu.vector_load_idx %gather3A_1764[%add3A_237, %add3A_1759] : memref<128x128xf32, #tpu.memory_space<vmem>>[vector<16xi32>, vector<16xi32>], vector<16xf32>,
        %mul3A_1766 = arith.constant 8.000000e+00 : f32
        %mul3A_1767 = vector.broadcast %mul3A_1766 : f32 to vector<16xf32>
        %mul3A_1768 = arith.mulf %gather3A_1765, %mul3A_1767 : vector<16xf32>
        %scatter3A_1769 = arith.constant 0 : i32
        %scatter3A_1770 = arith.constant 0 : i32
        %scatter3A_1771 = arith.constant 0 : i32
        %scatter3A_1772 = tpu.memref_slice %arg9[%scatter3A_1769, %scatter3A_1770, %scatter3A_1771] : memref<2x64x128xf32, #tpu.memory_space<vmem>> -> memref<1x64x128xf32, #tpu.memory_space<vmem>>
        %scatter3A_1773 = tpu.memref_squeeze %scatter3A_1772 : memref<1x64x128xf32, #tpu.memory_space<vmem>> -> memref<64x128xf32, #tpu.memory_space<vmem>>
        tpu.vector_store_idx %scatter3A_1773[%add3A_1758, %add3A_237], %mul3A_1768 : memref<64x128xf32, #tpu.memory_space<vmem>>[vector<16xi32>, vector<16xi32>], vector<16xf32>,
      }
      %scan3A_104 = arith.constant 8 : i32
      %jit3A = arith.constant 4 : i32
      %div3A = arith.divsi %add3A_82, %jit3A : i32
      %sign3A = arith.constant 0 : i32
      %sign3A_105 = arith.cmpi sgt, %add3A_82, %sign3A : i32
      %sign3A_106 = arith.extui %sign3A_105 : i1 to i32
      %sign3A_107 = arith.constant 0 : i32
      %sign3A_108 = arith.cmpi slt, %add3A_82, %sign3A_107 : i32
      %sign3A_109 = arith.extui %sign3A_108 : i1 to i32
      %sign3A_110 = arith.subi %sign3A_106, %sign3A_109 : i32
      %sign3A_111 = arith.constant 0 : i32
      %sign3A_112 = arith.cmpi sgt, %jit3A, %sign3A_111 : i32
      %sign3A_113 = arith.extui %sign3A_112 : i1 to i32
      %sign3A_114 = arith.constant 0 : i32
      %sign3A_115 = arith.cmpi slt, %jit3A, %sign3A_114 : i32
      %sign3A_116 = arith.extui %sign3A_115 : i1 to i32
      %sign3A_117 = arith.subi %sign3A_113, %sign3A_116 : i32
      %ne3A = arith.cmpi ne, %sign3A_110, %sign3A_117 : i32
      %rem3A = arith.remsi %add3A_82, %jit3A : i32
      %ne3A_118 = arith.constant 0 : i32
      %ne3A_119 = arith.cmpi ne, %rem3A, %ne3A_118 : i32
      %and3A = arith.andi %ne3A, %ne3A_119 : i1
      %sub3A = arith.constant 1 : i32
      %sub3A_120 = arith.subi %div3A, %sub3A : i32
      %select_n3A = arith.select %and3A, %sub3A_120, %div3A : i32
      %rem3A_121 = arith.constant 4 : i32
      %rem3A_122 = arith.remsi %add3A_82, %rem3A_121 : i32
      %add3A_123 = arith.addi %mul3A_2, %rem3A_122 : i32
      %mul3A_124 = arith.constant 128 : i32
      %mul3A_125 = arith.muli %add3A_123, %mul3A_124 : i32
      %dma_start3A_126 = arith.constant 0 : i32
      %dma_start3A_127 = arith.constant 0 : i32
      %dma_start3A_128 = arith.constant 0 : i32
      %dma_start3A_129 = arith.constant 0 : i32
      %dma_start3A_130 = tpu.memref_slice %arg9[%dma_start3A_126, %dma_start3A_128, %dma_start3A_129] : memref<2x64x128xf32, #tpu.memory_space<vmem>> -> memref<1x64x128xf32, #tpu.memory_space<vmem>>
      %dma_start3A_131 = tpu.memref_squeeze %dma_start3A_130 : memref<1x64x128xf32, #tpu.memory_space<vmem>> -> memref<64x128xf32, #tpu.memory_space<vmem>>
      %dma_start3A_132 = arith.constant 0 : i32
      %dma_start3A_133 = tpu.memref_slice %arg5[%select_n3A, %dma_start3A_132, %mul3A_125] : memref<50x64x16384xf32, #tpu.memory_space<hbm>> -> memref<1x64x128xf32, #tpu.memory_space<hbm>>
      %dma_start3A_134 = tpu.memref_squeeze %dma_start3A_133 : memref<1x64x128xf32, #tpu.memory_space<hbm>> -> memref<64x128xf32, #tpu.memory_space<hbm>>
      %dma_start3A_135 = tpu.memref_slice %arg11[%dma_start3A_127] : memref<2x!tpu.dma_semaphore, #tpu.memory_space<semaphore_mem>> -> memref<1x!tpu.dma_semaphore, #tpu.memory_space<semaphore_mem>>
      %dma_start3A_136 = tpu.memref_squeeze %dma_start3A_135 : memref<1x!tpu.dma_semaphore, #tpu.memory_space<semaphore_mem>> -> memref<!tpu.dma_semaphore, #tpu.memory_space<semaphore_mem>>
      %dma_start3A_137 = arith.constant 0 : i32
      %dma_start3A_138 = tpu.memref_slice %arg5[%select_n3A, %dma_start3A_137, %mul3A_125] : memref<50x64x16384xf32, #tpu.memory_space<hbm>> -> memref<1x64x128xf32, #tpu.memory_space<hbm>>
      %dma_start3A_139 = tpu.memref_squeeze %dma_start3A_138 : memref<1x64x128xf32, #tpu.memory_space<hbm>> -> memref<64x128xf32, #tpu.memory_space<hbm>>
      %dma_start3A_140 = arith.constant 0 : i32
      %dma_start3A_141 = arith.constant 0 : i32
      %dma_start3A_142 = tpu.memref_slice %arg9[%dma_start3A_126, %dma_start3A_140, %dma_start3A_141] : memref<2x64x128xf32, #tpu.memory_space<vmem>> -> memref<1x64x128xf32, #tpu.memory_space<vmem>>
      %dma_start3A_143 = tpu.memref_squeeze %dma_start3A_142 : memref<1x64x128xf32, #tpu.memory_space<vmem>> -> memref<64x128xf32, #tpu.memory_space<vmem>>
      tpu.enqueue_dma source(%dma_start3A_143 : memref<64x128xf32, #tpu.memory_space<vmem>>) target(%dma_start3A_139 : memref<64x128xf32, #tpu.memory_space<hbm>>) target_semaphore(%dma_start3A_136 : memref<!tpu.dma_semaphore, #tpu.memory_space<semaphore_mem>>)
      %add3A_144 = arith.constant 2 : i32
      %add3A_145 = arith.addi %add3A_82, %add3A_144 : i32
      %lt3A = arith.constant 200 : i32
      %lt3A_146 = arith.cmpi slt, %add3A_145, %lt3A : i32
      %convert_element_type3A_147 = arith.extui %lt3A_146 : i1 to i32
      %cond3A_148 = arith.constant 0 : i32
      %cond3A_149 = arith.cmpi ne, %convert_element_type3A_147, %cond3A_148 : i32
      scf.if %cond3A_149 {
        %add3A_233 = arith.constant 2 : i32
        %add3A_234 = arith.addi %add3A_82, %add3A_233 : i32
        %dma_start3A_235 = arith.constant 0 : i32
        %dma_start3A_236 = arith.constant 0 : i32
        %dma_start3A_237 = arith.constant 0 : i32
        %dma_start3A_238 = arith.constant 0 : i32
        %dma_start3A_239 = tpu.memref_slice %arg8[%dma_start3A_235, %dma_start3A_237, %dma_start3A_238] : memref<2x128x128xf32, #tpu.memory_space<vmem>> -> memref<1x128x128xf32, #tpu.memory_space<vmem>>
        %dma_start3A_240 = tpu.memref_squeeze %dma_start3A_239 : memref<1x128x128xf32, #tpu.memory_space<vmem>> -> memref<128x128xf32, #tpu.memory_space<vmem>>
        %dma_start3A_241 = arith.constant 0 : i32
        %dma_start3A_242 = tpu.memref_slice %arg6[%add3A_234, %dma_start3A_241] : memref<200x128xi32, #tpu.memory_space<vmem>> -> memref<1x128xi32, #tpu.memory_space<vmem>>
        %dma_start3A_243 = tpu.memref_squeeze %dma_start3A_242 : memref<1x128xi32, #tpu.memory_space<vmem>> -> memref<128xi32, #tpu.memory_space<vmem>>
        %dma_start3A_244 = arith.constant 0 : i32
        %dma_start3A_245 = arith.constant 0 : i32
        %dma_start3A_246 = tpu.memref_slice %arg2[%dma_start3A_244, %dma_start3A_245] : memref<500000x128xf32, #tpu.memory_space<hbm>> -> memref<500000x128xf32, #tpu.memory_space<hbm>>
        %dma_start3A_247 = tpu.memref_slice %arg10[%dma_start3A_236] : memref<2x!tpu.dma_semaphore, #tpu.memory_space<semaphore_mem>> -> memref<1x!tpu.dma_semaphore, #tpu.memory_space<semaphore_mem>>
        %dma_start3A_248 = tpu.memref_squeeze %dma_start3A_247 : memref<1x!tpu.dma_semaphore, #tpu.memory_space<semaphore_mem>> -> memref<!tpu.dma_semaphore, #tpu.memory_space<semaphore_mem>>
        tpu.enqueue_indirect_dma source(%dma_start3A_246 : memref<500000x128xf32, #tpu.memory_space<hbm>>) target(%dma_start3A_240 : memref<128x128xf32, #tpu.memory_space<vmem>>) offsets(%dma_start3A_243 : memref<128xi32, #tpu.memory_space<vmem>>) semaphore(%dma_start3A_248 : memref<!tpu.dma_semaphore, #tpu.memory_space<semaphore_mem>>)
      } else {
      }
      %mul3A_150 = arith.constant 2 : i32
      %mul3A_151 = arith.muli %scan3A_78, %mul3A_150 : i32
      %add3A_152 = arith.constant 1 : i32
      %add3A_153 = arith.addi %mul3A_151, %add3A_152 : i32
      %dma_wait3A_154 = arith.constant 1 : i32
      %dma_wait3A_155 = arith.constant 1 : i32
      %dma_wait3A_156 = arith.constant 0 : i32
      %dma_wait3A_157 = arith.constant 0 : i32
      %dma_wait3A_158 = tpu.memref_slice %arg8[%dma_wait3A_154, %dma_wait3A_156, %dma_wait3A_157] : memref<2x128x128xf32, #tpu.memory_space<vmem>> -> memref<1x128x128xf32, #tpu.memory_space<vmem>>
      %dma_wait3A_159 = tpu.memref_squeeze %dma_wait3A_158 : memref<1x128x128xf32, #tpu.memory_space<vmem>> -> memref<128x128xf32, #tpu.memory_space<vmem>>
      %dma_wait3A_160 = arith.constant 0 : i32
      %dma_wait3A_161 = tpu.memref_slice %arg6[%add3A_153, %dma_wait3A_160] : memref<200x128xi32, #tpu.memory_space<vmem>> -> memref<1x128xi32, #tpu.memory_space<vmem>>
      %dma_wait3A_162 = tpu.memref_squeeze %dma_wait3A_161 : memref<1x128xi32, #tpu.memory_space<vmem>> -> memref<128xi32, #tpu.memory_space<vmem>>
      %dma_wait3A_163 = arith.constant 0 : i32
      %dma_wait3A_164 = arith.constant 0 : i32
      %dma_wait3A_165 = tpu.memref_slice %arg2[%dma_wait3A_163, %dma_wait3A_164] : memref<500000x128xf32, #tpu.memory_space<hbm>> -> memref<500000x128xf32, #tpu.memory_space<hbm>>
      %dma_wait3A_166 = tpu.memref_slice %arg10[%dma_wait3A_155] : memref<2x!tpu.dma_semaphore, #tpu.memory_space<semaphore_mem>> -> memref<1x!tpu.dma_semaphore, #tpu.memory_space<semaphore_mem>>
      %dma_wait3A_167 = tpu.memref_squeeze %dma_wait3A_166 : memref<1x!tpu.dma_semaphore, #tpu.memory_space<semaphore_mem>> -> memref<!tpu.dma_semaphore, #tpu.memory_space<semaphore_mem>>
      tpu.wait_indirect_dma semaphore(%dma_wait3A_167 : memref<!tpu.dma_semaphore, #tpu.memory_space<semaphore_mem>>) src(%dma_wait3A_165 : memref<500000x128xf32, #tpu.memory_space<hbm>>) dst(%dma_wait3A_159 : memref<128x128xf32, #tpu.memory_space<vmem>>)
      %ge3A_168 = arith.constant 2 : i32
      %ge3A_169 = arith.cmpi sge, %add3A_153, %ge3A_168 : i32
      %convert_element_type3A_170 = arith.extui %ge3A_169 : i1 to i32
      %cond3A_171 = arith.constant 0 : i32
      %cond3A_172 = arith.cmpi ne, %convert_element_type3A_170, %cond3A_171 : i32
      scf.if %cond3A_172 {
        %dma_wait3A_233 = arith.constant 1 : i32
        %dma_wait3A_234 = arith.constant 0 : i32
        %dma_wait3A_235 = arith.constant 1 : i32
        %dma_wait3A_236 = arith.constant 0 : i32
        %dma_wait3A_237 = arith.constant 0 : i32
        %dma_wait3A_238 = tpu.memref_slice %arg9[%dma_wait3A_233, %dma_wait3A_236, %dma_wait3A_237] : memref<2x64x128xf32, #tpu.memory_space<vmem>> -> memref<1x64x128xf32, #tpu.memory_space<vmem>>
        %dma_wait3A_239 = tpu.memref_squeeze %dma_wait3A_238 : memref<1x64x128xf32, #tpu.memory_space<vmem>> -> memref<64x128xf32, #tpu.memory_space<vmem>>
        %dma_wait3A_240 = arith.constant 0 : i32
        %dma_wait3A_241 = arith.constant 0 : i32
        %dma_wait3A_242 = tpu.memref_slice %arg5[%dma_wait3A_234, %dma_wait3A_240, %dma_wait3A_241] : memref<50x64x16384xf32, #tpu.memory_space<hbm>> -> memref<1x64x128xf32, #tpu.memory_space<hbm>>
        %dma_wait3A_243 = tpu.memref_squeeze %dma_wait3A_242 : memref<1x64x128xf32, #tpu.memory_space<hbm>> -> memref<64x128xf32, #tpu.memory_space<hbm>>
        %dma_wait3A_244 = tpu.memref_slice %arg11[%dma_wait3A_235] : memref<2x!tpu.dma_semaphore, #tpu.memory_space<semaphore_mem>> -> memref<1x!tpu.dma_semaphore, #tpu.memory_space<semaphore_mem>>
        %dma_wait3A_245 = tpu.memref_squeeze %dma_wait3A_244 : memref<1x!tpu.dma_semaphore, #tpu.memory_space<semaphore_mem>> -> memref<!tpu.dma_semaphore, #tpu.memory_space<semaphore_mem>>
        %dma_wait3A_246 = arith.constant 0 : i32
        %dma_wait3A_247 = arith.constant 0 : i32
        %dma_wait3A_248 = tpu.memref_slice %arg5[%dma_wait3A_234, %dma_wait3A_246, %dma_wait3A_247] : memref<50x64x16384xf32, #tpu.memory_space<hbm>> -> memref<1x64x128xf32, #tpu.memory_space<hbm>>
        %dma_wait3A_249 = tpu.memref_squeeze %dma_wait3A_248 : memref<1x64x128xf32, #tpu.memory_space<hbm>> -> memref<64x128xf32, #tpu.memory_space<hbm>>
        %dma_wait3A_250 = arith.constant 0 : i32
        %dma_wait3A_251 = arith.constant 0 : i32
        %dma_wait3A_252 = tpu.memref_slice %arg9[%dma_wait3A_233, %dma_wait3A_250, %dma_wait3A_251] : memref<2x64x128xf32, #tpu.memory_space<vmem>> -> memref<1x64x128xf32, #tpu.memory_space<vmem>>
        %dma_wait3A_253 = tpu.memref_squeeze %dma_wait3A_252 : memref<1x64x128xf32, #tpu.memory_space<vmem>> -> memref<64x128xf32, #tpu.memory_space<vmem>>
        tpu.wait_dma2 semaphore(%dma_wait3A_245 : memref<!tpu.dma_semaphore, #tpu.memory_space<semaphore_mem>>) src(%dma_wait3A_253 : memref<64x128xf32, #tpu.memory_space<vmem>>) dst(%dma_wait3A_249 : memref<64x128xf32, #tpu.memory_space<hbm>>)
      } else {
      }
      %scan3A_173 = arith.constant 0 : i32
      %scan3A_174 = arith.constant 0 : i32
      %scan3A_175 = arith.constant 8 : i32
      %scan3A_176 = arith.addi %scan3A_174, %scan3A_175 : i32
      %scan3A_177 = arith.constant 1 : i32
      scf.for %scan3A_233 = %scan3A_174 to %scan3A_176 step %scan3A_177  : i32 {
        %mul3A_234 = arith.constant 16 : i32
        %mul3A_235 = arith.muli %scan3A_233, %mul3A_234 : i32
        %add3A_236 = vector.broadcast %mul3A_235 : i32 to vector<16xi32>
        %add3A_237 = arith.addi %iota3A, %add3A_236 : vector<16xi32>
        %get3A = arith.index_cast %add3A_153 : i32 to index
        %get3A_238 = arith.index_cast %mul3A_235 : i32 to index
        %get3A_239 = tpu.vector_load %arg7[%get3A, %get3A_238] {strides = array<i32>} : memref<200x128xi32, #tpu.memory_space<vmem>>, vector<16xi32>,
        %add3A_240 = arith.constant 0 : i32
        %add3A_241 = vector.broadcast %add3A_240 : i32 to vector<16xi32>
        %add3A_242 = arith.addi %iota3A, %add3A_241 : vector<16xi32>
        %and3A_243 = arith.constant 15 : i32
        %and3A_244 = vector.broadcast %and3A_243 : i32 to vector<16xi32>
        %and3A_245 = arith.andi %add3A_242, %and3A_244 : vector<16xi32>
        %add3A_246 = arith.constant 0 : i32
        %add3A_247 = vector.broadcast %add3A_246 : i32 to vector<16xi32>
        %add3A_248 = arith.addi %and3A_245, %add3A_247 : vector<16xi32>
        %add3A_249 = arith.addi %get3A_239, %add3A_248 : vector<16xi32>
        %gather3A = arith.constant 1 : i32
        %gather3A_250 = arith.constant 0 : i32
        %gather3A_251 = arith.constant 0 : i32
        %gather3A_252 = tpu.memref_slice %arg8[%gather3A, %gather3A_250, %gather3A_251] : memref<2x128x128xf32, #tpu.memory_space<vmem>> -> memref<1x128x128xf32, #tpu.memory_space<vmem>>
        %gather3A_253 = tpu.memref_squeeze %gather3A_252 : memref<1x128x128xf32, #tpu.memory_space<vmem>> -> memref<128x128xf32, #tpu.memory_space<vmem>>
        %gather3A_254 = tpu.vector_load_idx %gather3A_253[%add3A_237, %add3A_249] : memref<128x128xf32, #tpu.memory_space<vmem>>[vector<16xi32>, vector<16xi32>], vector<16xf32>,
        %mul3A_255 = arith.constant 8.000000e+00 : f32
        %mul3A_256 = vector.broadcast %mul3A_255 : f32 to vector<16xf32>
        %mul3A_257 = arith.mulf %gather3A_254, %mul3A_256 : vector<16xf32>
        %scatter3A = arith.constant 1 : i32
        %scatter3A_258 = arith.constant 0 : i32
        %scatter3A_259 = arith.constant 0 : i32
        %scatter3A_260 = tpu.memref_slice %arg9[%scatter3A, %scatter3A_258, %scatter3A_259] : memref<2x64x128xf32, #tpu.memory_space<vmem>> -> memref<1x64x128xf32, #tpu.memory_space<vmem>>
        %scatter3A_261 = tpu.memref_squeeze %scatter3A_260 : memref<1x64x128xf32, #tpu.memory_space<vmem>> -> memref<64x128xf32, #tpu.memory_space<vmem>>
        tpu.vector_store_idx %scatter3A_261[%add3A_248, %add3A_237], %mul3A_257 : memref<64x128xf32, #tpu.memory_space<vmem>>[vector<16xi32>, vector<16xi32>], vector<16xf32>,
        %add3A_262 = arith.constant 1 : i32
        %add3A_263 = vector.broadcast %add3A_262 : i32 to vector<16xi32>
        %add3A_264 = arith.addi %iota3A, %add3A_263 : vector<16xi32>
        %and3A_265 = arith.constant 15 : i32
        %and3A_266 = vector.broadcast %and3A_265 : i32 to vector<16xi32>
        %and3A_267 = arith.andi %add3A_264, %and3A_266 : vector<16xi32>
        %add3A_268 = arith.constant 0 : i32
        %add3A_269 = vector.broadcast %add3A_268 : i32 to vector<16xi32>
        %add3A_270 = arith.addi %and3A_267, %add3A_269 : vector<16xi32>
        %add3A_271 = arith.addi %get3A_239, %add3A_270 : vector<16xi32>
        %gather3A_272 = arith.constant 1 : i32
        %gather3A_273 = arith.constant 0 : i32
        %gather3A_274 = arith.constant 0 : i32
        %gather3A_275 = tpu.memref_slice %arg8[%gather3A_272, %gather3A_273, %gather3A_274] : memref<2x128x128xf32, #tpu.memory_space<vmem>> -> memref<1x128x128xf32, #tpu.memory_space<vmem>>
        %gather3A_276 = tpu.memref_squeeze %gather3A_275 : memref<1x128x128xf32, #tpu.memory_space<vmem>> -> memref<128x128xf32, #tpu.memory_space<vmem>>
        %gather3A_277 = tpu.vector_load_idx %gather3A_276[%add3A_237, %add3A_271] : memref<128x128xf32, #tpu.memory_space<vmem>>[vector<16xi32>, vector<16xi32>], vector<16xf32>,
        %mul3A_278 = arith.constant 8.000000e+00 : f32
        %mul3A_279 = vector.broadcast %mul3A_278 : f32 to vector<16xf32>
        %mul3A_280 = arith.mulf %gather3A_277, %mul3A_279 : vector<16xf32>
        %scatter3A_281 = arith.constant 1 : i32
        %scatter3A_282 = arith.constant 0 : i32
        %scatter3A_283 = arith.constant 0 : i32
        %scatter3A_284 = tpu.memref_slice %arg9[%scatter3A_281, %scatter3A_282, %scatter3A_283] : memref<2x64x128xf32, #tpu.memory_space<vmem>> -> memref<1x64x128xf32, #tpu.memory_space<vmem>>
        %scatter3A_285 = tpu.memref_squeeze %scatter3A_284 : memref<1x64x128xf32, #tpu.memory_space<vmem>> -> memref<64x128xf32, #tpu.memory_space<vmem>>
        tpu.vector_store_idx %scatter3A_285[%add3A_270, %add3A_237], %mul3A_280 : memref<64x128xf32, #tpu.memory_space<vmem>>[vector<16xi32>, vector<16xi32>], vector<16xf32>,
        %add3A_286 = arith.constant 2 : i32
        %add3A_287 = vector.broadcast %add3A_286 : i32 to vector<16xi32>
        %add3A_288 = arith.addi %iota3A, %add3A_287 : vector<16xi32>
        %and3A_289 = arith.constant 15 : i32
        %and3A_290 = vector.broadcast %and3A_289 : i32 to vector<16xi32>
        %and3A_291 = arith.andi %add3A_288, %and3A_290 : vector<16xi32>
        %add3A_292 = arith.constant 0 : i32
        %add3A_293 = vector.broadcast %add3A_292 : i32 to vector<16xi32>
        %add3A_294 = arith.addi %and3A_291, %add3A_293 : vector<16xi32>
        %add3A_295 = arith.addi %get3A_239, %add3A_294 : vector<16xi32>
        %gather3A_296 = arith.constant 1 : i32
        %gather3A_297 = arith.constant 0 : i32
        %gather3A_298 = arith.constant 0 : i32
        %gather3A_299 = tpu.memref_slice %arg8[%gather3A_296, %gather3A_297, %gather3A_298] : memref<2x128x128xf32, #tpu.memory_space<vmem>> -> memref<1x128x128xf32, #tpu.memory_space<vmem>>
        %gather3A_300 = tpu.memref_squeeze %gather3A_299 : memref<1x128x128xf32, #tpu.memory_space<vmem>> -> memref<128x128xf32, #tpu.memory_space<vmem>>
        %gather3A_301 = tpu.vector_load_idx %gather3A_300[%add3A_237, %add3A_295] : memref<128x128xf32, #tpu.memory_space<vmem>>[vector<16xi32>, vector<16xi32>], vector<16xf32>,
        %mul3A_302 = arith.constant 8.000000e+00 : f32
        %mul3A_303 = vector.broadcast %mul3A_302 : f32 to vector<16xf32>
        %mul3A_304 = arith.mulf %gather3A_301, %mul3A_303 : vector<16xf32>
        %scatter3A_305 = arith.constant 1 : i32
        %scatter3A_306 = arith.constant 0 : i32
        %scatter3A_307 = arith.constant 0 : i32
        %scatter3A_308 = tpu.memref_slice %arg9[%scatter3A_305, %scatter3A_306, %scatter3A_307] : memref<2x64x128xf32, #tpu.memory_space<vmem>> -> memref<1x64x128xf32, #tpu.memory_space<vmem>>
        %scatter3A_309 = tpu.memref_squeeze %scatter3A_308 : memref<1x64x128xf32, #tpu.memory_space<vmem>> -> memref<64x128xf32, #tpu.memory_space<vmem>>
        tpu.vector_store_idx %scatter3A_309[%add3A_294, %add3A_237], %mul3A_304 : memref<64x128xf32, #tpu.memory_space<vmem>>[vector<16xi32>, vector<16xi32>], vector<16xf32>,
        %add3A_310 = arith.constant 3 : i32
        %add3A_311 = vector.broadcast %add3A_310 : i32 to vector<16xi32>
        %add3A_312 = arith.addi %iota3A, %add3A_311 : vector<16xi32>
        %and3A_313 = arith.constant 15 : i32
        %and3A_314 = vector.broadcast %and3A_313 : i32 to vector<16xi32>
        %and3A_315 = arith.andi %add3A_312, %and3A_314 : vector<16xi32>
        %add3A_316 = arith.constant 0 : i32
        %add3A_317 = vector.broadcast %add3A_316 : i32 to vector<16xi32>
        %add3A_318 = arith.addi %and3A_315, %add3A_317 : vector<16xi32>
        %add3A_319 = arith.addi %get3A_239, %add3A_318 : vector<16xi32>
        %gather3A_320 = arith.constant 1 : i32
        %gather3A_321 = arith.constant 0 : i32
        %gather3A_322 = arith.constant 0 : i32
        %gather3A_323 = tpu.memref_slice %arg8[%gather3A_320, %gather3A_321, %gather3A_322] : memref<2x128x128xf32, #tpu.memory_space<vmem>> -> memref<1x128x128xf32, #tpu.memory_space<vmem>>
        %gather3A_324 = tpu.memref_squeeze %gather3A_323 : memref<1x128x128xf32, #tpu.memory_space<vmem>> -> memref<128x128xf32, #tpu.memory_space<vmem>>
        %gather3A_325 = tpu.vector_load_idx %gather3A_324[%add3A_237, %add3A_319] : memref<128x128xf32, #tpu.memory_space<vmem>>[vector<16xi32>, vector<16xi32>], vector<16xf32>,
        %mul3A_326 = arith.constant 8.000000e+00 : f32
        %mul3A_327 = vector.broadcast %mul3A_326 : f32 to vector<16xf32>
        %mul3A_328 = arith.mulf %gather3A_325, %mul3A_327 : vector<16xf32>
        %scatter3A_329 = arith.constant 1 : i32
        %scatter3A_330 = arith.constant 0 : i32
        %scatter3A_331 = arith.constant 0 : i32
        %scatter3A_332 = tpu.memref_slice %arg9[%scatter3A_329, %scatter3A_330, %scatter3A_331] : memref<2x64x128xf32, #tpu.memory_space<vmem>> -> memref<1x64x128xf32, #tpu.memory_space<vmem>>
        %scatter3A_333 = tpu.memref_squeeze %scatter3A_332 : memref<1x64x128xf32, #tpu.memory_space<vmem>> -> memref<64x128xf32, #tpu.memory_space<vmem>>
        tpu.vector_store_idx %scatter3A_333[%add3A_318, %add3A_237], %mul3A_328 : memref<64x128xf32, #tpu.memory_space<vmem>>[vector<16xi32>, vector<16xi32>], vector<16xf32>,
        %add3A_334 = arith.constant 4 : i32
        %add3A_335 = vector.broadcast %add3A_334 : i32 to vector<16xi32>
        %add3A_336 = arith.addi %iota3A, %add3A_335 : vector<16xi32>
        %and3A_337 = arith.constant 15 : i32
        %and3A_338 = vector.broadcast %and3A_337 : i32 to vector<16xi32>
        %and3A_339 = arith.andi %add3A_336, %and3A_338 : vector<16xi32>
        %add3A_340 = arith.constant 0 : i32
        %add3A_341 = vector.broadcast %add3A_340 : i32 to vector<16xi32>
        %add3A_342 = arith.addi %and3A_339, %add3A_341 : vector<16xi32>
        %add3A_343 = arith.addi %get3A_239, %add3A_342 : vector<16xi32>
        %gather3A_344 = arith.constant 1 : i32
        %gather3A_345 = arith.constant 0 : i32
        %gather3A_346 = arith.constant 0 : i32
        %gather3A_347 = tpu.memref_slice %arg8[%gather3A_344, %gather3A_345, %gather3A_346] : memref<2x128x128xf32, #tpu.memory_space<vmem>> -> memref<1x128x128xf32, #tpu.memory_space<vmem>>
        %gather3A_348 = tpu.memref_squeeze %gather3A_347 : memref<1x128x128xf32, #tpu.memory_space<vmem>> -> memref<128x128xf32, #tpu.memory_space<vmem>>
        %gather3A_349 = tpu.vector_load_idx %gather3A_348[%add3A_237, %add3A_343] : memref<128x128xf32, #tpu.memory_space<vmem>>[vector<16xi32>, vector<16xi32>], vector<16xf32>,
        %mul3A_350 = arith.constant 8.000000e+00 : f32
        %mul3A_351 = vector.broadcast %mul3A_350 : f32 to vector<16xf32>
        %mul3A_352 = arith.mulf %gather3A_349, %mul3A_351 : vector<16xf32>
        %scatter3A_353 = arith.constant 1 : i32
        %scatter3A_354 = arith.constant 0 : i32
        %scatter3A_355 = arith.constant 0 : i32
        %scatter3A_356 = tpu.memref_slice %arg9[%scatter3A_353, %scatter3A_354, %scatter3A_355] : memref<2x64x128xf32, #tpu.memory_space<vmem>> -> memref<1x64x128xf32, #tpu.memory_space<vmem>>
        %scatter3A_357 = tpu.memref_squeeze %scatter3A_356 : memref<1x64x128xf32, #tpu.memory_space<vmem>> -> memref<64x128xf32, #tpu.memory_space<vmem>>
        tpu.vector_store_idx %scatter3A_357[%add3A_342, %add3A_237], %mul3A_352 : memref<64x128xf32, #tpu.memory_space<vmem>>[vector<16xi32>, vector<16xi32>], vector<16xf32>,
        %add3A_358 = arith.constant 5 : i32
        %add3A_359 = vector.broadcast %add3A_358 : i32 to vector<16xi32>
        %add3A_360 = arith.addi %iota3A, %add3A_359 : vector<16xi32>
        %and3A_361 = arith.constant 15 : i32
        %and3A_362 = vector.broadcast %and3A_361 : i32 to vector<16xi32>
        %and3A_363 = arith.andi %add3A_360, %and3A_362 : vector<16xi32>
        %add3A_364 = arith.constant 0 : i32
        %add3A_365 = vector.broadcast %add3A_364 : i32 to vector<16xi32>
        %add3A_366 = arith.addi %and3A_363, %add3A_365 : vector<16xi32>
        %add3A_367 = arith.addi %get3A_239, %add3A_366 : vector<16xi32>
        %gather3A_368 = arith.constant 1 : i32
        %gather3A_369 = arith.constant 0 : i32
        %gather3A_370 = arith.constant 0 : i32
        %gather3A_371 = tpu.memref_slice %arg8[%gather3A_368, %gather3A_369, %gather3A_370] : memref<2x128x128xf32, #tpu.memory_space<vmem>> -> memref<1x128x128xf32, #tpu.memory_space<vmem>>
        %gather3A_372 = tpu.memref_squeeze %gather3A_371 : memref<1x128x128xf32, #tpu.memory_space<vmem>> -> memref<128x128xf32, #tpu.memory_space<vmem>>
        %gather3A_373 = tpu.vector_load_idx %gather3A_372[%add3A_237, %add3A_367] : memref<128x128xf32, #tpu.memory_space<vmem>>[vector<16xi32>, vector<16xi32>], vector<16xf32>,
        %mul3A_374 = arith.constant 8.000000e+00 : f32
        %mul3A_375 = vector.broadcast %mul3A_374 : f32 to vector<16xf32>
        %mul3A_376 = arith.mulf %gather3A_373, %mul3A_375 : vector<16xf32>
        %scatter3A_377 = arith.constant 1 : i32
        %scatter3A_378 = arith.constant 0 : i32
        %scatter3A_379 = arith.constant 0 : i32
        %scatter3A_380 = tpu.memref_slice %arg9[%scatter3A_377, %scatter3A_378, %scatter3A_379] : memref<2x64x128xf32, #tpu.memory_space<vmem>> -> memref<1x64x128xf32, #tpu.memory_space<vmem>>
        %scatter3A_381 = tpu.memref_squeeze %scatter3A_380 : memref<1x64x128xf32, #tpu.memory_space<vmem>> -> memref<64x128xf32, #tpu.memory_space<vmem>>
        tpu.vector_store_idx %scatter3A_381[%add3A_366, %add3A_237], %mul3A_376 : memref<64x128xf32, #tpu.memory_space<vmem>>[vector<16xi32>, vector<16xi32>], vector<16xf32>,
        %add3A_382 = arith.constant 6 : i32
        %add3A_383 = vector.broadcast %add3A_382 : i32 to vector<16xi32>
        %add3A_384 = arith.addi %iota3A, %add3A_383 : vector<16xi32>
        %and3A_385 = arith.constant 15 : i32
        %and3A_386 = vector.broadcast %and3A_385 : i32 to vector<16xi32>
        %and3A_387 = arith.andi %add3A_384, %and3A_386 : vector<16xi32>
        %add3A_388 = arith.constant 0 : i32
        %add3A_389 = vector.broadcast %add3A_388 : i32 to vector<16xi32>
        %add3A_390 = arith.addi %and3A_387, %add3A_389 : vector<16xi32>
        %add3A_391 = arith.addi %get3A_239, %add3A_390 : vector<16xi32>
        %gather3A_392 = arith.constant 1 : i32
        %gather3A_393 = arith.constant 0 : i32
        %gather3A_394 = arith.constant 0 : i32
        %gather3A_395 = tpu.memref_slice %arg8[%gather3A_392, %gather3A_393, %gather3A_394] : memref<2x128x128xf32, #tpu.memory_space<vmem>> -> memref<1x128x128xf32, #tpu.memory_space<vmem>>
        %gather3A_396 = tpu.memref_squeeze %gather3A_395 : memref<1x128x128xf32, #tpu.memory_space<vmem>> -> memref<128x128xf32, #tpu.memory_space<vmem>>
        %gather3A_397 = tpu.vector_load_idx %gather3A_396[%add3A_237, %add3A_391] : memref<128x128xf32, #tpu.memory_space<vmem>>[vector<16xi32>, vector<16xi32>], vector<16xf32>,
        %mul3A_398 = arith.constant 8.000000e+00 : f32
        %mul3A_399 = vector.broadcast %mul3A_398 : f32 to vector<16xf32>
        %mul3A_400 = arith.mulf %gather3A_397, %mul3A_399 : vector<16xf32>
        %scatter3A_401 = arith.constant 1 : i32
        %scatter3A_402 = arith.constant 0 : i32
        %scatter3A_403 = arith.constant 0 : i32
        %scatter3A_404 = tpu.memref_slice %arg9[%scatter3A_401, %scatter3A_402, %scatter3A_403] : memref<2x64x128xf32, #tpu.memory_space<vmem>> -> memref<1x64x128xf32, #tpu.memory_space<vmem>>
        %scatter3A_405 = tpu.memref_squeeze %scatter3A_404 : memref<1x64x128xf32, #tpu.memory_space<vmem>> -> memref<64x128xf32, #tpu.memory_space<vmem>>
        tpu.vector_store_idx %scatter3A_405[%add3A_390, %add3A_237], %mul3A_400 : memref<64x128xf32, #tpu.memory_space<vmem>>[vector<16xi32>, vector<16xi32>], vector<16xf32>,
        %add3A_406 = arith.constant 7 : i32
        %add3A_407 = vector.broadcast %add3A_406 : i32 to vector<16xi32>
        %add3A_408 = arith.addi %iota3A, %add3A_407 : vector<16xi32>
        %and3A_409 = arith.constant 15 : i32
        %and3A_410 = vector.broadcast %and3A_409 : i32 to vector<16xi32>
        %and3A_411 = arith.andi %add3A_408, %and3A_410 : vector<16xi32>
        %add3A_412 = arith.constant 0 : i32
        %add3A_413 = vector.broadcast %add3A_412 : i32 to vector<16xi32>
        %add3A_414 = arith.addi %and3A_411, %add3A_413 : vector<16xi32>
        %add3A_415 = arith.addi %get3A_239, %add3A_414 : vector<16xi32>
        %gather3A_416 = arith.constant 1 : i32
        %gather3A_417 = arith.constant 0 : i32
        %gather3A_418 = arith.constant 0 : i32
        %gather3A_419 = tpu.memref_slice %arg8[%gather3A_416, %gather3A_417, %gather3A_418] : memref<2x128x128xf32, #tpu.memory_space<vmem>> -> memref<1x128x128xf32, #tpu.memory_space<vmem>>
        %gather3A_420 = tpu.memref_squeeze %gather3A_419 : memref<1x128x128xf32, #tpu.memory_space<vmem>> -> memref<128x128xf32, #tpu.memory_space<vmem>>
        %gather3A_421 = tpu.vector_load_idx %gather3A_420[%add3A_237, %add3A_415] : memref<128x128xf32, #tpu.memory_space<vmem>>[vector<16xi32>, vector<16xi32>], vector<16xf32>,
        %mul3A_422 = arith.constant 8.000000e+00 : f32
        %mul3A_423 = vector.broadcast %mul3A_422 : f32 to vector<16xf32>
        %mul3A_424 = arith.mulf %gather3A_421, %mul3A_423 : vector<16xf32>
        %scatter3A_425 = arith.constant 1 : i32
        %scatter3A_426 = arith.constant 0 : i32
        %scatter3A_427 = arith.constant 0 : i32
        %scatter3A_428 = tpu.memref_slice %arg9[%scatter3A_425, %scatter3A_426, %scatter3A_427] : memref<2x64x128xf32, #tpu.memory_space<vmem>> -> memref<1x64x128xf32, #tpu.memory_space<vmem>>
        %scatter3A_429 = tpu.memref_squeeze %scatter3A_428 : memref<1x64x128xf32, #tpu.memory_space<vmem>> -> memref<64x128xf32, #tpu.memory_space<vmem>>
        tpu.vector_store_idx %scatter3A_429[%add3A_414, %add3A_237], %mul3A_424 : memref<64x128xf32, #tpu.memory_space<vmem>>[vector<16xi32>, vector<16xi32>], vector<16xf32>,
        %add3A_430 = arith.constant 8 : i32
        %add3A_431 = vector.broadcast %add3A_430 : i32 to vector<16xi32>
        %add3A_432 = arith.addi %iota3A, %add3A_431 : vector<16xi32>
        %and3A_433 = arith.constant 15 : i32
        %and3A_434 = vector.broadcast %and3A_433 : i32 to vector<16xi32>
        %and3A_435 = arith.andi %add3A_432, %and3A_434 : vector<16xi32>
        %add3A_436 = arith.constant 0 : i32
        %add3A_437 = vector.broadcast %add3A_436 : i32 to vector<16xi32>
        %add3A_438 = arith.addi %and3A_435, %add3A_437 : vector<16xi32>
        %add3A_439 = arith.addi %get3A_239, %add3A_438 : vector<16xi32>
        %gather3A_440 = arith.constant 1 : i32
        %gather3A_441 = arith.constant 0 : i32
        %gather3A_442 = arith.constant 0 : i32
        %gather3A_443 = tpu.memref_slice %arg8[%gather3A_440, %gather3A_441, %gather3A_442] : memref<2x128x128xf32, #tpu.memory_space<vmem>> -> memref<1x128x128xf32, #tpu.memory_space<vmem>>
        %gather3A_444 = tpu.memref_squeeze %gather3A_443 : memref<1x128x128xf32, #tpu.memory_space<vmem>> -> memref<128x128xf32, #tpu.memory_space<vmem>>
        %gather3A_445 = tpu.vector_load_idx %gather3A_444[%add3A_237, %add3A_439] : memref<128x128xf32, #tpu.memory_space<vmem>>[vector<16xi32>, vector<16xi32>], vector<16xf32>,
        %mul3A_446 = arith.constant 8.000000e+00 : f32
        %mul3A_447 = vector.broadcast %mul3A_446 : f32 to vector<16xf32>
        %mul3A_448 = arith.mulf %gather3A_445, %mul3A_447 : vector<16xf32>
        %scatter3A_449 = arith.constant 1 : i32
        %scatter3A_450 = arith.constant 0 : i32
        %scatter3A_451 = arith.constant 0 : i32
        %scatter3A_452 = tpu.memref_slice %arg9[%scatter3A_449, %scatter3A_450, %scatter3A_451] : memref<2x64x128xf32, #tpu.memory_space<vmem>> -> memref<1x64x128xf32, #tpu.memory_space<vmem>>
        %scatter3A_453 = tpu.memref_squeeze %scatter3A_452 : memref<1x64x128xf32, #tpu.memory_space<vmem>> -> memref<64x128xf32, #tpu.memory_space<vmem>>
        tpu.vector_store_idx %scatter3A_453[%add3A_438, %add3A_237], %mul3A_448 : memref<64x128xf32, #tpu.memory_space<vmem>>[vector<16xi32>, vector<16xi32>], vector<16xf32>,
        %add3A_454 = arith.constant 9 : i32
        %add3A_455 = vector.broadcast %add3A_454 : i32 to vector<16xi32>
        %add3A_456 = arith.addi %iota3A, %add3A_455 : vector<16xi32>
        %and3A_457 = arith.constant 15 : i32
        %and3A_458 = vector.broadcast %and3A_457 : i32 to vector<16xi32>
        %and3A_459 = arith.andi %add3A_456, %and3A_458 : vector<16xi32>
        %add3A_460 = arith.constant 0 : i32
        %add3A_461 = vector.broadcast %add3A_460 : i32 to vector<16xi32>
        %add3A_462 = arith.addi %and3A_459, %add3A_461 : vector<16xi32>
        %add3A_463 = arith.addi %get3A_239, %add3A_462 : vector<16xi32>
        %gather3A_464 = arith.constant 1 : i32
        %gather3A_465 = arith.constant 0 : i32
        %gather3A_466 = arith.constant 0 : i32
        %gather3A_467 = tpu.memref_slice %arg8[%gather3A_464, %gather3A_465, %gather3A_466] : memref<2x128x128xf32, #tpu.memory_space<vmem>> -> memref<1x128x128xf32, #tpu.memory_space<vmem>>
        %gather3A_468 = tpu.memref_squeeze %gather3A_467 : memref<1x128x128xf32, #tpu.memory_space<vmem>> -> memref<128x128xf32, #tpu.memory_space<vmem>>
        %gather3A_469 = tpu.vector_load_idx %gather3A_468[%add3A_237, %add3A_463] : memref<128x128xf32, #tpu.memory_space<vmem>>[vector<16xi32>, vector<16xi32>], vector<16xf32>,
        %mul3A_470 = arith.constant 8.000000e+00 : f32
        %mul3A_471 = vector.broadcast %mul3A_470 : f32 to vector<16xf32>
        %mul3A_472 = arith.mulf %gather3A_469, %mul3A_471 : vector<16xf32>
        %scatter3A_473 = arith.constant 1 : i32
        %scatter3A_474 = arith.constant 0 : i32
        %scatter3A_475 = arith.constant 0 : i32
        %scatter3A_476 = tpu.memref_slice %arg9[%scatter3A_473, %scatter3A_474, %scatter3A_475] : memref<2x64x128xf32, #tpu.memory_space<vmem>> -> memref<1x64x128xf32, #tpu.memory_space<vmem>>
        %scatter3A_477 = tpu.memref_squeeze %scatter3A_476 : memref<1x64x128xf32, #tpu.memory_space<vmem>> -> memref<64x128xf32, #tpu.memory_space<vmem>>
        tpu.vector_store_idx %scatter3A_477[%add3A_462, %add3A_237], %mul3A_472 : memref<64x128xf32, #tpu.memory_space<vmem>>[vector<16xi32>, vector<16xi32>], vector<16xf32>,
        %add3A_478 = arith.constant 10 : i32
        %add3A_479 = vector.broadcast %add3A_478 : i32 to vector<16xi32>
        %add3A_480 = arith.addi %iota3A, %add3A_479 : vector<16xi32>
        %and3A_481 = arith.constant 15 : i32
        %and3A_482 = vector.broadcast %and3A_481 : i32 to vector<16xi32>
        %and3A_483 = arith.andi %add3A_480, %and3A_482 : vector<16xi32>
        %add3A_484 = arith.constant 0 : i32
        %add3A_485 = vector.broadcast %add3A_484 : i32 to vector<16xi32>
        %add3A_486 = arith.addi %and3A_483, %add3A_485 : vector<16xi32>
        %add3A_487 = arith.addi %get3A_239, %add3A_486 : vector<16xi32>
        %gather3A_488 = arith.constant 1 : i32
        %gather3A_489 = arith.constant 0 : i32
        %gather3A_490 = arith.constant 0 : i32
        %gather3A_491 = tpu.memref_slice %arg8[%gather3A_488, %gather3A_489, %gather3A_490] : memref<2x128x128xf32, #tpu.memory_space<vmem>> -> memref<1x128x128xf32, #tpu.memory_space<vmem>>
        %gather3A_492 = tpu.memref_squeeze %gather3A_491 : memref<1x128x128xf32, #tpu.memory_space<vmem>> -> memref<128x128xf32, #tpu.memory_space<vmem>>
        %gather3A_493 = tpu.vector_load_idx %gather3A_492[%add3A_237, %add3A_487] : memref<128x128xf32, #tpu.memory_space<vmem>>[vector<16xi32>, vector<16xi32>], vector<16xf32>,
        %mul3A_494 = arith.constant 8.000000e+00 : f32
        %mul3A_495 = vector.broadcast %mul3A_494 : f32 to vector<16xf32>
        %mul3A_496 = arith.mulf %gather3A_493, %mul3A_495 : vector<16xf32>
        %scatter3A_497 = arith.constant 1 : i32
        %scatter3A_498 = arith.constant 0 : i32
        %scatter3A_499 = arith.constant 0 : i32
        %scatter3A_500 = tpu.memref_slice %arg9[%scatter3A_497, %scatter3A_498, %scatter3A_499] : memref<2x64x128xf32, #tpu.memory_space<vmem>> -> memref<1x64x128xf32, #tpu.memory_space<vmem>>
        %scatter3A_501 = tpu.memref_squeeze %scatter3A_500 : memref<1x64x128xf32, #tpu.memory_space<vmem>> -> memref<64x128xf32, #tpu.memory_space<vmem>>
        tpu.vector_store_idx %scatter3A_501[%add3A_486, %add3A_237], %mul3A_496 : memref<64x128xf32, #tpu.memory_space<vmem>>[vector<16xi32>, vector<16xi32>], vector<16xf32>,
        %add3A_502 = arith.constant 11 : i32
        %add3A_503 = vector.broadcast %add3A_502 : i32 to vector<16xi32>
        %add3A_504 = arith.addi %iota3A, %add3A_503 : vector<16xi32>
        %and3A_505 = arith.constant 15 : i32
        %and3A_506 = vector.broadcast %and3A_505 : i32 to vector<16xi32>
        %and3A_507 = arith.andi %add3A_504, %and3A_506 : vector<16xi32>
        %add3A_508 = arith.constant 0 : i32
        %add3A_509 = vector.broadcast %add3A_508 : i32 to vector<16xi32>
        %add3A_510 = arith.addi %and3A_507, %add3A_509 : vector<16xi32>
        %add3A_511 = arith.addi %get3A_239, %add3A_510 : vector<16xi32>
        %gather3A_512 = arith.constant 1 : i32
        %gather3A_513 = arith.constant 0 : i32
        %gather3A_514 = arith.constant 0 : i32
        %gather3A_515 = tpu.memref_slice %arg8[%gather3A_512, %gather3A_513, %gather3A_514] : memref<2x128x128xf32, #tpu.memory_space<vmem>> -> memref<1x128x128xf32, #tpu.memory_space<vmem>>
        %gather3A_516 = tpu.memref_squeeze %gather3A_515 : memref<1x128x128xf32, #tpu.memory_space<vmem>> -> memref<128x128xf32, #tpu.memory_space<vmem>>
        %gather3A_517 = tpu.vector_load_idx %gather3A_516[%add3A_237, %add3A_511] : memref<128x128xf32, #tpu.memory_space<vmem>>[vector<16xi32>, vector<16xi32>], vector<16xf32>,
        %mul3A_518 = arith.constant 8.000000e+00 : f32
        %mul3A_519 = vector.broadcast %mul3A_518 : f32 to vector<16xf32>
        %mul3A_520 = arith.mulf %gather3A_517, %mul3A_519 : vector<16xf32>
        %scatter3A_521 = arith.constant 1 : i32
        %scatter3A_522 = arith.constant 0 : i32
        %scatter3A_523 = arith.constant 0 : i32
        %scatter3A_524 = tpu.memref_slice %arg9[%scatter3A_521, %scatter3A_522, %scatter3A_523] : memref<2x64x128xf32, #tpu.memory_space<vmem>> -> memref<1x64x128xf32, #tpu.memory_space<vmem>>
        %scatter3A_525 = tpu.memref_squeeze %scatter3A_524 : memref<1x64x128xf32, #tpu.memory_space<vmem>> -> memref<64x128xf32, #tpu.memory_space<vmem>>
        tpu.vector_store_idx %scatter3A_525[%add3A_510, %add3A_237], %mul3A_520 : memref<64x128xf32, #tpu.memory_space<vmem>>[vector<16xi32>, vector<16xi32>], vector<16xf32>,
        %add3A_526 = arith.constant 12 : i32
        %add3A_527 = vector.broadcast %add3A_526 : i32 to vector<16xi32>
        %add3A_528 = arith.addi %iota3A, %add3A_527 : vector<16xi32>
        %and3A_529 = arith.constant 15 : i32
        %and3A_530 = vector.broadcast %and3A_529 : i32 to vector<16xi32>
        %and3A_531 = arith.andi %add3A_528, %and3A_530 : vector<16xi32>
        %add3A_532 = arith.constant 0 : i32
        %add3A_533 = vector.broadcast %add3A_532 : i32 to vector<16xi32>
        %add3A_534 = arith.addi %and3A_531, %add3A_533 : vector<16xi32>
        %add3A_535 = arith.addi %get3A_239, %add3A_534 : vector<16xi32>
        %gather3A_536 = arith.constant 1 : i32
        %gather3A_537 = arith.constant 0 : i32
        %gather3A_538 = arith.constant 0 : i32
        %gather3A_539 = tpu.memref_slice %arg8[%gather3A_536, %gather3A_537, %gather3A_538] : memref<2x128x128xf32, #tpu.memory_space<vmem>> -> memref<1x128x128xf32, #tpu.memory_space<vmem>>
        %gather3A_540 = tpu.memref_squeeze %gather3A_539 : memref<1x128x128xf32, #tpu.memory_space<vmem>> -> memref<128x128xf32, #tpu.memory_space<vmem>>
        %gather3A_541 = tpu.vector_load_idx %gather3A_540[%add3A_237, %add3A_535] : memref<128x128xf32, #tpu.memory_space<vmem>>[vector<16xi32>, vector<16xi32>], vector<16xf32>,
        %mul3A_542 = arith.constant 8.000000e+00 : f32
        %mul3A_543 = vector.broadcast %mul3A_542 : f32 to vector<16xf32>
        %mul3A_544 = arith.mulf %gather3A_541, %mul3A_543 : vector<16xf32>
        %scatter3A_545 = arith.constant 1 : i32
        %scatter3A_546 = arith.constant 0 : i32
        %scatter3A_547 = arith.constant 0 : i32
        %scatter3A_548 = tpu.memref_slice %arg9[%scatter3A_545, %scatter3A_546, %scatter3A_547] : memref<2x64x128xf32, #tpu.memory_space<vmem>> -> memref<1x64x128xf32, #tpu.memory_space<vmem>>
        %scatter3A_549 = tpu.memref_squeeze %scatter3A_548 : memref<1x64x128xf32, #tpu.memory_space<vmem>> -> memref<64x128xf32, #tpu.memory_space<vmem>>
        tpu.vector_store_idx %scatter3A_549[%add3A_534, %add3A_237], %mul3A_544 : memref<64x128xf32, #tpu.memory_space<vmem>>[vector<16xi32>, vector<16xi32>], vector<16xf32>,
        %add3A_550 = arith.constant 13 : i32
        %add3A_551 = vector.broadcast %add3A_550 : i32 to vector<16xi32>
        %add3A_552 = arith.addi %iota3A, %add3A_551 : vector<16xi32>
        %and3A_553 = arith.constant 15 : i32
        %and3A_554 = vector.broadcast %and3A_553 : i32 to vector<16xi32>
        %and3A_555 = arith.andi %add3A_552, %and3A_554 : vector<16xi32>
        %add3A_556 = arith.constant 0 : i32
        %add3A_557 = vector.broadcast %add3A_556 : i32 to vector<16xi32>
        %add3A_558 = arith.addi %and3A_555, %add3A_557 : vector<16xi32>
        %add3A_559 = arith.addi %get3A_239, %add3A_558 : vector<16xi32>
        %gather3A_560 = arith.constant 1 : i32
        %gather3A_561 = arith.constant 0 : i32
        %gather3A_562 = arith.constant 0 : i32
        %gather3A_563 = tpu.memref_slice %arg8[%gather3A_560, %gather3A_561, %gather3A_562] : memref<2x128x128xf32, #tpu.memory_space<vmem>> -> memref<1x128x128xf32, #tpu.memory_space<vmem>>
        %gather3A_564 = tpu.memref_squeeze %gather3A_563 : memref<1x128x128xf32, #tpu.memory_space<vmem>> -> memref<128x128xf32, #tpu.memory_space<vmem>>
        %gather3A_565 = tpu.vector_load_idx %gather3A_564[%add3A_237, %add3A_559] : memref<128x128xf32, #tpu.memory_space<vmem>>[vector<16xi32>, vector<16xi32>], vector<16xf32>,
        %mul3A_566 = arith.constant 8.000000e+00 : f32
        %mul3A_567 = vector.broadcast %mul3A_566 : f32 to vector<16xf32>
        %mul3A_568 = arith.mulf %gather3A_565, %mul3A_567 : vector<16xf32>
        %scatter3A_569 = arith.constant 1 : i32
        %scatter3A_570 = arith.constant 0 : i32
        %scatter3A_571 = arith.constant 0 : i32
        %scatter3A_572 = tpu.memref_slice %arg9[%scatter3A_569, %scatter3A_570, %scatter3A_571] : memref<2x64x128xf32, #tpu.memory_space<vmem>> -> memref<1x64x128xf32, #tpu.memory_space<vmem>>
        %scatter3A_573 = tpu.memref_squeeze %scatter3A_572 : memref<1x64x128xf32, #tpu.memory_space<vmem>> -> memref<64x128xf32, #tpu.memory_space<vmem>>
        tpu.vector_store_idx %scatter3A_573[%add3A_558, %add3A_237], %mul3A_568 : memref<64x128xf32, #tpu.memory_space<vmem>>[vector<16xi32>, vector<16xi32>], vector<16xf32>,
        %add3A_574 = arith.constant 14 : i32
        %add3A_575 = vector.broadcast %add3A_574 : i32 to vector<16xi32>
        %add3A_576 = arith.addi %iota3A, %add3A_575 : vector<16xi32>
        %and3A_577 = arith.constant 15 : i32
        %and3A_578 = vector.broadcast %and3A_577 : i32 to vector<16xi32>
        %and3A_579 = arith.andi %add3A_576, %and3A_578 : vector<16xi32>
        %add3A_580 = arith.constant 0 : i32
        %add3A_581 = vector.broadcast %add3A_580 : i32 to vector<16xi32>
        %add3A_582 = arith.addi %and3A_579, %add3A_581 : vector<16xi32>
        %add3A_583 = arith.addi %get3A_239, %add3A_582 : vector<16xi32>
        %gather3A_584 = arith.constant 1 : i32
        %gather3A_585 = arith.constant 0 : i32
        %gather3A_586 = arith.constant 0 : i32
        %gather3A_587 = tpu.memref_slice %arg8[%gather3A_584, %gather3A_585, %gather3A_586] : memref<2x128x128xf32, #tpu.memory_space<vmem>> -> memref<1x128x128xf32, #tpu.memory_space<vmem>>
        %gather3A_588 = tpu.memref_squeeze %gather3A_587 : memref<1x128x128xf32, #tpu.memory_space<vmem>> -> memref<128x128xf32, #tpu.memory_space<vmem>>
        %gather3A_589 = tpu.vector_load_idx %gather3A_588[%add3A_237, %add3A_583] : memref<128x128xf32, #tpu.memory_space<vmem>>[vector<16xi32>, vector<16xi32>], vector<16xf32>,
        %mul3A_590 = arith.constant 8.000000e+00 : f32
        %mul3A_591 = vector.broadcast %mul3A_590 : f32 to vector<16xf32>
        %mul3A_592 = arith.mulf %gather3A_589, %mul3A_591 : vector<16xf32>
        %scatter3A_593 = arith.constant 1 : i32
        %scatter3A_594 = arith.constant 0 : i32
        %scatter3A_595 = arith.constant 0 : i32
        %scatter3A_596 = tpu.memref_slice %arg9[%scatter3A_593, %scatter3A_594, %scatter3A_595] : memref<2x64x128xf32, #tpu.memory_space<vmem>> -> memref<1x64x128xf32, #tpu.memory_space<vmem>>
        %scatter3A_597 = tpu.memref_squeeze %scatter3A_596 : memref<1x64x128xf32, #tpu.memory_space<vmem>> -> memref<64x128xf32, #tpu.memory_space<vmem>>
        tpu.vector_store_idx %scatter3A_597[%add3A_582, %add3A_237], %mul3A_592 : memref<64x128xf32, #tpu.memory_space<vmem>>[vector<16xi32>, vector<16xi32>], vector<16xf32>,
        %add3A_598 = arith.constant 15 : i32
        %add3A_599 = vector.broadcast %add3A_598 : i32 to vector<16xi32>
        %add3A_600 = arith.addi %iota3A, %add3A_599 : vector<16xi32>
        %and3A_601 = arith.constant 15 : i32
        %and3A_602 = vector.broadcast %and3A_601 : i32 to vector<16xi32>
        %and3A_603 = arith.andi %add3A_600, %and3A_602 : vector<16xi32>
        %add3A_604 = arith.constant 0 : i32
        %add3A_605 = vector.broadcast %add3A_604 : i32 to vector<16xi32>
        %add3A_606 = arith.addi %and3A_603, %add3A_605 : vector<16xi32>
        %add3A_607 = arith.addi %get3A_239, %add3A_606 : vector<16xi32>
        %gather3A_608 = arith.constant 1 : i32
        %gather3A_609 = arith.constant 0 : i32
        %gather3A_610 = arith.constant 0 : i32
        %gather3A_611 = tpu.memref_slice %arg8[%gather3A_608, %gather3A_609, %gather3A_610] : memref<2x128x128xf32, #tpu.memory_space<vmem>> -> memref<1x128x128xf32, #tpu.memory_space<vmem>>
        %gather3A_612 = tpu.memref_squeeze %gather3A_611 : memref<1x128x128xf32, #tpu.memory_space<vmem>> -> memref<128x128xf32, #tpu.memory_space<vmem>>
        %gather3A_613 = tpu.vector_load_idx %gather3A_612[%add3A_237, %add3A_607] : memref<128x128xf32, #tpu.memory_space<vmem>>[vector<16xi32>, vector<16xi32>], vector<16xf32>,
        %mul3A_614 = arith.constant 8.000000e+00 : f32
        %mul3A_615 = vector.broadcast %mul3A_614 : f32 to vector<16xf32>
        %mul3A_616 = arith.mulf %gather3A_613, %mul3A_615 : vector<16xf32>
        %scatter3A_617 = arith.constant 1 : i32
        %scatter3A_618 = arith.constant 0 : i32
        %scatter3A_619 = arith.constant 0 : i32
        %scatter3A_620 = tpu.memref_slice %arg9[%scatter3A_617, %scatter3A_618, %scatter3A_619] : memref<2x64x128xf32, #tpu.memory_space<vmem>> -> memref<1x64x128xf32, #tpu.memory_space<vmem>>
        %scatter3A_621 = tpu.memref_squeeze %scatter3A_620 : memref<1x64x128xf32, #tpu.memory_space<vmem>> -> memref<64x128xf32, #tpu.memory_space<vmem>>
        tpu.vector_store_idx %scatter3A_621[%add3A_606, %add3A_237], %mul3A_616 : memref<64x128xf32, #tpu.memory_space<vmem>>[vector<16xi32>, vector<16xi32>], vector<16xf32>,
        %add3A_622 = arith.constant 0 : i32
        %add3A_623 = vector.broadcast %add3A_622 : i32 to vector<16xi32>
        %add3A_624 = arith.addi %iota3A, %add3A_623 : vector<16xi32>
        %and3A_625 = arith.constant 15 : i32
        %and3A_626 = vector.broadcast %and3A_625 : i32 to vector<16xi32>
        %and3A_627 = arith.andi %add3A_624, %and3A_626 : vector<16xi32>
        %add3A_628 = arith.constant 16 : i32
        %add3A_629 = vector.broadcast %add3A_628 : i32 to vector<16xi32>
        %add3A_630 = arith.addi %and3A_627, %add3A_629 : vector<16xi32>
        %add3A_631 = arith.addi %get3A_239, %add3A_630 : vector<16xi32>
        %gather3A_632 = arith.constant 1 : i32
        %gather3A_633 = arith.constant 0 : i32
        %gather3A_634 = arith.constant 0 : i32
        %gather3A_635 = tpu.memref_slice %arg8[%gather3A_632, %gather3A_633, %gather3A_634] : memref<2x128x128xf32, #tpu.memory_space<vmem>> -> memref<1x128x128xf32, #tpu.memory_space<vmem>>
        %gather3A_636 = tpu.memref_squeeze %gather3A_635 : memref<1x128x128xf32, #tpu.memory_space<vmem>> -> memref<128x128xf32, #tpu.memory_space<vmem>>
        %gather3A_637 = tpu.vector_load_idx %gather3A_636[%add3A_237, %add3A_631] : memref<128x128xf32, #tpu.memory_space<vmem>>[vector<16xi32>, vector<16xi32>], vector<16xf32>,
        %mul3A_638 = arith.constant 8.000000e+00 : f32
        %mul3A_639 = vector.broadcast %mul3A_638 : f32 to vector<16xf32>
        %mul3A_640 = arith.mulf %gather3A_637, %mul3A_639 : vector<16xf32>
        %scatter3A_641 = arith.constant 1 : i32
        %scatter3A_642 = arith.constant 0 : i32
        %scatter3A_643 = arith.constant 0 : i32
        %scatter3A_644 = tpu.memref_slice %arg9[%scatter3A_641, %scatter3A_642, %scatter3A_643] : memref<2x64x128xf32, #tpu.memory_space<vmem>> -> memref<1x64x128xf32, #tpu.memory_space<vmem>>
        %scatter3A_645 = tpu.memref_squeeze %scatter3A_644 : memref<1x64x128xf32, #tpu.memory_space<vmem>> -> memref<64x128xf32, #tpu.memory_space<vmem>>
        tpu.vector_store_idx %scatter3A_645[%add3A_630, %add3A_237], %mul3A_640 : memref<64x128xf32, #tpu.memory_space<vmem>>[vector<16xi32>, vector<16xi32>], vector<16xf32>,
        %add3A_646 = arith.constant 1 : i32
        %add3A_647 = vector.broadcast %add3A_646 : i32 to vector<16xi32>
        %add3A_648 = arith.addi %iota3A, %add3A_647 : vector<16xi32>
        %and3A_649 = arith.constant 15 : i32
        %and3A_650 = vector.broadcast %and3A_649 : i32 to vector<16xi32>
        %and3A_651 = arith.andi %add3A_648, %and3A_650 : vector<16xi32>
        %add3A_652 = arith.constant 16 : i32
        %add3A_653 = vector.broadcast %add3A_652 : i32 to vector<16xi32>
        %add3A_654 = arith.addi %and3A_651, %add3A_653 : vector<16xi32>
        %add3A_655 = arith.addi %get3A_239, %add3A_654 : vector<16xi32>
        %gather3A_656 = arith.constant 1 : i32
        %gather3A_657 = arith.constant 0 : i32
        %gather3A_658 = arith.constant 0 : i32
        %gather3A_659 = tpu.memref_slice %arg8[%gather3A_656, %gather3A_657, %gather3A_658] : memref<2x128x128xf32, #tpu.memory_space<vmem>> -> memref<1x128x128xf32, #tpu.memory_space<vmem>>
        %gather3A_660 = tpu.memref_squeeze %gather3A_659 : memref<1x128x128xf32, #tpu.memory_space<vmem>> -> memref<128x128xf32, #tpu.memory_space<vmem>>
        %gather3A_661 = tpu.vector_load_idx %gather3A_660[%add3A_237, %add3A_655] : memref<128x128xf32, #tpu.memory_space<vmem>>[vector<16xi32>, vector<16xi32>], vector<16xf32>,
        %mul3A_662 = arith.constant 8.000000e+00 : f32
        %mul3A_663 = vector.broadcast %mul3A_662 : f32 to vector<16xf32>
        %mul3A_664 = arith.mulf %gather3A_661, %mul3A_663 : vector<16xf32>
        %scatter3A_665 = arith.constant 1 : i32
        %scatter3A_666 = arith.constant 0 : i32
        %scatter3A_667 = arith.constant 0 : i32
        %scatter3A_668 = tpu.memref_slice %arg9[%scatter3A_665, %scatter3A_666, %scatter3A_667] : memref<2x64x128xf32, #tpu.memory_space<vmem>> -> memref<1x64x128xf32, #tpu.memory_space<vmem>>
        %scatter3A_669 = tpu.memref_squeeze %scatter3A_668 : memref<1x64x128xf32, #tpu.memory_space<vmem>> -> memref<64x128xf32, #tpu.memory_space<vmem>>
        tpu.vector_store_idx %scatter3A_669[%add3A_654, %add3A_237], %mul3A_664 : memref<64x128xf32, #tpu.memory_space<vmem>>[vector<16xi32>, vector<16xi32>], vector<16xf32>,
        %add3A_670 = arith.constant 2 : i32
        %add3A_671 = vector.broadcast %add3A_670 : i32 to vector<16xi32>
        %add3A_672 = arith.addi %iota3A, %add3A_671 : vector<16xi32>
        %and3A_673 = arith.constant 15 : i32
        %and3A_674 = vector.broadcast %and3A_673 : i32 to vector<16xi32>
        %and3A_675 = arith.andi %add3A_672, %and3A_674 : vector<16xi32>
        %add3A_676 = arith.constant 16 : i32
        %add3A_677 = vector.broadcast %add3A_676 : i32 to vector<16xi32>
        %add3A_678 = arith.addi %and3A_675, %add3A_677 : vector<16xi32>
        %add3A_679 = arith.addi %get3A_239, %add3A_678 : vector<16xi32>
        %gather3A_680 = arith.constant 1 : i32
        %gather3A_681 = arith.constant 0 : i32
        %gather3A_682 = arith.constant 0 : i32
        %gather3A_683 = tpu.memref_slice %arg8[%gather3A_680, %gather3A_681, %gather3A_682] : memref<2x128x128xf32, #tpu.memory_space<vmem>> -> memref<1x128x128xf32, #tpu.memory_space<vmem>>
        %gather3A_684 = tpu.memref_squeeze %gather3A_683 : memref<1x128x128xf32, #tpu.memory_space<vmem>> -> memref<128x128xf32, #tpu.memory_space<vmem>>
        %gather3A_685 = tpu.vector_load_idx %gather3A_684[%add3A_237, %add3A_679] : memref<128x128xf32, #tpu.memory_space<vmem>>[vector<16xi32>, vector<16xi32>], vector<16xf32>,
        %mul3A_686 = arith.constant 8.000000e+00 : f32
        %mul3A_687 = vector.broadcast %mul3A_686 : f32 to vector<16xf32>
        %mul3A_688 = arith.mulf %gather3A_685, %mul3A_687 : vector<16xf32>
        %scatter3A_689 = arith.constant 1 : i32
        %scatter3A_690 = arith.constant 0 : i32
        %scatter3A_691 = arith.constant 0 : i32
        %scatter3A_692 = tpu.memref_slice %arg9[%scatter3A_689, %scatter3A_690, %scatter3A_691] : memref<2x64x128xf32, #tpu.memory_space<vmem>> -> memref<1x64x128xf32, #tpu.memory_space<vmem>>
        %scatter3A_693 = tpu.memref_squeeze %scatter3A_692 : memref<1x64x128xf32, #tpu.memory_space<vmem>> -> memref<64x128xf32, #tpu.memory_space<vmem>>
        tpu.vector_store_idx %scatter3A_693[%add3A_678, %add3A_237], %mul3A_688 : memref<64x128xf32, #tpu.memory_space<vmem>>[vector<16xi32>, vector<16xi32>], vector<16xf32>,
        %add3A_694 = arith.constant 3 : i32
        %add3A_695 = vector.broadcast %add3A_694 : i32 to vector<16xi32>
        %add3A_696 = arith.addi %iota3A, %add3A_695 : vector<16xi32>
        %and3A_697 = arith.constant 15 : i32
        %and3A_698 = vector.broadcast %and3A_697 : i32 to vector<16xi32>
        %and3A_699 = arith.andi %add3A_696, %and3A_698 : vector<16xi32>
        %add3A_700 = arith.constant 16 : i32
        %add3A_701 = vector.broadcast %add3A_700 : i32 to vector<16xi32>
        %add3A_702 = arith.addi %and3A_699, %add3A_701 : vector<16xi32>
        %add3A_703 = arith.addi %get3A_239, %add3A_702 : vector<16xi32>
        %gather3A_704 = arith.constant 1 : i32
        %gather3A_705 = arith.constant 0 : i32
        %gather3A_706 = arith.constant 0 : i32
        %gather3A_707 = tpu.memref_slice %arg8[%gather3A_704, %gather3A_705, %gather3A_706] : memref<2x128x128xf32, #tpu.memory_space<vmem>> -> memref<1x128x128xf32, #tpu.memory_space<vmem>>
        %gather3A_708 = tpu.memref_squeeze %gather3A_707 : memref<1x128x128xf32, #tpu.memory_space<vmem>> -> memref<128x128xf32, #tpu.memory_space<vmem>>
        %gather3A_709 = tpu.vector_load_idx %gather3A_708[%add3A_237, %add3A_703] : memref<128x128xf32, #tpu.memory_space<vmem>>[vector<16xi32>, vector<16xi32>], vector<16xf32>,
        %mul3A_710 = arith.constant 8.000000e+00 : f32
        %mul3A_711 = vector.broadcast %mul3A_710 : f32 to vector<16xf32>
        %mul3A_712 = arith.mulf %gather3A_709, %mul3A_711 : vector<16xf32>
        %scatter3A_713 = arith.constant 1 : i32
        %scatter3A_714 = arith.constant 0 : i32
        %scatter3A_715 = arith.constant 0 : i32
        %scatter3A_716 = tpu.memref_slice %arg9[%scatter3A_713, %scatter3A_714, %scatter3A_715] : memref<2x64x128xf32, #tpu.memory_space<vmem>> -> memref<1x64x128xf32, #tpu.memory_space<vmem>>
        %scatter3A_717 = tpu.memref_squeeze %scatter3A_716 : memref<1x64x128xf32, #tpu.memory_space<vmem>> -> memref<64x128xf32, #tpu.memory_space<vmem>>
        tpu.vector_store_idx %scatter3A_717[%add3A_702, %add3A_237], %mul3A_712 : memref<64x128xf32, #tpu.memory_space<vmem>>[vector<16xi32>, vector<16xi32>], vector<16xf32>,
        %add3A_718 = arith.constant 4 : i32
        %add3A_719 = vector.broadcast %add3A_718 : i32 to vector<16xi32>
        %add3A_720 = arith.addi %iota3A, %add3A_719 : vector<16xi32>
        %and3A_721 = arith.constant 15 : i32
        %and3A_722 = vector.broadcast %and3A_721 : i32 to vector<16xi32>
        %and3A_723 = arith.andi %add3A_720, %and3A_722 : vector<16xi32>
        %add3A_724 = arith.constant 16 : i32
        %add3A_725 = vector.broadcast %add3A_724 : i32 to vector<16xi32>
        %add3A_726 = arith.addi %and3A_723, %add3A_725 : vector<16xi32>
        %add3A_727 = arith.addi %get3A_239, %add3A_726 : vector<16xi32>
        %gather3A_728 = arith.constant 1 : i32
        %gather3A_729 = arith.constant 0 : i32
        %gather3A_730 = arith.constant 0 : i32
        %gather3A_731 = tpu.memref_slice %arg8[%gather3A_728, %gather3A_729, %gather3A_730] : memref<2x128x128xf32, #tpu.memory_space<vmem>> -> memref<1x128x128xf32, #tpu.memory_space<vmem>>
        %gather3A_732 = tpu.memref_squeeze %gather3A_731 : memref<1x128x128xf32, #tpu.memory_space<vmem>> -> memref<128x128xf32, #tpu.memory_space<vmem>>
        %gather3A_733 = tpu.vector_load_idx %gather3A_732[%add3A_237, %add3A_727] : memref<128x128xf32, #tpu.memory_space<vmem>>[vector<16xi32>, vector<16xi32>], vector<16xf32>,
        %mul3A_734 = arith.constant 8.000000e+00 : f32
        %mul3A_735 = vector.broadcast %mul3A_734 : f32 to vector<16xf32>
        %mul3A_736 = arith.mulf %gather3A_733, %mul3A_735 : vector<16xf32>
        %scatter3A_737 = arith.constant 1 : i32
        %scatter3A_738 = arith.constant 0 : i32
        %scatter3A_739 = arith.constant 0 : i32
        %scatter3A_740 = tpu.memref_slice %arg9[%scatter3A_737, %scatter3A_738, %scatter3A_739] : memref<2x64x128xf32, #tpu.memory_space<vmem>> -> memref<1x64x128xf32, #tpu.memory_space<vmem>>
        %scatter3A_741 = tpu.memref_squeeze %scatter3A_740 : memref<1x64x128xf32, #tpu.memory_space<vmem>> -> memref<64x128xf32, #tpu.memory_space<vmem>>
        tpu.vector_store_idx %scatter3A_741[%add3A_726, %add3A_237], %mul3A_736 : memref<64x128xf32, #tpu.memory_space<vmem>>[vector<16xi32>, vector<16xi32>], vector<16xf32>,
        %add3A_742 = arith.constant 5 : i32
        %add3A_743 = vector.broadcast %add3A_742 : i32 to vector<16xi32>
        %add3A_744 = arith.addi %iota3A, %add3A_743 : vector<16xi32>
        %and3A_745 = arith.constant 15 : i32
        %and3A_746 = vector.broadcast %and3A_745 : i32 to vector<16xi32>
        %and3A_747 = arith.andi %add3A_744, %and3A_746 : vector<16xi32>
        %add3A_748 = arith.constant 16 : i32
        %add3A_749 = vector.broadcast %add3A_748 : i32 to vector<16xi32>
        %add3A_750 = arith.addi %and3A_747, %add3A_749 : vector<16xi32>
        %add3A_751 = arith.addi %get3A_239, %add3A_750 : vector<16xi32>
        %gather3A_752 = arith.constant 1 : i32
        %gather3A_753 = arith.constant 0 : i32
        %gather3A_754 = arith.constant 0 : i32
        %gather3A_755 = tpu.memref_slice %arg8[%gather3A_752, %gather3A_753, %gather3A_754] : memref<2x128x128xf32, #tpu.memory_space<vmem>> -> memref<1x128x128xf32, #tpu.memory_space<vmem>>
        %gather3A_756 = tpu.memref_squeeze %gather3A_755 : memref<1x128x128xf32, #tpu.memory_space<vmem>> -> memref<128x128xf32, #tpu.memory_space<vmem>>
        %gather3A_757 = tpu.vector_load_idx %gather3A_756[%add3A_237, %add3A_751] : memref<128x128xf32, #tpu.memory_space<vmem>>[vector<16xi32>, vector<16xi32>], vector<16xf32>,
        %mul3A_758 = arith.constant 8.000000e+00 : f32
        %mul3A_759 = vector.broadcast %mul3A_758 : f32 to vector<16xf32>
        %mul3A_760 = arith.mulf %gather3A_757, %mul3A_759 : vector<16xf32>
        %scatter3A_761 = arith.constant 1 : i32
        %scatter3A_762 = arith.constant 0 : i32
        %scatter3A_763 = arith.constant 0 : i32
        %scatter3A_764 = tpu.memref_slice %arg9[%scatter3A_761, %scatter3A_762, %scatter3A_763] : memref<2x64x128xf32, #tpu.memory_space<vmem>> -> memref<1x64x128xf32, #tpu.memory_space<vmem>>
        %scatter3A_765 = tpu.memref_squeeze %scatter3A_764 : memref<1x64x128xf32, #tpu.memory_space<vmem>> -> memref<64x128xf32, #tpu.memory_space<vmem>>
        tpu.vector_store_idx %scatter3A_765[%add3A_750, %add3A_237], %mul3A_760 : memref<64x128xf32, #tpu.memory_space<vmem>>[vector<16xi32>, vector<16xi32>], vector<16xf32>,
        %add3A_766 = arith.constant 6 : i32
        %add3A_767 = vector.broadcast %add3A_766 : i32 to vector<16xi32>
        %add3A_768 = arith.addi %iota3A, %add3A_767 : vector<16xi32>
        %and3A_769 = arith.constant 15 : i32
        %and3A_770 = vector.broadcast %and3A_769 : i32 to vector<16xi32>
        %and3A_771 = arith.andi %add3A_768, %and3A_770 : vector<16xi32>
        %add3A_772 = arith.constant 16 : i32
        %add3A_773 = vector.broadcast %add3A_772 : i32 to vector<16xi32>
        %add3A_774 = arith.addi %and3A_771, %add3A_773 : vector<16xi32>
        %add3A_775 = arith.addi %get3A_239, %add3A_774 : vector<16xi32>
        %gather3A_776 = arith.constant 1 : i32
        %gather3A_777 = arith.constant 0 : i32
        %gather3A_778 = arith.constant 0 : i32
        %gather3A_779 = tpu.memref_slice %arg8[%gather3A_776, %gather3A_777, %gather3A_778] : memref<2x128x128xf32, #tpu.memory_space<vmem>> -> memref<1x128x128xf32, #tpu.memory_space<vmem>>
        %gather3A_780 = tpu.memref_squeeze %gather3A_779 : memref<1x128x128xf32, #tpu.memory_space<vmem>> -> memref<128x128xf32, #tpu.memory_space<vmem>>
        %gather3A_781 = tpu.vector_load_idx %gather3A_780[%add3A_237, %add3A_775] : memref<128x128xf32, #tpu.memory_space<vmem>>[vector<16xi32>, vector<16xi32>], vector<16xf32>,
        %mul3A_782 = arith.constant 8.000000e+00 : f32
        %mul3A_783 = vector.broadcast %mul3A_782 : f32 to vector<16xf32>
        %mul3A_784 = arith.mulf %gather3A_781, %mul3A_783 : vector<16xf32>
        %scatter3A_785 = arith.constant 1 : i32
        %scatter3A_786 = arith.constant 0 : i32
        %scatter3A_787 = arith.constant 0 : i32
        %scatter3A_788 = tpu.memref_slice %arg9[%scatter3A_785, %scatter3A_786, %scatter3A_787] : memref<2x64x128xf32, #tpu.memory_space<vmem>> -> memref<1x64x128xf32, #tpu.memory_space<vmem>>
        %scatter3A_789 = tpu.memref_squeeze %scatter3A_788 : memref<1x64x128xf32, #tpu.memory_space<vmem>> -> memref<64x128xf32, #tpu.memory_space<vmem>>
        tpu.vector_store_idx %scatter3A_789[%add3A_774, %add3A_237], %mul3A_784 : memref<64x128xf32, #tpu.memory_space<vmem>>[vector<16xi32>, vector<16xi32>], vector<16xf32>,
        %add3A_790 = arith.constant 7 : i32
        %add3A_791 = vector.broadcast %add3A_790 : i32 to vector<16xi32>
        %add3A_792 = arith.addi %iota3A, %add3A_791 : vector<16xi32>
        %and3A_793 = arith.constant 15 : i32
        %and3A_794 = vector.broadcast %and3A_793 : i32 to vector<16xi32>
        %and3A_795 = arith.andi %add3A_792, %and3A_794 : vector<16xi32>
        %add3A_796 = arith.constant 16 : i32
        %add3A_797 = vector.broadcast %add3A_796 : i32 to vector<16xi32>
        %add3A_798 = arith.addi %and3A_795, %add3A_797 : vector<16xi32>
        %add3A_799 = arith.addi %get3A_239, %add3A_798 : vector<16xi32>
        %gather3A_800 = arith.constant 1 : i32
        %gather3A_801 = arith.constant 0 : i32
        %gather3A_802 = arith.constant 0 : i32
        %gather3A_803 = tpu.memref_slice %arg8[%gather3A_800, %gather3A_801, %gather3A_802] : memref<2x128x128xf32, #tpu.memory_space<vmem>> -> memref<1x128x128xf32, #tpu.memory_space<vmem>>
        %gather3A_804 = tpu.memref_squeeze %gather3A_803 : memref<1x128x128xf32, #tpu.memory_space<vmem>> -> memref<128x128xf32, #tpu.memory_space<vmem>>
        %gather3A_805 = tpu.vector_load_idx %gather3A_804[%add3A_237, %add3A_799] : memref<128x128xf32, #tpu.memory_space<vmem>>[vector<16xi32>, vector<16xi32>], vector<16xf32>,
        %mul3A_806 = arith.constant 8.000000e+00 : f32
        %mul3A_807 = vector.broadcast %mul3A_806 : f32 to vector<16xf32>
        %mul3A_808 = arith.mulf %gather3A_805, %mul3A_807 : vector<16xf32>
        %scatter3A_809 = arith.constant 1 : i32
        %scatter3A_810 = arith.constant 0 : i32
        %scatter3A_811 = arith.constant 0 : i32
        %scatter3A_812 = tpu.memref_slice %arg9[%scatter3A_809, %scatter3A_810, %scatter3A_811] : memref<2x64x128xf32, #tpu.memory_space<vmem>> -> memref<1x64x128xf32, #tpu.memory_space<vmem>>
        %scatter3A_813 = tpu.memref_squeeze %scatter3A_812 : memref<1x64x128xf32, #tpu.memory_space<vmem>> -> memref<64x128xf32, #tpu.memory_space<vmem>>
        tpu.vector_store_idx %scatter3A_813[%add3A_798, %add3A_237], %mul3A_808 : memref<64x128xf32, #tpu.memory_space<vmem>>[vector<16xi32>, vector<16xi32>], vector<16xf32>,
        %add3A_814 = arith.constant 8 : i32
        %add3A_815 = vector.broadcast %add3A_814 : i32 to vector<16xi32>
        %add3A_816 = arith.addi %iota3A, %add3A_815 : vector<16xi32>
        %and3A_817 = arith.constant 15 : i32
        %and3A_818 = vector.broadcast %and3A_817 : i32 to vector<16xi32>
        %and3A_819 = arith.andi %add3A_816, %and3A_818 : vector<16xi32>
        %add3A_820 = arith.constant 16 : i32
        %add3A_821 = vector.broadcast %add3A_820 : i32 to vector<16xi32>
        %add3A_822 = arith.addi %and3A_819, %add3A_821 : vector<16xi32>
        %add3A_823 = arith.addi %get3A_239, %add3A_822 : vector<16xi32>
        %gather3A_824 = arith.constant 1 : i32
        %gather3A_825 = arith.constant 0 : i32
        %gather3A_826 = arith.constant 0 : i32
        %gather3A_827 = tpu.memref_slice %arg8[%gather3A_824, %gather3A_825, %gather3A_826] : memref<2x128x128xf32, #tpu.memory_space<vmem>> -> memref<1x128x128xf32, #tpu.memory_space<vmem>>
        %gather3A_828 = tpu.memref_squeeze %gather3A_827 : memref<1x128x128xf32, #tpu.memory_space<vmem>> -> memref<128x128xf32, #tpu.memory_space<vmem>>
        %gather3A_829 = tpu.vector_load_idx %gather3A_828[%add3A_237, %add3A_823] : memref<128x128xf32, #tpu.memory_space<vmem>>[vector<16xi32>, vector<16xi32>], vector<16xf32>,
        %mul3A_830 = arith.constant 8.000000e+00 : f32
        %mul3A_831 = vector.broadcast %mul3A_830 : f32 to vector<16xf32>
        %mul3A_832 = arith.mulf %gather3A_829, %mul3A_831 : vector<16xf32>
        %scatter3A_833 = arith.constant 1 : i32
        %scatter3A_834 = arith.constant 0 : i32
        %scatter3A_835 = arith.constant 0 : i32
        %scatter3A_836 = tpu.memref_slice %arg9[%scatter3A_833, %scatter3A_834, %scatter3A_835] : memref<2x64x128xf32, #tpu.memory_space<vmem>> -> memref<1x64x128xf32, #tpu.memory_space<vmem>>
        %scatter3A_837 = tpu.memref_squeeze %scatter3A_836 : memref<1x64x128xf32, #tpu.memory_space<vmem>> -> memref<64x128xf32, #tpu.memory_space<vmem>>
        tpu.vector_store_idx %scatter3A_837[%add3A_822, %add3A_237], %mul3A_832 : memref<64x128xf32, #tpu.memory_space<vmem>>[vector<16xi32>, vector<16xi32>], vector<16xf32>,
        %add3A_838 = arith.constant 9 : i32
        %add3A_839 = vector.broadcast %add3A_838 : i32 to vector<16xi32>
        %add3A_840 = arith.addi %iota3A, %add3A_839 : vector<16xi32>
        %and3A_841 = arith.constant 15 : i32
        %and3A_842 = vector.broadcast %and3A_841 : i32 to vector<16xi32>
        %and3A_843 = arith.andi %add3A_840, %and3A_842 : vector<16xi32>
        %add3A_844 = arith.constant 16 : i32
        %add3A_845 = vector.broadcast %add3A_844 : i32 to vector<16xi32>
        %add3A_846 = arith.addi %and3A_843, %add3A_845 : vector<16xi32>
        %add3A_847 = arith.addi %get3A_239, %add3A_846 : vector<16xi32>
        %gather3A_848 = arith.constant 1 : i32
        %gather3A_849 = arith.constant 0 : i32
        %gather3A_850 = arith.constant 0 : i32
        %gather3A_851 = tpu.memref_slice %arg8[%gather3A_848, %gather3A_849, %gather3A_850] : memref<2x128x128xf32, #tpu.memory_space<vmem>> -> memref<1x128x128xf32, #tpu.memory_space<vmem>>
        %gather3A_852 = tpu.memref_squeeze %gather3A_851 : memref<1x128x128xf32, #tpu.memory_space<vmem>> -> memref<128x128xf32, #tpu.memory_space<vmem>>
        %gather3A_853 = tpu.vector_load_idx %gather3A_852[%add3A_237, %add3A_847] : memref<128x128xf32, #tpu.memory_space<vmem>>[vector<16xi32>, vector<16xi32>], vector<16xf32>,
        %mul3A_854 = arith.constant 8.000000e+00 : f32
        %mul3A_855 = vector.broadcast %mul3A_854 : f32 to vector<16xf32>
        %mul3A_856 = arith.mulf %gather3A_853, %mul3A_855 : vector<16xf32>
        %scatter3A_857 = arith.constant 1 : i32
        %scatter3A_858 = arith.constant 0 : i32
        %scatter3A_859 = arith.constant 0 : i32
        %scatter3A_860 = tpu.memref_slice %arg9[%scatter3A_857, %scatter3A_858, %scatter3A_859] : memref<2x64x128xf32, #tpu.memory_space<vmem>> -> memref<1x64x128xf32, #tpu.memory_space<vmem>>
        %scatter3A_861 = tpu.memref_squeeze %scatter3A_860 : memref<1x64x128xf32, #tpu.memory_space<vmem>> -> memref<64x128xf32, #tpu.memory_space<vmem>>
        tpu.vector_store_idx %scatter3A_861[%add3A_846, %add3A_237], %mul3A_856 : memref<64x128xf32, #tpu.memory_space<vmem>>[vector<16xi32>, vector<16xi32>], vector<16xf32>,
        %add3A_862 = arith.constant 10 : i32
        %add3A_863 = vector.broadcast %add3A_862 : i32 to vector<16xi32>
        %add3A_864 = arith.addi %iota3A, %add3A_863 : vector<16xi32>
        %and3A_865 = arith.constant 15 : i32
        %and3A_866 = vector.broadcast %and3A_865 : i32 to vector<16xi32>
        %and3A_867 = arith.andi %add3A_864, %and3A_866 : vector<16xi32>
        %add3A_868 = arith.constant 16 : i32
        %add3A_869 = vector.broadcast %add3A_868 : i32 to vector<16xi32>
        %add3A_870 = arith.addi %and3A_867, %add3A_869 : vector<16xi32>
        %add3A_871 = arith.addi %get3A_239, %add3A_870 : vector<16xi32>
        %gather3A_872 = arith.constant 1 : i32
        %gather3A_873 = arith.constant 0 : i32
        %gather3A_874 = arith.constant 0 : i32
        %gather3A_875 = tpu.memref_slice %arg8[%gather3A_872, %gather3A_873, %gather3A_874] : memref<2x128x128xf32, #tpu.memory_space<vmem>> -> memref<1x128x128xf32, #tpu.memory_space<vmem>>
        %gather3A_876 = tpu.memref_squeeze %gather3A_875 : memref<1x128x128xf32, #tpu.memory_space<vmem>> -> memref<128x128xf32, #tpu.memory_space<vmem>>
        %gather3A_877 = tpu.vector_load_idx %gather3A_876[%add3A_237, %add3A_871] : memref<128x128xf32, #tpu.memory_space<vmem>>[vector<16xi32>, vector<16xi32>], vector<16xf32>,
        %mul3A_878 = arith.constant 8.000000e+00 : f32
        %mul3A_879 = vector.broadcast %mul3A_878 : f32 to vector<16xf32>
        %mul3A_880 = arith.mulf %gather3A_877, %mul3A_879 : vector<16xf32>
        %scatter3A_881 = arith.constant 1 : i32
        %scatter3A_882 = arith.constant 0 : i32
        %scatter3A_883 = arith.constant 0 : i32
        %scatter3A_884 = tpu.memref_slice %arg9[%scatter3A_881, %scatter3A_882, %scatter3A_883] : memref<2x64x128xf32, #tpu.memory_space<vmem>> -> memref<1x64x128xf32, #tpu.memory_space<vmem>>
        %scatter3A_885 = tpu.memref_squeeze %scatter3A_884 : memref<1x64x128xf32, #tpu.memory_space<vmem>> -> memref<64x128xf32, #tpu.memory_space<vmem>>
        tpu.vector_store_idx %scatter3A_885[%add3A_870, %add3A_237], %mul3A_880 : memref<64x128xf32, #tpu.memory_space<vmem>>[vector<16xi32>, vector<16xi32>], vector<16xf32>,
        %add3A_886 = arith.constant 11 : i32
        %add3A_887 = vector.broadcast %add3A_886 : i32 to vector<16xi32>
        %add3A_888 = arith.addi %iota3A, %add3A_887 : vector<16xi32>
        %and3A_889 = arith.constant 15 : i32
        %and3A_890 = vector.broadcast %and3A_889 : i32 to vector<16xi32>
        %and3A_891 = arith.andi %add3A_888, %and3A_890 : vector<16xi32>
        %add3A_892 = arith.constant 16 : i32
        %add3A_893 = vector.broadcast %add3A_892 : i32 to vector<16xi32>
        %add3A_894 = arith.addi %and3A_891, %add3A_893 : vector<16xi32>
        %add3A_895 = arith.addi %get3A_239, %add3A_894 : vector<16xi32>
        %gather3A_896 = arith.constant 1 : i32
        %gather3A_897 = arith.constant 0 : i32
        %gather3A_898 = arith.constant 0 : i32
        %gather3A_899 = tpu.memref_slice %arg8[%gather3A_896, %gather3A_897, %gather3A_898] : memref<2x128x128xf32, #tpu.memory_space<vmem>> -> memref<1x128x128xf32, #tpu.memory_space<vmem>>
        %gather3A_900 = tpu.memref_squeeze %gather3A_899 : memref<1x128x128xf32, #tpu.memory_space<vmem>> -> memref<128x128xf32, #tpu.memory_space<vmem>>
        %gather3A_901 = tpu.vector_load_idx %gather3A_900[%add3A_237, %add3A_895] : memref<128x128xf32, #tpu.memory_space<vmem>>[vector<16xi32>, vector<16xi32>], vector<16xf32>,
        %mul3A_902 = arith.constant 8.000000e+00 : f32
        %mul3A_903 = vector.broadcast %mul3A_902 : f32 to vector<16xf32>
        %mul3A_904 = arith.mulf %gather3A_901, %mul3A_903 : vector<16xf32>
        %scatter3A_905 = arith.constant 1 : i32
        %scatter3A_906 = arith.constant 0 : i32
        %scatter3A_907 = arith.constant 0 : i32
        %scatter3A_908 = tpu.memref_slice %arg9[%scatter3A_905, %scatter3A_906, %scatter3A_907] : memref<2x64x128xf32, #tpu.memory_space<vmem>> -> memref<1x64x128xf32, #tpu.memory_space<vmem>>
        %scatter3A_909 = tpu.memref_squeeze %scatter3A_908 : memref<1x64x128xf32, #tpu.memory_space<vmem>> -> memref<64x128xf32, #tpu.memory_space<vmem>>
        tpu.vector_store_idx %scatter3A_909[%add3A_894, %add3A_237], %mul3A_904 : memref<64x128xf32, #tpu.memory_space<vmem>>[vector<16xi32>, vector<16xi32>], vector<16xf32>,
        %add3A_910 = arith.constant 12 : i32
        %add3A_911 = vector.broadcast %add3A_910 : i32 to vector<16xi32>
        %add3A_912 = arith.addi %iota3A, %add3A_911 : vector<16xi32>
        %and3A_913 = arith.constant 15 : i32
        %and3A_914 = vector.broadcast %and3A_913 : i32 to vector<16xi32>
        %and3A_915 = arith.andi %add3A_912, %and3A_914 : vector<16xi32>
        %add3A_916 = arith.constant 16 : i32
        %add3A_917 = vector.broadcast %add3A_916 : i32 to vector<16xi32>
        %add3A_918 = arith.addi %and3A_915, %add3A_917 : vector<16xi32>
        %add3A_919 = arith.addi %get3A_239, %add3A_918 : vector<16xi32>
        %gather3A_920 = arith.constant 1 : i32
        %gather3A_921 = arith.constant 0 : i32
        %gather3A_922 = arith.constant 0 : i32
        %gather3A_923 = tpu.memref_slice %arg8[%gather3A_920, %gather3A_921, %gather3A_922] : memref<2x128x128xf32, #tpu.memory_space<vmem>> -> memref<1x128x128xf32, #tpu.memory_space<vmem>>
        %gather3A_924 = tpu.memref_squeeze %gather3A_923 : memref<1x128x128xf32, #tpu.memory_space<vmem>> -> memref<128x128xf32, #tpu.memory_space<vmem>>
        %gather3A_925 = tpu.vector_load_idx %gather3A_924[%add3A_237, %add3A_919] : memref<128x128xf32, #tpu.memory_space<vmem>>[vector<16xi32>, vector<16xi32>], vector<16xf32>,
        %mul3A_926 = arith.constant 8.000000e+00 : f32
        %mul3A_927 = vector.broadcast %mul3A_926 : f32 to vector<16xf32>
        %mul3A_928 = arith.mulf %gather3A_925, %mul3A_927 : vector<16xf32>
        %scatter3A_929 = arith.constant 1 : i32
        %scatter3A_930 = arith.constant 0 : i32
        %scatter3A_931 = arith.constant 0 : i32
        %scatter3A_932 = tpu.memref_slice %arg9[%scatter3A_929, %scatter3A_930, %scatter3A_931] : memref<2x64x128xf32, #tpu.memory_space<vmem>> -> memref<1x64x128xf32, #tpu.memory_space<vmem>>
        %scatter3A_933 = tpu.memref_squeeze %scatter3A_932 : memref<1x64x128xf32, #tpu.memory_space<vmem>> -> memref<64x128xf32, #tpu.memory_space<vmem>>
        tpu.vector_store_idx %scatter3A_933[%add3A_918, %add3A_237], %mul3A_928 : memref<64x128xf32, #tpu.memory_space<vmem>>[vector<16xi32>, vector<16xi32>], vector<16xf32>,
        %add3A_934 = arith.constant 13 : i32
        %add3A_935 = vector.broadcast %add3A_934 : i32 to vector<16xi32>
        %add3A_936 = arith.addi %iota3A, %add3A_935 : vector<16xi32>
        %and3A_937 = arith.constant 15 : i32
        %and3A_938 = vector.broadcast %and3A_937 : i32 to vector<16xi32>
        %and3A_939 = arith.andi %add3A_936, %and3A_938 : vector<16xi32>
        %add3A_940 = arith.constant 16 : i32
        %add3A_941 = vector.broadcast %add3A_940 : i32 to vector<16xi32>
        %add3A_942 = arith.addi %and3A_939, %add3A_941 : vector<16xi32>
        %add3A_943 = arith.addi %get3A_239, %add3A_942 : vector<16xi32>
        %gather3A_944 = arith.constant 1 : i32
        %gather3A_945 = arith.constant 0 : i32
        %gather3A_946 = arith.constant 0 : i32
        %gather3A_947 = tpu.memref_slice %arg8[%gather3A_944, %gather3A_945, %gather3A_946] : memref<2x128x128xf32, #tpu.memory_space<vmem>> -> memref<1x128x128xf32, #tpu.memory_space<vmem>>
        %gather3A_948 = tpu.memref_squeeze %gather3A_947 : memref<1x128x128xf32, #tpu.memory_space<vmem>> -> memref<128x128xf32, #tpu.memory_space<vmem>>
        %gather3A_949 = tpu.vector_load_idx %gather3A_948[%add3A_237, %add3A_943] : memref<128x128xf32, #tpu.memory_space<vmem>>[vector<16xi32>, vector<16xi32>], vector<16xf32>,
        %mul3A_950 = arith.constant 8.000000e+00 : f32
        %mul3A_951 = vector.broadcast %mul3A_950 : f32 to vector<16xf32>
        %mul3A_952 = arith.mulf %gather3A_949, %mul3A_951 : vector<16xf32>
        %scatter3A_953 = arith.constant 1 : i32
        %scatter3A_954 = arith.constant 0 : i32
        %scatter3A_955 = arith.constant 0 : i32
        %scatter3A_956 = tpu.memref_slice %arg9[%scatter3A_953, %scatter3A_954, %scatter3A_955] : memref<2x64x128xf32, #tpu.memory_space<vmem>> -> memref<1x64x128xf32, #tpu.memory_space<vmem>>
        %scatter3A_957 = tpu.memref_squeeze %scatter3A_956 : memref<1x64x128xf32, #tpu.memory_space<vmem>> -> memref<64x128xf32, #tpu.memory_space<vmem>>
        tpu.vector_store_idx %scatter3A_957[%add3A_942, %add3A_237], %mul3A_952 : memref<64x128xf32, #tpu.memory_space<vmem>>[vector<16xi32>, vector<16xi32>], vector<16xf32>,
        %add3A_958 = arith.constant 14 : i32
        %add3A_959 = vector.broadcast %add3A_958 : i32 to vector<16xi32>
        %add3A_960 = arith.addi %iota3A, %add3A_959 : vector<16xi32>
        %and3A_961 = arith.constant 15 : i32
        %and3A_962 = vector.broadcast %and3A_961 : i32 to vector<16xi32>
        %and3A_963 = arith.andi %add3A_960, %and3A_962 : vector<16xi32>
        %add3A_964 = arith.constant 16 : i32
        %add3A_965 = vector.broadcast %add3A_964 : i32 to vector<16xi32>
        %add3A_966 = arith.addi %and3A_963, %add3A_965 : vector<16xi32>
        %add3A_967 = arith.addi %get3A_239, %add3A_966 : vector<16xi32>
        %gather3A_968 = arith.constant 1 : i32
        %gather3A_969 = arith.constant 0 : i32
        %gather3A_970 = arith.constant 0 : i32
        %gather3A_971 = tpu.memref_slice %arg8[%gather3A_968, %gather3A_969, %gather3A_970] : memref<2x128x128xf32, #tpu.memory_space<vmem>> -> memref<1x128x128xf32, #tpu.memory_space<vmem>>
        %gather3A_972 = tpu.memref_squeeze %gather3A_971 : memref<1x128x128xf32, #tpu.memory_space<vmem>> -> memref<128x128xf32, #tpu.memory_space<vmem>>
        %gather3A_973 = tpu.vector_load_idx %gather3A_972[%add3A_237, %add3A_967] : memref<128x128xf32, #tpu.memory_space<vmem>>[vector<16xi32>, vector<16xi32>], vector<16xf32>,
        %mul3A_974 = arith.constant 8.000000e+00 : f32
        %mul3A_975 = vector.broadcast %mul3A_974 : f32 to vector<16xf32>
        %mul3A_976 = arith.mulf %gather3A_973, %mul3A_975 : vector<16xf32>
        %scatter3A_977 = arith.constant 1 : i32
        %scatter3A_978 = arith.constant 0 : i32
        %scatter3A_979 = arith.constant 0 : i32
        %scatter3A_980 = tpu.memref_slice %arg9[%scatter3A_977, %scatter3A_978, %scatter3A_979] : memref<2x64x128xf32, #tpu.memory_space<vmem>> -> memref<1x64x128xf32, #tpu.memory_space<vmem>>
        %scatter3A_981 = tpu.memref_squeeze %scatter3A_980 : memref<1x64x128xf32, #tpu.memory_space<vmem>> -> memref<64x128xf32, #tpu.memory_space<vmem>>
        tpu.vector_store_idx %scatter3A_981[%add3A_966, %add3A_237], %mul3A_976 : memref<64x128xf32, #tpu.memory_space<vmem>>[vector<16xi32>, vector<16xi32>], vector<16xf32>,
        %add3A_982 = arith.constant 15 : i32
        %add3A_983 = vector.broadcast %add3A_982 : i32 to vector<16xi32>
        %add3A_984 = arith.addi %iota3A, %add3A_983 : vector<16xi32>
        %and3A_985 = arith.constant 15 : i32
        %and3A_986 = vector.broadcast %and3A_985 : i32 to vector<16xi32>
        %and3A_987 = arith.andi %add3A_984, %and3A_986 : vector<16xi32>
        %add3A_988 = arith.constant 16 : i32
        %add3A_989 = vector.broadcast %add3A_988 : i32 to vector<16xi32>
        %add3A_990 = arith.addi %and3A_987, %add3A_989 : vector<16xi32>
        %add3A_991 = arith.addi %get3A_239, %add3A_990 : vector<16xi32>
        %gather3A_992 = arith.constant 1 : i32
        %gather3A_993 = arith.constant 0 : i32
        %gather3A_994 = arith.constant 0 : i32
        %gather3A_995 = tpu.memref_slice %arg8[%gather3A_992, %gather3A_993, %gather3A_994] : memref<2x128x128xf32, #tpu.memory_space<vmem>> -> memref<1x128x128xf32, #tpu.memory_space<vmem>>
        %gather3A_996 = tpu.memref_squeeze %gather3A_995 : memref<1x128x128xf32, #tpu.memory_space<vmem>> -> memref<128x128xf32, #tpu.memory_space<vmem>>
        %gather3A_997 = tpu.vector_load_idx %gather3A_996[%add3A_237, %add3A_991] : memref<128x128xf32, #tpu.memory_space<vmem>>[vector<16xi32>, vector<16xi32>], vector<16xf32>,
        %mul3A_998 = arith.constant 8.000000e+00 : f32
        %mul3A_999 = vector.broadcast %mul3A_998 : f32 to vector<16xf32>
        %mul3A_1000 = arith.mulf %gather3A_997, %mul3A_999 : vector<16xf32>
        %scatter3A_1001 = arith.constant 1 : i32
        %scatter3A_1002 = arith.constant 0 : i32
        %scatter3A_1003 = arith.constant 0 : i32
        %scatter3A_1004 = tpu.memref_slice %arg9[%scatter3A_1001, %scatter3A_1002, %scatter3A_1003] : memref<2x64x128xf32, #tpu.memory_space<vmem>> -> memref<1x64x128xf32, #tpu.memory_space<vmem>>
        %scatter3A_1005 = tpu.memref_squeeze %scatter3A_1004 : memref<1x64x128xf32, #tpu.memory_space<vmem>> -> memref<64x128xf32, #tpu.memory_space<vmem>>
        tpu.vector_store_idx %scatter3A_1005[%add3A_990, %add3A_237], %mul3A_1000 : memref<64x128xf32, #tpu.memory_space<vmem>>[vector<16xi32>, vector<16xi32>], vector<16xf32>,
        %add3A_1006 = arith.constant 0 : i32
        %add3A_1007 = vector.broadcast %add3A_1006 : i32 to vector<16xi32>
        %add3A_1008 = arith.addi %iota3A, %add3A_1007 : vector<16xi32>
        %and3A_1009 = arith.constant 15 : i32
        %and3A_1010 = vector.broadcast %and3A_1009 : i32 to vector<16xi32>
        %and3A_1011 = arith.andi %add3A_1008, %and3A_1010 : vector<16xi32>
        %add3A_1012 = arith.constant 32 : i32
        %add3A_1013 = vector.broadcast %add3A_1012 : i32 to vector<16xi32>
        %add3A_1014 = arith.addi %and3A_1011, %add3A_1013 : vector<16xi32>
        %add3A_1015 = arith.addi %get3A_239, %add3A_1014 : vector<16xi32>
        %gather3A_1016 = arith.constant 1 : i32
        %gather3A_1017 = arith.constant 0 : i32
        %gather3A_1018 = arith.constant 0 : i32
        %gather3A_1019 = tpu.memref_slice %arg8[%gather3A_1016, %gather3A_1017, %gather3A_1018] : memref<2x128x128xf32, #tpu.memory_space<vmem>> -> memref<1x128x128xf32, #tpu.memory_space<vmem>>
        %gather3A_1020 = tpu.memref_squeeze %gather3A_1019 : memref<1x128x128xf32, #tpu.memory_space<vmem>> -> memref<128x128xf32, #tpu.memory_space<vmem>>
        %gather3A_1021 = tpu.vector_load_idx %gather3A_1020[%add3A_237, %add3A_1015] : memref<128x128xf32, #tpu.memory_space<vmem>>[vector<16xi32>, vector<16xi32>], vector<16xf32>,
        %mul3A_1022 = arith.constant 8.000000e+00 : f32
        %mul3A_1023 = vector.broadcast %mul3A_1022 : f32 to vector<16xf32>
        %mul3A_1024 = arith.mulf %gather3A_1021, %mul3A_1023 : vector<16xf32>
        %scatter3A_1025 = arith.constant 1 : i32
        %scatter3A_1026 = arith.constant 0 : i32
        %scatter3A_1027 = arith.constant 0 : i32
        %scatter3A_1028 = tpu.memref_slice %arg9[%scatter3A_1025, %scatter3A_1026, %scatter3A_1027] : memref<2x64x128xf32, #tpu.memory_space<vmem>> -> memref<1x64x128xf32, #tpu.memory_space<vmem>>
        %scatter3A_1029 = tpu.memref_squeeze %scatter3A_1028 : memref<1x64x128xf32, #tpu.memory_space<vmem>> -> memref<64x128xf32, #tpu.memory_space<vmem>>
        tpu.vector_store_idx %scatter3A_1029[%add3A_1014, %add3A_237], %mul3A_1024 : memref<64x128xf32, #tpu.memory_space<vmem>>[vector<16xi32>, vector<16xi32>], vector<16xf32>,
        %add3A_1030 = arith.constant 1 : i32
        %add3A_1031 = vector.broadcast %add3A_1030 : i32 to vector<16xi32>
        %add3A_1032 = arith.addi %iota3A, %add3A_1031 : vector<16xi32>
        %and3A_1033 = arith.constant 15 : i32
        %and3A_1034 = vector.broadcast %and3A_1033 : i32 to vector<16xi32>
        %and3A_1035 = arith.andi %add3A_1032, %and3A_1034 : vector<16xi32>
        %add3A_1036 = arith.constant 32 : i32
        %add3A_1037 = vector.broadcast %add3A_1036 : i32 to vector<16xi32>
        %add3A_1038 = arith.addi %and3A_1035, %add3A_1037 : vector<16xi32>
        %add3A_1039 = arith.addi %get3A_239, %add3A_1038 : vector<16xi32>
        %gather3A_1040 = arith.constant 1 : i32
        %gather3A_1041 = arith.constant 0 : i32
        %gather3A_1042 = arith.constant 0 : i32
        %gather3A_1043 = tpu.memref_slice %arg8[%gather3A_1040, %gather3A_1041, %gather3A_1042] : memref<2x128x128xf32, #tpu.memory_space<vmem>> -> memref<1x128x128xf32, #tpu.memory_space<vmem>>
        %gather3A_1044 = tpu.memref_squeeze %gather3A_1043 : memref<1x128x128xf32, #tpu.memory_space<vmem>> -> memref<128x128xf32, #tpu.memory_space<vmem>>
        %gather3A_1045 = tpu.vector_load_idx %gather3A_1044[%add3A_237, %add3A_1039] : memref<128x128xf32, #tpu.memory_space<vmem>>[vector<16xi32>, vector<16xi32>], vector<16xf32>,
        %mul3A_1046 = arith.constant 8.000000e+00 : f32
        %mul3A_1047 = vector.broadcast %mul3A_1046 : f32 to vector<16xf32>
        %mul3A_1048 = arith.mulf %gather3A_1045, %mul3A_1047 : vector<16xf32>
        %scatter3A_1049 = arith.constant 1 : i32
        %scatter3A_1050 = arith.constant 0 : i32
        %scatter3A_1051 = arith.constant 0 : i32
        %scatter3A_1052 = tpu.memref_slice %arg9[%scatter3A_1049, %scatter3A_1050, %scatter3A_1051] : memref<2x64x128xf32, #tpu.memory_space<vmem>> -> memref<1x64x128xf32, #tpu.memory_space<vmem>>
        %scatter3A_1053 = tpu.memref_squeeze %scatter3A_1052 : memref<1x64x128xf32, #tpu.memory_space<vmem>> -> memref<64x128xf32, #tpu.memory_space<vmem>>
        tpu.vector_store_idx %scatter3A_1053[%add3A_1038, %add3A_237], %mul3A_1048 : memref<64x128xf32, #tpu.memory_space<vmem>>[vector<16xi32>, vector<16xi32>], vector<16xf32>,
        %add3A_1054 = arith.constant 2 : i32
        %add3A_1055 = vector.broadcast %add3A_1054 : i32 to vector<16xi32>
        %add3A_1056 = arith.addi %iota3A, %add3A_1055 : vector<16xi32>
        %and3A_1057 = arith.constant 15 : i32
        %and3A_1058 = vector.broadcast %and3A_1057 : i32 to vector<16xi32>
        %and3A_1059 = arith.andi %add3A_1056, %and3A_1058 : vector<16xi32>
        %add3A_1060 = arith.constant 32 : i32
        %add3A_1061 = vector.broadcast %add3A_1060 : i32 to vector<16xi32>
        %add3A_1062 = arith.addi %and3A_1059, %add3A_1061 : vector<16xi32>
        %add3A_1063 = arith.addi %get3A_239, %add3A_1062 : vector<16xi32>
        %gather3A_1064 = arith.constant 1 : i32
        %gather3A_1065 = arith.constant 0 : i32
        %gather3A_1066 = arith.constant 0 : i32
        %gather3A_1067 = tpu.memref_slice %arg8[%gather3A_1064, %gather3A_1065, %gather3A_1066] : memref<2x128x128xf32, #tpu.memory_space<vmem>> -> memref<1x128x128xf32, #tpu.memory_space<vmem>>
        %gather3A_1068 = tpu.memref_squeeze %gather3A_1067 : memref<1x128x128xf32, #tpu.memory_space<vmem>> -> memref<128x128xf32, #tpu.memory_space<vmem>>
        %gather3A_1069 = tpu.vector_load_idx %gather3A_1068[%add3A_237, %add3A_1063] : memref<128x128xf32, #tpu.memory_space<vmem>>[vector<16xi32>, vector<16xi32>], vector<16xf32>,
        %mul3A_1070 = arith.constant 8.000000e+00 : f32
        %mul3A_1071 = vector.broadcast %mul3A_1070 : f32 to vector<16xf32>
        %mul3A_1072 = arith.mulf %gather3A_1069, %mul3A_1071 : vector<16xf32>
        %scatter3A_1073 = arith.constant 1 : i32
        %scatter3A_1074 = arith.constant 0 : i32
        %scatter3A_1075 = arith.constant 0 : i32
        %scatter3A_1076 = tpu.memref_slice %arg9[%scatter3A_1073, %scatter3A_1074, %scatter3A_1075] : memref<2x64x128xf32, #tpu.memory_space<vmem>> -> memref<1x64x128xf32, #tpu.memory_space<vmem>>
        %scatter3A_1077 = tpu.memref_squeeze %scatter3A_1076 : memref<1x64x128xf32, #tpu.memory_space<vmem>> -> memref<64x128xf32, #tpu.memory_space<vmem>>
        tpu.vector_store_idx %scatter3A_1077[%add3A_1062, %add3A_237], %mul3A_1072 : memref<64x128xf32, #tpu.memory_space<vmem>>[vector<16xi32>, vector<16xi32>], vector<16xf32>,
        %add3A_1078 = arith.constant 3 : i32
        %add3A_1079 = vector.broadcast %add3A_1078 : i32 to vector<16xi32>
        %add3A_1080 = arith.addi %iota3A, %add3A_1079 : vector<16xi32>
        %and3A_1081 = arith.constant 15 : i32
        %and3A_1082 = vector.broadcast %and3A_1081 : i32 to vector<16xi32>
        %and3A_1083 = arith.andi %add3A_1080, %and3A_1082 : vector<16xi32>
        %add3A_1084 = arith.constant 32 : i32
        %add3A_1085 = vector.broadcast %add3A_1084 : i32 to vector<16xi32>
        %add3A_1086 = arith.addi %and3A_1083, %add3A_1085 : vector<16xi32>
        %add3A_1087 = arith.addi %get3A_239, %add3A_1086 : vector<16xi32>
        %gather3A_1088 = arith.constant 1 : i32
        %gather3A_1089 = arith.constant 0 : i32
        %gather3A_1090 = arith.constant 0 : i32
        %gather3A_1091 = tpu.memref_slice %arg8[%gather3A_1088, %gather3A_1089, %gather3A_1090] : memref<2x128x128xf32, #tpu.memory_space<vmem>> -> memref<1x128x128xf32, #tpu.memory_space<vmem>>
        %gather3A_1092 = tpu.memref_squeeze %gather3A_1091 : memref<1x128x128xf32, #tpu.memory_space<vmem>> -> memref<128x128xf32, #tpu.memory_space<vmem>>
        %gather3A_1093 = tpu.vector_load_idx %gather3A_1092[%add3A_237, %add3A_1087] : memref<128x128xf32, #tpu.memory_space<vmem>>[vector<16xi32>, vector<16xi32>], vector<16xf32>,
        %mul3A_1094 = arith.constant 8.000000e+00 : f32
        %mul3A_1095 = vector.broadcast %mul3A_1094 : f32 to vector<16xf32>
        %mul3A_1096 = arith.mulf %gather3A_1093, %mul3A_1095 : vector<16xf32>
        %scatter3A_1097 = arith.constant 1 : i32
        %scatter3A_1098 = arith.constant 0 : i32
        %scatter3A_1099 = arith.constant 0 : i32
        %scatter3A_1100 = tpu.memref_slice %arg9[%scatter3A_1097, %scatter3A_1098, %scatter3A_1099] : memref<2x64x128xf32, #tpu.memory_space<vmem>> -> memref<1x64x128xf32, #tpu.memory_space<vmem>>
        %scatter3A_1101 = tpu.memref_squeeze %scatter3A_1100 : memref<1x64x128xf32, #tpu.memory_space<vmem>> -> memref<64x128xf32, #tpu.memory_space<vmem>>
        tpu.vector_store_idx %scatter3A_1101[%add3A_1086, %add3A_237], %mul3A_1096 : memref<64x128xf32, #tpu.memory_space<vmem>>[vector<16xi32>, vector<16xi32>], vector<16xf32>,
        %add3A_1102 = arith.constant 4 : i32
        %add3A_1103 = vector.broadcast %add3A_1102 : i32 to vector<16xi32>
        %add3A_1104 = arith.addi %iota3A, %add3A_1103 : vector<16xi32>
        %and3A_1105 = arith.constant 15 : i32
        %and3A_1106 = vector.broadcast %and3A_1105 : i32 to vector<16xi32>
        %and3A_1107 = arith.andi %add3A_1104, %and3A_1106 : vector<16xi32>
        %add3A_1108 = arith.constant 32 : i32
        %add3A_1109 = vector.broadcast %add3A_1108 : i32 to vector<16xi32>
        %add3A_1110 = arith.addi %and3A_1107, %add3A_1109 : vector<16xi32>
        %add3A_1111 = arith.addi %get3A_239, %add3A_1110 : vector<16xi32>
        %gather3A_1112 = arith.constant 1 : i32
        %gather3A_1113 = arith.constant 0 : i32
        %gather3A_1114 = arith.constant 0 : i32
        %gather3A_1115 = tpu.memref_slice %arg8[%gather3A_1112, %gather3A_1113, %gather3A_1114] : memref<2x128x128xf32, #tpu.memory_space<vmem>> -> memref<1x128x128xf32, #tpu.memory_space<vmem>>
        %gather3A_1116 = tpu.memref_squeeze %gather3A_1115 : memref<1x128x128xf32, #tpu.memory_space<vmem>> -> memref<128x128xf32, #tpu.memory_space<vmem>>
        %gather3A_1117 = tpu.vector_load_idx %gather3A_1116[%add3A_237, %add3A_1111] : memref<128x128xf32, #tpu.memory_space<vmem>>[vector<16xi32>, vector<16xi32>], vector<16xf32>,
        %mul3A_1118 = arith.constant 8.000000e+00 : f32
        %mul3A_1119 = vector.broadcast %mul3A_1118 : f32 to vector<16xf32>
        %mul3A_1120 = arith.mulf %gather3A_1117, %mul3A_1119 : vector<16xf32>
        %scatter3A_1121 = arith.constant 1 : i32
        %scatter3A_1122 = arith.constant 0 : i32
        %scatter3A_1123 = arith.constant 0 : i32
        %scatter3A_1124 = tpu.memref_slice %arg9[%scatter3A_1121, %scatter3A_1122, %scatter3A_1123] : memref<2x64x128xf32, #tpu.memory_space<vmem>> -> memref<1x64x128xf32, #tpu.memory_space<vmem>>
        %scatter3A_1125 = tpu.memref_squeeze %scatter3A_1124 : memref<1x64x128xf32, #tpu.memory_space<vmem>> -> memref<64x128xf32, #tpu.memory_space<vmem>>
        tpu.vector_store_idx %scatter3A_1125[%add3A_1110, %add3A_237], %mul3A_1120 : memref<64x128xf32, #tpu.memory_space<vmem>>[vector<16xi32>, vector<16xi32>], vector<16xf32>,
        %add3A_1126 = arith.constant 5 : i32
        %add3A_1127 = vector.broadcast %add3A_1126 : i32 to vector<16xi32>
        %add3A_1128 = arith.addi %iota3A, %add3A_1127 : vector<16xi32>
        %and3A_1129 = arith.constant 15 : i32
        %and3A_1130 = vector.broadcast %and3A_1129 : i32 to vector<16xi32>
        %and3A_1131 = arith.andi %add3A_1128, %and3A_1130 : vector<16xi32>
        %add3A_1132 = arith.constant 32 : i32
        %add3A_1133 = vector.broadcast %add3A_1132 : i32 to vector<16xi32>
        %add3A_1134 = arith.addi %and3A_1131, %add3A_1133 : vector<16xi32>
        %add3A_1135 = arith.addi %get3A_239, %add3A_1134 : vector<16xi32>
        %gather3A_1136 = arith.constant 1 : i32
        %gather3A_1137 = arith.constant 0 : i32
        %gather3A_1138 = arith.constant 0 : i32
        %gather3A_1139 = tpu.memref_slice %arg8[%gather3A_1136, %gather3A_1137, %gather3A_1138] : memref<2x128x128xf32, #tpu.memory_space<vmem>> -> memref<1x128x128xf32, #tpu.memory_space<vmem>>
        %gather3A_1140 = tpu.memref_squeeze %gather3A_1139 : memref<1x128x128xf32, #tpu.memory_space<vmem>> -> memref<128x128xf32, #tpu.memory_space<vmem>>
        %gather3A_1141 = tpu.vector_load_idx %gather3A_1140[%add3A_237, %add3A_1135] : memref<128x128xf32, #tpu.memory_space<vmem>>[vector<16xi32>, vector<16xi32>], vector<16xf32>,
        %mul3A_1142 = arith.constant 8.000000e+00 : f32
        %mul3A_1143 = vector.broadcast %mul3A_1142 : f32 to vector<16xf32>
        %mul3A_1144 = arith.mulf %gather3A_1141, %mul3A_1143 : vector<16xf32>
        %scatter3A_1145 = arith.constant 1 : i32
        %scatter3A_1146 = arith.constant 0 : i32
        %scatter3A_1147 = arith.constant 0 : i32
        %scatter3A_1148 = tpu.memref_slice %arg9[%scatter3A_1145, %scatter3A_1146, %scatter3A_1147] : memref<2x64x128xf32, #tpu.memory_space<vmem>> -> memref<1x64x128xf32, #tpu.memory_space<vmem>>
        %scatter3A_1149 = tpu.memref_squeeze %scatter3A_1148 : memref<1x64x128xf32, #tpu.memory_space<vmem>> -> memref<64x128xf32, #tpu.memory_space<vmem>>
        tpu.vector_store_idx %scatter3A_1149[%add3A_1134, %add3A_237], %mul3A_1144 : memref<64x128xf32, #tpu.memory_space<vmem>>[vector<16xi32>, vector<16xi32>], vector<16xf32>,
        %add3A_1150 = arith.constant 6 : i32
        %add3A_1151 = vector.broadcast %add3A_1150 : i32 to vector<16xi32>
        %add3A_1152 = arith.addi %iota3A, %add3A_1151 : vector<16xi32>
        %and3A_1153 = arith.constant 15 : i32
        %and3A_1154 = vector.broadcast %and3A_1153 : i32 to vector<16xi32>
        %and3A_1155 = arith.andi %add3A_1152, %and3A_1154 : vector<16xi32>
        %add3A_1156 = arith.constant 32 : i32
        %add3A_1157 = vector.broadcast %add3A_1156 : i32 to vector<16xi32>
        %add3A_1158 = arith.addi %and3A_1155, %add3A_1157 : vector<16xi32>
        %add3A_1159 = arith.addi %get3A_239, %add3A_1158 : vector<16xi32>
        %gather3A_1160 = arith.constant 1 : i32
        %gather3A_1161 = arith.constant 0 : i32
        %gather3A_1162 = arith.constant 0 : i32
        %gather3A_1163 = tpu.memref_slice %arg8[%gather3A_1160, %gather3A_1161, %gather3A_1162] : memref<2x128x128xf32, #tpu.memory_space<vmem>> -> memref<1x128x128xf32, #tpu.memory_space<vmem>>
        %gather3A_1164 = tpu.memref_squeeze %gather3A_1163 : memref<1x128x128xf32, #tpu.memory_space<vmem>> -> memref<128x128xf32, #tpu.memory_space<vmem>>
        %gather3A_1165 = tpu.vector_load_idx %gather3A_1164[%add3A_237, %add3A_1159] : memref<128x128xf32, #tpu.memory_space<vmem>>[vector<16xi32>, vector<16xi32>], vector<16xf32>,
        %mul3A_1166 = arith.constant 8.000000e+00 : f32
        %mul3A_1167 = vector.broadcast %mul3A_1166 : f32 to vector<16xf32>
        %mul3A_1168 = arith.mulf %gather3A_1165, %mul3A_1167 : vector<16xf32>
        %scatter3A_1169 = arith.constant 1 : i32
        %scatter3A_1170 = arith.constant 0 : i32
        %scatter3A_1171 = arith.constant 0 : i32
        %scatter3A_1172 = tpu.memref_slice %arg9[%scatter3A_1169, %scatter3A_1170, %scatter3A_1171] : memref<2x64x128xf32, #tpu.memory_space<vmem>> -> memref<1x64x128xf32, #tpu.memory_space<vmem>>
        %scatter3A_1173 = tpu.memref_squeeze %scatter3A_1172 : memref<1x64x128xf32, #tpu.memory_space<vmem>> -> memref<64x128xf32, #tpu.memory_space<vmem>>
        tpu.vector_store_idx %scatter3A_1173[%add3A_1158, %add3A_237], %mul3A_1168 : memref<64x128xf32, #tpu.memory_space<vmem>>[vector<16xi32>, vector<16xi32>], vector<16xf32>,
        %add3A_1174 = arith.constant 7 : i32
        %add3A_1175 = vector.broadcast %add3A_1174 : i32 to vector<16xi32>
        %add3A_1176 = arith.addi %iota3A, %add3A_1175 : vector<16xi32>
        %and3A_1177 = arith.constant 15 : i32
        %and3A_1178 = vector.broadcast %and3A_1177 : i32 to vector<16xi32>
        %and3A_1179 = arith.andi %add3A_1176, %and3A_1178 : vector<16xi32>
        %add3A_1180 = arith.constant 32 : i32
        %add3A_1181 = vector.broadcast %add3A_1180 : i32 to vector<16xi32>
        %add3A_1182 = arith.addi %and3A_1179, %add3A_1181 : vector<16xi32>
        %add3A_1183 = arith.addi %get3A_239, %add3A_1182 : vector<16xi32>
        %gather3A_1184 = arith.constant 1 : i32
        %gather3A_1185 = arith.constant 0 : i32
        %gather3A_1186 = arith.constant 0 : i32
        %gather3A_1187 = tpu.memref_slice %arg8[%gather3A_1184, %gather3A_1185, %gather3A_1186] : memref<2x128x128xf32, #tpu.memory_space<vmem>> -> memref<1x128x128xf32, #tpu.memory_space<vmem>>
        %gather3A_1188 = tpu.memref_squeeze %gather3A_1187 : memref<1x128x128xf32, #tpu.memory_space<vmem>> -> memref<128x128xf32, #tpu.memory_space<vmem>>
        %gather3A_1189 = tpu.vector_load_idx %gather3A_1188[%add3A_237, %add3A_1183] : memref<128x128xf32, #tpu.memory_space<vmem>>[vector<16xi32>, vector<16xi32>], vector<16xf32>,
        %mul3A_1190 = arith.constant 8.000000e+00 : f32
        %mul3A_1191 = vector.broadcast %mul3A_1190 : f32 to vector<16xf32>
        %mul3A_1192 = arith.mulf %gather3A_1189, %mul3A_1191 : vector<16xf32>
        %scatter3A_1193 = arith.constant 1 : i32
        %scatter3A_1194 = arith.constant 0 : i32
        %scatter3A_1195 = arith.constant 0 : i32
        %scatter3A_1196 = tpu.memref_slice %arg9[%scatter3A_1193, %scatter3A_1194, %scatter3A_1195] : memref<2x64x128xf32, #tpu.memory_space<vmem>> -> memref<1x64x128xf32, #tpu.memory_space<vmem>>
        %scatter3A_1197 = tpu.memref_squeeze %scatter3A_1196 : memref<1x64x128xf32, #tpu.memory_space<vmem>> -> memref<64x128xf32, #tpu.memory_space<vmem>>
        tpu.vector_store_idx %scatter3A_1197[%add3A_1182, %add3A_237], %mul3A_1192 : memref<64x128xf32, #tpu.memory_space<vmem>>[vector<16xi32>, vector<16xi32>], vector<16xf32>,
        %add3A_1198 = arith.constant 8 : i32
        %add3A_1199 = vector.broadcast %add3A_1198 : i32 to vector<16xi32>
        %add3A_1200 = arith.addi %iota3A, %add3A_1199 : vector<16xi32>
        %and3A_1201 = arith.constant 15 : i32
        %and3A_1202 = vector.broadcast %and3A_1201 : i32 to vector<16xi32>
        %and3A_1203 = arith.andi %add3A_1200, %and3A_1202 : vector<16xi32>
        %add3A_1204 = arith.constant 32 : i32
        %add3A_1205 = vector.broadcast %add3A_1204 : i32 to vector<16xi32>
        %add3A_1206 = arith.addi %and3A_1203, %add3A_1205 : vector<16xi32>
        %add3A_1207 = arith.addi %get3A_239, %add3A_1206 : vector<16xi32>
        %gather3A_1208 = arith.constant 1 : i32
        %gather3A_1209 = arith.constant 0 : i32
        %gather3A_1210 = arith.constant 0 : i32
        %gather3A_1211 = tpu.memref_slice %arg8[%gather3A_1208, %gather3A_1209, %gather3A_1210] : memref<2x128x128xf32, #tpu.memory_space<vmem>> -> memref<1x128x128xf32, #tpu.memory_space<vmem>>
        %gather3A_1212 = tpu.memref_squeeze %gather3A_1211 : memref<1x128x128xf32, #tpu.memory_space<vmem>> -> memref<128x128xf32, #tpu.memory_space<vmem>>
        %gather3A_1213 = tpu.vector_load_idx %gather3A_1212[%add3A_237, %add3A_1207] : memref<128x128xf32, #tpu.memory_space<vmem>>[vector<16xi32>, vector<16xi32>], vector<16xf32>,
        %mul3A_1214 = arith.constant 8.000000e+00 : f32
        %mul3A_1215 = vector.broadcast %mul3A_1214 : f32 to vector<16xf32>
        %mul3A_1216 = arith.mulf %gather3A_1213, %mul3A_1215 : vector<16xf32>
        %scatter3A_1217 = arith.constant 1 : i32
        %scatter3A_1218 = arith.constant 0 : i32
        %scatter3A_1219 = arith.constant 0 : i32
        %scatter3A_1220 = tpu.memref_slice %arg9[%scatter3A_1217, %scatter3A_1218, %scatter3A_1219] : memref<2x64x128xf32, #tpu.memory_space<vmem>> -> memref<1x64x128xf32, #tpu.memory_space<vmem>>
        %scatter3A_1221 = tpu.memref_squeeze %scatter3A_1220 : memref<1x64x128xf32, #tpu.memory_space<vmem>> -> memref<64x128xf32, #tpu.memory_space<vmem>>
        tpu.vector_store_idx %scatter3A_1221[%add3A_1206, %add3A_237], %mul3A_1216 : memref<64x128xf32, #tpu.memory_space<vmem>>[vector<16xi32>, vector<16xi32>], vector<16xf32>,
        %add3A_1222 = arith.constant 9 : i32
        %add3A_1223 = vector.broadcast %add3A_1222 : i32 to vector<16xi32>
        %add3A_1224 = arith.addi %iota3A, %add3A_1223 : vector<16xi32>
        %and3A_1225 = arith.constant 15 : i32
        %and3A_1226 = vector.broadcast %and3A_1225 : i32 to vector<16xi32>
        %and3A_1227 = arith.andi %add3A_1224, %and3A_1226 : vector<16xi32>
        %add3A_1228 = arith.constant 32 : i32
        %add3A_1229 = vector.broadcast %add3A_1228 : i32 to vector<16xi32>
        %add3A_1230 = arith.addi %and3A_1227, %add3A_1229 : vector<16xi32>
        %add3A_1231 = arith.addi %get3A_239, %add3A_1230 : vector<16xi32>
        %gather3A_1232 = arith.constant 1 : i32
        %gather3A_1233 = arith.constant 0 : i32
        %gather3A_1234 = arith.constant 0 : i32
        %gather3A_1235 = tpu.memref_slice %arg8[%gather3A_1232, %gather3A_1233, %gather3A_1234] : memref<2x128x128xf32, #tpu.memory_space<vmem>> -> memref<1x128x128xf32, #tpu.memory_space<vmem>>
        %gather3A_1236 = tpu.memref_squeeze %gather3A_1235 : memref<1x128x128xf32, #tpu.memory_space<vmem>> -> memref<128x128xf32, #tpu.memory_space<vmem>>
        %gather3A_1237 = tpu.vector_load_idx %gather3A_1236[%add3A_237, %add3A_1231] : memref<128x128xf32, #tpu.memory_space<vmem>>[vector<16xi32>, vector<16xi32>], vector<16xf32>,
        %mul3A_1238 = arith.constant 8.000000e+00 : f32
        %mul3A_1239 = vector.broadcast %mul3A_1238 : f32 to vector<16xf32>
        %mul3A_1240 = arith.mulf %gather3A_1237, %mul3A_1239 : vector<16xf32>
        %scatter3A_1241 = arith.constant 1 : i32
        %scatter3A_1242 = arith.constant 0 : i32
        %scatter3A_1243 = arith.constant 0 : i32
        %scatter3A_1244 = tpu.memref_slice %arg9[%scatter3A_1241, %scatter3A_1242, %scatter3A_1243] : memref<2x64x128xf32, #tpu.memory_space<vmem>> -> memref<1x64x128xf32, #tpu.memory_space<vmem>>
        %scatter3A_1245 = tpu.memref_squeeze %scatter3A_1244 : memref<1x64x128xf32, #tpu.memory_space<vmem>> -> memref<64x128xf32, #tpu.memory_space<vmem>>
        tpu.vector_store_idx %scatter3A_1245[%add3A_1230, %add3A_237], %mul3A_1240 : memref<64x128xf32, #tpu.memory_space<vmem>>[vector<16xi32>, vector<16xi32>], vector<16xf32>,
        %add3A_1246 = arith.constant 10 : i32
        %add3A_1247 = vector.broadcast %add3A_1246 : i32 to vector<16xi32>
        %add3A_1248 = arith.addi %iota3A, %add3A_1247 : vector<16xi32>
        %and3A_1249 = arith.constant 15 : i32
        %and3A_1250 = vector.broadcast %and3A_1249 : i32 to vector<16xi32>
        %and3A_1251 = arith.andi %add3A_1248, %and3A_1250 : vector<16xi32>
        %add3A_1252 = arith.constant 32 : i32
        %add3A_1253 = vector.broadcast %add3A_1252 : i32 to vector<16xi32>
        %add3A_1254 = arith.addi %and3A_1251, %add3A_1253 : vector<16xi32>
        %add3A_1255 = arith.addi %get3A_239, %add3A_1254 : vector<16xi32>
        %gather3A_1256 = arith.constant 1 : i32
        %gather3A_1257 = arith.constant 0 : i32
        %gather3A_1258 = arith.constant 0 : i32
        %gather3A_1259 = tpu.memref_slice %arg8[%gather3A_1256, %gather3A_1257, %gather3A_1258] : memref<2x128x128xf32, #tpu.memory_space<vmem>> -> memref<1x128x128xf32, #tpu.memory_space<vmem>>
        %gather3A_1260 = tpu.memref_squeeze %gather3A_1259 : memref<1x128x128xf32, #tpu.memory_space<vmem>> -> memref<128x128xf32, #tpu.memory_space<vmem>>
        %gather3A_1261 = tpu.vector_load_idx %gather3A_1260[%add3A_237, %add3A_1255] : memref<128x128xf32, #tpu.memory_space<vmem>>[vector<16xi32>, vector<16xi32>], vector<16xf32>,
        %mul3A_1262 = arith.constant 8.000000e+00 : f32
        %mul3A_1263 = vector.broadcast %mul3A_1262 : f32 to vector<16xf32>
        %mul3A_1264 = arith.mulf %gather3A_1261, %mul3A_1263 : vector<16xf32>
        %scatter3A_1265 = arith.constant 1 : i32
        %scatter3A_1266 = arith.constant 0 : i32
        %scatter3A_1267 = arith.constant 0 : i32
        %scatter3A_1268 = tpu.memref_slice %arg9[%scatter3A_1265, %scatter3A_1266, %scatter3A_1267] : memref<2x64x128xf32, #tpu.memory_space<vmem>> -> memref<1x64x128xf32, #tpu.memory_space<vmem>>
        %scatter3A_1269 = tpu.memref_squeeze %scatter3A_1268 : memref<1x64x128xf32, #tpu.memory_space<vmem>> -> memref<64x128xf32, #tpu.memory_space<vmem>>
        tpu.vector_store_idx %scatter3A_1269[%add3A_1254, %add3A_237], %mul3A_1264 : memref<64x128xf32, #tpu.memory_space<vmem>>[vector<16xi32>, vector<16xi32>], vector<16xf32>,
        %add3A_1270 = arith.constant 11 : i32
        %add3A_1271 = vector.broadcast %add3A_1270 : i32 to vector<16xi32>
        %add3A_1272 = arith.addi %iota3A, %add3A_1271 : vector<16xi32>
        %and3A_1273 = arith.constant 15 : i32
        %and3A_1274 = vector.broadcast %and3A_1273 : i32 to vector<16xi32>
        %and3A_1275 = arith.andi %add3A_1272, %and3A_1274 : vector<16xi32>
        %add3A_1276 = arith.constant 32 : i32
        %add3A_1277 = vector.broadcast %add3A_1276 : i32 to vector<16xi32>
        %add3A_1278 = arith.addi %and3A_1275, %add3A_1277 : vector<16xi32>
        %add3A_1279 = arith.addi %get3A_239, %add3A_1278 : vector<16xi32>
        %gather3A_1280 = arith.constant 1 : i32
        %gather3A_1281 = arith.constant 0 : i32
        %gather3A_1282 = arith.constant 0 : i32
        %gather3A_1283 = tpu.memref_slice %arg8[%gather3A_1280, %gather3A_1281, %gather3A_1282] : memref<2x128x128xf32, #tpu.memory_space<vmem>> -> memref<1x128x128xf32, #tpu.memory_space<vmem>>
        %gather3A_1284 = tpu.memref_squeeze %gather3A_1283 : memref<1x128x128xf32, #tpu.memory_space<vmem>> -> memref<128x128xf32, #tpu.memory_space<vmem>>
        %gather3A_1285 = tpu.vector_load_idx %gather3A_1284[%add3A_237, %add3A_1279] : memref<128x128xf32, #tpu.memory_space<vmem>>[vector<16xi32>, vector<16xi32>], vector<16xf32>,
        %mul3A_1286 = arith.constant 8.000000e+00 : f32
        %mul3A_1287 = vector.broadcast %mul3A_1286 : f32 to vector<16xf32>
        %mul3A_1288 = arith.mulf %gather3A_1285, %mul3A_1287 : vector<16xf32>
        %scatter3A_1289 = arith.constant 1 : i32
        %scatter3A_1290 = arith.constant 0 : i32
        %scatter3A_1291 = arith.constant 0 : i32
        %scatter3A_1292 = tpu.memref_slice %arg9[%scatter3A_1289, %scatter3A_1290, %scatter3A_1291] : memref<2x64x128xf32, #tpu.memory_space<vmem>> -> memref<1x64x128xf32, #tpu.memory_space<vmem>>
        %scatter3A_1293 = tpu.memref_squeeze %scatter3A_1292 : memref<1x64x128xf32, #tpu.memory_space<vmem>> -> memref<64x128xf32, #tpu.memory_space<vmem>>
        tpu.vector_store_idx %scatter3A_1293[%add3A_1278, %add3A_237], %mul3A_1288 : memref<64x128xf32, #tpu.memory_space<vmem>>[vector<16xi32>, vector<16xi32>], vector<16xf32>,
        %add3A_1294 = arith.constant 12 : i32
        %add3A_1295 = vector.broadcast %add3A_1294 : i32 to vector<16xi32>
        %add3A_1296 = arith.addi %iota3A, %add3A_1295 : vector<16xi32>
        %and3A_1297 = arith.constant 15 : i32
        %and3A_1298 = vector.broadcast %and3A_1297 : i32 to vector<16xi32>
        %and3A_1299 = arith.andi %add3A_1296, %and3A_1298 : vector<16xi32>
        %add3A_1300 = arith.constant 32 : i32
        %add3A_1301 = vector.broadcast %add3A_1300 : i32 to vector<16xi32>
        %add3A_1302 = arith.addi %and3A_1299, %add3A_1301 : vector<16xi32>
        %add3A_1303 = arith.addi %get3A_239, %add3A_1302 : vector<16xi32>
        %gather3A_1304 = arith.constant 1 : i32
        %gather3A_1305 = arith.constant 0 : i32
        %gather3A_1306 = arith.constant 0 : i32
        %gather3A_1307 = tpu.memref_slice %arg8[%gather3A_1304, %gather3A_1305, %gather3A_1306] : memref<2x128x128xf32, #tpu.memory_space<vmem>> -> memref<1x128x128xf32, #tpu.memory_space<vmem>>
        %gather3A_1308 = tpu.memref_squeeze %gather3A_1307 : memref<1x128x128xf32, #tpu.memory_space<vmem>> -> memref<128x128xf32, #tpu.memory_space<vmem>>
        %gather3A_1309 = tpu.vector_load_idx %gather3A_1308[%add3A_237, %add3A_1303] : memref<128x128xf32, #tpu.memory_space<vmem>>[vector<16xi32>, vector<16xi32>], vector<16xf32>,
        %mul3A_1310 = arith.constant 8.000000e+00 : f32
        %mul3A_1311 = vector.broadcast %mul3A_1310 : f32 to vector<16xf32>
        %mul3A_1312 = arith.mulf %gather3A_1309, %mul3A_1311 : vector<16xf32>
        %scatter3A_1313 = arith.constant 1 : i32
        %scatter3A_1314 = arith.constant 0 : i32
        %scatter3A_1315 = arith.constant 0 : i32
        %scatter3A_1316 = tpu.memref_slice %arg9[%scatter3A_1313, %scatter3A_1314, %scatter3A_1315] : memref<2x64x128xf32, #tpu.memory_space<vmem>> -> memref<1x64x128xf32, #tpu.memory_space<vmem>>
        %scatter3A_1317 = tpu.memref_squeeze %scatter3A_1316 : memref<1x64x128xf32, #tpu.memory_space<vmem>> -> memref<64x128xf32, #tpu.memory_space<vmem>>
        tpu.vector_store_idx %scatter3A_1317[%add3A_1302, %add3A_237], %mul3A_1312 : memref<64x128xf32, #tpu.memory_space<vmem>>[vector<16xi32>, vector<16xi32>], vector<16xf32>,
        %add3A_1318 = arith.constant 13 : i32
        %add3A_1319 = vector.broadcast %add3A_1318 : i32 to vector<16xi32>
        %add3A_1320 = arith.addi %iota3A, %add3A_1319 : vector<16xi32>
        %and3A_1321 = arith.constant 15 : i32
        %and3A_1322 = vector.broadcast %and3A_1321 : i32 to vector<16xi32>
        %and3A_1323 = arith.andi %add3A_1320, %and3A_1322 : vector<16xi32>
        %add3A_1324 = arith.constant 32 : i32
        %add3A_1325 = vector.broadcast %add3A_1324 : i32 to vector<16xi32>
        %add3A_1326 = arith.addi %and3A_1323, %add3A_1325 : vector<16xi32>
        %add3A_1327 = arith.addi %get3A_239, %add3A_1326 : vector<16xi32>
        %gather3A_1328 = arith.constant 1 : i32
        %gather3A_1329 = arith.constant 0 : i32
        %gather3A_1330 = arith.constant 0 : i32
        %gather3A_1331 = tpu.memref_slice %arg8[%gather3A_1328, %gather3A_1329, %gather3A_1330] : memref<2x128x128xf32, #tpu.memory_space<vmem>> -> memref<1x128x128xf32, #tpu.memory_space<vmem>>
        %gather3A_1332 = tpu.memref_squeeze %gather3A_1331 : memref<1x128x128xf32, #tpu.memory_space<vmem>> -> memref<128x128xf32, #tpu.memory_space<vmem>>
        %gather3A_1333 = tpu.vector_load_idx %gather3A_1332[%add3A_237, %add3A_1327] : memref<128x128xf32, #tpu.memory_space<vmem>>[vector<16xi32>, vector<16xi32>], vector<16xf32>,
        %mul3A_1334 = arith.constant 8.000000e+00 : f32
        %mul3A_1335 = vector.broadcast %mul3A_1334 : f32 to vector<16xf32>
        %mul3A_1336 = arith.mulf %gather3A_1333, %mul3A_1335 : vector<16xf32>
        %scatter3A_1337 = arith.constant 1 : i32
        %scatter3A_1338 = arith.constant 0 : i32
        %scatter3A_1339 = arith.constant 0 : i32
        %scatter3A_1340 = tpu.memref_slice %arg9[%scatter3A_1337, %scatter3A_1338, %scatter3A_1339] : memref<2x64x128xf32, #tpu.memory_space<vmem>> -> memref<1x64x128xf32, #tpu.memory_space<vmem>>
        %scatter3A_1341 = tpu.memref_squeeze %scatter3A_1340 : memref<1x64x128xf32, #tpu.memory_space<vmem>> -> memref<64x128xf32, #tpu.memory_space<vmem>>
        tpu.vector_store_idx %scatter3A_1341[%add3A_1326, %add3A_237], %mul3A_1336 : memref<64x128xf32, #tpu.memory_space<vmem>>[vector<16xi32>, vector<16xi32>], vector<16xf32>,
        %add3A_1342 = arith.constant 14 : i32
        %add3A_1343 = vector.broadcast %add3A_1342 : i32 to vector<16xi32>
        %add3A_1344 = arith.addi %iota3A, %add3A_1343 : vector<16xi32>
        %and3A_1345 = arith.constant 15 : i32
        %and3A_1346 = vector.broadcast %and3A_1345 : i32 to vector<16xi32>
        %and3A_1347 = arith.andi %add3A_1344, %and3A_1346 : vector<16xi32>
        %add3A_1348 = arith.constant 32 : i32
        %add3A_1349 = vector.broadcast %add3A_1348 : i32 to vector<16xi32>
        %add3A_1350 = arith.addi %and3A_1347, %add3A_1349 : vector<16xi32>
        %add3A_1351 = arith.addi %get3A_239, %add3A_1350 : vector<16xi32>
        %gather3A_1352 = arith.constant 1 : i32
        %gather3A_1353 = arith.constant 0 : i32
        %gather3A_1354 = arith.constant 0 : i32
        %gather3A_1355 = tpu.memref_slice %arg8[%gather3A_1352, %gather3A_1353, %gather3A_1354] : memref<2x128x128xf32, #tpu.memory_space<vmem>> -> memref<1x128x128xf32, #tpu.memory_space<vmem>>
        %gather3A_1356 = tpu.memref_squeeze %gather3A_1355 : memref<1x128x128xf32, #tpu.memory_space<vmem>> -> memref<128x128xf32, #tpu.memory_space<vmem>>
        %gather3A_1357 = tpu.vector_load_idx %gather3A_1356[%add3A_237, %add3A_1351] : memref<128x128xf32, #tpu.memory_space<vmem>>[vector<16xi32>, vector<16xi32>], vector<16xf32>,
        %mul3A_1358 = arith.constant 8.000000e+00 : f32
        %mul3A_1359 = vector.broadcast %mul3A_1358 : f32 to vector<16xf32>
        %mul3A_1360 = arith.mulf %gather3A_1357, %mul3A_1359 : vector<16xf32>
        %scatter3A_1361 = arith.constant 1 : i32
        %scatter3A_1362 = arith.constant 0 : i32
        %scatter3A_1363 = arith.constant 0 : i32
        %scatter3A_1364 = tpu.memref_slice %arg9[%scatter3A_1361, %scatter3A_1362, %scatter3A_1363] : memref<2x64x128xf32, #tpu.memory_space<vmem>> -> memref<1x64x128xf32, #tpu.memory_space<vmem>>
        %scatter3A_1365 = tpu.memref_squeeze %scatter3A_1364 : memref<1x64x128xf32, #tpu.memory_space<vmem>> -> memref<64x128xf32, #tpu.memory_space<vmem>>
        tpu.vector_store_idx %scatter3A_1365[%add3A_1350, %add3A_237], %mul3A_1360 : memref<64x128xf32, #tpu.memory_space<vmem>>[vector<16xi32>, vector<16xi32>], vector<16xf32>,
        %add3A_1366 = arith.constant 15 : i32
        %add3A_1367 = vector.broadcast %add3A_1366 : i32 to vector<16xi32>
        %add3A_1368 = arith.addi %iota3A, %add3A_1367 : vector<16xi32>
        %and3A_1369 = arith.constant 15 : i32
        %and3A_1370 = vector.broadcast %and3A_1369 : i32 to vector<16xi32>
        %and3A_1371 = arith.andi %add3A_1368, %and3A_1370 : vector<16xi32>
        %add3A_1372 = arith.constant 32 : i32
        %add3A_1373 = vector.broadcast %add3A_1372 : i32 to vector<16xi32>
        %add3A_1374 = arith.addi %and3A_1371, %add3A_1373 : vector<16xi32>
        %add3A_1375 = arith.addi %get3A_239, %add3A_1374 : vector<16xi32>
        %gather3A_1376 = arith.constant 1 : i32
        %gather3A_1377 = arith.constant 0 : i32
        %gather3A_1378 = arith.constant 0 : i32
        %gather3A_1379 = tpu.memref_slice %arg8[%gather3A_1376, %gather3A_1377, %gather3A_1378] : memref<2x128x128xf32, #tpu.memory_space<vmem>> -> memref<1x128x128xf32, #tpu.memory_space<vmem>>
        %gather3A_1380 = tpu.memref_squeeze %gather3A_1379 : memref<1x128x128xf32, #tpu.memory_space<vmem>> -> memref<128x128xf32, #tpu.memory_space<vmem>>
        %gather3A_1381 = tpu.vector_load_idx %gather3A_1380[%add3A_237, %add3A_1375] : memref<128x128xf32, #tpu.memory_space<vmem>>[vector<16xi32>, vector<16xi32>], vector<16xf32>,
        %mul3A_1382 = arith.constant 8.000000e+00 : f32
        %mul3A_1383 = vector.broadcast %mul3A_1382 : f32 to vector<16xf32>
        %mul3A_1384 = arith.mulf %gather3A_1381, %mul3A_1383 : vector<16xf32>
        %scatter3A_1385 = arith.constant 1 : i32
        %scatter3A_1386 = arith.constant 0 : i32
        %scatter3A_1387 = arith.constant 0 : i32
        %scatter3A_1388 = tpu.memref_slice %arg9[%scatter3A_1385, %scatter3A_1386, %scatter3A_1387] : memref<2x64x128xf32, #tpu.memory_space<vmem>> -> memref<1x64x128xf32, #tpu.memory_space<vmem>>
        %scatter3A_1389 = tpu.memref_squeeze %scatter3A_1388 : memref<1x64x128xf32, #tpu.memory_space<vmem>> -> memref<64x128xf32, #tpu.memory_space<vmem>>
        tpu.vector_store_idx %scatter3A_1389[%add3A_1374, %add3A_237], %mul3A_1384 : memref<64x128xf32, #tpu.memory_space<vmem>>[vector<16xi32>, vector<16xi32>], vector<16xf32>,
        %add3A_1390 = arith.constant 0 : i32
        %add3A_1391 = vector.broadcast %add3A_1390 : i32 to vector<16xi32>
        %add3A_1392 = arith.addi %iota3A, %add3A_1391 : vector<16xi32>
        %and3A_1393 = arith.constant 15 : i32
        %and3A_1394 = vector.broadcast %and3A_1393 : i32 to vector<16xi32>
        %and3A_1395 = arith.andi %add3A_1392, %and3A_1394 : vector<16xi32>
        %add3A_1396 = arith.constant 48 : i32
        %add3A_1397 = vector.broadcast %add3A_1396 : i32 to vector<16xi32>
        %add3A_1398 = arith.addi %and3A_1395, %add3A_1397 : vector<16xi32>
        %add3A_1399 = arith.addi %get3A_239, %add3A_1398 : vector<16xi32>
        %gather3A_1400 = arith.constant 1 : i32
        %gather3A_1401 = arith.constant 0 : i32
        %gather3A_1402 = arith.constant 0 : i32
        %gather3A_1403 = tpu.memref_slice %arg8[%gather3A_1400, %gather3A_1401, %gather3A_1402] : memref<2x128x128xf32, #tpu.memory_space<vmem>> -> memref<1x128x128xf32, #tpu.memory_space<vmem>>
        %gather3A_1404 = tpu.memref_squeeze %gather3A_1403 : memref<1x128x128xf32, #tpu.memory_space<vmem>> -> memref<128x128xf32, #tpu.memory_space<vmem>>
        %gather3A_1405 = tpu.vector_load_idx %gather3A_1404[%add3A_237, %add3A_1399] : memref<128x128xf32, #tpu.memory_space<vmem>>[vector<16xi32>, vector<16xi32>], vector<16xf32>,
        %mul3A_1406 = arith.constant 8.000000e+00 : f32
        %mul3A_1407 = vector.broadcast %mul3A_1406 : f32 to vector<16xf32>
        %mul3A_1408 = arith.mulf %gather3A_1405, %mul3A_1407 : vector<16xf32>
        %scatter3A_1409 = arith.constant 1 : i32
        %scatter3A_1410 = arith.constant 0 : i32
        %scatter3A_1411 = arith.constant 0 : i32
        %scatter3A_1412 = tpu.memref_slice %arg9[%scatter3A_1409, %scatter3A_1410, %scatter3A_1411] : memref<2x64x128xf32, #tpu.memory_space<vmem>> -> memref<1x64x128xf32, #tpu.memory_space<vmem>>
        %scatter3A_1413 = tpu.memref_squeeze %scatter3A_1412 : memref<1x64x128xf32, #tpu.memory_space<vmem>> -> memref<64x128xf32, #tpu.memory_space<vmem>>
        tpu.vector_store_idx %scatter3A_1413[%add3A_1398, %add3A_237], %mul3A_1408 : memref<64x128xf32, #tpu.memory_space<vmem>>[vector<16xi32>, vector<16xi32>], vector<16xf32>,
        %add3A_1414 = arith.constant 1 : i32
        %add3A_1415 = vector.broadcast %add3A_1414 : i32 to vector<16xi32>
        %add3A_1416 = arith.addi %iota3A, %add3A_1415 : vector<16xi32>
        %and3A_1417 = arith.constant 15 : i32
        %and3A_1418 = vector.broadcast %and3A_1417 : i32 to vector<16xi32>
        %and3A_1419 = arith.andi %add3A_1416, %and3A_1418 : vector<16xi32>
        %add3A_1420 = arith.constant 48 : i32
        %add3A_1421 = vector.broadcast %add3A_1420 : i32 to vector<16xi32>
        %add3A_1422 = arith.addi %and3A_1419, %add3A_1421 : vector<16xi32>
        %add3A_1423 = arith.addi %get3A_239, %add3A_1422 : vector<16xi32>
        %gather3A_1424 = arith.constant 1 : i32
        %gather3A_1425 = arith.constant 0 : i32
        %gather3A_1426 = arith.constant 0 : i32
        %gather3A_1427 = tpu.memref_slice %arg8[%gather3A_1424, %gather3A_1425, %gather3A_1426] : memref<2x128x128xf32, #tpu.memory_space<vmem>> -> memref<1x128x128xf32, #tpu.memory_space<vmem>>
        %gather3A_1428 = tpu.memref_squeeze %gather3A_1427 : memref<1x128x128xf32, #tpu.memory_space<vmem>> -> memref<128x128xf32, #tpu.memory_space<vmem>>
        %gather3A_1429 = tpu.vector_load_idx %gather3A_1428[%add3A_237, %add3A_1423] : memref<128x128xf32, #tpu.memory_space<vmem>>[vector<16xi32>, vector<16xi32>], vector<16xf32>,
        %mul3A_1430 = arith.constant 8.000000e+00 : f32
        %mul3A_1431 = vector.broadcast %mul3A_1430 : f32 to vector<16xf32>
        %mul3A_1432 = arith.mulf %gather3A_1429, %mul3A_1431 : vector<16xf32>
        %scatter3A_1433 = arith.constant 1 : i32
        %scatter3A_1434 = arith.constant 0 : i32
        %scatter3A_1435 = arith.constant 0 : i32
        %scatter3A_1436 = tpu.memref_slice %arg9[%scatter3A_1433, %scatter3A_1434, %scatter3A_1435] : memref<2x64x128xf32, #tpu.memory_space<vmem>> -> memref<1x64x128xf32, #tpu.memory_space<vmem>>
        %scatter3A_1437 = tpu.memref_squeeze %scatter3A_1436 : memref<1x64x128xf32, #tpu.memory_space<vmem>> -> memref<64x128xf32, #tpu.memory_space<vmem>>
        tpu.vector_store_idx %scatter3A_1437[%add3A_1422, %add3A_237], %mul3A_1432 : memref<64x128xf32, #tpu.memory_space<vmem>>[vector<16xi32>, vector<16xi32>], vector<16xf32>,
        %add3A_1438 = arith.constant 2 : i32
        %add3A_1439 = vector.broadcast %add3A_1438 : i32 to vector<16xi32>
        %add3A_1440 = arith.addi %iota3A, %add3A_1439 : vector<16xi32>
        %and3A_1441 = arith.constant 15 : i32
        %and3A_1442 = vector.broadcast %and3A_1441 : i32 to vector<16xi32>
        %and3A_1443 = arith.andi %add3A_1440, %and3A_1442 : vector<16xi32>
        %add3A_1444 = arith.constant 48 : i32
        %add3A_1445 = vector.broadcast %add3A_1444 : i32 to vector<16xi32>
        %add3A_1446 = arith.addi %and3A_1443, %add3A_1445 : vector<16xi32>
        %add3A_1447 = arith.addi %get3A_239, %add3A_1446 : vector<16xi32>
        %gather3A_1448 = arith.constant 1 : i32
        %gather3A_1449 = arith.constant 0 : i32
        %gather3A_1450 = arith.constant 0 : i32
        %gather3A_1451 = tpu.memref_slice %arg8[%gather3A_1448, %gather3A_1449, %gather3A_1450] : memref<2x128x128xf32, #tpu.memory_space<vmem>> -> memref<1x128x128xf32, #tpu.memory_space<vmem>>
        %gather3A_1452 = tpu.memref_squeeze %gather3A_1451 : memref<1x128x128xf32, #tpu.memory_space<vmem>> -> memref<128x128xf32, #tpu.memory_space<vmem>>
        %gather3A_1453 = tpu.vector_load_idx %gather3A_1452[%add3A_237, %add3A_1447] : memref<128x128xf32, #tpu.memory_space<vmem>>[vector<16xi32>, vector<16xi32>], vector<16xf32>,
        %mul3A_1454 = arith.constant 8.000000e+00 : f32
        %mul3A_1455 = vector.broadcast %mul3A_1454 : f32 to vector<16xf32>
        %mul3A_1456 = arith.mulf %gather3A_1453, %mul3A_1455 : vector<16xf32>
        %scatter3A_1457 = arith.constant 1 : i32
        %scatter3A_1458 = arith.constant 0 : i32
        %scatter3A_1459 = arith.constant 0 : i32
        %scatter3A_1460 = tpu.memref_slice %arg9[%scatter3A_1457, %scatter3A_1458, %scatter3A_1459] : memref<2x64x128xf32, #tpu.memory_space<vmem>> -> memref<1x64x128xf32, #tpu.memory_space<vmem>>
        %scatter3A_1461 = tpu.memref_squeeze %scatter3A_1460 : memref<1x64x128xf32, #tpu.memory_space<vmem>> -> memref<64x128xf32, #tpu.memory_space<vmem>>
        tpu.vector_store_idx %scatter3A_1461[%add3A_1446, %add3A_237], %mul3A_1456 : memref<64x128xf32, #tpu.memory_space<vmem>>[vector<16xi32>, vector<16xi32>], vector<16xf32>,
        %add3A_1462 = arith.constant 3 : i32
        %add3A_1463 = vector.broadcast %add3A_1462 : i32 to vector<16xi32>
        %add3A_1464 = arith.addi %iota3A, %add3A_1463 : vector<16xi32>
        %and3A_1465 = arith.constant 15 : i32
        %and3A_1466 = vector.broadcast %and3A_1465 : i32 to vector<16xi32>
        %and3A_1467 = arith.andi %add3A_1464, %and3A_1466 : vector<16xi32>
        %add3A_1468 = arith.constant 48 : i32
        %add3A_1469 = vector.broadcast %add3A_1468 : i32 to vector<16xi32>
        %add3A_1470 = arith.addi %and3A_1467, %add3A_1469 : vector<16xi32>
        %add3A_1471 = arith.addi %get3A_239, %add3A_1470 : vector<16xi32>
        %gather3A_1472 = arith.constant 1 : i32
        %gather3A_1473 = arith.constant 0 : i32
        %gather3A_1474 = arith.constant 0 : i32
        %gather3A_1475 = tpu.memref_slice %arg8[%gather3A_1472, %gather3A_1473, %gather3A_1474] : memref<2x128x128xf32, #tpu.memory_space<vmem>> -> memref<1x128x128xf32, #tpu.memory_space<vmem>>
        %gather3A_1476 = tpu.memref_squeeze %gather3A_1475 : memref<1x128x128xf32, #tpu.memory_space<vmem>> -> memref<128x128xf32, #tpu.memory_space<vmem>>
        %gather3A_1477 = tpu.vector_load_idx %gather3A_1476[%add3A_237, %add3A_1471] : memref<128x128xf32, #tpu.memory_space<vmem>>[vector<16xi32>, vector<16xi32>], vector<16xf32>,
        %mul3A_1478 = arith.constant 8.000000e+00 : f32
        %mul3A_1479 = vector.broadcast %mul3A_1478 : f32 to vector<16xf32>
        %mul3A_1480 = arith.mulf %gather3A_1477, %mul3A_1479 : vector<16xf32>
        %scatter3A_1481 = arith.constant 1 : i32
        %scatter3A_1482 = arith.constant 0 : i32
        %scatter3A_1483 = arith.constant 0 : i32
        %scatter3A_1484 = tpu.memref_slice %arg9[%scatter3A_1481, %scatter3A_1482, %scatter3A_1483] : memref<2x64x128xf32, #tpu.memory_space<vmem>> -> memref<1x64x128xf32, #tpu.memory_space<vmem>>
        %scatter3A_1485 = tpu.memref_squeeze %scatter3A_1484 : memref<1x64x128xf32, #tpu.memory_space<vmem>> -> memref<64x128xf32, #tpu.memory_space<vmem>>
        tpu.vector_store_idx %scatter3A_1485[%add3A_1470, %add3A_237], %mul3A_1480 : memref<64x128xf32, #tpu.memory_space<vmem>>[vector<16xi32>, vector<16xi32>], vector<16xf32>,
        %add3A_1486 = arith.constant 4 : i32
        %add3A_1487 = vector.broadcast %add3A_1486 : i32 to vector<16xi32>
        %add3A_1488 = arith.addi %iota3A, %add3A_1487 : vector<16xi32>
        %and3A_1489 = arith.constant 15 : i32
        %and3A_1490 = vector.broadcast %and3A_1489 : i32 to vector<16xi32>
        %and3A_1491 = arith.andi %add3A_1488, %and3A_1490 : vector<16xi32>
        %add3A_1492 = arith.constant 48 : i32
        %add3A_1493 = vector.broadcast %add3A_1492 : i32 to vector<16xi32>
        %add3A_1494 = arith.addi %and3A_1491, %add3A_1493 : vector<16xi32>
        %add3A_1495 = arith.addi %get3A_239, %add3A_1494 : vector<16xi32>
        %gather3A_1496 = arith.constant 1 : i32
        %gather3A_1497 = arith.constant 0 : i32
        %gather3A_1498 = arith.constant 0 : i32
        %gather3A_1499 = tpu.memref_slice %arg8[%gather3A_1496, %gather3A_1497, %gather3A_1498] : memref<2x128x128xf32, #tpu.memory_space<vmem>> -> memref<1x128x128xf32, #tpu.memory_space<vmem>>
        %gather3A_1500 = tpu.memref_squeeze %gather3A_1499 : memref<1x128x128xf32, #tpu.memory_space<vmem>> -> memref<128x128xf32, #tpu.memory_space<vmem>>
        %gather3A_1501 = tpu.vector_load_idx %gather3A_1500[%add3A_237, %add3A_1495] : memref<128x128xf32, #tpu.memory_space<vmem>>[vector<16xi32>, vector<16xi32>], vector<16xf32>,
        %mul3A_1502 = arith.constant 8.000000e+00 : f32
        %mul3A_1503 = vector.broadcast %mul3A_1502 : f32 to vector<16xf32>
        %mul3A_1504 = arith.mulf %gather3A_1501, %mul3A_1503 : vector<16xf32>
        %scatter3A_1505 = arith.constant 1 : i32
        %scatter3A_1506 = arith.constant 0 : i32
        %scatter3A_1507 = arith.constant 0 : i32
        %scatter3A_1508 = tpu.memref_slice %arg9[%scatter3A_1505, %scatter3A_1506, %scatter3A_1507] : memref<2x64x128xf32, #tpu.memory_space<vmem>> -> memref<1x64x128xf32, #tpu.memory_space<vmem>>
        %scatter3A_1509 = tpu.memref_squeeze %scatter3A_1508 : memref<1x64x128xf32, #tpu.memory_space<vmem>> -> memref<64x128xf32, #tpu.memory_space<vmem>>
        tpu.vector_store_idx %scatter3A_1509[%add3A_1494, %add3A_237], %mul3A_1504 : memref<64x128xf32, #tpu.memory_space<vmem>>[vector<16xi32>, vector<16xi32>], vector<16xf32>,
        %add3A_1510 = arith.constant 5 : i32
        %add3A_1511 = vector.broadcast %add3A_1510 : i32 to vector<16xi32>
        %add3A_1512 = arith.addi %iota3A, %add3A_1511 : vector<16xi32>
        %and3A_1513 = arith.constant 15 : i32
        %and3A_1514 = vector.broadcast %and3A_1513 : i32 to vector<16xi32>
        %and3A_1515 = arith.andi %add3A_1512, %and3A_1514 : vector<16xi32>
        %add3A_1516 = arith.constant 48 : i32
        %add3A_1517 = vector.broadcast %add3A_1516 : i32 to vector<16xi32>
        %add3A_1518 = arith.addi %and3A_1515, %add3A_1517 : vector<16xi32>
        %add3A_1519 = arith.addi %get3A_239, %add3A_1518 : vector<16xi32>
        %gather3A_1520 = arith.constant 1 : i32
        %gather3A_1521 = arith.constant 0 : i32
        %gather3A_1522 = arith.constant 0 : i32
        %gather3A_1523 = tpu.memref_slice %arg8[%gather3A_1520, %gather3A_1521, %gather3A_1522] : memref<2x128x128xf32, #tpu.memory_space<vmem>> -> memref<1x128x128xf32, #tpu.memory_space<vmem>>
        %gather3A_1524 = tpu.memref_squeeze %gather3A_1523 : memref<1x128x128xf32, #tpu.memory_space<vmem>> -> memref<128x128xf32, #tpu.memory_space<vmem>>
        %gather3A_1525 = tpu.vector_load_idx %gather3A_1524[%add3A_237, %add3A_1519] : memref<128x128xf32, #tpu.memory_space<vmem>>[vector<16xi32>, vector<16xi32>], vector<16xf32>,
        %mul3A_1526 = arith.constant 8.000000e+00 : f32
        %mul3A_1527 = vector.broadcast %mul3A_1526 : f32 to vector<16xf32>
        %mul3A_1528 = arith.mulf %gather3A_1525, %mul3A_1527 : vector<16xf32>
        %scatter3A_1529 = arith.constant 1 : i32
        %scatter3A_1530 = arith.constant 0 : i32
        %scatter3A_1531 = arith.constant 0 : i32
        %scatter3A_1532 = tpu.memref_slice %arg9[%scatter3A_1529, %scatter3A_1530, %scatter3A_1531] : memref<2x64x128xf32, #tpu.memory_space<vmem>> -> memref<1x64x128xf32, #tpu.memory_space<vmem>>
        %scatter3A_1533 = tpu.memref_squeeze %scatter3A_1532 : memref<1x64x128xf32, #tpu.memory_space<vmem>> -> memref<64x128xf32, #tpu.memory_space<vmem>>
        tpu.vector_store_idx %scatter3A_1533[%add3A_1518, %add3A_237], %mul3A_1528 : memref<64x128xf32, #tpu.memory_space<vmem>>[vector<16xi32>, vector<16xi32>], vector<16xf32>,
        %add3A_1534 = arith.constant 6 : i32
        %add3A_1535 = vector.broadcast %add3A_1534 : i32 to vector<16xi32>
        %add3A_1536 = arith.addi %iota3A, %add3A_1535 : vector<16xi32>
        %and3A_1537 = arith.constant 15 : i32
        %and3A_1538 = vector.broadcast %and3A_1537 : i32 to vector<16xi32>
        %and3A_1539 = arith.andi %add3A_1536, %and3A_1538 : vector<16xi32>
        %add3A_1540 = arith.constant 48 : i32
        %add3A_1541 = vector.broadcast %add3A_1540 : i32 to vector<16xi32>
        %add3A_1542 = arith.addi %and3A_1539, %add3A_1541 : vector<16xi32>
        %add3A_1543 = arith.addi %get3A_239, %add3A_1542 : vector<16xi32>
        %gather3A_1544 = arith.constant 1 : i32
        %gather3A_1545 = arith.constant 0 : i32
        %gather3A_1546 = arith.constant 0 : i32
        %gather3A_1547 = tpu.memref_slice %arg8[%gather3A_1544, %gather3A_1545, %gather3A_1546] : memref<2x128x128xf32, #tpu.memory_space<vmem>> -> memref<1x128x128xf32, #tpu.memory_space<vmem>>
        %gather3A_1548 = tpu.memref_squeeze %gather3A_1547 : memref<1x128x128xf32, #tpu.memory_space<vmem>> -> memref<128x128xf32, #tpu.memory_space<vmem>>
        %gather3A_1549 = tpu.vector_load_idx %gather3A_1548[%add3A_237, %add3A_1543] : memref<128x128xf32, #tpu.memory_space<vmem>>[vector<16xi32>, vector<16xi32>], vector<16xf32>,
        %mul3A_1550 = arith.constant 8.000000e+00 : f32
        %mul3A_1551 = vector.broadcast %mul3A_1550 : f32 to vector<16xf32>
        %mul3A_1552 = arith.mulf %gather3A_1549, %mul3A_1551 : vector<16xf32>
        %scatter3A_1553 = arith.constant 1 : i32
        %scatter3A_1554 = arith.constant 0 : i32
        %scatter3A_1555 = arith.constant 0 : i32
        %scatter3A_1556 = tpu.memref_slice %arg9[%scatter3A_1553, %scatter3A_1554, %scatter3A_1555] : memref<2x64x128xf32, #tpu.memory_space<vmem>> -> memref<1x64x128xf32, #tpu.memory_space<vmem>>
        %scatter3A_1557 = tpu.memref_squeeze %scatter3A_1556 : memref<1x64x128xf32, #tpu.memory_space<vmem>> -> memref<64x128xf32, #tpu.memory_space<vmem>>
        tpu.vector_store_idx %scatter3A_1557[%add3A_1542, %add3A_237], %mul3A_1552 : memref<64x128xf32, #tpu.memory_space<vmem>>[vector<16xi32>, vector<16xi32>], vector<16xf32>,
        %add3A_1558 = arith.constant 7 : i32
        %add3A_1559 = vector.broadcast %add3A_1558 : i32 to vector<16xi32>
        %add3A_1560 = arith.addi %iota3A, %add3A_1559 : vector<16xi32>
        %and3A_1561 = arith.constant 15 : i32
        %and3A_1562 = vector.broadcast %and3A_1561 : i32 to vector<16xi32>
        %and3A_1563 = arith.andi %add3A_1560, %and3A_1562 : vector<16xi32>
        %add3A_1564 = arith.constant 48 : i32
        %add3A_1565 = vector.broadcast %add3A_1564 : i32 to vector<16xi32>
        %add3A_1566 = arith.addi %and3A_1563, %add3A_1565 : vector<16xi32>
        %add3A_1567 = arith.addi %get3A_239, %add3A_1566 : vector<16xi32>
        %gather3A_1568 = arith.constant 1 : i32
        %gather3A_1569 = arith.constant 0 : i32
        %gather3A_1570 = arith.constant 0 : i32
        %gather3A_1571 = tpu.memref_slice %arg8[%gather3A_1568, %gather3A_1569, %gather3A_1570] : memref<2x128x128xf32, #tpu.memory_space<vmem>> -> memref<1x128x128xf32, #tpu.memory_space<vmem>>
        %gather3A_1572 = tpu.memref_squeeze %gather3A_1571 : memref<1x128x128xf32, #tpu.memory_space<vmem>> -> memref<128x128xf32, #tpu.memory_space<vmem>>
        %gather3A_1573 = tpu.vector_load_idx %gather3A_1572[%add3A_237, %add3A_1567] : memref<128x128xf32, #tpu.memory_space<vmem>>[vector<16xi32>, vector<16xi32>], vector<16xf32>,
        %mul3A_1574 = arith.constant 8.000000e+00 : f32
        %mul3A_1575 = vector.broadcast %mul3A_1574 : f32 to vector<16xf32>
        %mul3A_1576 = arith.mulf %gather3A_1573, %mul3A_1575 : vector<16xf32>
        %scatter3A_1577 = arith.constant 1 : i32
        %scatter3A_1578 = arith.constant 0 : i32
        %scatter3A_1579 = arith.constant 0 : i32
        %scatter3A_1580 = tpu.memref_slice %arg9[%scatter3A_1577, %scatter3A_1578, %scatter3A_1579] : memref<2x64x128xf32, #tpu.memory_space<vmem>> -> memref<1x64x128xf32, #tpu.memory_space<vmem>>
        %scatter3A_1581 = tpu.memref_squeeze %scatter3A_1580 : memref<1x64x128xf32, #tpu.memory_space<vmem>> -> memref<64x128xf32, #tpu.memory_space<vmem>>
        tpu.vector_store_idx %scatter3A_1581[%add3A_1566, %add3A_237], %mul3A_1576 : memref<64x128xf32, #tpu.memory_space<vmem>>[vector<16xi32>, vector<16xi32>], vector<16xf32>,
        %add3A_1582 = arith.constant 8 : i32
        %add3A_1583 = vector.broadcast %add3A_1582 : i32 to vector<16xi32>
        %add3A_1584 = arith.addi %iota3A, %add3A_1583 : vector<16xi32>
        %and3A_1585 = arith.constant 15 : i32
        %and3A_1586 = vector.broadcast %and3A_1585 : i32 to vector<16xi32>
        %and3A_1587 = arith.andi %add3A_1584, %and3A_1586 : vector<16xi32>
        %add3A_1588 = arith.constant 48 : i32
        %add3A_1589 = vector.broadcast %add3A_1588 : i32 to vector<16xi32>
        %add3A_1590 = arith.addi %and3A_1587, %add3A_1589 : vector<16xi32>
        %add3A_1591 = arith.addi %get3A_239, %add3A_1590 : vector<16xi32>
        %gather3A_1592 = arith.constant 1 : i32
        %gather3A_1593 = arith.constant 0 : i32
        %gather3A_1594 = arith.constant 0 : i32
        %gather3A_1595 = tpu.memref_slice %arg8[%gather3A_1592, %gather3A_1593, %gather3A_1594] : memref<2x128x128xf32, #tpu.memory_space<vmem>> -> memref<1x128x128xf32, #tpu.memory_space<vmem>>
        %gather3A_1596 = tpu.memref_squeeze %gather3A_1595 : memref<1x128x128xf32, #tpu.memory_space<vmem>> -> memref<128x128xf32, #tpu.memory_space<vmem>>
        %gather3A_1597 = tpu.vector_load_idx %gather3A_1596[%add3A_237, %add3A_1591] : memref<128x128xf32, #tpu.memory_space<vmem>>[vector<16xi32>, vector<16xi32>], vector<16xf32>,
        %mul3A_1598 = arith.constant 8.000000e+00 : f32
        %mul3A_1599 = vector.broadcast %mul3A_1598 : f32 to vector<16xf32>
        %mul3A_1600 = arith.mulf %gather3A_1597, %mul3A_1599 : vector<16xf32>
        %scatter3A_1601 = arith.constant 1 : i32
        %scatter3A_1602 = arith.constant 0 : i32
        %scatter3A_1603 = arith.constant 0 : i32
        %scatter3A_1604 = tpu.memref_slice %arg9[%scatter3A_1601, %scatter3A_1602, %scatter3A_1603] : memref<2x64x128xf32, #tpu.memory_space<vmem>> -> memref<1x64x128xf32, #tpu.memory_space<vmem>>
        %scatter3A_1605 = tpu.memref_squeeze %scatter3A_1604 : memref<1x64x128xf32, #tpu.memory_space<vmem>> -> memref<64x128xf32, #tpu.memory_space<vmem>>
        tpu.vector_store_idx %scatter3A_1605[%add3A_1590, %add3A_237], %mul3A_1600 : memref<64x128xf32, #tpu.memory_space<vmem>>[vector<16xi32>, vector<16xi32>], vector<16xf32>,
        %add3A_1606 = arith.constant 9 : i32
        %add3A_1607 = vector.broadcast %add3A_1606 : i32 to vector<16xi32>
        %add3A_1608 = arith.addi %iota3A, %add3A_1607 : vector<16xi32>
        %and3A_1609 = arith.constant 15 : i32
        %and3A_1610 = vector.broadcast %and3A_1609 : i32 to vector<16xi32>
        %and3A_1611 = arith.andi %add3A_1608, %and3A_1610 : vector<16xi32>
        %add3A_1612 = arith.constant 48 : i32
        %add3A_1613 = vector.broadcast %add3A_1612 : i32 to vector<16xi32>
        %add3A_1614 = arith.addi %and3A_1611, %add3A_1613 : vector<16xi32>
        %add3A_1615 = arith.addi %get3A_239, %add3A_1614 : vector<16xi32>
        %gather3A_1616 = arith.constant 1 : i32
        %gather3A_1617 = arith.constant 0 : i32
        %gather3A_1618 = arith.constant 0 : i32
        %gather3A_1619 = tpu.memref_slice %arg8[%gather3A_1616, %gather3A_1617, %gather3A_1618] : memref<2x128x128xf32, #tpu.memory_space<vmem>> -> memref<1x128x128xf32, #tpu.memory_space<vmem>>
        %gather3A_1620 = tpu.memref_squeeze %gather3A_1619 : memref<1x128x128xf32, #tpu.memory_space<vmem>> -> memref<128x128xf32, #tpu.memory_space<vmem>>
        %gather3A_1621 = tpu.vector_load_idx %gather3A_1620[%add3A_237, %add3A_1615] : memref<128x128xf32, #tpu.memory_space<vmem>>[vector<16xi32>, vector<16xi32>], vector<16xf32>,
        %mul3A_1622 = arith.constant 8.000000e+00 : f32
        %mul3A_1623 = vector.broadcast %mul3A_1622 : f32 to vector<16xf32>
        %mul3A_1624 = arith.mulf %gather3A_1621, %mul3A_1623 : vector<16xf32>
        %scatter3A_1625 = arith.constant 1 : i32
        %scatter3A_1626 = arith.constant 0 : i32
        %scatter3A_1627 = arith.constant 0 : i32
        %scatter3A_1628 = tpu.memref_slice %arg9[%scatter3A_1625, %scatter3A_1626, %scatter3A_1627] : memref<2x64x128xf32, #tpu.memory_space<vmem>> -> memref<1x64x128xf32, #tpu.memory_space<vmem>>
        %scatter3A_1629 = tpu.memref_squeeze %scatter3A_1628 : memref<1x64x128xf32, #tpu.memory_space<vmem>> -> memref<64x128xf32, #tpu.memory_space<vmem>>
        tpu.vector_store_idx %scatter3A_1629[%add3A_1614, %add3A_237], %mul3A_1624 : memref<64x128xf32, #tpu.memory_space<vmem>>[vector<16xi32>, vector<16xi32>], vector<16xf32>,
        %add3A_1630 = arith.constant 10 : i32
        %add3A_1631 = vector.broadcast %add3A_1630 : i32 to vector<16xi32>
        %add3A_1632 = arith.addi %iota3A, %add3A_1631 : vector<16xi32>
        %and3A_1633 = arith.constant 15 : i32
        %and3A_1634 = vector.broadcast %and3A_1633 : i32 to vector<16xi32>
        %and3A_1635 = arith.andi %add3A_1632, %and3A_1634 : vector<16xi32>
        %add3A_1636 = arith.constant 48 : i32
        %add3A_1637 = vector.broadcast %add3A_1636 : i32 to vector<16xi32>
        %add3A_1638 = arith.addi %and3A_1635, %add3A_1637 : vector<16xi32>
        %add3A_1639 = arith.addi %get3A_239, %add3A_1638 : vector<16xi32>
        %gather3A_1640 = arith.constant 1 : i32
        %gather3A_1641 = arith.constant 0 : i32
        %gather3A_1642 = arith.constant 0 : i32
        %gather3A_1643 = tpu.memref_slice %arg8[%gather3A_1640, %gather3A_1641, %gather3A_1642] : memref<2x128x128xf32, #tpu.memory_space<vmem>> -> memref<1x128x128xf32, #tpu.memory_space<vmem>>
        %gather3A_1644 = tpu.memref_squeeze %gather3A_1643 : memref<1x128x128xf32, #tpu.memory_space<vmem>> -> memref<128x128xf32, #tpu.memory_space<vmem>>
        %gather3A_1645 = tpu.vector_load_idx %gather3A_1644[%add3A_237, %add3A_1639] : memref<128x128xf32, #tpu.memory_space<vmem>>[vector<16xi32>, vector<16xi32>], vector<16xf32>,
        %mul3A_1646 = arith.constant 8.000000e+00 : f32
        %mul3A_1647 = vector.broadcast %mul3A_1646 : f32 to vector<16xf32>
        %mul3A_1648 = arith.mulf %gather3A_1645, %mul3A_1647 : vector<16xf32>
        %scatter3A_1649 = arith.constant 1 : i32
        %scatter3A_1650 = arith.constant 0 : i32
        %scatter3A_1651 = arith.constant 0 : i32
        %scatter3A_1652 = tpu.memref_slice %arg9[%scatter3A_1649, %scatter3A_1650, %scatter3A_1651] : memref<2x64x128xf32, #tpu.memory_space<vmem>> -> memref<1x64x128xf32, #tpu.memory_space<vmem>>
        %scatter3A_1653 = tpu.memref_squeeze %scatter3A_1652 : memref<1x64x128xf32, #tpu.memory_space<vmem>> -> memref<64x128xf32, #tpu.memory_space<vmem>>
        tpu.vector_store_idx %scatter3A_1653[%add3A_1638, %add3A_237], %mul3A_1648 : memref<64x128xf32, #tpu.memory_space<vmem>>[vector<16xi32>, vector<16xi32>], vector<16xf32>,
        %add3A_1654 = arith.constant 11 : i32
        %add3A_1655 = vector.broadcast %add3A_1654 : i32 to vector<16xi32>
        %add3A_1656 = arith.addi %iota3A, %add3A_1655 : vector<16xi32>
        %and3A_1657 = arith.constant 15 : i32
        %and3A_1658 = vector.broadcast %and3A_1657 : i32 to vector<16xi32>
        %and3A_1659 = arith.andi %add3A_1656, %and3A_1658 : vector<16xi32>
        %add3A_1660 = arith.constant 48 : i32
        %add3A_1661 = vector.broadcast %add3A_1660 : i32 to vector<16xi32>
        %add3A_1662 = arith.addi %and3A_1659, %add3A_1661 : vector<16xi32>
        %add3A_1663 = arith.addi %get3A_239, %add3A_1662 : vector<16xi32>
        %gather3A_1664 = arith.constant 1 : i32
        %gather3A_1665 = arith.constant 0 : i32
        %gather3A_1666 = arith.constant 0 : i32
        %gather3A_1667 = tpu.memref_slice %arg8[%gather3A_1664, %gather3A_1665, %gather3A_1666] : memref<2x128x128xf32, #tpu.memory_space<vmem>> -> memref<1x128x128xf32, #tpu.memory_space<vmem>>
        %gather3A_1668 = tpu.memref_squeeze %gather3A_1667 : memref<1x128x128xf32, #tpu.memory_space<vmem>> -> memref<128x128xf32, #tpu.memory_space<vmem>>
        %gather3A_1669 = tpu.vector_load_idx %gather3A_1668[%add3A_237, %add3A_1663] : memref<128x128xf32, #tpu.memory_space<vmem>>[vector<16xi32>, vector<16xi32>], vector<16xf32>,
        %mul3A_1670 = arith.constant 8.000000e+00 : f32
        %mul3A_1671 = vector.broadcast %mul3A_1670 : f32 to vector<16xf32>
        %mul3A_1672 = arith.mulf %gather3A_1669, %mul3A_1671 : vector<16xf32>
        %scatter3A_1673 = arith.constant 1 : i32
        %scatter3A_1674 = arith.constant 0 : i32
        %scatter3A_1675 = arith.constant 0 : i32
        %scatter3A_1676 = tpu.memref_slice %arg9[%scatter3A_1673, %scatter3A_1674, %scatter3A_1675] : memref<2x64x128xf32, #tpu.memory_space<vmem>> -> memref<1x64x128xf32, #tpu.memory_space<vmem>>
        %scatter3A_1677 = tpu.memref_squeeze %scatter3A_1676 : memref<1x64x128xf32, #tpu.memory_space<vmem>> -> memref<64x128xf32, #tpu.memory_space<vmem>>
        tpu.vector_store_idx %scatter3A_1677[%add3A_1662, %add3A_237], %mul3A_1672 : memref<64x128xf32, #tpu.memory_space<vmem>>[vector<16xi32>, vector<16xi32>], vector<16xf32>,
        %add3A_1678 = arith.constant 12 : i32
        %add3A_1679 = vector.broadcast %add3A_1678 : i32 to vector<16xi32>
        %add3A_1680 = arith.addi %iota3A, %add3A_1679 : vector<16xi32>
        %and3A_1681 = arith.constant 15 : i32
        %and3A_1682 = vector.broadcast %and3A_1681 : i32 to vector<16xi32>
        %and3A_1683 = arith.andi %add3A_1680, %and3A_1682 : vector<16xi32>
        %add3A_1684 = arith.constant 48 : i32
        %add3A_1685 = vector.broadcast %add3A_1684 : i32 to vector<16xi32>
        %add3A_1686 = arith.addi %and3A_1683, %add3A_1685 : vector<16xi32>
        %add3A_1687 = arith.addi %get3A_239, %add3A_1686 : vector<16xi32>
        %gather3A_1688 = arith.constant 1 : i32
        %gather3A_1689 = arith.constant 0 : i32
        %gather3A_1690 = arith.constant 0 : i32
        %gather3A_1691 = tpu.memref_slice %arg8[%gather3A_1688, %gather3A_1689, %gather3A_1690] : memref<2x128x128xf32, #tpu.memory_space<vmem>> -> memref<1x128x128xf32, #tpu.memory_space<vmem>>
        %gather3A_1692 = tpu.memref_squeeze %gather3A_1691 : memref<1x128x128xf32, #tpu.memory_space<vmem>> -> memref<128x128xf32, #tpu.memory_space<vmem>>
        %gather3A_1693 = tpu.vector_load_idx %gather3A_1692[%add3A_237, %add3A_1687] : memref<128x128xf32, #tpu.memory_space<vmem>>[vector<16xi32>, vector<16xi32>], vector<16xf32>,
        %mul3A_1694 = arith.constant 8.000000e+00 : f32
        %mul3A_1695 = vector.broadcast %mul3A_1694 : f32 to vector<16xf32>
        %mul3A_1696 = arith.mulf %gather3A_1693, %mul3A_1695 : vector<16xf32>
        %scatter3A_1697 = arith.constant 1 : i32
        %scatter3A_1698 = arith.constant 0 : i32
        %scatter3A_1699 = arith.constant 0 : i32
        %scatter3A_1700 = tpu.memref_slice %arg9[%scatter3A_1697, %scatter3A_1698, %scatter3A_1699] : memref<2x64x128xf32, #tpu.memory_space<vmem>> -> memref<1x64x128xf32, #tpu.memory_space<vmem>>
        %scatter3A_1701 = tpu.memref_squeeze %scatter3A_1700 : memref<1x64x128xf32, #tpu.memory_space<vmem>> -> memref<64x128xf32, #tpu.memory_space<vmem>>
        tpu.vector_store_idx %scatter3A_1701[%add3A_1686, %add3A_237], %mul3A_1696 : memref<64x128xf32, #tpu.memory_space<vmem>>[vector<16xi32>, vector<16xi32>], vector<16xf32>,
        %add3A_1702 = arith.constant 13 : i32
        %add3A_1703 = vector.broadcast %add3A_1702 : i32 to vector<16xi32>
        %add3A_1704 = arith.addi %iota3A, %add3A_1703 : vector<16xi32>
        %and3A_1705 = arith.constant 15 : i32
        %and3A_1706 = vector.broadcast %and3A_1705 : i32 to vector<16xi32>
        %and3A_1707 = arith.andi %add3A_1704, %and3A_1706 : vector<16xi32>
        %add3A_1708 = arith.constant 48 : i32
        %add3A_1709 = vector.broadcast %add3A_1708 : i32 to vector<16xi32>
        %add3A_1710 = arith.addi %and3A_1707, %add3A_1709 : vector<16xi32>
        %add3A_1711 = arith.addi %get3A_239, %add3A_1710 : vector<16xi32>
        %gather3A_1712 = arith.constant 1 : i32
        %gather3A_1713 = arith.constant 0 : i32
        %gather3A_1714 = arith.constant 0 : i32
        %gather3A_1715 = tpu.memref_slice %arg8[%gather3A_1712, %gather3A_1713, %gather3A_1714] : memref<2x128x128xf32, #tpu.memory_space<vmem>> -> memref<1x128x128xf32, #tpu.memory_space<vmem>>
        %gather3A_1716 = tpu.memref_squeeze %gather3A_1715 : memref<1x128x128xf32, #tpu.memory_space<vmem>> -> memref<128x128xf32, #tpu.memory_space<vmem>>
        %gather3A_1717 = tpu.vector_load_idx %gather3A_1716[%add3A_237, %add3A_1711] : memref<128x128xf32, #tpu.memory_space<vmem>>[vector<16xi32>, vector<16xi32>], vector<16xf32>,
        %mul3A_1718 = arith.constant 8.000000e+00 : f32
        %mul3A_1719 = vector.broadcast %mul3A_1718 : f32 to vector<16xf32>
        %mul3A_1720 = arith.mulf %gather3A_1717, %mul3A_1719 : vector<16xf32>
        %scatter3A_1721 = arith.constant 1 : i32
        %scatter3A_1722 = arith.constant 0 : i32
        %scatter3A_1723 = arith.constant 0 : i32
        %scatter3A_1724 = tpu.memref_slice %arg9[%scatter3A_1721, %scatter3A_1722, %scatter3A_1723] : memref<2x64x128xf32, #tpu.memory_space<vmem>> -> memref<1x64x128xf32, #tpu.memory_space<vmem>>
        %scatter3A_1725 = tpu.memref_squeeze %scatter3A_1724 : memref<1x64x128xf32, #tpu.memory_space<vmem>> -> memref<64x128xf32, #tpu.memory_space<vmem>>
        tpu.vector_store_idx %scatter3A_1725[%add3A_1710, %add3A_237], %mul3A_1720 : memref<64x128xf32, #tpu.memory_space<vmem>>[vector<16xi32>, vector<16xi32>], vector<16xf32>,
        %add3A_1726 = arith.constant 14 : i32
        %add3A_1727 = vector.broadcast %add3A_1726 : i32 to vector<16xi32>
        %add3A_1728 = arith.addi %iota3A, %add3A_1727 : vector<16xi32>
        %and3A_1729 = arith.constant 15 : i32
        %and3A_1730 = vector.broadcast %and3A_1729 : i32 to vector<16xi32>
        %and3A_1731 = arith.andi %add3A_1728, %and3A_1730 : vector<16xi32>
        %add3A_1732 = arith.constant 48 : i32
        %add3A_1733 = vector.broadcast %add3A_1732 : i32 to vector<16xi32>
        %add3A_1734 = arith.addi %and3A_1731, %add3A_1733 : vector<16xi32>
        %add3A_1735 = arith.addi %get3A_239, %add3A_1734 : vector<16xi32>
        %gather3A_1736 = arith.constant 1 : i32
        %gather3A_1737 = arith.constant 0 : i32
        %gather3A_1738 = arith.constant 0 : i32
        %gather3A_1739 = tpu.memref_slice %arg8[%gather3A_1736, %gather3A_1737, %gather3A_1738] : memref<2x128x128xf32, #tpu.memory_space<vmem>> -> memref<1x128x128xf32, #tpu.memory_space<vmem>>
        %gather3A_1740 = tpu.memref_squeeze %gather3A_1739 : memref<1x128x128xf32, #tpu.memory_space<vmem>> -> memref<128x128xf32, #tpu.memory_space<vmem>>
        %gather3A_1741 = tpu.vector_load_idx %gather3A_1740[%add3A_237, %add3A_1735] : memref<128x128xf32, #tpu.memory_space<vmem>>[vector<16xi32>, vector<16xi32>], vector<16xf32>,
        %mul3A_1742 = arith.constant 8.000000e+00 : f32
        %mul3A_1743 = vector.broadcast %mul3A_1742 : f32 to vector<16xf32>
        %mul3A_1744 = arith.mulf %gather3A_1741, %mul3A_1743 : vector<16xf32>
        %scatter3A_1745 = arith.constant 1 : i32
        %scatter3A_1746 = arith.constant 0 : i32
        %scatter3A_1747 = arith.constant 0 : i32
        %scatter3A_1748 = tpu.memref_slice %arg9[%scatter3A_1745, %scatter3A_1746, %scatter3A_1747] : memref<2x64x128xf32, #tpu.memory_space<vmem>> -> memref<1x64x128xf32, #tpu.memory_space<vmem>>
        %scatter3A_1749 = tpu.memref_squeeze %scatter3A_1748 : memref<1x64x128xf32, #tpu.memory_space<vmem>> -> memref<64x128xf32, #tpu.memory_space<vmem>>
        tpu.vector_store_idx %scatter3A_1749[%add3A_1734, %add3A_237], %mul3A_1744 : memref<64x128xf32, #tpu.memory_space<vmem>>[vector<16xi32>, vector<16xi32>], vector<16xf32>,
        %add3A_1750 = arith.constant 15 : i32
        %add3A_1751 = vector.broadcast %add3A_1750 : i32 to vector<16xi32>
        %add3A_1752 = arith.addi %iota3A, %add3A_1751 : vector<16xi32>
        %and3A_1753 = arith.constant 15 : i32
        %and3A_1754 = vector.broadcast %and3A_1753 : i32 to vector<16xi32>
        %and3A_1755 = arith.andi %add3A_1752, %and3A_1754 : vector<16xi32>
        %add3A_1756 = arith.constant 48 : i32
        %add3A_1757 = vector.broadcast %add3A_1756 : i32 to vector<16xi32>
        %add3A_1758 = arith.addi %and3A_1755, %add3A_1757 : vector<16xi32>
        %add3A_1759 = arith.addi %get3A_239, %add3A_1758 : vector<16xi32>
        %gather3A_1760 = arith.constant 1 : i32
        %gather3A_1761 = arith.constant 0 : i32
        %gather3A_1762 = arith.constant 0 : i32
        %gather3A_1763 = tpu.memref_slice %arg8[%gather3A_1760, %gather3A_1761, %gather3A_1762] : memref<2x128x128xf32, #tpu.memory_space<vmem>> -> memref<1x128x128xf32, #tpu.memory_space<vmem>>
        %gather3A_1764 = tpu.memref_squeeze %gather3A_1763 : memref<1x128x128xf32, #tpu.memory_space<vmem>> -> memref<128x128xf32, #tpu.memory_space<vmem>>
        %gather3A_1765 = tpu.vector_load_idx %gather3A_1764[%add3A_237, %add3A_1759] : memref<128x128xf32, #tpu.memory_space<vmem>>[vector<16xi32>, vector<16xi32>], vector<16xf32>,
        %mul3A_1766 = arith.constant 8.000000e+00 : f32
        %mul3A_1767 = vector.broadcast %mul3A_1766 : f32 to vector<16xf32>
        %mul3A_1768 = arith.mulf %gather3A_1765, %mul3A_1767 : vector<16xf32>
        %scatter3A_1769 = arith.constant 1 : i32
        %scatter3A_1770 = arith.constant 0 : i32
        %scatter3A_1771 = arith.constant 0 : i32
        %scatter3A_1772 = tpu.memref_slice %arg9[%scatter3A_1769, %scatter3A_1770, %scatter3A_1771] : memref<2x64x128xf32, #tpu.memory_space<vmem>> -> memref<1x64x128xf32, #tpu.memory_space<vmem>>
        %scatter3A_1773 = tpu.memref_squeeze %scatter3A_1772 : memref<1x64x128xf32, #tpu.memory_space<vmem>> -> memref<64x128xf32, #tpu.memory_space<vmem>>
        tpu.vector_store_idx %scatter3A_1773[%add3A_1758, %add3A_237], %mul3A_1768 : memref<64x128xf32, #tpu.memory_space<vmem>>[vector<16xi32>, vector<16xi32>], vector<16xf32>,
      }
      %scan3A_178 = arith.constant 8 : i32
      %jit3A_179 = arith.constant 4 : i32
      %div3A_180 = arith.divsi %add3A_153, %jit3A_179 : i32
      %sign3A_181 = arith.constant 0 : i32
      %sign3A_182 = arith.cmpi sgt, %add3A_153, %sign3A_181 : i32
      %sign3A_183 = arith.extui %sign3A_182 : i1 to i32
      %sign3A_184 = arith.constant 0 : i32
      %sign3A_185 = arith.cmpi slt, %add3A_153, %sign3A_184 : i32
      %sign3A_186 = arith.extui %sign3A_185 : i1 to i32
      %sign3A_187 = arith.subi %sign3A_183, %sign3A_186 : i32
      %sign3A_188 = arith.constant 0 : i32
      %sign3A_189 = arith.cmpi sgt, %jit3A_179, %sign3A_188 : i32
      %sign3A_190 = arith.extui %sign3A_189 : i1 to i32
      %sign3A_191 = arith.constant 0 : i32
      %sign3A_192 = arith.cmpi slt, %jit3A_179, %sign3A_191 : i32
      %sign3A_193 = arith.extui %sign3A_192 : i1 to i32
      %sign3A_194 = arith.subi %sign3A_190, %sign3A_193 : i32
      %ne3A_195 = arith.cmpi ne, %sign3A_187, %sign3A_194 : i32
      %rem3A_196 = arith.remsi %add3A_153, %jit3A_179 : i32
      %ne3A_197 = arith.constant 0 : i32
      %ne3A_198 = arith.cmpi ne, %rem3A_196, %ne3A_197 : i32
      %and3A_199 = arith.andi %ne3A_195, %ne3A_198 : i1
      %sub3A_200 = arith.constant 1 : i32
      %sub3A_201 = arith.subi %div3A_180, %sub3A_200 : i32
      %select_n3A_202 = arith.select %and3A_199, %sub3A_201, %div3A_180 : i32
      %rem3A_203 = arith.constant 4 : i32
      %rem3A_204 = arith.remsi %add3A_153, %rem3A_203 : i32
      %add3A_205 = arith.addi %mul3A_2, %rem3A_204 : i32
      %mul3A_206 = arith.constant 128 : i32
      %mul3A_207 = arith.muli %add3A_205, %mul3A_206 : i32
      %dma_start3A_208 = arith.constant 1 : i32
      %dma_start3A_209 = arith.constant 1 : i32
      %dma_start3A_210 = arith.constant 0 : i32
      %dma_start3A_211 = arith.constant 0 : i32
      %dma_start3A_212 = tpu.memref_slice %arg9[%dma_start3A_208, %dma_start3A_210, %dma_start3A_211] : memref<2x64x128xf32, #tpu.memory_space<vmem>> -> memref<1x64x128xf32, #tpu.memory_space<vmem>>
      %dma_start3A_213 = tpu.memref_squeeze %dma_start3A_212 : memref<1x64x128xf32, #tpu.memory_space<vmem>> -> memref<64x128xf32, #tpu.memory_space<vmem>>
      %dma_start3A_214 = arith.constant 0 : i32
      %dma_start3A_215 = tpu.memref_slice %arg5[%select_n3A_202, %dma_start3A_214, %mul3A_207] : memref<50x64x16384xf32, #tpu.memory_space<hbm>> -> memref<1x64x128xf32, #tpu.memory_space<hbm>>
      %dma_start3A_216 = tpu.memref_squeeze %dma_start3A_215 : memref<1x64x128xf32, #tpu.memory_space<hbm>> -> memref<64x128xf32, #tpu.memory_space<hbm>>
      %dma_start3A_217 = tpu.memref_slice %arg11[%dma_start3A_209] : memref<2x!tpu.dma_semaphore, #tpu.memory_space<semaphore_mem>> -> memref<1x!tpu.dma_semaphore, #tpu.memory_space<semaphore_mem>>
      %dma_start3A_218 = tpu.memref_squeeze %dma_start3A_217 : memref<1x!tpu.dma_semaphore, #tpu.memory_space<semaphore_mem>> -> memref<!tpu.dma_semaphore, #tpu.memory_space<semaphore_mem>>
      %dma_start3A_219 = arith.constant 0 : i32
      %dma_start3A_220 = tpu.memref_slice %arg5[%select_n3A_202, %dma_start3A_219, %mul3A_207] : memref<50x64x16384xf32, #tpu.memory_space<hbm>> -> memref<1x64x128xf32, #tpu.memory_space<hbm>>
      %dma_start3A_221 = tpu.memref_squeeze %dma_start3A_220 : memref<1x64x128xf32, #tpu.memory_space<hbm>> -> memref<64x128xf32, #tpu.memory_space<hbm>>
      %dma_start3A_222 = arith.constant 0 : i32
      %dma_start3A_223 = arith.constant 0 : i32
      %dma_start3A_224 = tpu.memref_slice %arg9[%dma_start3A_208, %dma_start3A_222, %dma_start3A_223] : memref<2x64x128xf32, #tpu.memory_space<vmem>> -> memref<1x64x128xf32, #tpu.memory_space<vmem>>
      %dma_start3A_225 = tpu.memref_squeeze %dma_start3A_224 : memref<1x64x128xf32, #tpu.memory_space<vmem>> -> memref<64x128xf32, #tpu.memory_space<vmem>>
      tpu.enqueue_dma source(%dma_start3A_225 : memref<64x128xf32, #tpu.memory_space<vmem>>) target(%dma_start3A_221 : memref<64x128xf32, #tpu.memory_space<hbm>>) target_semaphore(%dma_start3A_218 : memref<!tpu.dma_semaphore, #tpu.memory_space<semaphore_mem>>)
      %add3A_226 = arith.constant 2 : i32
      %add3A_227 = arith.addi %add3A_153, %add3A_226 : i32
      %lt3A_228 = arith.constant 200 : i32
      %lt3A_229 = arith.cmpi slt, %add3A_227, %lt3A_228 : i32
      %convert_element_type3A_230 = arith.extui %lt3A_229 : i1 to i32
      %cond3A_231 = arith.constant 0 : i32
      %cond3A_232 = arith.cmpi ne, %convert_element_type3A_230, %cond3A_231 : i32
      scf.if %cond3A_232 {
        %add3A_233 = arith.constant 2 : i32
        %add3A_234 = arith.addi %add3A_153, %add3A_233 : i32
        %dma_start3A_235 = arith.constant 1 : i32
        %dma_start3A_236 = arith.constant 1 : i32
        %dma_start3A_237 = arith.constant 0 : i32
        %dma_start3A_238 = arith.constant 0 : i32
        %dma_start3A_239 = tpu.memref_slice %arg8[%dma_start3A_235, %dma_start3A_237, %dma_start3A_238] : memref<2x128x128xf32, #tpu.memory_space<vmem>> -> memref<1x128x128xf32, #tpu.memory_space<vmem>>
        %dma_start3A_240 = tpu.memref_squeeze %dma_start3A_239 : memref<1x128x128xf32, #tpu.memory_space<vmem>> -> memref<128x128xf32, #tpu.memory_space<vmem>>
        %dma_start3A_241 = arith.constant 0 : i32
        %dma_start3A_242 = tpu.memref_slice %arg6[%add3A_234, %dma_start3A_241] : memref<200x128xi32, #tpu.memory_space<vmem>> -> memref<1x128xi32, #tpu.memory_space<vmem>>
        %dma_start3A_243 = tpu.memref_squeeze %dma_start3A_242 : memref<1x128xi32, #tpu.memory_space<vmem>> -> memref<128xi32, #tpu.memory_space<vmem>>
        %dma_start3A_244 = arith.constant 0 : i32
        %dma_start3A_245 = arith.constant 0 : i32
        %dma_start3A_246 = tpu.memref_slice %arg2[%dma_start3A_244, %dma_start3A_245] : memref<500000x128xf32, #tpu.memory_space<hbm>> -> memref<500000x128xf32, #tpu.memory_space<hbm>>
        %dma_start3A_247 = tpu.memref_slice %arg10[%dma_start3A_236] : memref<2x!tpu.dma_semaphore, #tpu.memory_space<semaphore_mem>> -> memref<1x!tpu.dma_semaphore, #tpu.memory_space<semaphore_mem>>
        %dma_start3A_248 = tpu.memref_squeeze %dma_start3A_247 : memref<1x!tpu.dma_semaphore, #tpu.memory_space<semaphore_mem>> -> memref<!tpu.dma_semaphore, #tpu.memory_space<semaphore_mem>>
        tpu.enqueue_indirect_dma source(%dma_start3A_246 : memref<500000x128xf32, #tpu.memory_space<hbm>>) target(%dma_start3A_240 : memref<128x128xf32, #tpu.memory_space<vmem>>) offsets(%dma_start3A_243 : memref<128xi32, #tpu.memory_space<vmem>>) semaphore(%dma_start3A_248 : memref<!tpu.dma_semaphore, #tpu.memory_space<semaphore_mem>>)
      } else {
      }
    }
    %scan3A_36 = arith.constant 100 : i32
    %dma_wait3A = arith.constant 0 : i32
    %dma_wait3A_37 = arith.constant 0 : i32
    %dma_wait3A_38 = arith.constant 0 : i32
    %dma_wait3A_39 = arith.constant 0 : i32
    %dma_wait3A_40 = arith.constant 0 : i32
    %dma_wait3A_41 = tpu.memref_slice %arg9[%dma_wait3A, %dma_wait3A_39, %dma_wait3A_40] : memref<2x64x128xf32, #tpu.memory_space<vmem>> -> memref<1x64x128xf32, #tpu.memory_space<vmem>>
    %dma_wait3A_42 = tpu.memref_squeeze %dma_wait3A_41 : memref<1x64x128xf32, #tpu.memory_space<vmem>> -> memref<64x128xf32, #tpu.memory_space<vmem>>
    %dma_wait3A_43 = arith.constant 0 : i32
    %dma_wait3A_44 = arith.constant 0 : i32
    %dma_wait3A_45 = tpu.memref_slice %arg5[%dma_wait3A_37, %dma_wait3A_43, %dma_wait3A_44] : memref<50x64x16384xf32, #tpu.memory_space<hbm>> -> memref<1x64x128xf32, #tpu.memory_space<hbm>>
    %dma_wait3A_46 = tpu.memref_squeeze %dma_wait3A_45 : memref<1x64x128xf32, #tpu.memory_space<hbm>> -> memref<64x128xf32, #tpu.memory_space<hbm>>
    %dma_wait3A_47 = tpu.memref_slice %arg11[%dma_wait3A_38] : memref<2x!tpu.dma_semaphore, #tpu.memory_space<semaphore_mem>> -> memref<1x!tpu.dma_semaphore, #tpu.memory_space<semaphore_mem>>
    %dma_wait3A_48 = tpu.memref_squeeze %dma_wait3A_47 : memref<1x!tpu.dma_semaphore, #tpu.memory_space<semaphore_mem>> -> memref<!tpu.dma_semaphore, #tpu.memory_space<semaphore_mem>>
    %dma_wait3A_49 = arith.constant 0 : i32
    %dma_wait3A_50 = arith.constant 0 : i32
    %dma_wait3A_51 = tpu.memref_slice %arg5[%dma_wait3A_37, %dma_wait3A_49, %dma_wait3A_50] : memref<50x64x16384xf32, #tpu.memory_space<hbm>> -> memref<1x64x128xf32, #tpu.memory_space<hbm>>
    %dma_wait3A_52 = tpu.memref_squeeze %dma_wait3A_51 : memref<1x64x128xf32, #tpu.memory_space<hbm>> -> memref<64x128xf32, #tpu.memory_space<hbm>>
    %dma_wait3A_53 = arith.constant 0 : i32
    %dma_wait3A_54 = arith.constant 0 : i32
    %dma_wait3A_55 = tpu.memref_slice %arg9[%dma_wait3A, %dma_wait3A_53, %dma_wait3A_54] : memref<2x64x128xf32, #tpu.memory_space<vmem>> -> memref<1x64x128xf32, #tpu.memory_space<vmem>>
    %dma_wait3A_56 = tpu.memref_squeeze %dma_wait3A_55 : memref<1x64x128xf32, #tpu.memory_space<vmem>> -> memref<64x128xf32, #tpu.memory_space<vmem>>
    tpu.wait_dma2 semaphore(%dma_wait3A_48 : memref<!tpu.dma_semaphore, #tpu.memory_space<semaphore_mem>>) src(%dma_wait3A_56 : memref<64x128xf32, #tpu.memory_space<vmem>>) dst(%dma_wait3A_52 : memref<64x128xf32, #tpu.memory_space<hbm>>)
    %dma_wait3A_57 = arith.constant 1 : i32
    %dma_wait3A_58 = arith.constant 0 : i32
    %dma_wait3A_59 = arith.constant 1 : i32
    %dma_wait3A_60 = arith.constant 0 : i32
    %dma_wait3A_61 = arith.constant 0 : i32
    %dma_wait3A_62 = tpu.memref_slice %arg9[%dma_wait3A_57, %dma_wait3A_60, %dma_wait3A_61] : memref<2x64x128xf32, #tpu.memory_space<vmem>> -> memref<1x64x128xf32, #tpu.memory_space<vmem>>
    %dma_wait3A_63 = tpu.memref_squeeze %dma_wait3A_62 : memref<1x64x128xf32, #tpu.memory_space<vmem>> -> memref<64x128xf32, #tpu.memory_space<vmem>>
    %dma_wait3A_64 = arith.constant 0 : i32
    %dma_wait3A_65 = arith.constant 0 : i32
    %dma_wait3A_66 = tpu.memref_slice %arg5[%dma_wait3A_58, %dma_wait3A_64, %dma_wait3A_65] : memref<50x64x16384xf32, #tpu.memory_space<hbm>> -> memref<1x64x128xf32, #tpu.memory_space<hbm>>
    %dma_wait3A_67 = tpu.memref_squeeze %dma_wait3A_66 : memref<1x64x128xf32, #tpu.memory_space<hbm>> -> memref<64x128xf32, #tpu.memory_space<hbm>>
    %dma_wait3A_68 = tpu.memref_slice %arg11[%dma_wait3A_59] : memref<2x!tpu.dma_semaphore, #tpu.memory_space<semaphore_mem>> -> memref<1x!tpu.dma_semaphore, #tpu.memory_space<semaphore_mem>>
    %dma_wait3A_69 = tpu.memref_squeeze %dma_wait3A_68 : memref<1x!tpu.dma_semaphore, #tpu.memory_space<semaphore_mem>> -> memref<!tpu.dma_semaphore, #tpu.memory_space<semaphore_mem>>
    %dma_wait3A_70 = arith.constant 0 : i32
    %dma_wait3A_71 = arith.constant 0 : i32
    %dma_wait3A_72 = tpu.memref_slice %arg5[%dma_wait3A_58, %dma_wait3A_70, %dma_wait3A_71] : memref<50x64x16384xf32, #tpu.memory_space<hbm>> -> memref<1x64x128xf32, #tpu.memory_space<hbm>>
    %dma_wait3A_73 = tpu.memref_squeeze %dma_wait3A_72 : memref<1x64x128xf32, #tpu.memory_space<hbm>> -> memref<64x128xf32, #tpu.memory_space<hbm>>
    %dma_wait3A_74 = arith.constant 0 : i32
    %dma_wait3A_75 = arith.constant 0 : i32
    %dma_wait3A_76 = tpu.memref_slice %arg9[%dma_wait3A_57, %dma_wait3A_74, %dma_wait3A_75] : memref<2x64x128xf32, #tpu.memory_space<vmem>> -> memref<1x64x128xf32, #tpu.memory_space<vmem>>
    %dma_wait3A_77 = tpu.memref_squeeze %dma_wait3A_76 : memref<1x64x128xf32, #tpu.memory_space<vmem>> -> memref<64x128xf32, #tpu.memory_space<vmem>>
    tpu.wait_dma2 semaphore(%dma_wait3A_69 : memref<!tpu.dma_semaphore, #tpu.memory_space<semaphore_mem>>) src(%dma_wait3A_77 : memref<64x128xf32, #tpu.memory_space<vmem>>) dst(%dma_wait3A_73 : memref<64x128xf32, #tpu.memory_space<hbm>>)
    return
  }
}

</mosaic_0001>

<sc_bundles>
// kernel: kernel.3.cloned.1.call-start
scs
__scs_entry_jumppad:
0x0: {  	(pc) =	sbr.rel $0x88, $3  }
0x1: {  	(tag) =	ssettag $0x0;
	lr =	simm.s32 $0x1  }
0x2: {  	[smem:$0x3F9F] =	sst lr;
	_ =	strace $0xD0000000  }
0x3: {  	_ = 	snop  }
0x4: {  	_ = 	snop  }
0x5: {  	_ = 	snop  }
0x6: {  	_ = 	snop  }
0x7: {  	_ = 	snop  }
__scs_overlays_trampoline_lowered:
0x8: {  	[smem:$0x3FAE] =	sst s0  }
0x9: {  	[smem:$0x3FAF] =	sst s1  }
0xa: {  	[smem:$0x3FB0] =	sst s2  }
0xb: {  	[smem:$0x3FB1] =	sst s3  }
0xc: {  	[smem:$0x3FB2] =	sst s4  }
0xd: {  	[smem:$0x3FB3] =	sst s5  }
0xe: {  	[smem:$0x3FB4] =	sst s6  }
0xf: {  	[smem:$0x3FB5] =	sst s7  }
0x10: {  	[smem:$0x3FB6] =	sst s8  }
0x11: {  	[smem:$0x3FB7] =	sst s9;
	s0 =	simm.s32 @!p0 $0x0  }
0x12: {  	s1 =	sld [smem:$0x3F9D];
	s0 =	simm.s32 @p0 $0x1  }
0x13: {  	[smem:$0x3FB8] =	sst s0;
	s0 =	simm.s32 @!p1 $0x0  }
0x14: {  	s2 =	sld [smem:$0x3F9C];
	s0 =	simm.s32 @p1 $0x1  }
0x15: {  	[smem:$0x3FB9] =	sst s0;
	s0 =	simm.s32 @!p2 $0x0  }
0x16: {  	s3 =	sld [smem:$0x3FDB];
	s0 =	simm.s32 @p2 $0x1  }
0x17: {  	s4 =	simm.s32 $0x1BF5;
	[smem:$0x3FBB] =	sst s0  }
0x18: {  	s0 =	sld [smem:$0x3F9E];
	_ =	swait.ge [sflag:s4], $0x0  }
0x19: {  	s7 =	sld [smem:$0x3F9F]  }
0x1a: {  	s8 =	sadd.s32 $0xFFFFE003, lr  }
0x1b: {  	s9 =	sadd.s32 $0xFFFFFEF7, lr;
	s5 =	simm.s32 $0xFFFFFFFF;
	p2 =	slt.u32 s8, $0xFFFFF086  }
0x1c: {  	p1 =	slt.u32 s9, $0xF7A;
	s5 =	simm.s32 @!p2 $0x0  }
0x1d: {  	s5 =	simm.s32 @p1 $0x1;
	p0 =	seq.s32 s7, s2  }
0x1e: {  	s7 =	smul.u32 @!p0 $0xF7A, s2;
	p2 =	seq.s32 @!p0 s5, $0x0  }
0x1f: {  	s9 =	smul.u32 $0xF7A, s1;
	s8 =	simm.s32 @!p0 $0x1BF5;
	p2 =	por !p2, p0  }
0x20: {  	[sflag:s8] =	ssyncset.s32 @!p0 $0xFFFFF086;
	s6 =	sadd.s32 @!p0 s3, s7;
	s7 =	simm.s32 @!p0 $0x108  }
0x21: {  	s3 =	sadd.s32 s3, s9;
	s6 =	sadd.s32 @!p0 $0x88, s6;
	s7 =	simm.s32 @p2 $0x1082  }
0x22: {  	[simem:s7], [sflag:s8] =	dma.local @!p0 [hbm:s6], $0xF7A  }
0x23: {  	s9 =	sor.u32 $0xD0000000, s2;
	s6 =	simm.s32 $0x108;
	_ =	swait.ge @!p0 [sflag:s8], $0x0  }
0x24: {  	s3 =	sadd.s32 $0x88, s3;
	s6 =	simm.s32 @!p1 $0x1082;
	[sflag:s4] =	ssyncset.s32 $0xFFFFF086  }
0x25: {  	[simem:s6], [sflag:s4] =	dma.local [hbm:s3], $0xF7A  }
0x26: {  	[smem:$0x3F9F] =	sst s1;
	(tag) =	ssettag s2;
	_ =	strace s9  }
0x27: {  	s1 =	sld [smem:$0x3FAF]  }
0x28: {  	s2 =	sld [smem:$0x3FB0]  }
0x29: {  	s4 =	sld [smem:$0x3FB2]  }
0x2a: {  	p0 =	seq.s32 s5, $0x0;
	s5 =	sld [smem:$0x3FB3]  }
0x2b: {  	s6 =	sld [smem:$0x3FB4]  }
0x2c: {  	s7 =	sld [smem:$0x3FB5]  }
0x2d: {  	s3 =	simm.s32 $0x108;
	s8 =	sld [smem:$0x3FB6]  }
0x2e: {  	s3 =	simm.s32 @!p0 $0x1082;
	s9 =	sld [smem:$0x3FB7]  }
0x2f: {  	lr =	sadd.s32 s0, s3;
	s0 =	sld [smem:$0x3FAE]  }
0x30: {  	s3 =	sld [smem:$0x3FB1]  }
0x31: {  	[smem:$0x3FBA] =	sst s10  }
0x32: {  	s10 =	sld [smem:$0x3FB8];
	_ =	sdelay $0x3  }
0x33: {  	p0 =	seq.s32 s10, $0x1;
	s10 =	sld [smem:$0x3FBA];
	_ =	sdelay $0x3  }
0x34: {  	[smem:$0x3FBA] =	sst s10  }
0x35: {  	s10 =	sld [smem:$0x3FB9];
	_ =	sdelay $0x3  }
0x36: {  	p1 =	seq.s32 s10, $0x1;
	s10 =	sld [smem:$0x3FBA];
	_ =	sdelay $0x3  }
0x37: {  	[smem:$0x3FBA] =	sst s10  }
0x38: {  	s10 =	sld [smem:$0x3FBB]  }
0x39: {  	_ = 	snop;
	(pc) =	sbr.ind lr, $3  }
0x3a: {  	_ = 	snop  }
0x3b: {  	_ = 	snop  }
0x3c: {  	p2 =	seq.s32 s10, $0x1;
	s10 =	sld [smem:$0x3FBA]  }
0x3d: {  	_ =	shalt  }
0x3e: {  	_ =	shalt  }
0x3f: {  	_ =	shalt  }
0x40: {  	_ =	shalt  }
0x41: {  	_ =	shalt  }
0x42: {  	_ =	shalt  }
0x43: {  	_ =	shalt  }
0x44: {  	_ =	shalt  }
0x45: {  	_ =	shalt  }
0x46: {  	_ =	shalt  }
0x47: {  	_ =	shalt  }
0x48: {  	_ =	shalt  }
0x49: {  	_ =	shalt  }
0x4a: {  	_ =	shalt  }
0x4b: {  	_ =	shalt  }
0x4c: {  	_ =	shalt  }
0x4d: {  	_ =	shalt  }
0x4e: {  	_ =	shalt  }
0x4f: {  	_ =	shalt  }
0x50: {  	_ =	shalt  }
0x51: {  	_ =	shalt  }
0x52: {  	_ =	shalt  }
0x53: {  	_ =	shalt  }
0x54: {  	_ =	shalt  }
0x55: {  	_ =	shalt  }
0x56: {  	_ =	shalt  }
0x57: {  	_ =	shalt  }
0x58: {  	_ =	shalt  }
0x59: {  	_ =	shalt  }
0x5a: {  	_ =	shalt  }
0x5b: {  	_ =	shalt  }
0x5c: {  	_ =	shalt  }
0x5d: {  	_ =	shalt  }
0x5e: {  	_ =	shalt  }
0x5f: {  	_ =	shalt  }
0x60: {  	_ =	shalt  }
0x61: {  	_ =	shalt  }
0x62: {  	_ =	shalt  }
0x63: {  	_ =	shalt  }
0x64: {  	_ =	shalt  }
0x65: {  	_ =	shalt  }
0x66: {  	_ =	shalt  }
0x67: {  	_ =	shalt  }
0x68: {  	_ =	shalt  }
0x69: {  	_ =	shalt  }
0x6a: {  	_ =	shalt  }
0x6b: {  	_ =	shalt  }
0x6c: {  	_ =	shalt  }
0x6d: {  	_ =	shalt  }
0x6e: {  	_ =	shalt  }
0x6f: {  	_ =	shalt  }
0x70: {  	_ =	shalt  }
0x71: {  	_ =	shalt  }
0x72: {  	_ =	shalt  }
0x73: {  	_ =	shalt  }
0x74: {  	_ =	shalt  }
0x75: {  	_ =	shalt  }
0x76: {  	_ =	shalt  }
0x77: {  	_ =	shalt  }
0x78: {  	_ =	shalt  }
0x79: {  	_ =	shalt  }
0x7a: {  	_ =	shalt  }
0x7b: {  	_ =	shalt  }
0x7c: {  	_ =	shalt  }
0x7d: {  	_ =	shalt  }
0x7e: {  	_ =	shalt  }
0x7f: {  	_ =	shalt  }
0x80: {  	_ =	shalt  }
0x81: {  	_ =	shalt  }
0x82: {  	_ =	shalt  }
0x83: {  	_ =	shalt  }
0x84: {  	_ =	shalt  }
0x85: {  	_ =	shalt  }
0x86: {  	_ =	shalt  }
0x87: {  	_ =	shalt  }
.Lfunc_end0:
.L_simem_size_0:
called_computation_lowered:
.L_overlay_start_0:
0x88: {  	s2 =	sld [smem:$0x3FD9]  }
0x89: {  	s3 =	sld [smem:$0x3FFE];
	_ =	sdelay $0x1  }
0x8a: {  	s1 =	srdreg.scid  }
0x8b: {  	s0 =	sand.u32 $0x1, s1  }
0x8c: {  	s17 =	sshll.u32 s0, $0xA;
	s2 =	sadd.s32 s3, s2  }
0x8d: {  	s2 =	sadd.s32 s2, s17  }
0x8e: {  	[smem:$0x3FC6] =	sst s2  }
0x8f: {  	_ = 	snop  }
0x90: {  	s2 =	sld [smem:$0x3FD0];
	(tm) =	ssettm $0x1  }
0x91: {  	s18 =	sld [smem:$0x3FFB];
	_ =	sdelay $0x3  }
0x92: {  	_ =	strace s18  }
0x93: {  	s3 =	sld [smem:$0x3FFC];
	_ =	sdelay $0x3  }
0x94: {  	_ =	strace s3  }
0x95: {  	s3 =	sld [smem:$0x3FFD];
	_ =	sdelay $0x3  }
0x96: {  	_ =	strace s3  }
0x97: {  	_ =	strace $0x8FFFFFFF  }
0x98: {  	s19 =	sld [smem:$0x3FDB];
	_ =	sdelay $0x1  }
0x99: {  	s4 =	simm.s32 $_scs_section_size  }
0x9a: {  	s5 =	simm.s32 $_size__tile_overlayer_lowered;
	s6 =	simm.s32 $_tile_overlayer_lowered  }
0x9b: {  	s22 =	simm.s32 $0x1BFF;
	s21 =	sshll.u32 s6, $0x1;
	s3 =	sadd.s32 s4, s19  }
0x9c: {  	s7 =	simm.s32 $0x0;
	s20 =	sshll.u32 s5, $0x1;
	s5 =	sadd.s32 s21, s3  }
0x9d: {  	[timem:s7], [sflag:s22] =	dma.local [hbm:s5], s20  }
0x9e: {  	_ =	swait.ge [sflag:s22], s20  }
0x9f: {  	s4 =	ssub.s32 $0x0, s20;
	[sflag:s22] =	ssyncset.done $0x0  }
0xa0: {  	[sflag:s22] =	ssyncadd.s32 s4;
	_ =	sdelay $0x1  }
0xa1: {  	s23 =	simm.s32 $0x1B8B  }
0xa2: {  	_ =	swait.ge [sflag:s23], $0x1  }
0xa3: {  	[sflag:s23] =	ssyncset.done $0x0  }
0xa4: {  	s25 =	simm.s32 $0x1B8E;
	s24 =	sld [smem:$0x3FFE];
	[sflag:s23] =	ssyncadd.s32 $0xFFFFFFFF  }
0xa5: {  	s26 =	simm.s32 $execute0_lowered;
	[smem:$0x3FD2] =	sst s25  }
0xa6: {  	s5 =	sshll.u32 s26, $0x1;
	_ =	strace $0x80000046;
	[dreg:$0x1] =	wrdreg $0xFFFFFFFF  }
0xa7: {  	s28 =	simm.s32 $_size_execute0_lowered;
	s3 =	sadd.s32 s3, s5;
	[dreg:$0x0] =	wrdreg $0x0  }
0xa8: {  	s5 =	sshll.u32 s28, $0x1;
	[dreg:$0x2] =	wrdreg s3  }
0xa9: {  	[dreg:$0x3] =	wrdreg s5  }
0xaa: {  	[dreg:$0x4] =	wrdreg $0xC0  }
0xab: {  	_ =	task [dreg:s7], $0x5FFFF  }
0xac: {  	[dreg:$0x1] =	wrdreg $0xFFFFFFFF  }
0xad: {  	[dreg:$0x0] =	wrdreg $0x60  }
0xae: {  	[dreg:$0x2] =	wrdreg s24  }
0xaf: {  	[dreg:$0x3] =	wrdreg s2  }
0xb0: {  	[dreg:$0x4] =	wrdreg $0x9  }
0xb1: {  	_ =	task.clear_ibuf [dreg:s7], $0x5FFFF;
	_ =	strace $0x90000046  }
0xb2: {  	s29 =	simm.s32 $0x9;
	_ =	strace $0x80000048  }
0xb3: {  	_ =	swait.ge [sflag:s29], $0x1  }
0xb4: {  	[sflag:s29] =	ssyncadd.s32 $0xFFFFFFFF  }
0xb5: {  	_ =	strace $0x90000048  }
0xb6: {  	_ =	sfence  }
0xb7: {  	s30 =	sld [smem:$0x0];
	_ =	sdelay $0x2  }
0xb8: {  	s31 =	sshll.u32 s1, $0xD;
	s1 =	sshrl.u32 s1, $0x2  }
0xb9: {  	s3 =	sand.u32 $0x4000, s31;
	s1 =	sadd.s32 s1, s30  }
0xba: {  	s0 =	sor.u32 s3, s0;
	s1 =	sshll.u32 s1, $0x11  }
0xbb: {  	s0 =	sor.u32 s1, s0  }
0xbc: {  	s0 =	sadd.s32 $0x8F2B, s0  }
0xbd: {  	[sflag:s0] =	ssyncadd.remote.s32 $0x1  }
0xbe: {  	_ =	sfence.sel $0xFFFF  }
0xbf: {  	[dreg:$0x0] =	wrdreg $0xFFFFFFFF;
	(pc) =	sbr.abs _section_cstart, $3  }
0xc0: {  	[dreg:$0x1] =	wrdreg $0xFFFFFFFF  }
0xc1: {  	_ =	task.clear_ibuf [dreg:s7], $0x2FFFF;
	_ =	strace $0x9FFFFFFF  }
0xc2: {  	(tm) =	ssettm $0x7FFFFFFF  }
0xc3: {  	_ =	shalt  }
tec
execute0_lowered:
.L_overlay_start_1:
0x0: {  	(tag) =	ssettag $0x1  }
0x1: {  	v0 =	vimm.s32 $0xFEDCBA9;
	v1 =	vimm.s32 $0x87654321;
	vm14 =	vcmask $0x300  }
0x2: {  	v2 =	vimm.s32 $0xF;
	vm13 =	vcmask $0x704;
	vm12 =	vcmask $0xB08  }
0x3: {  	vm11 =	vcmask $0xF0C;
	vm10 =	vcmask $0x1310;
	vm9 =	vcmask $0x1714  }
0x4: {  	vm8 =	vcmask $0x1B18;
	vm7 =	vcmask $0x1F1C;
	vm5 =	vcmask $0x2320  }
0x5: {  	vm6 =	vcmask $0x2724;
	vm4 =	vcmask $0x2B28;
	vm2 =	vcmask $0x2F2C  }
0x6: {  	vm3 =	vcmask $0x3330;
	vm1 =	vcmask $0x3734;
	vm0 =	vcmask $0x3B38  }
0x7: {  	v27 =	vimm.s32 $0x10FEDCBA;
	v4 =	vimm.s32 $0x98765432;
	v5 =	vimm.s32 $0x10F  }
0x8: {  	v31 =	vimm.s32 $0x30F;
	v32 =	vimm.s32 $0x543210FE;
	v33 =	vimm.s32 $0xDCBA9876  }
0x9: {  	v14 =	vimm.s32 $0x6543210F;
	v15 =	vimm.s32 $0xEDCBA987;
	v38 =	vimm.s32 $0x38F  }
0xa: {  	v41 =	vimm.s32 $0x76543210;
	v42 =	vimm.s32 $0x40F;
	v43 =	vimm.s32 $0xFEDCBA98  }
0xb: {  	v45 =	vimm.s32 $0x48F;
	v0 =	vunpack.c.l.s4.s8 v0;
	v1 =	vunpack.c.l.s4.s8 v1  }
0xc: {  	v21 =	vimm.s32 $0x70F;
	v25 =	vimm.s32 $0x80F;
	v2 =	vsel vm14, $0x80, v2  }
0xd: {  	v2 =	vsel vm13, $0x101, v2;
	v0 =	vunpack.c.0.s8.s32 v0;
	v1 =	vunpack.c.0.s8.s32 v1  }
0xe: {  	v53 =	vimm.s32 $0x120F;
	v55 =	vimm.s32 $0x19181716;
	v2 =	vsel vm12, $0x182, v2  }
0xf: {  	v4 =	vunpack.c.l.s4.s8 v4;
	v2 =	vsel vm11, $0x203, v2;
	v3 =	vcombine.low v1, v0  }
0x10: {  	v14 =	vunpack.c.l.s4.s8 v14;
	v15 =	vunpack.c.l.s4.s8 v15;
	v2 =	vsel vm10, $0x284, v2  }
0x11: {  	v2 =	vsel vm9, $0x305, v2;
	v63 =	vand.u32 $0xF, v3;
	v3 =	vimm.s32 $0x8F  }
0x12: {  	v39 =	vsel vm14, $0x400, v38;
	v2 =	vsel vm8, $0x386, v2;
	v3 =	vsel vm14, $0x100, v3  }
0x13: {  	v38 =	vimm.s32 $0x1D1C1B1A;
	v2 =	vsel vm7, $0x407, v2;
	v3 =	vsel vm13, $0x181, v3  }
0x14: {  	v40 =	vsel vm13, $0x481, v39;
	v2 =	vsel vm5, $0x488, v2;
	v3 =	vsel vm12, $0x202, v3  }
0x15: {  	v39 =	vimm.s32 $0x11101F1E;
	v2 =	vsel vm6, $0x509, v2;
	v3 =	vsel vm11, $0x283, v3  }
0x16: {  	v7 =	vunpack.c.0.s8.s32 v4;
	v2 =	vsel vm4, $0x58A, v2;
	v3 =	vsel vm10, $0x304, v3  }
0x17: {  	v4 =	vimm.s32 $0x210FEDCB;
	v2 =	vsel vm2, $0x60B, v2;
	v3 =	vsel vm9, $0x385, v3  }
0x18: {  	v4 =	vunpack.c.l.s4.s8 v4;
	v2 =	vsel vm3, $0x68C, v2;
	v3 =	vsel vm8, $0x406, v3  }
0x19: {  	v0 =	vcombine.low v0, v1;
	v2 =	vsel vm1, $0x70D, v2;
	v3 =	vsel vm7, $0x487, v3  }
0x1a: {  	v29 =	vunpack.c.0.s8.s32 v4;
	v2 =	vsel vm0, $0x78E, v2;
	v3 =	vsel vm5, $0x508, v3  }
0x1b: {  	[tilespmem:$0x1F7F0] =	vst v2;
	v2 =	vunpack.c.l.s4.s8 v27;
	v28 =	vsel vm6, $0x589, v3;
	v3 =	vsel vm14, $0x180, v5  }
0x1c: {  	v57 =	vand.u32 $0xF, v0;
	v5 =	vimm.s32 $0xA9876543;
	v3 =	vsel vm13, $0x201, v3  }
0x1d: {  	v6 =	vunpack.c.0.s8.s32 v2;
	v2 =	vsel vm4, $0x60A, v28;
	v3 =	vsel vm12, $0x282, v3  }
0x1e: {  	v5 =	vunpack.c.l.s4.s8 v5;
	v9 =	vsel vm2, $0x68B, v2;
	v3 =	vsel vm11, $0x303, v3  }
0x1f: {  	v8 =	vcombine.low v7, v6;
	v6 =	vcombine.low v6, v7;
	v7 =	vimm.s32 $0x50F  }
0x20: {  	v10 =	vsel vm10, $0x384, v3;
	v3 =	vunpack.c.0.s8.s32 v5;
	v58 =	vsel vm14, $0x580, v7  }
0x21: {  	v7 =	vimm.s32 $0xC0F;
	v4 =	vsel vm9, $0x405, v10;
	v5 =	vand.u32 $0xF, v8  }
0x22: {  	v54 =	vand.u32 $0xF, v6;
	v6 =	vimm.s32 $0x58F;
	v7 =	vsel vm14, $0xC80, v7  }
0x23: {  	[tilespmem:$0x1F800] =	vst v5;
	v5 =	vsel vm3, $0x70C, v9;
	v4 =	vsel vm8, $0x486, v4;
	v8 =	vcombine.low v3, v29  }
0x24: {  	v9 =	vimm.s32 $0xBA987654;
	v6 =	vsel vm14, $0x600, v6;
	v2 =	vcombine.low v29, v3  }
0x25: {  	v29 =	vimm.s32 $0x1C1B1A19;
	v7 =	vsel vm13, $0xD01, v7;
	v5 =	vsel vm1, $0x78D, v5  }
0x26: {  	v4 =	vsel vm7, $0x507, v4;
	v9 =	vunpack.c.l.s4.s8 v9;
	v6 =	vsel vm13, $0x681, v6  }
0x27: {  	v52 =	vunpack.c.0.s8.s32 v29;
	v29 =	vimm.s32 $0x180F;
	v61 =	vsel vm0, $0xE, v5  }
0x28: {  	v4 =	vsel vm5, $0x588, v4;
	v5 =	vimm.s32 $0x18F;
	v8 =	vand.u32 $0xF, v8  }
0x29: {  	v6 =	vsel vm12, $0x702, v6;
	v2 =	vand.u32 $0xF, v2;
	v29 =	vsel vm14, $0x1880, v29  }
0x2a: {  	[tilespmem:$0x1F810] =	vst v8;
	v4 =	vsel vm6, $0x609, v4;
	v5 =	vsel vm14, $0x200, v5;
	v8 =	vimm.s32 $0x3210FEDC  }
0x2b: {  	v6 =	vsel vm11, $0x783, v6;
	v29 =	vsel vm13, $0x1901, v29;
	v4 =	vsel vm4, $0x68A, v4  }
0x2c: {  	v5 =	vsel vm13, $0x281, v5;
	v8 =	vunpack.c.l.s4.s8 v8;
	v3 =	vsel vm10, $0x4, v6  }
0x2d: {  	v6 =	vimm.s32 $0xB8F;
	v5 =	vsel vm12, $0x302, v5;
	v4 =	vsel vm2, $0x70B, v4  }
0x2e: {  	v62 =	vsel vm9, $0x85, v3;
	v6 =	vsel vm14, $0xC00, v6;
	v5 =	vsel vm11, $0x383, v5  }
0x2f: {  	v10 =	vsel vm3, $0x78C, v4;
	v4 =	vunpack.c.0.s8.s32 v8;
	v6 =	vsel vm13, $0xC81, v6  }
0x30: {  	v8 =	vsel vm10, $0x404, v5;
	v5 =	vunpack.c.0.s8.s32 v9;
	v9 =	vimm.s32 $0x20F  }
0x31: {  	v10 =	vsel vm1, $0xD, v10;
	v8 =	vsel vm9, $0x485, v8;
	v9 =	vsel vm14, $0x280, v9  }
0x32: {  	v10 =	vsel vm0, $0x8E, v10;
	v8 =	vsel vm8, $0x506, v8;
	v11 =	vcombine.low v5, v4  }
0x33: {  	v9 =	vsel vm13, $0x301, v9;
	[tilespmem:$0x1F820] =	vst v10;
	v10 =	vimm.s32 $0x43210FED;
	v3 =	vcombine.low v4, v5  }
0x34: {  	v4 =	vimm.s32 $0xA8F;
	v5 =	vimm.s32 $0xB0F;
	v8 =	vsel vm7, $0x587, v8  }
0x35: {  	v9 =	vsel vm12, $0x382, v9;
	v10 =	vunpack.c.l.s4.s8 v10;
	v4 =	vsel vm14, $0xB00, v4  }
0x36: {  	v5 =	vsel vm14, $0xB80, v5;
	v8 =	vsel vm5, $0x608, v8;
	v9 =	vsel vm11, $0x403, v9  }
0x37: {  	v59 =	vand.u32 $0xF, v11;
	v8 =	vsel vm6, $0x689, v8;
	v9 =	vsel vm10, $0x484, v9  }
0x38: {  	v11 =	vimm.s32 $0xCBA98765;
	v8 =	vsel vm4, $0x70A, v8;
	v9 =	vsel vm9, $0x505, v9  }
0x39: {  	v11 =	vunpack.c.l.s4.s8 v11;
	v8 =	vsel vm2, $0x78B, v8;
	v9 =	vsel vm8, $0x586, v9  }
0x3a: {  	v12 =	vsel vm3, $0xC, v8;
	v8 =	vunpack.c.0.s8.s32 v10;
	v10 =	vsel vm7, $0x607, v9  }
0x3b: {  	v4 =	vsel vm13, $0xB81, v4;
	v5 =	vsel vm13, $0xC01, v5;
	v10 =	vsel vm5, $0x688, v10  }
0x3c: {  	v9 =	vunpack.c.0.s8.s32 v11;
	v11 =	vimm.s32 $0x28F;
	v10 =	vsel vm6, $0x709, v10  }
0x3d: {  	v12 =	vsel vm1, $0x8D, v12;
	v11 =	vsel vm14, $0x300, v11;
	v10 =	vsel vm4, $0x78A, v10  }
0x3e: {  	v13 =	vcombine.low v9, v8;
	v11 =	vsel vm13, $0x381, v11;
	v10 =	vsel vm2, $0xB, v10  }
0x3f: {  	v12 =	vsel vm0, $0x10E, v12;
	v11 =	vsel vm12, $0x402, v11;
	v10 =	vsel vm3, $0x8C, v10  }
0x40: {  	[tilespmem:$0x1F830] =	vst v12;
	v12 =	vunpack.c.l.s4.s8 v32;
	v11 =	vsel vm11, $0x483, v11;
	v10 =	vsel vm1, $0x10D, v10  }
0x41: {  	v30 =	vand.u32 $0xF, v13;
	v11 =	vsel vm10, $0x504, v11;
	v10 =	vsel vm0, $0x18E, v10  }
0x42: {  	v13 =	vunpack.c.l.s4.s8 v33;
	[tilespmem:$0x1FAB0] =	vst v10;
	v10 =	vsel vm9, $0x585, v11;
	v11 =	vsel vm14, $0x380, v31  }
0x43: {  	v32 =	vimm.s32 $0x88F;
	v12 =	vunpack.c.0.s8.s32 v12;
	v11 =	vsel vm13, $0x401, v11  }
0x44: {  	v13 =	vunpack.c.0.s8.s32 v13;
	v10 =	vsel vm8, $0x606, v10;
	v11 =	vsel vm12, $0x482, v11  }
0x45: {  	v33 =	vimm.s32 $0x14131211;
	v10 =	vsel vm7, $0x687, v10;
	v11 =	vsel vm11, $0x503, v11  }
0x46: {  	v16 =	vcombine.low v13, v12;
	v10 =	vsel vm5, $0x708, v10;
	v11 =	vsel vm10, $0x584, v11  }
0x47: {  	[tilespmem:$0x1F840] =	vst v30;
	v30 =	vimm.s32 $0x101F1E1D;
	v10 =	vsel vm6, $0x789, v10;
	v11 =	vsel vm9, $0x605, v11  }
0x48: {  	v35 =	vand.u32 $0xF, v16;
	v10 =	vsel vm4, $0xA, v10;
	v11 =	vsel vm8, $0x686, v11  }
0x49: {  	[tilespmem:$0x1FAA0] =	vst v35;
	v35 =	vimm.s32 $0x90F;
	v10 =	vsel vm2, $0x8B, v10;
	v11 =	vsel vm7, $0x707, v11  }
0x4a: {  	v17 =	vsel vm3, $0x10C, v10;
	v10 =	vunpack.c.0.s8.s32 v14;
	v11 =	vsel vm5, $0x788, v11  }
0x4b: {  	v36 =	vsel vm1, $0x18D, v17;
	v17 =	vunpack.c.l.s4.s8 v43;
	v43 =	vimm.s32 $0x100F  }
0x4c: {  	v18 =	vsel vm6, $0x9, v11;
	v11 =	vunpack.c.0.s8.s32 v15;
	v15 =	vsel vm0, $0x20E, v36  }
0x4d: {  	v34 =	vsel vm4, $0x8A, v18;
	[tilespmem:$0x1FA60] =	vst v15;
	v15 =	vunpack.c.l.s4.s8 v41;
	v17 =	vunpack.c.0.s8.s32 v17  }
0x4e: {  	v18 =	vcombine.low v8, v9;
	v8 =	vimm.s32 $0xC8F;
	v9 =	vimm.s32 $0xD0F  }
0x4f: {  	v41 =	vimm.s32 $0xE8F;
	v14 =	vsel vm2, $0x10B, v34;
	v37 =	vcombine.low v11, v10  }
0x50: {  	v34 =	vimm.s32 $0x18171615;
	v8 =	vsel vm14, $0xD00, v8;
	v9 =	vsel vm14, $0xD80, v9  }
0x51: {  	v14 =	vsel vm3, $0x18C, v14;
	v15 =	vunpack.c.0.s8.s32 v15;
	v17 =	vand.u32 $0xF, v17  }
0x52: {  	v8 =	vsel vm13, $0xD81, v8;
	v9 =	vsel vm13, $0xE01, v9;
	v14 =	vsel vm1, $0x20D, v14  }
0x53: {  	v16 =	vand.u32 $0xF, v37;
	v37 =	vsel vm14, $0x980, v35;
	v35 =	vimm.s32 $0x1B0F  }
0x54: {  	[tilespmem:$0x1FA70] =	vst v16;
	v14 =	vsel vm0, $0x28E, v14;
	v16 =	vsel vm14, $0x480, v42;
	v15 =	vcombine.low v17, v15  }
0x55: {  	v17 =	vand.u32 $0xF, v3;
	v3 =	vimm.s32 $0x68F;
	v42 =	vimm.s32 $0xF0F  }
0x56: {  	v35 =	vsel vm14, $0x1B80, v35;
	[tilespmem:$0x1FA80] =	vst v14;
	v14 =	vsel vm12, $0x502, v40;
	v16 =	vsel vm13, $0x501, v16  }
0x57: {  	v20 =	vsel vm14, $0x700, v3;
	v3 =	vcombine.low v12, v13;
	v40 =	vimm.s32 $0x98F  }
0x58: {  	v12 =	vsel vm14, $0xF00, v41;
	v13 =	vsel vm14, $0xF80, v42;
	v41 =	vimm.s32 $0x1E0F  }
0x59: {  	v42 =	vimm.s32 $0x1E8F;
	v35 =	vsel vm13, $0x1C01, v35;
	v14 =	vsel vm11, $0x583, v14  }
0x5a: {  	v16 =	vsel vm12, $0x582, v16;
	v41 =	vsel vm14, $0x1E80, v41;
	v42 =	vsel vm14, $0x1F00, v42  }
0x5b: {  	v12 =	vsel vm13, $0xF81, v12;
	v13 =	vsel vm13, $0x801, v13;
	v14 =	vsel vm10, $0x604, v14  }
0x5c: {  	v16 =	vsel vm11, $0x603, v16;
	v24 =	vand.u32 $0xF, v3;
	v3 =	vcombine.low v10, v11  }
0x5d: {  	v10 =	vimm.s32 $0xD8F;
	v11 =	vimm.s32 $0xE0F;
	v41 =	vsel vm13, $0x1F01, v41  }
0x5e: {  	v42 =	vsel vm13, $0x1F81, v42;
	v14 =	vsel vm9, $0x685, v14;
	v16 =	vsel vm10, $0x684, v16  }
0x5f: {  	[tilespmem:$0x1F8B0] =	vst v24;
	v10 =	vsel vm14, $0xE00, v10;
	v11 =	vsel vm14, $0xE80, v11;
	v24 =	vimm.s32 $0x150F  }
0x60: {  	v14 =	vsel vm8, $0x706, v14;
	v16 =	vsel vm9, $0x705, v16;
	v28 =	vand.u32 $0xF, v3  }
0x61: {  	v3 =	vimm.s32 $0xA0F;
	v24 =	vsel vm14, $0x1580, v24;
	v10 =	vsel vm13, $0xE81, v10  }
0x62: {  	v11 =	vsel vm13, $0xF01, v11;
	v14 =	vsel vm7, $0x787, v14;
	v44 =	vsel vm8, $0x786, v16  }
0x63: {  	v16 =	vsel vm14, $0x500, v45;
	v3 =	vsel vm14, $0xA80, v3;
	v45 =	vimm.s32 $0x110F  }
0x64: {  	[tilespmem:$0x1F8D0] =	vst v28;
	v28 =	vimm.s32 $0x170F;
	v24 =	vsel vm13, $0x1601, v24;
	v14 =	vsel vm5, $0x8, v14  }
0x65: {  	[tilespmem:$0x1FA90] =	vst v15;
	v15 =	vsel vm7, $0x7, v44;
	v16 =	vsel vm13, $0x581, v16;
	v44 =	vimm.s32 $0x108F  }
0x66: {  	v28 =	vsel vm14, $0x1780, v28;
	v3 =	vsel vm13, $0xB01, v3;
	v14 =	vsel vm6, $0x89, v14  }
0x67: {  	v15 =	vsel vm5, $0x88, v15;
	v16 =	vsel vm12, $0x602, v16;
	v28 =	vsel vm13, $0x1001, v28  }
0x68: {  	v14 =	vsel vm4, $0x10A, v14;
	v15 =	vsel vm6, $0x109, v15;
	v47 =	vsel vm11, $0x683, v16  }
0x69: {  	v14 =	vsel vm2, $0x18B, v14;
	v15 =	vsel vm4, $0x18A, v15;
	v48 =	vsel vm10, $0x704, v47  }
0x6a: {  	v47 =	vimm.s32 $0x118F;
	v14 =	vsel vm3, $0x20C, v14;
	v46 =	vsel vm2, $0x20B, v15  }
0x6b: {  	[tilespmem:$0x1F870] =	vst v17;
	v50 =	vsel vm9, $0x785, v48;
	v48 =	vunpack.c.0.s8.s32 v38;
	v17 =	vsel vm14, $0x1200, v47  }
0x6c: {  	v38 =	vimm.s32 $0x1C8F;
	v47 =	vunpack.c.0.s8.s32 v55;
	v55 =	vimm.s32 $0x1E1D1C1B  }
0x6d: {  	v14 =	vsel vm1, $0x28D, v14;
	v1 =	vsel vm3, $0x28C, v46;
	v46 =	vunpack.c.0.s8.s32 v39  }
0x6e: {  	v38 =	vsel vm14, $0x1D00, v38;
	v39 =	vimm.s32 $0x1D0F;
	v17 =	vsel vm13, $0x1281, v17  }
0x6f: {  	v14 =	vsel vm0, $0x30E, v14;
	v49 =	vsel vm1, $0x30D, v1;
	v1 =	vsel vm8, $0x6, v50  }
0x70: {  	v50 =	vunpack.c.0.s8.s32 v33;
	v33 =	vimm.s32 $0x1A0F;
	v39 =	vsel vm14, $0x1D80, v39  }
0x71: {  	v38 =	vsel vm13, $0x1D81, v38;
	v0 =	vsel vm0, $0x38E, v49;
	v51 =	vsel vm7, $0x87, v1  }
0x72: {  	[tilespmem:$0x1FAE0] =	vst v14;
	v1 =	vsel vm13, $0x601, v58;
	v14 =	vimm.s32 $0x60F;
	v49 =	vunpack.c.0.s8.s32 v34  }
0x73: {  	[tilespmem:$0x1F850] =	vst v2;
	v34 =	vimm.s32 $0x1A8F;
	v33 =	vsel vm14, $0x1A80, v33;
	v39 =	vsel vm13, $0x1E01, v39  }
0x74: {  	[tilespmem:$0x1FB00] =	vst v0;
	v0 =	vsel vm5, $0x108, v51;
	v1 =	vsel vm12, $0x682, v1;
	v2 =	vsel vm14, $0x680, v14  }
0x75: {  	v51 =	vunpack.c.0.s8.s32 v30;
	v14 =	vsel vm14, $0x1080, v43;
	v30 =	vimm.s32 $0x188F  }
0x76: {  	v34 =	vsel vm14, $0x1B00, v34;
	v43 =	vimm.s32 $0x1F0F;
	v33 =	vsel vm13, $0x1B01, v33  }
0x77: {  	v56 =	vsel vm12, $0x1E82, v39;
	v0 =	vsel vm6, $0x189, v0;
	v1 =	vsel vm11, $0x703, v1  }
0x78: {  	v2 =	vsel vm13, $0x701, v2;
	v30 =	vsel vm14, $0x1900, v30;
	v43 =	vsel vm14, $0x1F80, v43  }
0x79: {  	v14 =	vsel vm13, $0x1101, v14;
	v34 =	vsel vm13, $0x1B81, v34;
	v0 =	vsel vm4, $0x20A, v0  }
0x7a: {  	v1 =	vsel vm10, $0x784, v1;
	v2 =	vsel vm12, $0x782, v2;
	v30 =	vsel vm13, $0x1981, v30  }
0x7b: {  	v43 =	vsel vm13, $0x1801, v43;
	v0 =	vsel vm2, $0x28B, v0;
	v1 =	vsel vm9, $0x5, v1  }
0x7c: {  	v2 =	vsel vm11, $0x3, v2;
	v0 =	vsel vm3, $0x30C, v0;
	v1 =	vsel vm8, $0x86, v1  }
0x7d: {  	v16 =	vsel vm10, $0x84, v2;
	v2 =	vand.u32 $0xF, v18;
	v18 =	vsel vm14, $0x1280, v53  }
0x7e: {  	v53 =	vsel vm12, $0x1882, v43;
	v43 =	vunpack.c.0.s8.s32 v55;
	v0 =	vsel vm1, $0x38D, v0  }
0x7f: {  	v1 =	vsel vm7, $0x107, v1;
	[tilespmem:$0x1F890] =	vst v2;
	v2 =	vsel vm14, $0x780, v21;
	v21 =	vimm.s32 $0x138F  }
0x80: {  	v18 =	vsel vm13, $0x1301, v18;
	v0 =	vsel vm0, $0x40E, v0;
	v60 =	vsel vm5, $0x188, v1  }
0x81: {  	v1 =	vsel vm8, $0x106, v62;
	v2 =	vsel vm13, $0x1, v2;
	v21 =	vsel vm14, $0x1400, v21  }
0x82: {  	v62 =	vsel vm12, $0x1802, v42;
	v42 =	vsel vm11, $0x1903, v53;
	[tilespmem:$0x1FB20] =	vst v0;
	v0 =	vsel vm6, $0x209, v60  }
0x83: {  	v1 =	vsel vm7, $0x187, v1;
	v2 =	vsel vm12, $0x82, v2;
	v21 =	vsel vm13, $0x1481, v21  }
0x84: {  	v60 =	vsel vm12, $0x1F82, v41;
	v41 =	vsel vm11, $0x1883, v62;
	v42 =	vsel vm10, $0x1984, v42  }
0x85: {  	v62 =	vimm.s32 $0x1F1E1D1C;
	v0 =	vsel vm4, $0x28A, v0;
	v1 =	vsel vm5, $0x208, v1  }
0x86: {  	v2 =	vsel vm11, $0x103, v2;
	v41 =	vsel vm10, $0x1904, v41;
	v42 =	vsel vm9, $0x1A05, v42  }
0x87: {  	v53 =	vunpack.c.0.s8.s32 v62;
	v0 =	vsel vm2, $0x30B, v0;
	v1 =	vsel vm6, $0x289, v1  }
0x88: {  	v2 =	vsel vm10, $0x184, v2;
	v41 =	vsel vm9, $0x1985, v41;
	v42 =	vsel vm8, $0x1A86, v42  }
0x89: {  	v0 =	vsel vm3, $0x38C, v0;
	v1 =	vsel vm4, $0x30A, v1;
	v23 =	vsel vm9, $0x205, v2  }
0x8a: {  	v2 =	vsel vm14, $0x880, v25;
	v25 =	vimm.s32 $0x158F;
	v41 =	vsel vm8, $0x1A06, v41  }
0x8b: {  	[tilespmem:$0x1F960] =	vst v53;
	v53 =	vsel vm7, $0x1B07, v42;
	v0 =	vsel vm1, $0x40D, v0;
	v1 =	vsel vm2, $0x38B, v1  }
0x8c: {  	v2 =	vsel vm13, $0x901, v2;
	v25 =	vsel vm14, $0x1600, v25;
	v62 =	vsel vm7, $0x1A87, v41  }
0x8d: {  	v41 =	vsel vm5, $0x1B88, v53;
	v0 =	vsel vm0, $0x48E, v0;
	v15 =	vsel vm3, $0x40C, v1  }
0x8e: {  	v1 =	vsel vm9, $0x105, v16;
	v2 =	vsel vm12, $0x982, v2;
	v16 =	vsel vm14, $0x1180, v45  }
0x8f: {  	v25 =	vsel vm13, $0x1681, v25;
	v41 =	vsel vm6, $0x1C09, v41;
	[tilespmem:$0x1F860] =	vst v0;
	v0 =	vsel vm1, $0x48D, v15  }
0x90: {  	v1 =	vsel vm8, $0x186, v1;
	v2 =	vsel vm11, $0xA03, v2;
	v15 =	vsel vm14, $0x1100, v44  }
0x91: {  	v44 =	vimm.s32 $0x15141312;
	v16 =	vsel vm13, $0x1201, v16;
	v0 =	vsel vm0, $0x50E, v0  }
0x92: {  	v19 =	vsel vm7, $0x207, v1;
	v1 =	vsel vm13, $0x781, v20;
	v27 =	vsel vm10, $0xA84, v2  }
0x93: {  	v2 =	vsel vm14, $0xA00, v40;
	v20 =	vimm.s32 $0x130F;
	v40 =	vimm.s32 $0x1D8F  }
0x94: {  	v45 =	vunpack.c.0.s8.s32 v44;
	v15 =	vsel vm13, $0x1181, v15;
	[tilespmem:$0x1F880] =	vst v0;
	v0 =	vsel vm5, $0x288, v19  }
0x95: {  	v1 =	vsel vm12, $0x2, v1;
	v19 =	vimm.s32 $0x128F;
	v20 =	vsel vm14, $0x1380, v20  }
0x96: {  	v40 =	vsel vm14, $0x1E00, v40;
	v2 =	vsel vm13, $0xA81, v2;
	v0 =	vsel vm6, $0x309, v0  }
0x97: {  	v1 =	vsel vm11, $0x83, v1;
	v19 =	vsel vm14, $0x1300, v19;
	v20 =	vsel vm13, $0x1401, v20  }
0x98: {  	v40 =	vsel vm13, $0x1E81, v40;
	v0 =	vsel vm4, $0x38A, v0;
	v1 =	vsel vm10, $0x104, v1  }
0x99: {  	v19 =	vsel vm13, $0x1381, v19;
	v58 =	vsel vm12, $0x1F02, v40;
	v40 =	vsel vm11, $0x1803, v60  }
0x9a: {  	v60 =	vimm.s32 $0x1A191817;
	v0 =	vsel vm2, $0x40B, v0;
	v1 =	vsel vm9, $0x185, v1  }
0x9b: {  	v39 =	vsel vm11, $0x1F83, v58;
	v40 =	vsel vm10, $0x1884, v40;
	v58 =	vimm.s32 $0x16151413  }
0x9c: {  	v0 =	vsel vm3, $0x48C, v0;
	v1 =	vsel vm8, $0x206, v1;
	v39 =	vsel vm10, $0x1804, v39  }
0x9d: {  	v40 =	vsel vm9, $0x1905, v40;
	v0 =	vsel vm1, $0x50D, v0;
	v1 =	vsel vm7, $0x287, v1  }
0x9e: {  	v39 =	vsel vm9, $0x1885, v39;
	v22 =	vsel vm5, $0x308, v1;
	v1 =	vsel vm8, $0x286, v23  }
0x9f: {  	v40 =	vsel vm8, $0x1986, v40;
	v0 =	vsel vm0, $0x58E, v0;
	v1 =	vsel vm7, $0x307, v1  }
0xa0: {  	v23 =	vimm.s32 $0x148F;
	[tilespmem:$0x1F8A0] =	vst v0;
	v0 =	vsel vm6, $0x389, v22;
	v1 =	vsel vm5, $0x388, v1  }
0xa1: {  	v39 =	vsel vm8, $0x1906, v39;
	v0 =	vsel vm4, $0x40A, v0;
	v1 =	vsel vm6, $0x409, v1  }
0xa2: {  	v22 =	vimm.s32 $0x140F;
	v0 =	vsel vm2, $0x48B, v0;
	v1 =	vsel vm4, $0x48A, v1  }
0xa3: {  	v23 =	vsel vm14, $0x1500, v23;
	v0 =	vsel vm3, $0x50C, v0;
	v1 =	vsel vm2, $0x50B, v1  }
0xa4: {  	v0 =	vsel vm1, $0x58D, v0;
	v26 =	vsel vm3, $0x58C, v1;
	v1 =	vsel vm9, $0xB05, v27  }
0xa5: {  	v22 =	vsel vm14, $0x1480, v22;
	v0 =	vsel vm0, $0x60E, v0;
	v1 =	vsel vm8, $0xB86, v1  }
0xa6: {  	v23 =	vsel vm13, $0x1581, v23;
	[tilespmem:$0x1F8C0] =	vst v0;
	v0 =	vsel vm1, $0x60D, v26;
	v1 =	vsel vm7, $0xC07, v1  }
0xa7: {  	v22 =	vsel vm13, $0x1501, v22;
	v0 =	vsel vm0, $0x68E, v0;
	v31 =	vsel vm5, $0xC88, v1  }
0xa8: {  	v27 =	vimm.s32 $0x168F;
	[tilespmem:$0x1F8E0] =	vst v0;
	v1 =	vsel vm14, $0x900, v32;
	v0 =	vsel vm6, $0xD09, v31  }
0xa9: {  	v26 =	vimm.s32 $0x160F;
	v1 =	vsel vm13, $0x981, v1;
	v0 =	vsel vm4, $0xD8A, v0  }
0xaa: {  	v27 =	vsel vm14, $0x1700, v27;
	v1 =	vsel vm12, $0xA02, v1;
	v0 =	vsel vm2, $0xE0B, v0  }
0xab: {  	v26 =	vsel vm14, $0x1680, v26;
	v1 =	vsel vm11, $0xA83, v1;
	v0 =	vsel vm3, $0xE8C, v0  }
0xac: {  	v27 =	vsel vm13, $0x1781, v27;
	v1 =	vsel vm10, $0xB04, v1;
	v0 =	vsel vm1, $0xF0D, v0  }
0xad: {  	v32 =	vimm.s32 $0x198F;
	v36 =	vsel vm9, $0xB85, v1;
	v0 =	vsel vm0, $0xF8E, v0  }
0xae: {  	v26 =	vsel vm13, $0x1701, v26;
	v31 =	vimm.s32 $0x190F;
	[tilespmem:$0x1F8F0] =	vst v0;
	v0 =	vsel vm8, $0xC06, v36  }
0xaf: {  	v32 =	vsel vm14, $0x1A00, v32;
	v1 =	vsel vm13, $0xA01, v37;
	v0 =	vsel vm7, $0xC87, v0  }
0xb0: {  	v31 =	vsel vm14, $0x1980, v31;
	v1 =	vsel vm12, $0xA82, v1;
	v0 =	vsel vm5, $0xD08, v0  }
0xb1: {  	v32 =	vsel vm13, $0x1A81, v32;
	v1 =	vsel vm11, $0xB03, v1;
	v0 =	vsel vm6, $0xD89, v0  }
0xb2: {  	v31 =	vsel vm13, $0x1A01, v31;
	v1 =	vsel vm10, $0xB84, v1;
	v0 =	vsel vm4, $0xE0A, v0  }
0xb3: {  	v37 =	vimm.s32 $0x1C0F;
	v1 =	vsel vm9, $0xC05, v1;
	v0 =	vsel vm2, $0xE8B, v0  }
0xb4: {  	v37 =	vsel vm14, $0x1C80, v37;
	v1 =	vsel vm8, $0xC86, v1;
	v0 =	vsel vm3, $0xF0C, v0  }
0xb5: {  	v36 =	vimm.s32 $0x1B8F;
	v1 =	vsel vm7, $0xD07, v1;
	v0 =	vsel vm1, $0xF8D, v0  }
0xb6: {  	v36 =	vsel vm14, $0x1C00, v36;
	v1 =	vsel vm5, $0xD88, v1;
	v0 =	vsel vm0, $0x80E, v0  }
0xb7: {  	v37 =	vsel vm13, $0x1D01, v37;
	v36 =	vsel vm13, $0x1C81, v36;
	[tilespmem:$0x1F900] =	vst v0;
	v0 =	vsel vm6, $0xE09, v1  }
0xb8: {  	v1 =	vsel vm12, $0xB02, v2;
	v2 =	vsel vm12, $0xB82, v3;
	v3 =	vsel vm12, $0xC02, v4  }
0xb9: {  	v4 =	vsel vm12, $0xC82, v5;
	v5 =	vsel vm12, $0xD02, v6;
	v6 =	vsel vm12, $0xD82, v7  }
0xba: {  	v7 =	vsel vm12, $0xE02, v8;
	v8 =	vsel vm12, $0xE82, v9;
	v9 =	vsel vm12, $0xF02, v10  }
0xbb: {  	v10 =	vsel vm12, $0xF82, v11;
	v11 =	vsel vm12, $0x802, v12;
	v12 =	vsel vm12, $0x882, v13  }
0xbc: {  	v13 =	vsel vm12, $0x1182, v14;
	v14 =	vsel vm12, $0x1202, v15;
	v15 =	vsel vm12, $0x1282, v16  }
0xbd: {  	v16 =	vsel vm12, $0x1302, v17;
	v17 =	vsel vm12, $0x1382, v18;
	v18 =	vsel vm12, $0x1402, v19  }
0xbe: {  	v19 =	vsel vm12, $0x1482, v20;
	v20 =	vsel vm12, $0x1502, v21;
	v21 =	vsel vm12, $0x1582, v22  }
0xbf: {  	v22 =	vsel vm12, $0x1602, v23;
	v23 =	vsel vm12, $0x1682, v24;
	v24 =	vsel vm12, $0x1702, v25  }
0xc0: {  	v25 =	vsel vm12, $0x1782, v26;
	v26 =	vsel vm12, $0x1002, v27;
	v27 =	vsel vm12, $0x1082, v28  }
0xc1: {  	v28 =	vsel vm12, $0x1982, v29;
	v29 =	vsel vm12, $0x1A02, v30;
	v30 =	vsel vm12, $0x1A82, v31  }
0xc2: {  	v31 =	vsel vm12, $0x1B02, v32;
	v32 =	vsel vm12, $0x1B82, v33;
	v33 =	vsel vm12, $0x1C02, v34  }
0xc3: {  	v34 =	vsel vm12, $0x1C82, v35;
	v35 =	vsel vm12, $0x1D02, v36;
	v36 =	vsel vm12, $0x1D82, v37  }
0xc4: {  	v37 =	vsel vm12, $0x1E02, v38;
	v38 =	vsel vm11, $0x1F03, v56;
	v56 =	vimm.s32 $0x1211101F  }
0xc5: {  	v0 =	vsel vm4, $0xE8A, v0;
	v1 =	vsel vm11, $0xB83, v1;
	v2 =	vsel vm11, $0xC03, v2  }
0xc6: {  	v3 =	vsel vm11, $0xC83, v3;
	v4 =	vsel vm11, $0xD03, v4;
	v5 =	vsel vm11, $0xD83, v5  }
0xc7: {  	v6 =	vsel vm11, $0xE03, v6;
	v7 =	vsel vm11, $0xE83, v7;
	v8 =	vsel vm11, $0xF03, v8  }
0xc8: {  	v9 =	vsel vm11, $0xF83, v9;
	v10 =	vsel vm11, $0x803, v10;
	v11 =	vsel vm11, $0x883, v11  }
0xc9: {  	v12 =	vsel vm11, $0x903, v12;
	v13 =	vsel vm11, $0x1203, v13;
	v14 =	vsel vm11, $0x1283, v14  }
0xca: {  	v15 =	vsel vm11, $0x1303, v15;
	v16 =	vsel vm11, $0x1383, v16;
	v17 =	vsel vm11, $0x1403, v17  }
0xcb: {  	v18 =	vsel vm11, $0x1483, v18;
	v19 =	vsel vm11, $0x1503, v19;
	v20 =	vsel vm11, $0x1583, v20  }
0xcc: {  	v21 =	vsel vm11, $0x1603, v21;
	v22 =	vsel vm11, $0x1683, v22;
	v23 =	vsel vm11, $0x1703, v23  }
0xcd: {  	v24 =	vsel vm11, $0x1783, v24;
	v25 =	vsel vm11, $0x1003, v25;
	v26 =	vsel vm11, $0x1083, v26  }
0xce: {  	v27 =	vsel vm11, $0x1103, v27;
	v28 =	vsel vm11, $0x1A03, v28;
	v29 =	vsel vm11, $0x1A83, v29  }
0xcf: {  	v30 =	vsel vm11, $0x1B03, v30;
	v31 =	vsel vm11, $0x1B83, v31;
	v32 =	vsel vm11, $0x1C03, v32  }
0xd0: {  	v33 =	vsel vm11, $0x1C83, v33;
	v34 =	vsel vm11, $0x1D03, v34;
	v35 =	vsel vm11, $0x1D83, v35  }
0xd1: {  	[tilespmem:$0x1F910] =	vst v43;
	v36 =	vsel vm11, $0x1E03, v36;
	v37 =	vsel vm11, $0x1E83, v37;
	v43 =	vunpack.c.0.s8.s32 v56  }
0xd2: {  	v38 =	vsel vm10, $0x1F84, v38;
	v0 =	vsel vm2, $0xF0B, v0;
	v1 =	vsel vm10, $0xC04, v1  }
0xd3: {  	v2 =	vsel vm10, $0xC84, v2;
	v3 =	vsel vm10, $0xD04, v3;
	v4 =	vsel vm10, $0xD84, v4  }
0xd4: {  	v5 =	vsel vm10, $0xE04, v5;
	v6 =	vsel vm10, $0xE84, v6;
	v7 =	vsel vm10, $0xF04, v7  }
0xd5: {  	v8 =	vsel vm10, $0xF84, v8;
	v9 =	vsel vm10, $0x804, v9;
	v10 =	vsel vm10, $0x884, v10  }
0xd6: {  	v11 =	vsel vm10, $0x904, v11;
	v12 =	vsel vm10, $0x984, v12;
	v13 =	vsel vm10, $0x1284, v13  }
0xd7: {  	v14 =	vsel vm10, $0x1304, v14;
	v15 =	vsel vm10, $0x1384, v15;
	v16 =	vsel vm10, $0x1404, v16  }
0xd8: {  	v17 =	vsel vm10, $0x1484, v17;
	v18 =	vsel vm10, $0x1504, v18;
	v19 =	vsel vm10, $0x1584, v19  }
0xd9: {  	v20 =	vsel vm10, $0x1604, v20;
	v21 =	vsel vm10, $0x1684, v21;
	v22 =	vsel vm10, $0x1704, v22  }
0xda: {  	v23 =	vsel vm10, $0x1784, v23;
	v24 =	vsel vm10, $0x1004, v24;
	v25 =	vsel vm10, $0x1084, v25  }
0xdb: {  	v26 =	vsel vm10, $0x1104, v26;
	v27 =	vsel vm10, $0x1184, v27;
	v28 =	vsel vm10, $0x1A84, v28  }
0xdc: {  	v29 =	vsel vm10, $0x1B04, v29;
	v30 =	vsel vm10, $0x1B84, v30;
	v31 =	vsel vm10, $0x1C04, v31  }
0xdd: {  	v32 =	vsel vm10, $0x1C84, v32;
	v33 =	vsel vm10, $0x1D04, v33;
	v34 =	vsel vm10, $0x1D84, v34  }
0xde: {  	v35 =	vsel vm10, $0x1E04, v35;
	v36 =	vsel vm10, $0x1E84, v36;
	v37 =	vsel vm10, $0x1F04, v37  }
0xdf: {  	v38 =	vsel vm9, $0x1805, v38;
	[tilespmem:$0x1F920] =	vst v43;
	v43 =	vunpack.c.0.s8.s32 v58;
	v0 =	vsel vm3, $0xF8C, v0  }
0xe0: {  	v1 =	vsel vm9, $0xC85, v1;
	v2 =	vsel vm9, $0xD05, v2;
	v3 =	vsel vm9, $0xD85, v3  }
0xe1: {  	v4 =	vsel vm9, $0xE05, v4;
	v5 =	vsel vm9, $0xE85, v5;
	v6 =	vsel vm9, $0xF05, v6  }
0xe2: {  	v7 =	vsel vm9, $0xF85, v7;
	v8 =	vsel vm9, $0x805, v8;
	v9 =	vsel vm9, $0x885, v9  }
0xe3: {  	v10 =	vsel vm9, $0x905, v10;
	v11 =	vsel vm9, $0x985, v11;
	v12 =	vsel vm9, $0xA05, v12  }
0xe4: {  	v13 =	vsel vm9, $0x1305, v13;
	v14 =	vsel vm9, $0x1385, v14;
	v15 =	vsel vm9, $0x1405, v15  }
0xe5: {  	v16 =	vsel vm9, $0x1485, v16;
	v17 =	vsel vm9, $0x1505, v17;
	v18 =	vsel vm9, $0x1585, v18  }
0xe6: {  	v19 =	vsel vm9, $0x1605, v19;
	v20 =	vsel vm9, $0x1685, v20;
	v21 =	vsel vm9, $0x1705, v21  }
0xe7: {  	v22 =	vsel vm9, $0x1785, v22;
	v23 =	vsel vm9, $0x1005, v23;
	v24 =	vsel vm9, $0x1085, v24  }
0xe8: {  	v25 =	vsel vm9, $0x1105, v25;
	v26 =	vsel vm9, $0x1185, v26;
	v27 =	vsel vm9, $0x1205, v27  }
0xe9: {  	v28 =	vsel vm9, $0x1B05, v28;
	v29 =	vsel vm9, $0x1B85, v29;
	v30 =	vsel vm9, $0x1C05, v30  }
0xea: {  	v31 =	vsel vm9, $0x1C85, v31;
	v32 =	vsel vm9, $0x1D05, v32;
	v33 =	vsel vm9, $0x1D85, v33  }
0xeb: {  	v34 =	vsel vm9, $0x1E05, v34;
	v35 =	vsel vm9, $0x1E85, v35;
	v36 =	vsel vm9, $0x1F05, v36  }
0xec: {  	v37 =	vsel vm9, $0x1F85, v37;
	v38 =	vsel vm8, $0x1886, v38;
	v58 =	vimm.s32 $0x13121110  }
0xed: {  	v0 =	vsel vm1, $0x80D, v0;
	v1 =	vsel vm8, $0xD06, v1;
	v2 =	vsel vm8, $0xD86, v2  }
0xee: {  	v3 =	vsel vm8, $0xE06, v3;
	v4 =	vsel vm8, $0xE86, v4;
	v5 =	vsel vm8, $0xF06, v5  }
0xef: {  	v6 =	vsel vm8, $0xF86, v6;
	v7 =	vsel vm8, $0x806, v7;
	v8 =	vsel vm8, $0x886, v8  }
0xf0: {  	v9 =	vsel vm8, $0x906, v9;
	v10 =	vsel vm8, $0x986, v10;
	v11 =	vsel vm8, $0xA06, v11  }
0xf1: {  	v12 =	vsel vm8, $0xA86, v12;
	v13 =	vsel vm8, $0x1386, v13;
	v14 =	vsel vm8, $0x1406, v14  }
0xf2: {  	v15 =	vsel vm8, $0x1486, v15;
	v16 =	vsel vm8, $0x1506, v16;
	v17 =	vsel vm8, $0x1586, v17  }
0xf3: {  	v18 =	vsel vm8, $0x1606, v18;
	v19 =	vsel vm8, $0x1686, v19;
	v20 =	vsel vm8, $0x1706, v20  }
0xf4: {  	v21 =	vsel vm8, $0x1786, v21;
	v22 =	vsel vm8, $0x1006, v22;
	v23 =	vsel vm8, $0x1086, v23  }
0xf5: {  	v24 =	vsel vm8, $0x1106, v24;
	v25 =	vsel vm8, $0x1186, v25;
	v26 =	vsel vm8, $0x1206, v26  }
0xf6: {  	v27 =	vsel vm8, $0x1286, v27;
	v28 =	vsel vm8, $0x1B86, v28;
	v29 =	vsel vm8, $0x1C06, v29  }
0xf7: {  	v30 =	vsel vm8, $0x1C86, v30;
	v31 =	vsel vm8, $0x1D06, v31;
	v32 =	vsel vm8, $0x1D86, v32  }
0xf8: {  	v33 =	vsel vm8, $0x1E06, v33;
	v34 =	vsel vm8, $0x1E86, v34;
	v35 =	vsel vm8, $0x1F06, v35  }
0xf9: {  	v36 =	vsel vm8, $0x1F86, v36;
	v37 =	vsel vm8, $0x1806, v37;
	v56 =	vsel vm7, $0x1907, v38  }
0xfa: {  	v38 =	vsel vm7, $0x1987, v39;
	v42 =	vunpack.c.0.s8.s32 v58;
	[tilespmem:$0x1F930] =	vst v43;
	v43 =	vunpack.c.0.s8.s32 v60  }
0xfb: {  	v0 =	vsel vm0, $0x88E, v0;
	v55 =	vsel vm7, $0x1887, v37;
	v60 =	vsel vm7, $0x1A07, v40  }
0xfc: {  	v37 =	vsel vm5, $0x1988, v56;
	v38 =	vsel vm5, $0x1A08, v38;
	v40 =	vsel vm5, $0x1B08, v62  }
0xfd: {  	v62 =	vimm.s32 $0x1B1A1918;
	[tilespmem:$0x1F950] =	vst v0;
	v0 =	vsel vm7, $0xD87, v1;
	v1 =	vsel vm7, $0xE07, v2  }
0xfe: {  	v2 =	vsel vm7, $0xE87, v3;
	v3 =	vsel vm7, $0xF07, v4;
	v4 =	vsel vm7, $0xF87, v5  }
0xff: {  	v5 =	vsel vm7, $0x807, v6;
	v6 =	vsel vm7, $0x887, v7;
	v7 =	vsel vm7, $0x907, v8  }
0x100: {  	v8 =	vsel vm7, $0x987, v9;
	v9 =	vsel vm7, $0xA07, v10;
	v10 =	vsel vm7, $0xA87, v11  }
0x101: {  	v11 =	vsel vm7, $0xB07, v12;
	v12 =	vsel vm7, $0x1407, v13;
	v13 =	vsel vm7, $0x1487, v14  }
0x102: {  	v14 =	vsel vm7, $0x1507, v15;
	v15 =	vsel vm7, $0x1587, v16;
	v16 =	vsel vm7, $0x1607, v17  }
0x103: {  	v17 =	vsel vm7, $0x1687, v18;
	v18 =	vsel vm7, $0x1707, v19;
	v19 =	vsel vm7, $0x1787, v20  }
0x104: {  	v20 =	vsel vm7, $0x1007, v21;
	v21 =	vsel vm7, $0x1087, v22;
	v22 =	vsel vm7, $0x1107, v23  }
0x105: {  	v23 =	vsel vm7, $0x1187, v24;
	v24 =	vsel vm7, $0x1207, v25;
	v25 =	vsel vm7, $0x1287, v26  }
0x106: {  	v26 =	vsel vm7, $0x1307, v27;
	v27 =	vsel vm7, $0x1C07, v28;
	v28 =	vsel vm7, $0x1C87, v29  }
0x107: {  	v29 =	vsel vm7, $0x1D07, v30;
	v30 =	vsel vm7, $0x1D87, v31;
	v31 =	vsel vm7, $0x1E07, v32  }
0x108: {  	v32 =	vsel vm7, $0x1E87, v33;
	v33 =	vsel vm7, $0x1F07, v34;
	v34 =	vsel vm7, $0x1F87, v35  }
0x109: {  	v35 =	vsel vm7, $0x1807, v36;
	v36 =	vsel vm5, $0x1908, v55;
	v37 =	vsel vm6, $0x1A09, v37  }
0x10a: {  	v38 =	vsel vm6, $0x1A89, v38;
	v39 =	vsel vm5, $0x1A88, v60;
	v40 =	vsel vm6, $0x1B89, v40  }
0x10b: {  	v60 =	vimm.s32 $0x17161514;
	v0 =	vsel vm5, $0xE08, v0;
	v1 =	vsel vm5, $0xE88, v1  }
0x10c: {  	v2 =	vsel vm5, $0xF08, v2;
	v3 =	vsel vm5, $0xF88, v3;
	v4 =	vsel vm5, $0x808, v4  }
0x10d: {  	v5 =	vsel vm5, $0x888, v5;
	v6 =	vsel vm5, $0x908, v6;
	v7 =	vsel vm5, $0x988, v7  }
0x10e: {  	v8 =	vsel vm5, $0xA08, v8;
	v9 =	vsel vm5, $0xA88, v9;
	v10 =	vsel vm5, $0xB08, v10  }
0x10f: {  	v11 =	vsel vm5, $0xB88, v11;
	v12 =	vsel vm5, $0x1488, v12;
	v13 =	vsel vm5, $0x1508, v13  }
0x110: {  	v14 =	vsel vm5, $0x1588, v14;
	v15 =	vsel vm5, $0x1608, v15;
	v16 =	vsel vm5, $0x1688, v16  }
0x111: {  	v17 =	vsel vm5, $0x1708, v17;
	v18 =	vsel vm5, $0x1788, v18;
	v19 =	vsel vm5, $0x1008, v19  }
0x112: {  	v20 =	vsel vm5, $0x1088, v20;
	v21 =	vsel vm5, $0x1108, v21;
	v22 =	vsel vm5, $0x1188, v22  }
0x113: {  	v23 =	vsel vm5, $0x1208, v23;
	v24 =	vsel vm5, $0x1288, v24;
	v25 =	vsel vm5, $0x1308, v25  }
0x114: {  	v26 =	vsel vm5, $0x1388, v26;
	v27 =	vsel vm5, $0x1C88, v27;
	v28 =	vsel vm5, $0x1D08, v28  }
0x115: {  	v29 =	vsel vm5, $0x1D88, v29;
	v30 =	vsel vm5, $0x1E08, v30;
	v31 =	vsel vm5, $0x1E88, v31  }
0x116: {  	v32 =	vsel vm5, $0x1F08, v32;
	v33 =	vsel vm5, $0x1F88, v33;
	v34 =	vsel vm5, $0x1808, v34  }
0x117: {  	v35 =	vsel vm5, $0x1888, v35;
	v56 =	vsel vm6, $0x1989, v36;
	v39 =	vsel vm6, $0x1B09, v39  }
0x118: {  	[tilespmem:$0x1F970] =	vst v42;
	v42 =	vunpack.c.0.s8.s32 v60;
	v36 =	vunpack.c.0.s8.s32 v62;
	v0 =	vsel vm6, $0xE89, v0  }
0x119: {  	v1 =	vsel vm6, $0xF09, v1;
	v2 =	vsel vm6, $0xF89, v2;
	v3 =	vsel vm6, $0x809, v3  }
0x11a: {  	v4 =	vsel vm6, $0x889, v4;
	v5 =	vsel vm6, $0x909, v5;
	v6 =	vsel vm6, $0x989, v6  }
0x11b: {  	v7 =	vsel vm6, $0xA09, v7;
	v8 =	vsel vm6, $0xA89, v8;
	v9 =	vsel vm6, $0xB09, v9  }
0x11c: {  	v10 =	vsel vm6, $0xB89, v10;
	v11 =	vsel vm6, $0xC09, v11;
	v12 =	vsel vm6, $0x1509, v12  }
0x11d: {  	v13 =	vsel vm6, $0x1589, v13;
	v14 =	vsel vm6, $0x1609, v14;
	v15 =	vsel vm6, $0x1689, v15  }
0x11e: {  	v16 =	vsel vm6, $0x1709, v16;
	v17 =	vsel vm6, $0x1789, v17;
	v18 =	vsel vm6, $0x1009, v18  }
0x11f: {  	v19 =	vsel vm6, $0x1089, v19;
	v20 =	vsel vm6, $0x1109, v20;
	v21 =	vsel vm6, $0x1189, v21  }
0x120: {  	v22 =	vsel vm6, $0x1209, v22;
	v23 =	vsel vm6, $0x1289, v23;
	v24 =	vsel vm6, $0x1309, v24  }
0x121: {  	v25 =	vsel vm6, $0x1389, v25;
	v26 =	vsel vm6, $0x1409, v26;
	v27 =	vsel vm6, $0x1D09, v27  }
0x122: {  	v28 =	vsel vm6, $0x1D89, v28;
	v29 =	vsel vm6, $0x1E09, v29;
	v30 =	vsel vm6, $0x1E89, v30  }
0x123: {  	v31 =	vsel vm6, $0x1F09, v31;
	v32 =	vsel vm6, $0x1F89, v32;
	v33 =	vsel vm6, $0x1809, v33  }
0x124: {  	v34 =	vsel vm6, $0x1889, v34;
	v35 =	vsel vm6, $0x1909, v35;
	v0 =	vsel vm4, $0xF0A, v0  }
0x125: {  	v1 =	vsel vm4, $0xF8A, v1;
	v2 =	vsel vm4, $0x80A, v2;
	v60 =	vsel vm4, $0x88A, v3  }
0x126: {  	[tilespmem:$0x1F990] =	vst v36;
	v62 =	vsel vm4, $0x90A, v4;
	v36 =	vsel vm4, $0x98A, v5;
	v3 =	vsel vm4, $0x170A, v15  }
0x127: {  	v4 =	vsel vm4, $0x178A, v16;
	v5 =	vsel vm4, $0x100A, v17;
	v15 =	vsel vm4, $0x1D8A, v27  }
0x128: {  	v16 =	vsel vm4, $0x1E0A, v28;
	v17 =	vsel vm4, $0x1E8A, v29;
	v0 =	vsel vm2, $0xF8B, v0  }
0x129: {  	v1 =	vsel vm2, $0x80B, v1;
	v2 =	vsel vm2, $0x88B, v2;
	v3 =	vsel vm2, $0x178B, v3  }
0x12a: {  	v4 =	vsel vm2, $0x100B, v4;
	v5 =	vsel vm2, $0x108B, v5;
	v15 =	vsel vm2, $0x1E0B, v15  }
0x12b: {  	v16 =	vsel vm2, $0x1E8B, v16;
	v17 =	vsel vm2, $0x1F0B, v17;
	v0 =	vsel vm3, $0x80C, v0  }
0x12c: {  	v1 =	vsel vm3, $0x88C, v1;
	v2 =	vsel vm3, $0x90C, v2;
	v3 =	vsel vm3, $0x100C, v3  }
0x12d: {  	v4 =	vsel vm3, $0x108C, v4;
	v5 =	vsel vm3, $0x110C, v5;
	v15 =	vsel vm3, $0x1E8C, v15  }
0x12e: {  	v16 =	vsel vm3, $0x1F0C, v16;
	v17 =	vsel vm3, $0x1F8C, v17;
	v0 =	vsel vm1, $0x88D, v0  }
0x12f: {  	v53 =	vsel vm1, $0x90D, v1;
	v55 =	vsel vm1, $0x98D, v2;
	v1 =	vsel vm2, $0x98B, v62  }
0x130: {  	v2 =	vsel vm2, $0xA0B, v36;
	v3 =	vsel vm1, $0x108D, v3;
	v4 =	vsel vm1, $0x110D, v4  }
0x131: {  	v5 =	vsel vm1, $0x118D, v5;
	v15 =	vsel vm1, $0x1F0D, v15;
	v16 =	vsel vm1, $0x1F8D, v16  }
0x132: {  	v17 =	vsel vm1, $0x180D, v17;
	v0 =	vsel vm0, $0x90E, v0;
	v58 =	vsel vm0, $0xA0E, v55  }
0x133: {  	v1 =	vsel vm3, $0xA0C, v1;
	v2 =	vsel vm3, $0xA8C, v2;
	v55 =	vsel vm4, $0xA8A, v7  }
0x134: {  	[tilespmem:$0x1F940] =	vst v43;
	v7 =	vsel vm4, $0x110A, v19;
	v19 =	vsel vm4, $0x1F8A, v31;
	v15 =	vsel vm0, $0x1F8E, v15  }
0x135: {  	v16 =	vsel vm0, $0x180E, v16;
	v17 =	vsel vm0, $0x188E, v17;
	[tilespmem:$0x1F9A0] =	vst v0;
	v0 =	vsel vm0, $0x98E, v53  }
0x136: {  	[tilespmem:$0x1F980] =	vst v42;
	v42 =	vsel vm1, $0xA8D, v1;
	v43 =	vsel vm1, $0xB0D, v2;
	v53 =	vsel vm4, $0xA0A, v6  }
0x137: {  	[tilespmem:$0x1F9C0] =	vst v58;
	v58 =	vsel vm4, $0xB0A, v8;
	v1 =	vsel vm2, $0xB0B, v55;
	v6 =	vsel vm4, $0x108A, v18  }
0x138: {  	v8 =	vsel vm4, $0x118A, v20;
	v18 =	vsel vm4, $0x1F0A, v30;
	v20 =	vsel vm4, $0x180A, v32  }
0x139: {  	v7 =	vsel vm2, $0x118B, v7;
	v19 =	vsel vm2, $0x180B, v19;
	v32 =	vimm.s32 $0x21202F2E  }
0x13a: {  	[tilespmem:$0x1F9B0] =	vst v0;
	v0 =	vsel vm2, $0x90B, v60;
	v44 =	vsel vm0, $0xB8E, v43;
	v2 =	vsel vm2, $0xB8B, v58  }
0x13b: {  	v1 =	vsel vm3, $0xB8C, v1;
	v43 =	vsel vm4, $0xC0A, v10;
	v6 =	vsel vm2, $0x110B, v6  }
0x13c: {  	v7 =	vsel vm3, $0x120C, v7;
	v8 =	vsel vm2, $0x120B, v8;
	v18 =	vsel vm2, $0x1F8B, v18  }
0x13d: {  	v19 =	vsel vm3, $0x188C, v19;
	v20 =	vsel vm2, $0x188B, v20;
	v0 =	vsel vm3, $0x98C, v0  }
0x13e: {  	[tilespmem:$0x1F9F0] =	vst v44;
	v2 =	vsel vm3, $0xC0C, v2;
	v60 =	vsel vm1, $0xC0D, v1;
	v44 =	vsel vm4, $0xC8A, v11  }
0x13f: {  	v1 =	vsel vm2, $0xC8B, v43;
	v11 =	vsel vm4, $0x130A, v23;
	v23 =	vsel vm4, $0x198A, v35  }
0x140: {  	v6 =	vsel vm3, $0x118C, v6;
	v8 =	vsel vm3, $0x128C, v8;
	v18 =	vsel vm3, $0x180C, v18  }
0x141: {  	v20 =	vsel vm3, $0x190C, v20;
	v35 =	vimm.s32 $0x24232221;
	v7 =	vsel vm1, $0x128D, v7  }
0x142: {  	v19 =	vsel vm1, $0x190D, v19;
	v0 =	vsel vm1, $0xA0D, v0;
	v62 =	vsel vm1, $0xC8D, v2  }
0x143: {  	v2 =	vsel vm2, $0xD0B, v44;
	v1 =	vsel vm3, $0xD0C, v1;
	v11 =	vsel vm2, $0x138B, v11  }
0x144: {  	v23 =	vsel vm2, $0x1A0B, v23;
	v6 =	vsel vm1, $0x120D, v6;
	v8 =	vsel vm1, $0x130D, v8  }
0x145: {  	v18 =	vsel vm1, $0x188D, v18;
	v20 =	vsel vm1, $0x198D, v20;
	v7 =	vsel vm0, $0x130E, v7  }
0x146: {  	v19 =	vsel vm0, $0x198E, v19;
	v0 =	vsel vm0, $0xA8E, v0;
	v36 =	vsel vm0, $0xD0E, v62  }
0x147: {  	v2 =	vsel vm3, $0xD8C, v2;
	v43 =	vmovc v48;
	v48 =	vsel vm4, $0x1C8A, v41;
	v11 =	vsel vm3, $0x140C, v11  }
0x148: {  	v23 =	vsel vm3, $0x1A8C, v23;
	v41 =	vunpack.c.0.s8.s32 v35;
	v18 =	vsel vm0, $0x190E, v18  }
0x149: {  	v20 =	vsel vm0, $0x1A0E, v20;
	[tilespmem:$0x1F9D0] =	vst v0;
	v0 =	vsel vm0, $0xB0E, v42;
	v42 =	vsel vm4, $0xB8A, v9  }
0x14a: {  	v55 =	vsel vm1, $0xE0D, v2;
	v2 =	vsel vm4, $0x168A, v14;
	v9 =	vsel vm4, $0x120A, v21  }
0x14b: {  	[tilespmem:$0x1FA20] =	vst v36;
	v36 =	vsel vm4, $0x128A, v22;
	v21 =	vsel vm4, $0x188A, v33;
	v22 =	vsel vm4, $0x190A, v34  }
0x14c: {  	v44 =	vmovc v46;
	v46 =	vmovc v45;
	v45 =	vsel vm4, $0x1C0A, v40;
	v29 =	vsel vm2, $0x1D0B, v48;
	v23 =	vsel vm1, $0x1B0D, v23  }
0x14d: {  	v33 =	vunpack.c.0.s8.s32 v32;
	[tilespmem:$0x1F9E0] =	vst v0;
	v0 =	vsel vm2, $0xA8B, v53;
	v53 =	vsel vm1, $0xD8D, v1  }
0x14e: {  	v58 =	vsel vm0, $0xE8E, v55;
	v1 =	vsel vm4, $0x160A, v13;
	v13 =	vsel vm4, $0x140A, v25  }
0x14f: {  	v25 =	vsel vm4, $0x1A8A, v37;
	v2 =	vsel vm2, $0x170B, v2;
	v21 =	vsel vm2, $0x190B, v21  }
0x150: {  	v22 =	vsel vm2, $0x198B, v22;
	v28 =	vsel vm2, $0x1C8B, v45;
	v0 =	vsel vm3, $0xB0C, v0  }
0x151: {  	[tilespmem:$0x1FB40] =	vst v19;
	v45 =	vsel vm0, $0x120E, v5;
	v23 =	vsel vm0, $0x1B8E, v23;
	v0 =	vsel vm1, $0xB8D, v0  }
0x152: {  	[tilespmem:$0x1FB30] =	vst v18;
	v2 =	vsel vm3, $0x178C, v2;
	v21 =	vsel vm3, $0x198C, v21;
	v0 =	vsel vm0, $0xC0E, v0  }
0x153: {  	v22 =	vsel vm3, $0x1A0C, v22;
	v25 =	vsel vm2, $0x1B0B, v25;
	[tilespmem:$0x1FA00] =	vst v0;
	v0 =	vsel vm0, $0xC8E, v60  }
0x154: {  	v28 =	vsel vm3, $0x1D0C, v28;
	v2 =	vsel vm1, $0x100D, v2;
	[tilespmem:$0x1FA10] =	vst v0;
	v0 =	vsel vm2, $0xC0B, v42  }
0x155: {  	[tilespmem:$0x1FB50] =	vst v20;
	v21 =	vsel vm1, $0x1A0D, v21;
	v22 =	vsel vm1, $0x1A8D, v22;
	v0 =	vsel vm3, $0xC8C, v0  }
0x156: {  	[tilespmem:$0x1FA50] =	vst v58;
	v37 =	vsel vm0, $0x108E, v2;
	v21 =	vsel vm0, $0x1A8E, v21;
	v0 =	vsel vm1, $0xD0D, v0  }
0x157: {  	[tilespmem:$0x1FAF0] =	vst v45;
	v22 =	vsel vm0, $0x1B0E, v22;
	v60 =	vsel vm4, $0x1B0A, v38;
	v0 =	vsel vm0, $0xD8E, v0  }
0x158: {  	v38 =	vmovc v54;
	v54 =	vsel vm2, $0x130B, v36;
	v36 =	vimm.s32 $0x28272625;
	[tilespmem:$0x1FA30] =	vst v0;
	v0 =	vsel vm0, $0xE0E, v53  }
0x159: {  	v42 =	vsel vm4, $0x1B8A, v39;
	[tilespmem:$0x1FA40] =	vst v0;
	v0 =	vsel vm4, $0x158A, v12;
	v12 =	vsel vm4, $0x138A, v24  }
0x15a: {  	[tilespmem:$0x1FB80] =	vst v23;
	v24 =	vsel vm4, $0x1A0A, v56;
	v56 =	vsel vm3, $0x138C, v54;
	v0 =	vsel vm2, $0x160B, v0  }
0x15b: {  	[tilespmem:$0x1FBF0] =	vst v33;
	v53 =	vimm.s32 $0x2C2B2A29;
	v31 =	vsel vm1, $0x140D, v56;
	v0 =	vsel vm3, $0x168C, v0  }
0x15c: {  	[tilespmem:$0x1FAC0] =	vst v37;
	v30 =	vsel vm0, $0x148E, v31;
	v31 =	vimm.s32 $0x2D2C2B2A;
	v0 =	vsel vm1, $0x170D, v0  }
0x15d: {  	[tilespmem:$0x1FB60] =	vst v21;
	v39 =	vunpack.c.0.s8.s32 v53;
	v53 =	vsel vm0, $0x178E, v0;
	v0 =	vunpack.c.0.s8.s32 v31  }
0x15e: {  	v28 =	vsel vm1, $0x1D8D, v28;
	[tilespmem:$0x1FB70] =	vst v22;
	v48 =	vunpack.c.0.s8.s32 v36;
	v36 =	vimm.s32 $0x25242322  }
0x15f: {  	v25 =	vsel vm3, $0x1B8C, v25;
	v28 =	vsel vm0, $0x1E0E, v28;
	[tilespmem:$0x1FBE0] =	vst v0;
	v0 =	vunpack.c.0.s8.s32 v36  }
0x160: {  	v8 =	vsel vm0, $0x138E, v8;
	v25 =	vsel vm1, $0x1C0D, v25;
	[tilespmem:$0x1FBD0] =	vst v28;
	v37 =	vimm.s32 $0x29282726  }
0x161: {  	v20 =	vimm.s32 $0x2A292827;
	v25 =	vsel vm0, $0x1C8E, v25;
	[tilespmem:$0x1FC00] =	vst v0;
	v0 =	vunpack.c.0.s8.s32 v37  }
0x162: {  	v18 =	vimm.s32 $0x2221202F;
	v29 =	vsel vm3, $0x1D8C, v29;
	v21 =	vunpack.c.0.s8.s32 v20;
	[tilespmem:$0x1FBA0] =	vst v25  }
0x163: {  	v19 =	vimm.s32 $0x26252423;
	v29 =	vsel vm1, $0x1E0D, v29;
	[tilespmem:$0x1FC10] =	vst v0;
	v0 =	vunpack.c.0.s8.s32 v18  }
0x164: {  	v14 =	vsel vm4, $0x148A, v26;
	v45 =	vmovc v52;
	v52 =	vsel vm0, $0x1E8E, v29;
	v28 =	vimm.s32 $0x303F3E3D;
	[tilespmem:$0x1FC50] =	vst v21  }
0x165: {  	v27 =	vsel vm2, $0x1C0B, v42;
	v42 =	vsel vm0, $0x118E, v4;
	[tilespmem:$0x1FC30] =	vst v0;
	v0 =	vunpack.c.0.s8.s32 v19  }
0x166: {  	v22 =	vimm.s32 $0x2F2E2D2C;
	v26 =	vsel vm2, $0x1B8B, v60;
	v29 =	vunpack.c.0.s8.s32 v28;
	[tilespmem:$0x1FAD0] =	vst v42  }
0x167: {  	v34 =	vimm.s32 $0x202F2E2D;
	v26 =	vsel vm3, $0x1C0C, v26;
	[tilespmem:$0x1FC40] =	vst v0;
	v0 =	vunpack.c.0.s8.s32 v22  }
0x168: {  	v11 =	vsel vm1, $0x148D, v11;
	v23 =	vimm.s32 $0x23222120;
	v26 =	vsel vm1, $0x1C8D, v26;
	[tilespmem:$0x1FCB0] =	vst v29  }
0x169: {  	v27 =	vsel vm3, $0x1C8C, v27;
	v26 =	vsel vm0, $0x1D0E, v26;
	[tilespmem:$0x1FC60] =	vst v0;
	v0 =	vunpack.c.0.s8.s32 v23  }
0x16a: {  	v32 =	vimm.s32 $0x38373635;
	v27 =	vsel vm1, $0x1D0D, v27;
	[tilespmem:$0x1FBB0] =	vst v26;
	v26 =	vimm.s32 $0x2B2A2928  }
0x16b: {  	v9 =	vsel vm2, $0x128B, v9;
	v27 =	vsel vm0, $0x1D8E, v27;
	[tilespmem:$0x1FC70] =	vst v0;
	v0 =	vunpack.c.0.s8.s32 v26  }
0x16c: {  	v14 =	vsel vm2, $0x150B, v14;
	[tilespmem:$0x1FBC0] =	vst v27;
	v27 =	vimm.s32 $0x3C3B3A39;
	v24 =	vsel vm2, $0x1A8B, v24  }
0x16d: {  	v56 =	vsel vm0, $0x128E, v6;
	v24 =	vsel vm3, $0x1B0C, v24;
	[tilespmem:$0x1FC90] =	vst v0;
	v0 =	vunpack.c.0.s8.s32 v27  }
0x16e: {  	v40 =	vunpack.c.0.s8.s32 v34;
	[tilespmem:$0x1FB10] =	vst v56;
	v24 =	vsel vm1, $0x1B8D, v24;
	v31 =	vimm.s32 $0x34333231  }
0x16f: {  	v42 =	vimm.s32 $0x2E2D2C2B;
	v24 =	vsel vm0, $0x1C0E, v24;
	[tilespmem:$0x1FCA0] =	vst v0;
	v0 =	vunpack.c.0.s8.s32 v31  }
0x170: {  	v11 =	vsel vm0, $0x150E, v11;
	v1 =	vsel vm2, $0x168B, v1;
	v56 =	vunpack.c.0.s8.s32 v42;
	[tilespmem:$0x1FB90] =	vst v24  }
0x171: {  	v9 =	vsel vm3, $0x130C, v9;
	v24 =	vimm.s32 $0x27262524;
	[tilespmem:$0x1FCC0] =	vst v0;
	v0 =	vunpack.c.0.s8.s32 v32  }
0x172: {  	v10 =	vld [tilespmem:$0x1FA90];
	v13 =	vsel vm2, $0x148B, v13;
	[tilespmem:$0x1FC20] =	vst v56;
	v25 =	vunpack.c.0.s8.s32 v24;
	v37 =	vimm.s32 $0x31303F3E  }
0x173: {  	v62 =	vld [tilespmem:$0x1FA70];
	v14 =	vsel vm3, $0x158C, v14;
	v33 =	vimm.s32 $0x3D3C3B3A;
	[tilespmem:$0x1FCD0] =	vst v0;
	v0 =	vunpack.c.0.s8.s32 v37  }
0x174: {  	v35 =	vld [tilespmem:$0x1FAB0];
	v1 =	vsel vm3, $0x170C, v1;
	v42 =	vimm.s32 $0x35343332;
	v36 =	vunpack.c.0.s8.s32 v33;
	[tilespmem:$0x1FC80] =	vst v25  }
0x175: {  	v55 =	vld [tilespmem:$0x1FA80];
	v13 =	vsel vm3, $0x150C, v13;
	v56 =	vimm.s32 $0x39383736;
	[tilespmem:$0x1FCF0] =	vst v0;
	v0 =	vunpack.c.0.s8.s32 v42  }
0x176: {  	v5 =	vld [tilespmem:$0x1FB00];
	v9 =	vsel vm1, $0x138D, v9;
	[tilespmem:$0x1FCE0] =	vst v36;
	v18 =	vunpack.c.0.s8.s32 v56;
	v19 =	vimm.s32 $0x3E3D3C3B  }
0x177: {  	s5 =	rddreg [dreg:$0x0];
	v58 =	vld [tilespmem:$0x1FA60];
	v14 =	vsel vm1, $0x160D, v14;
	v21 =	vimm.s32 $0x36353433;
	[tilespmem:$0x1FD00] =	vst v0;
	v0 =	vunpack.c.0.s8.s32 v19  }
0x178: {  	s2 =	rddreg [dreg:$0x1];
	s3 =	simm.s32 $0x0;
	v34 =	vmovc v51;
	v51 =	vsel vm0, $0x110E, v3;
	v60 =	vld [tilespmem:$0x1FAA0];
	v25 =	vimm.s32 $0x33323130;
	[tilespmem:$0x1FD10] =	vst v18;
	v22 =	vunpack.c.0.s8.s32 v21  }
0x179: {  	s1 =	srdreg.scid;
	[smem:$0x7FF] =	sst s3;
	v1 =	vsel vm1, $0x178D, v1;
	v28 =	vlaneseq.u32;
	v4 =	vld [tilespmem:$0x1FAE0];
	v26 =	vunpack.c.0.s8.s32 v25;
	[tilespmem:$0x1FD20] =	vst v0  }
0x17a: {  	s4 =	sand.u32 $0x1, s1;
	s1 =	rddreg [dreg:$0x2];
	v13 =	vsel vm1, $0x158D, v13;
	v6 =	vld [tilespmem:$0x1FB20];
	v31 =	vmul.u32 $0x80, v28;
	_ =	strace $0x80000047;
	[tilespmem:$0x1FD40] =	vst v22  }
0x17b: {  	v9 =	vsel vm0, $0x140E, v9;
	v14 =	vsel vm0, $0x168E, v14;
	v12 =	vsel vm2, $0x140B, v12;
	[tilespmem:$0x1FD70] =	vst v26  }
0x17c: {  	v12 =	vsel vm3, $0x148C, v12;
	v18 =	vor.u32 $0x10, v28;
	v32 =	vmul.u32 $0x81, v28;
	[tilespmem:$0x1FDA0] =	vst v31  }
0x17d: {  	v13 =	vsel vm0, $0x160E, v13;
	v54 =	vsel vm0, $0x100E, v1;
	v12 =	vsel vm1, $0x150D, v12;
	[tilespmem:$0x1FDB0] =	vst v18  }
0x17e: {  	v12 =	vsel vm0, $0x158E, v12;
	vm0 =	vcmask $0x1F10;
	v19 =	vor.u32 $0x800, v32;
	[tilespmem:$0x1FDC0] =	vst v32  }
0x17f: {  	v33 =	vsel vm0, v34, v45;
	[tilespmem:$0x1FDD0] =	vst v19  }
0x180: {  	v36 =	vsel vm0, v49, v50;
	[tilespmem:$0x1FDE0] =	vst v33  }
0x181: {  	v37 =	vsel vm0, v44, v43;
	v42 =	vsel vm0, v47, v46;
	[tilespmem:$0x1FDF0] =	vst v36  }
0x182: {  	v56 =	vcombine.low v42, v37;
	[tilespmem:$0x1FE10] =	vst v37  }
0x183: {  	[tilespmem:$0x1FE20] =	vst v42  }
0x184: {  	[tilespmem:$0x1FE30] =	vst v56  }
0x185: {  	[tilespmem:$0x1FE40] =	vst v45  }
0x186: {  	[tilespmem:$0x1FE50] =	vst v34  }
0x187: {  	[tilespmem:$0x1FE60] =	vst v50  }
0x188: {  	[tilespmem:$0x1FE70] =	vst v49  }
0x189: {  	[tilespmem:$0x1FE80] =	vst v43  }
0x18a: {  	[tilespmem:$0x1FE90] =	vst v44  }
0x18b: {  	[tilespmem:$0x1FEA0] =	vst v46  }
0x18c: {  	[tilespmem:$0x1FEB0] =	vst v47  }
0x18d: {  	[tilespmem:$0x1FEC0] =	vst v39  }
0x18e: {  	[tilespmem:$0x1FED0] =	vst v40  }
0x18f: {  	[tilespmem:$0x1FEE0] =	vst v41  }
0x190: {  	[tilespmem:$0x1FEF0] =	vst v48  }
0x191: {  	[tilespmem:$0x1FF00] =	vst v53  }
0x192: {  	[tilespmem:$0x1FF10] =	vst v54  }
0x193: {  	[tilespmem:$0x1FF20] =	vst v51  }
0x194: {  	[tilespmem:$0x1FF30] =	vst v7  }
0x195: {  	[tilespmem:$0x1FF40] =	vst v8  }
0x196: {  	[tilespmem:$0x1FF50] =	vst v9  }
0x197: {  	[tilespmem:$0x1FF60] =	vst v30  }
0x198: {  	[tilespmem:$0x1FF70] =	vst v11  }
0x199: {  	[tilespmem:$0x1FF80] =	vst v12  }
0x19a: {  	[tilespmem:$0x1FF90] =	vst v13  }
0x19b: {  	v20 =	vimm.s32 $0x3231303F;
	[tilespmem:$0x1FFA0] =	vst v14  }
0x19c: {  	v0 =	vunpack.c.0.s8.s32 v20;
	[tilespmem:$0x1FFB0] =	vst v15  }
0x19d: {  	v23 =	vimm.s32 $0x3A393837;
	[tilespmem:$0x1FFC0] =	vst v16  }
0x19e: {  	s0 =	stileid.u32;
	s9 =	simm.s32 $0x5;
	s10 =	simm.s32 $0x80;
	[tilespmem:$0x1FD30] =	vst v0;
	v0 =	vunpack.c.0.s8.s32 v23  }
0x19f: {  	s11 =	simm.s32 $0xC800;
	s12 =	simm.s32 $0x10800;
	s13 =	simm.s32 $0x1;
	v24 =	vimm.s32 $0x3F3E3D3C;
	[tilespmem:$0x1FFD0] =	vst v17  }
0x1a0: {  	s14 =	simm.s32 $0x14800;
	s15 =	simm.s32 $0x400;
	s16 =	simm.s32 $0x20000;
	[tilespmem:$0x1FD50] =	vst v0;
	v0 =	vunpack.c.0.s8.s32 v24  }
0x1a1: {  	s17 =	simm.s32 $0x2;
	s18 =	simm.s32 $0x16800;
	s6 =	sshll.u32 s0, $0x1;
	v27 =	vimm.s32 $0x37363534;
	[tilespmem:$0x1FFE0] =	vst v61  }
.Ltmp0:
0x1a2: {  	s19 =	simm.s32 $0x3;
	s7 =	sor.u32 s4, s6;
	[tilespmem:$0x1FD60] =	vst v0;
	v0 =	vunpack.c.0.s8.s32 v27;
	(pc) =	sbr.rel .LBB2_1-.Ltmp0, $4  }
0x1a3: {  	s20 =	simm.s32 $0x4;
	s8 =	ssub.s32 $0x2, s4;
	s6 =	smul.u32 $0xC80, s7;
	v29 =	vimm.s32 $0x3B3A3938;
	v18 =	vcombine.low v36, v33;
	[tilespmem:$0x1FFF0] =	vst v59  }
0x1a4: {  	s21 =	simm.s32 $0x0;
	s4 =	sadd.s32 $0xF42C00, s5;
	s31 =	sshrl.u32 s8, $0x1;
	[tilespmem:$0x1FD80] =	vst v0;
	v0 =	vunpack.c.0.s8.s32 v29  }
0x1a5: {  	s7 =	sshll.u32 s7, $0x2;
	s8 =	ssub.s32 s8, s31;
	s6 =	sadd.s32 s6, s5;
	[tilespmem:$0x1FE00] =	vst v18  }
0x1a6: {  	s8 =	smax.u32 s8, $0x1;
	s5 =	sadd.s32 $0x800, s6;
	s6 =	sadd.s32 $0x19800, s6;
	[tilespmem:$0x1FD90] =	vst v0  }
.LBB2_8:
0x1a7: {  	s21 =	sadd.s32 $0x1, s21  }
0x1a8: {  	_ =	swait.ge [sflag:s19], $0x2000;
	p0 =	sne.s32 s21, s8  }
.Ltmp1:
0x1a9: {  	[sflag:s19] =	ssyncset.done $0x0;
	(pc) =	sbr.rel @!p0 .LBB2_9-.Ltmp1, $4  }
0x1aa: {  	[sflag:s19] =	ssyncadd.s32 $0xFFFFE000  }
0x1ab: {  	_ =	swait.ge [sflag:s20], $0x2000  }
0x1ac: {  	[sflag:s20] =	ssyncset.done $0x0  }
0x1ad: {  	[sflag:s20] =	ssyncadd.s32 $0xFFFFE000  }
.LBB2_1:
0x1ae: {  	[tilespmem:s3], [sflag:$0x5] =	stream.linear.gather [hbm4b:s5+s3], $0x6400, $0x38;
	[tilespmem:$0x18800] =	vst v63  }
0x1af: {  	_ =	swait.ge [sflag:s9], $0x6400  }
0x1b0: {  	[sflag:s9] =	ssyncset.done $0x0  }
0x1b1: {  	s22 =	simm.s32 $0x6400;
	[sflag:s9] =	ssyncadd.s32 $0xFFFF9C00  }
0x1b2: {  	[tilespmem:s22], [sflag:$0x5] =	stream.linear.gather [hbm4b:s6+s3], $0x6400, $0x38;
	[tilespmem:$0x18800] =	vst v63  }
0x1b3: {  	_ =	swait.ge [sflag:s9], $0x6400  }
0x1b4: {  	[sflag:s9] =	ssyncset.done $0x0  }
0x1b5: {  	[sflag:s9] =	ssyncadd.s32 $0xFFFF9C00  }
0x1b6: {  	[tilespmem:s11], [sflag:$0x1] =	stream.indirect.gather [hbm4b:s4+s10], $0x80, s3, s10, $0xb8;
	[tilespmem:$0x18800] =	vst v63  }
0x1b7: {  	s23 =	simm.s32 $0x6480;
	s24 =	simm.s32 $0x0  }
0x1b8: {  	[tilespmem:s12], [sflag:$0x2] =	stream.indirect.gather [hbm4b:s4+s10], $0x80, s10, s10, $0xb8;
	[tilespmem:$0x18800] =	vst v63  }
.LBB2_2:
0x1b9: {  	_ =	swait.ge [sflag:s13], $0x4000  }
0x1ba: {  	p0 =	seq.s32 s24, $0x0;
	[sflag:s13] =	ssyncset.done $0x0  }
0x1bb: {  	s25 =	simm.s32 @!p0 $0x3;
	[sflag:s13] =	ssyncadd.s32 $0xFFFFC000  }
0x1bc: {  	_ =	swait.ge @!p0 [sflag:s25], $0x2000  }
0x1bd: {  	s26 =	sshll.u32 s24, $0x1;
	s28 =	simm.s32 $0x0;
	[sflag:s25] =	ssyncset.done @!p0 $0x0;
	v53 =	vld [tilespmem:$0x1FBD0]  }
0x1be: {  	s29 =	smov.u32 s22;
	v51 =	vlaneseq.u32;
	v54 =	vld [tilespmem:$0x1FDA0];
	[sflag:s25] =	ssyncadd.s32 @!p0 $0xFFFFE000;
	s25 =	sshll.u32 s24, $0xA  }
.LBB2_3:
0x1bf: {  	v46 =	vld [tilespmem:s29+$0x0];
	_ =	sdelay $0x3  }
0x1c0: {  	v0 =	vmov s28  }
0x1c1: {  	v0 =	vshll.u32 v0, $0x7;
	v1 =	vadd.s32 v51, v46  }
0x1c2: {  	v47 =	vor.u32 v54, v0;
	v2 =	vand.u32 $0xFFFFFF80, v1  }
0x1c3: {  	v45 =	vand.u32 $0x7F, v1;
	v48 =	vadd.s32 v47, v2  }
0x1c4: {  	v0 =	vor.u32 v45, v48;
	_ =	sdelay $0x1  }
0x1c5: {  	v44 =	vld [tilespmem:$0x1FDC0];
	_ =	sdelay $0x2  }
0x1c6: {  	v0 =	vld.idx.msk [tilespmem:v0+s11+$0x0], $0xffff;
	_ =	sdelay $0x1  }
0x1c7: {  	v49 =	vadd.s32 v63, v46;
	v3 =	vor.u32 s28, v44  }
0x1c8: {  	v50 =	vand.u32 $0xFFFFFF80, v49  }
0x1c9: {  	v1 =	vand.u32 $0x7F, v49;
	v2 =	vadd.s32 v47, v50  }
0x1ca: {  	v56 =	vld [tilespmem:$0x1F800];
	v1 =	vor.u32 v1, v2;
	v0 =	vmul.f32 $8.000000000e+00, v0;
	_ =	sdelay $0x1  }
0x1cb: {  	[tilespmem:v3+s14+$0x0] =	vst.idx.msk $0xffff, v0;
	v3 =	vld [tilespmem:$0x1F7F0];
	_ =	sdelay $0x2  }
0x1cc: {  	v0 =	vld.idx.msk [tilespmem:v1+s11+$0x0], $0xffff;
	v1 =	vadd.s32 v56, v46  }
0x1cd: {  	v12 =	vand.u32 $0xFFFFFF80, v1  }
0x1ce: {  	v1 =	vand.u32 $0x7F, v1;
	v2 =	vadd.s32 v47, v12;
	v3 =	vor.u32 s28, v3  }
0x1cf: {  	v1 =	vor.u32 v1, v2;
	_ =	sdelay $0x1  }
0x1d0: {  	v13 =	vld [tilespmem:$0x1F810];
	v0 =	vmul.f32 $8.000000000e+00, v0;
	_ =	sdelay $0x1  }
0x1d1: {  	[tilespmem:v3+s14+$0x0] =	vst.idx.msk $0xffff, v0  }
0x1d2: {  	v0 =	vld.idx.msk [tilespmem:v1+s11+$0x0], $0xffff;
	_ =	sdelay $0x1  }
0x1d3: {  	v3 =	vor.u32 s28, v61;
	v1 =	vadd.s32 v13, v46  }
0x1d4: {  	v14 =	vand.u32 $0xFFFFFF80, v1  }
0x1d5: {  	v1 =	vand.u32 $0x7F, v1;
	v2 =	vadd.s32 v47, v14  }
0x1d6: {  	v1 =	vor.u32 v1, v2;
	v0 =	vmul.f32 $8.000000000e+00, v0;
	_ =	sdelay $0x1  }
0x1d7: {  	[tilespmem:v3+s14+$0x0] =	vst.idx.msk $0xffff, v0;
	v3 =	vld [tilespmem:$0x1F820];
	_ =	sdelay $0x2  }
0x1d8: {  	v0 =	vld.idx.msk [tilespmem:v1+s11+$0x0], $0xffff;
	_ =	sdelay $0x1  }
0x1d9: {  	v32 =	vadd.s32 v59, v46;
	v3 =	vor.u32 s28, v3  }
0x1da: {  	v33 =	vand.u32 $0xFFFFFF80, v32  }
0x1db: {  	v2 =	vadd.s32 v47, v33;
	v1 =	vand.u32 $0x7F, v32  }
0x1dc: {  	v34 =	vld [tilespmem:$0x1F840];
	v1 =	vor.u32 v1, v2;
	v0 =	vmul.f32 $8.000000000e+00, v0;
	_ =	sdelay $0x1  }
0x1dd: {  	[tilespmem:v3+s14+$0x0] =	vst.idx.msk $0xffff, v0;
	v3 =	vld [tilespmem:$0x1F830];
	_ =	sdelay $0x2  }
0x1de: {  	v0 =	vld.idx.msk [tilespmem:v1+s11+$0x0], $0xffff;
	v1 =	vadd.s32 v34, v46  }
0x1df: {  	v36 =	vand.u32 $0xFFFFFF80, v1  }
0x1e0: {  	v1 =	vand.u32 $0x7F, v1;
	v2 =	vadd.s32 v47, v36;
	v3 =	vor.u32 s28, v3  }
0x1e1: {  	v1 =	vor.u32 v1, v2;
	_ =	sdelay $0x1  }
0x1e2: {  	v0 =	vmul.f32 $8.000000000e+00, v0;
	_ =	sdelay $0x1  }
0x1e3: {  	[tilespmem:v3+s14+$0x0] =	vst.idx.msk $0xffff, v0  }
0x1e4: {  	v37 =	vadd.s32 v60, v46;
	v0 =	vld.idx.msk [tilespmem:v1+s11+$0x0], $0xffff  }
0x1e5: {  	v39 =	vand.u32 $0xFFFFFF80, v37  }
0x1e6: {  	v2 =	vadd.s32 v47, v39;
	v3 =	vor.u32 s28, v35;
	v1 =	vand.u32 $0x7F, v37  }
0x1e7: {  	v1 =	vor.u32 v1, v2;
	_ =	sdelay $0x1  }
0x1e8: {  	v0 =	vmul.f32 $8.000000000e+00, v0;
	_ =	sdelay $0x1  }
0x1e9: {  	[tilespmem:v3+s14+$0x0] =	vst.idx.msk $0xffff, v0  }
0x1ea: {  	v40 =	vadd.s32 v62, v46;
	v0 =	vld.idx.msk [tilespmem:v1+s11+$0x0], $0xffff  }
0x1eb: {  	v41 =	vand.u32 $0xFFFFFF80, v40  }
0x1ec: {  	v2 =	vadd.s32 v47, v41;
	v3 =	vor.u32 s28, v58;
	v1 =	vand.u32 $0x7F, v40  }
0x1ed: {  	v1 =	vor.u32 v1, v2;
	_ =	sdelay $0x1  }
0x1ee: {  	v0 =	vmul.f32 $8.000000000e+00, v0;
	_ =	sdelay $0x1  }
0x1ef: {  	[tilespmem:v3+s14+$0x0] =	vst.idx.msk $0xffff, v0  }
0x1f0: {  	v42 =	vadd.s32 v10, v46;
	v0 =	vld.idx.msk [tilespmem:v1+s11+$0x0], $0xffff  }
0x1f1: {  	v43 =	vand.u32 $0xFFFFFF80, v42  }
0x1f2: {  	v2 =	vadd.s32 v47, v43;
	v3 =	vor.u32 s28, v55;
	v1 =	vand.u32 $0x7F, v42  }
0x1f3: {  	v1 =	vor.u32 v1, v2;
	_ =	sdelay $0x1  }
0x1f4: {  	v0 =	vmul.f32 $8.000000000e+00, v0;
	_ =	sdelay $0x1  }
0x1f5: {  	[tilespmem:v3+s14+$0x0] =	vst.idx.msk $0xffff, v0  }
0x1f6: {  	v45 =	vadd.s32 v57, v46;
	v0 =	vld.idx.msk [tilespmem:v1+s11+$0x0], $0xffff  }
0x1f7: {  	v48 =	vand.u32 $0xFFFFFF80, v45  }
0x1f8: {  	v2 =	vadd.s32 v47, v48;
	v3 =	vor.u32 s28, v4;
	v1 =	vand.u32 $0x7F, v45  }
0x1f9: {  	v1 =	vor.u32 v1, v2;
	_ =	sdelay $0x1  }
0x1fa: {  	v0 =	vmul.f32 $8.000000000e+00, v0;
	_ =	sdelay $0x1  }
0x1fb: {  	[tilespmem:v3+s14+$0x0] =	vst.idx.msk $0xffff, v0  }
0x1fc: {  	v49 =	vadd.s32 v38, v46;
	v0 =	vld.idx.msk [tilespmem:v1+s11+$0x0], $0xffff  }
0x1fd: {  	v50 =	vand.u32 $0xFFFFFF80, v49  }
0x1fe: {  	v2 =	vadd.s32 v47, v50;
	v3 =	vor.u32 s28, v5;
	v1 =	vand.u32 $0x7F, v49  }
0x1ff: {  	v1 =	vor.u32 v1, v2;
	_ =	sdelay $0x1  }
0x200: {  	v62 =	vmov v55;
	v55 =	vld [tilespmem:$0x1F850];
	v0 =	vmul.f32 $8.000000000e+00, v0;
	_ =	sdelay $0x1  }
0x201: {  	[tilespmem:v3+s14+$0x0] =	vst.idx.msk $0xffff, v0  }
0x202: {  	v0 =	vld.idx.msk [tilespmem:v1+s11+$0x0], $0xffff;
	_ =	sdelay $0x1  }
0x203: {  	v3 =	vor.u32 s28, v6;
	v1 =	vadd.s32 v55, v46  }
0x204: {  	v56 =	vmov v57;
	v57 =	vand.u32 $0xFFFFFF80, v1  }
0x205: {  	v1 =	vand.u32 $0x7F, v1;
	v2 =	vadd.s32 v47, v57  }
0x206: {  	v1 =	vor.u32 v1, v2;
	v0 =	vmul.f32 $8.000000000e+00, v0  }
0x207: {  	v58 =	vld [tilespmem:$0x1F870]  }
0x208: {  	[tilespmem:v3+s14+$0x0] =	vst.idx.msk $0xffff, v0;
	v3 =	vld [tilespmem:$0x1F860];
	_ =	sdelay $0x2  }
0x209: {  	v0 =	vld.idx.msk [tilespmem:v1+s11+$0x0], $0xffff;
	_ =	sdelay $0x1  }
0x20a: {  	v1 =	vadd.s32 v58, v46;
	v3 =	vor.u32 s28, v3  }
0x20b: {  	v59 =	vand.u32 $0xFFFFFF80, v1  }
0x20c: {  	v1 =	vand.u32 $0x7F, v1;
	v2 =	vadd.s32 v47, v59  }
0x20d: {  	v1 =	vor.u32 v1, v2;
	v0 =	vmul.f32 $8.000000000e+00, v0  }
0x20e: {  	v61 =	vmov v60;
	v60 =	vld [tilespmem:$0x1F890]  }
0x20f: {  	[tilespmem:v3+s14+$0x0] =	vst.idx.msk $0xffff, v0;
	v3 =	vld [tilespmem:$0x1F880];
	_ =	sdelay $0x2  }
0x210: {  	v0 =	vld.idx.msk [tilespmem:v1+s11+$0x0], $0xffff;
	_ =	sdelay $0x1  }
0x211: {  	v1 =	vadd.s32 v60, v46;
	v3 =	vor.u32 s28, v3  }
0x212: {  	v12 =	vand.u32 $0xFFFFFF80, v1  }
0x213: {  	v1 =	vand.u32 $0x7F, v1;
	v2 =	vadd.s32 v47, v12  }
0x214: {  	v1 =	vor.u32 v1, v2;
	v0 =	vmul.f32 $8.000000000e+00, v0  }
0x215: {  	v13 =	vld [tilespmem:$0x1F8B0]  }
0x216: {  	[tilespmem:v3+s14+$0x0] =	vst.idx.msk $0xffff, v0;
	v3 =	vld [tilespmem:$0x1F8A0];
	_ =	sdelay $0x2  }
0x217: {  	v0 =	vld.idx.msk [tilespmem:v1+s11+$0x0], $0xffff;
	_ =	sdelay $0x1  }
0x218: {  	v1 =	vadd.s32 v13, v46;
	v3 =	vor.u32 s28, v3  }
0x219: {  	v14 =	vand.u32 $0xFFFFFF80, v1  }
0x21a: {  	v1 =	vand.u32 $0x7F, v1;
	v2 =	vadd.s32 v47, v14  }
0x21b: {  	v1 =	vor.u32 v1, v2;
	v0 =	vmul.f32 $8.000000000e+00, v0  }
0x21c: {  	v32 =	vld [tilespmem:$0x1F8D0]  }
0x21d: {  	[tilespmem:v3+s14+$0x0] =	vst.idx.msk $0xffff, v0;
	v3 =	vld [tilespmem:$0x1F8C0];
	_ =	sdelay $0x2  }
0x21e: {  	v0 =	vld.idx.msk [tilespmem:v1+s11+$0x0], $0xffff;
	_ =	sdelay $0x1  }
0x21f: {  	v1 =	vadd.s32 v32, v46;
	v3 =	vor.u32 s28, v3  }
0x220: {  	v33 =	vand.u32 $0xFFFFFF80, v1  }
0x221: {  	v1 =	vand.u32 $0x7F, v1;
	v2 =	vadd.s32 v47, v33  }
0x222: {  	v1 =	vor.u32 v1, v2;
	v0 =	vmul.f32 $8.000000000e+00, v0  }
0x223: {  	v34 =	vld [tilespmem:$0x1FDB0]  }
0x224: {  	[tilespmem:v3+s14+$0x0] =	vst.idx.msk $0xffff, v0;
	v3 =	vld [tilespmem:$0x1F8E0];
	_ =	sdelay $0x2  }
0x225: {  	v0 =	vld.idx.msk [tilespmem:v1+s11+$0x0], $0xffff;
	_ =	sdelay $0x1  }
0x226: {  	v1 =	vadd.s32 v34, v46;
	v3 =	vor.u32 s28, v3  }
0x227: {  	v36 =	vand.u32 $0xFFFFFF80, v1  }
0x228: {  	v1 =	vand.u32 $0x7F, v1;
	v2 =	vadd.s32 v47, v36  }
0x229: {  	v1 =	vor.u32 v1, v2;
	v0 =	vmul.f32 $8.000000000e+00, v0  }
0x22a: {  	v37 =	vld [tilespmem:$0x1FE00]  }
0x22b: {  	[tilespmem:v3+s14+$0x0] =	vst.idx.msk $0xffff, v0;
	v3 =	vld [tilespmem:$0x1FDD0];
	_ =	sdelay $0x2  }
0x22c: {  	v0 =	vld.idx.msk [tilespmem:v1+s11+$0x0], $0xffff  }
0x22d: {  	v1 =	vadd.s32 v37, v46  }
0x22e: {  	v15 =	vld [tilespmem:$0x1F940];
	v39 =	vand.u32 $0xFFFFFF80, v1;
	v3 =	vor.u32 s28, v3  }
0x22f: {  	v40 =	vld [tilespmem:$0x1FE30];
	v1 =	vand.u32 $0x7F, v1;
	v2 =	vadd.s32 v47, v39  }
0x230: {  	v12 =	vld [tilespmem:$0x1F910];
	v1 =	vor.u32 v1, v2  }
0x231: {  	v13 =	vld [tilespmem:$0x1F920];
	v0 =	vmul.f32 $8.000000000e+00, v0  }
0x232: {  	v14 =	vld [tilespmem:$0x1F930]  }
0x233: {  	[tilespmem:v3+s14+$0x0] =	vst.idx.msk $0xffff, v0;
	v3 =	vld [tilespmem:$0x1F8F0];
	_ =	sdelay $0x1  }
0x234: {  	v0 =	vld.idx.msk [tilespmem:v1+s11+$0x0], $0xffff;
	v1 =	vadd.s32 v40, v46  }
0x235: {  	v41 =	vand.u32 $0xFFFFFF80, v1  }
0x236: {  	v4 =	vsel vm0, v15, v14;
	v1 =	vand.u32 $0x7F, v1;
	v2 =	vadd.s32 v47, v41  }
0x237: {  	v16 =	vld [tilespmem:$0x1F960];
	v1 =	vor.u32 v1, v2;
	v2 =	vsel vm0, v13, v12;
	v3 =	vor.u32 s28, v3  }
0x238: {  	v17 =	vld [tilespmem:$0x1F970];
	v5 =	vcombine.low v4, v2  }
0x239: {  	v18 =	vld [tilespmem:$0x1F980]  }
0x23a: {  	v0 =	vmul.f32 $8.000000000e+00, v0;
	[tilespmem:$0x1F6F0] =	vst v5;
	v42 =	vadd.s32 v5, v46;
	v5 =	vld [tilespmem:$0x1F900]  }
0x23b: {  	v19 =	vld [tilespmem:$0x1F990]  }
0x23c: {  	[tilespmem:v3+s14+$0x0] =	vst.idx.msk $0xffff, v0  }
0x23d: {  	v0 =	vld.idx.msk [tilespmem:v1+s11+$0x0], $0xffff  }
0x23e: {  	v3 =	vand.u32 $0xFFFFFF80, v42  }
0x23f: {  	v1 =	vand.u32 $0x7F, v42;
	v3 =	vadd.s32 v47, v3;
	v5 =	vor.u32 s28, v5  }
0x240: {  	v6 =	vsel vm0, v19, v18;
	v1 =	vor.u32 v1, v3;
	v3 =	vsel vm0, v17, v16  }
0x241: {  	v7 =	vcombine.low v6, v3  }
0x242: {  	v0 =	vmul.f32 $8.000000000e+00, v0  }
0x243: {  	v43 =	vadd.s32 v7, v46  }
0x244: {  	v8 =	vld [tilespmem:$0x1FE60];
	[tilespmem:v5+s14+$0x0] =	vst.idx.msk $0xffff, v0;
	v5 =	vand.u32 $0xFFFFFF80, v43  }
0x245: {  	v0 =	vld.idx.msk [tilespmem:v1+s11+$0x0], $0xffff;
	v1 =	vand.u32 $0x7F, v43;
	v5 =	vadd.s32 v47, v5  }
0x246: {  	v1 =	vor.u32 v1, v5;
	v5 =	vld [tilespmem:$0x1FE50];
	_ =	sdelay $0x2  }
0x247: {  	v9 =	vld [tilespmem:$0x1FE70]  }
0x248: {  	[tilespmem:$0x1F700] =	vst v7;
	v7 =	vld [tilespmem:$0x1F950]  }
0x249: {  	v5 =	vsel vm0, v8, v5;
	v8 =	vld [tilespmem:$0x1FE40];
	_ =	sdelay $0x3  }
0x24a: {  	v7 =	vor.u32 s28, v7  }
0x24b: {  	v8 =	vsel vm0, v8, v9  }
0x24c: {  	v9 =	vcombine.low v8, v5  }
0x24d: {  	v0 =	vmul.f32 $8.000000000e+00, v0  }
0x24e: {  	v45 =	vadd.s32 v9, v46  }
0x24f: {  	v10 =	vld [tilespmem:$0x1FEA0];
	[tilespmem:v7+s14+$0x0] =	vst.idx.msk $0xffff, v0;
	v7 =	vand.u32 $0xFFFFFF80, v45  }
0x250: {  	v0 =	vld.idx.msk [tilespmem:v1+s11+$0x0], $0xffff;
	v1 =	vand.u32 $0x7F, v45;
	v7 =	vadd.s32 v47, v7  }
0x251: {  	v1 =	vor.u32 v1, v7;
	v7 =	vld [tilespmem:$0x1FE90];
	_ =	sdelay $0x2  }
0x252: {  	v11 =	vld [tilespmem:$0x1FEB0]  }
0x253: {  	[tilespmem:$0x1F710] =	vst v9;
	v9 =	vld [tilespmem:$0x1F9A0]  }
0x254: {  	v7 =	vsel vm0, v10, v7;
	v10 =	vld [tilespmem:$0x1FE80];
	_ =	sdelay $0x4  }
0x255: {  	v9 =	vor.u32 s28, v9;
	v10 =	vsel vm0, v10, v11  }
0x256: {  	v11 =	vcombine.low v10, v7;
	_ =	sdelay $0x1  }
0x257: {  	v0 =	vmul.f32 $8.000000000e+00, v0;
	[tilespmem:$0x1F720] =	vst v11;
	v48 =	vadd.s32 v11, v46;
	v11 =	vld [tilespmem:$0x1F9B0];
	_ =	sdelay $0x1  }
0x258: {  	[tilespmem:v9+s14+$0x0] =	vst.idx.msk $0xffff, v0  }
0x259: {  	v0 =	vld.idx.msk [tilespmem:v1+s11+$0x0], $0xffff  }
0x25a: {  	v9 =	vand.u32 $0xFFFFFF80, v48  }
0x25b: {  	v1 =	vand.u32 $0x7F, v48;
	v9 =	vadd.s32 v47, v9;
	v11 =	vor.u32 s28, v11  }
0x25c: {  	v1 =	vor.u32 v1, v9;
	_ =	sdelay $0x1  }
0x25d: {  	v50 =	vld [tilespmem:$0x1F9C0];
	v12 =	vsel vm0, v12, v15;
	v0 =	vmul.f32 $8.000000000e+00, v0;
	v9 =	vsel vm0, v14, v13  }
0x25e: {  	v13 =	vcombine.low v12, v9  }
0x25f: {  	[tilespmem:v11+s14+$0x0] =	vst.idx.msk $0xffff, v0  }
0x260: {  	v49 =	vadd.s32 v13, v46;
	v0 =	vld.idx.msk [tilespmem:v1+s11+$0x0], $0xffff  }
0x261: {  	v11 =	vand.u32 $0xFFFFFF80, v49  }
0x262: {  	[tilespmem:$0x1F730] =	vst v13;
	v13 =	vor.u32 s28, v50;
	v1 =	vand.u32 $0x7F, v49;
	v11 =	vadd.s32 v47, v11  }
0x263: {  	v1 =	vor.u32 v1, v11;
	_ =	sdelay $0x1  }
0x264: {  	v55 =	vsel vm0, v16, v19;
	v58 =	vld [tilespmem:$0x1F9D0];
	v11 =	vsel vm0, v18, v17;
	v0 =	vmul.f32 $8.000000000e+00, v0  }
0x265: {  	v11 =	vcombine.low v55, v11  }
0x266: {  	v59 =	vld [tilespmem:$0x1FDE0];
	[tilespmem:v13+s14+$0x0] =	vst.idx.msk $0xffff, v0  }
0x267: {  	v57 =	vadd.s32 v11, v46;
	v0 =	vld.idx.msk [tilespmem:v1+s11+$0x0], $0xffff  }
0x268: {  	v60 =	vld [tilespmem:$0x1FDF0];
	[tilespmem:$0x1F740] =	vst v11;
	v11 =	vand.u32 $0xFFFFFF80, v57  }
0x269: {  	v11 =	vadd.s32 v47, v11;
	v13 =	vor.u32 s28, v58;
	v1 =	vand.u32 $0x7F, v57  }
0x26a: {  	v1 =	vor.u32 v1, v11;
	_ =	sdelay $0x1  }
0x26b: {  	v33 =	vld [tilespmem:$0x1F9E0];
	v11 =	vmul.f32 $8.000000000e+00, v0  }
0x26c: {  	v0 =	vcombine.low v59, v60  }
0x26d: {  	v37 =	vld [tilespmem:$0x1FE10];
	[tilespmem:v13+s14+$0x0] =	vst.idx.msk $0xffff, v11  }
0x26e: {  	v11 =	vadd.s32 v0, v46;
	v1 =	vld.idx.msk [tilespmem:v1+s11+$0x0], $0xffff  }
0x26f: {  	v39 =	vld [tilespmem:$0x1FE20];
	v32 =	vand.u32 $0xFFFFFF80, v11  }
0x270: {  	v34 =	vor.u32 s28, v33;
	v11 =	vand.u32 $0x7F, v11;
	v13 =	vadd.s32 v47, v32  }
0x271: {  	v11 =	vor.u32 v11, v13;
	_ =	sdelay $0x1  }
0x272: {  	v42 =	vld [tilespmem:$0x1F9F0];
	v36 =	vmul.f32 $8.000000000e+00, v1  }
0x273: {  	[tilespmem:$0x1F750] =	vst v0;
	v0 =	vcombine.low v37, v39  }
0x274: {  	[tilespmem:v34+s14+$0x0] =	vst.idx.msk $0xffff, v36  }
0x275: {  	v40 =	vadd.s32 v0, v46;
	v11 =	vld.idx.msk [tilespmem:v11+s11+$0x0], $0xffff  }
0x276: {  	v41 =	vand.u32 $0xFFFFFF80, v40  }
0x277: {  	v15 =	vor.u32 s28, v42;
	v13 =	vand.u32 $0x7F, v40;
	v14 =	vadd.s32 v47, v41  }
0x278: {  	v13 =	vor.u32 v13, v14;
	_ =	sdelay $0x1  }
0x279: {  	v48 =	vld [tilespmem:$0x1FA00];
	v11 =	vmul.f32 $8.000000000e+00, v11  }
0x27a: {  	v43 =	vcombine.low v2, v4  }
0x27b: {  	[tilespmem:v15+s14+$0x0] =	vst.idx.msk $0xffff, v11  }
0x27c: {  	v11 =	vadd.s32 v43, v46;
	v4 =	vld.idx.msk [tilespmem:v13+s11+$0x0], $0xffff  }
0x27d: {  	v45 =	vand.u32 $0xFFFFFF80, v11  }
0x27e: {  	v49 =	vor.u32 s28, v48;
	v11 =	vand.u32 $0x7F, v11;
	v13 =	vadd.s32 v47, v45  }
0x27f: {  	v11 =	vor.u32 v11, v13;
	_ =	sdelay $0x1  }
0x280: {  	v55 =	vld [tilespmem:$0x1FA10];
	v4 =	vmul.f32 $8.000000000e+00, v4  }
0x281: {  	v50 =	vcombine.low v3, v6  }
0x282: {  	[tilespmem:v49+s14+$0x0] =	vst.idx.msk $0xffff, v4  }
0x283: {  	v6 =	vadd.s32 v50, v46;
	v4 =	vld.idx.msk [tilespmem:v11+s11+$0x0], $0xffff  }
0x284: {  	v11 =	vand.u32 $0xFFFFFF80, v6  }
0x285: {  	v57 =	vor.u32 s28, v55;
	v6 =	vand.u32 $0x7F, v6;
	v11 =	vadd.s32 v47, v11  }
0x286: {  	v6 =	vor.u32 v6, v11;
	_ =	sdelay $0x1  }
0x287: {  	v59 =	vld [tilespmem:$0x1FA20];
	v11 =	vmul.f32 $8.000000000e+00, v4  }
0x288: {  	v58 =	vcombine.low v5, v8  }
0x289: {  	[tilespmem:v57+s14+$0x0] =	vst.idx.msk $0xffff, v11  }
0x28a: {  	v5 =	vld.idx.msk [tilespmem:v6+s11+$0x0], $0xffff;
	v6 =	vadd.s32 v58, v46  }
0x28b: {  	v8 =	vand.u32 $0xFFFFFF80, v6  }
0x28c: {  	v11 =	vor.u32 s28, v59;
	v6 =	vand.u32 $0x7F, v6;
	v8 =	vadd.s32 v47, v8  }
0x28d: {  	v6 =	vor.u32 v6, v8;
	_ =	sdelay $0x1  }
0x28e: {  	v13 =	vld [tilespmem:$0x1FA30];
	v8 =	vmul.f32 $8.000000000e+00, v5  }
0x28f: {  	v60 =	vcombine.low v7, v10  }
0x290: {  	[tilespmem:v11+s14+$0x0] =	vst.idx.msk $0xffff, v8  }
0x291: {  	v7 =	vadd.s32 v60, v46;
	v6 =	vld.idx.msk [tilespmem:v6+s11+$0x0], $0xffff  }
0x292: {  	v8 =	vand.u32 $0xFFFFFF80, v7  }
0x293: {  	v10 =	vor.u32 s28, v13;
	v7 =	vand.u32 $0x7F, v7;
	v8 =	vadd.s32 v47, v8  }
0x294: {  	v7 =	vor.u32 v7, v8;
	_ =	sdelay $0x1  }
0x295: {  	v32 =	vld [tilespmem:$0x1FA40];
	v8 =	vmul.f32 $8.000000000e+00, v6  }
0x296: {  	v14 =	vcombine.low v9, v12  }
0x297: {  	[tilespmem:v10+s14+$0x0] =	vst.idx.msk $0xffff, v8  }
0x298: {  	v8 =	vadd.s32 v14, v46;
	v7 =	vld.idx.msk [tilespmem:v7+s11+$0x0], $0xffff  }
0x299: {  	v9 =	vand.u32 $0xFFFFFF80, v8  }
0x29a: {  	v10 =	vor.u32 s28, v32;
	v8 =	vand.u32 $0x7F, v8;
	v9 =	vadd.s32 v47, v9  }
0x29b: {  	v8 =	vor.u32 v8, v9  }
0x29c: {  	v2 =	vld [tilespmem:$0x1FED0]  }
0x29d: {  	v34 =	vld [tilespmem:$0x1FA50];
	v7 =	vmul.f32 $8.000000000e+00, v7  }
0x29e: {  	v3 =	vld [tilespmem:$0x1FEE0]  }
0x29f: {  	v33 =	vor.u32 $0x20, v51;
	v1 =	vld [tilespmem:$0x1FEC0];
	[tilespmem:v10+s14+$0x0] =	vst.idx.msk $0xffff, v7  }
0x2a0: {  	v9 =	vadd.s32 v33, v46;
	v8 =	vld.idx.msk [tilespmem:v8+s11+$0x0], $0xffff  }
0x2a1: {  	v4 =	vld [tilespmem:$0x1FEF0];
	v10 =	vand.u32 $0xFFFFFF80, v9  }
0x2a2: {  	v11 =	vor.u32 s28, v34;
	v9 =	vand.u32 $0x7F, v9;
	v10 =	vadd.s32 v47, v10  }
0x2a3: {  	v9 =	vor.u32 v9, v10;
	_ =	sdelay $0x1  }
0x2a4: {  	v5 =	vld [tilespmem:$0x1FBE0];
	v10 =	vmul.f32 $8.000000000e+00, v8  }
0x2a5: {  	v17 =	vsel vm0, v2, v1;
	v18 =	vsel vm0, v4, v3;
	v6 =	vld [tilespmem:$0x1FBF0]  }
0x2a6: {  	v36 =	vcombine.low v18, v17;
	v7 =	vld [tilespmem:$0x1FC00];
	[tilespmem:v11+s14+$0x0] =	vst.idx.msk $0xffff, v10  }
0x2a7: {  	v10 =	vld.idx.msk [tilespmem:v9+s11+$0x0], $0xffff  }
0x2a8: {  	v37 =	vor.u32 $0x1000, v44;
	v8 =	vld [tilespmem:$0x1FC10];
	v11 =	vadd.s32 v36, v46  }
0x2a9: {  	v40 =	vor.u32 s28, v37;
	v39 =	vand.u32 $0xFFFFFF80, v11  }
0x2aa: {  	v11 =	vand.u32 $0x7F, v11;
	v12 =	vadd.s32 v47, v39  }
0x2ab: {  	v45 =	vld [tilespmem:$0x1FF00];
	v11 =	vor.u32 v11, v12  }
0x2ac: {  	v9 =	vld [tilespmem:$0x1FC20];
	v41 =	vmul.f32 $8.000000000e+00, v10  }
0x2ad: {  	[tilespmem:$0x1F7C0] =	vst v33;
	v19 =	vsel vm0, v6, v5;
	v39 =	vld [tilespmem:$0x1FC30];
	v20 =	vsel vm0, v8, v7  }
0x2ae: {  	v33 =	vcombine.low v20, v19;
	[tilespmem:v40+s14+$0x0] =	vst.idx.msk $0xffff, v41;
	v40 =	vld [tilespmem:$0x1FC40]  }
0x2af: {  	v41 =	vld [tilespmem:$0x1FC50]  }
0x2b0: {  	v42 =	vadd.s32 v33, v46;
	v11 =	vld.idx.msk [tilespmem:v11+s11+$0x0], $0xffff  }
0x2b1: {  	[tilespmem:$0x1F770] =	vst v43;
	v43 =	vand.u32 $0xFFFFFF80, v42  }
0x2b2: {  	v48 =	vor.u32 s28, v45;
	v12 =	vand.u32 $0x7F, v42;
	v13 =	vadd.s32 v47, v43  }
0x2b3: {  	v45 =	vld [tilespmem:$0x1FC80];
	v12 =	vor.u32 v12, v13  }
0x2b4: {  	v57 =	vld [tilespmem:$0x1FF10]  }
0x2b5: {  	v21 =	vsel vm0, v39, v9;
	v42 =	vld [tilespmem:$0x1FC60];
	v22 =	vsel vm0, v41, v40;
	v49 =	vmul.f32 $8.000000000e+00, v11  }
0x2b6: {  	[tilespmem:$0x1F7D0] =	vst v36;
	v43 =	vld [tilespmem:$0x1FC70];
	v36 =	vcombine.low v22, v21  }
0x2b7: {  	[tilespmem:v48+s14+$0x0] =	vst.idx.msk $0xffff, v49;
	v48 =	vld [tilespmem:$0x1FC90]  }
0x2b8: {  	[tilespmem:$0x1F780] =	vst v50;
	v50 =	vadd.s32 v36, v46;
	v12 =	vld.idx.msk [tilespmem:v12+s11+$0x0], $0xffff  }
0x2b9: {  	v55 =	vand.u32 $0xFFFFFF80, v50  }
0x2ba: {  	[tilespmem:$0x1F7B0] =	vst v14;
	v15 =	vor.u32 s28, v57;
	v13 =	vand.u32 $0x7F, v50;
	v14 =	vadd.s32 v47, v55  }
0x2bb: {  	v13 =	vor.u32 v13, v14  }
0x2bc: {  	[tilespmem:$0x1F790] =	vst v58  }
0x2bd: {  	[tilespmem:$0x1F7A0] =	vst v60;
	v60 =	vld [tilespmem:$0x1FAC0];
	v23 =	vsel vm0, v43, v42;
	v24 =	vsel vm0, v48, v45;
	v58 =	vmul.f32 $8.000000000e+00, v12  }
0x2be: {  	v32 =	vcombine.low v24, v23  }
0x2bf: {  	[tilespmem:v15+s14+$0x0] =	vst.idx.msk $0xffff, v58  }
0x2c0: {  	v59 =	vadd.s32 v32, v46;
	v13 =	vld.idx.msk [tilespmem:v13+s11+$0x0], $0xffff  }
0x2c1: {  	v15 =	vand.u32 $0xFFFFFF80, v59  }
0x2c2: {  	v16 =	vor.u32 s28, v60;
	v14 =	vand.u32 $0x7F, v59;
	v15 =	vadd.s32 v47, v15  }
0x2c3: {  	v14 =	vor.u32 v14, v15;
	_ =	sdelay $0x1  }
0x2c4: {  	v25 =	vsel vm0, v3, v2;
	v26 =	vsel vm0, v1, v4;
	v12 =	vld [tilespmem:$0x1FF20];
	v15 =	vmul.f32 $8.000000000e+00, v13  }
0x2c5: {  	v30 =	vcombine.low v26, v25  }
0x2c6: {  	[tilespmem:v16+s14+$0x0] =	vst.idx.msk $0xffff, v15  }
0x2c7: {  	v15 =	vadd.s32 v30, v46;
	v14 =	vld.idx.msk [tilespmem:v14+s11+$0x0], $0xffff  }
0x2c8: {  	v16 =	vand.u32 $0xFFFFFF80, v15  }
0x2c9: {  	v27 =	vor.u32 s28, v12;
	v15 =	vand.u32 $0x7F, v15;
	v16 =	vadd.s32 v47, v16  }
0x2ca: {  	v15 =	vor.u32 v15, v16;
	_ =	sdelay $0x1  }
0x2cb: {  	v28 =	vsel vm0, v7, v6;
	v29 =	vsel vm0, v5, v8;
	v13 =	vld [tilespmem:$0x1FAD0];
	v16 =	vmul.f32 $8.000000000e+00, v14  }
0x2cc: {  	v31 =	vcombine.low v29, v28  }
0x2cd: {  	[tilespmem:v27+s14+$0x0] =	vst.idx.msk $0xffff, v16  }
0x2ce: {  	v16 =	vadd.s32 v31, v46;
	v15 =	vld.idx.msk [tilespmem:v15+s11+$0x0], $0xffff  }
0x2cf: {  	v27 =	vand.u32 $0xFFFFFF80, v16  }
0x2d0: {  	v34 =	vor.u32 s28, v13;
	v16 =	vand.u32 $0x7F, v16;
	v27 =	vadd.s32 v47, v27  }
0x2d1: {  	v16 =	vor.u32 v16, v27;
	_ =	sdelay $0x1  }
0x2d2: {  	v39 =	vsel vm0, v40, v39;
	v40 =	vsel vm0, v9, v41;
	v41 =	vld [tilespmem:$0x1FAF0];
	v27 =	vmul.f32 $8.000000000e+00, v15  }
0x2d3: {  	[tilespmem:$0x1F7E0] =	vst v37;
	v37 =	vcombine.low v40, v39  }
0x2d4: {  	[tilespmem:v34+s14+$0x0] =	vst.idx.msk $0xffff, v27  }
0x2d5: {  	v27 =	vadd.s32 v37, v46;
	v16 =	vld.idx.msk [tilespmem:v16+s11+$0x0], $0xffff  }
0x2d6: {  	v14 =	vand.u32 $0xFFFFFF80, v27  }
0x2d7: {  	v49 =	vor.u32 s28, v41;
	v27 =	vand.u32 $0x7F, v27;
	v34 =	vadd.s32 v47, v14  }
0x2d8: {  	v27 =	vor.u32 v27, v34;
	_ =	sdelay $0x1  }
0x2d9: {  	v42 =	vsel vm0, v42, v48;
	v58 =	vld [tilespmem:$0x1FB10];
	v50 =	vmul.f32 $8.000000000e+00, v16;
	v16 =	vsel vm0, v45, v43  }
0x2da: {  	v7 =	vcombine.low v42, v16  }
0x2db: {  	[tilespmem:v49+s14+$0x0] =	vst.idx.msk $0xffff, v50  }
0x2dc: {  	v27 =	vld.idx.msk [tilespmem:v27+s11+$0x0], $0xffff;
	v55 =	vadd.s32 v7, v46  }
0x2dd: {  	v57 =	vand.u32 $0xFFFFFF80, v55  }
0x2de: {  	v59 =	vor.u32 s28, v58;
	v34 =	vand.u32 $0x7F, v55;
	v41 =	vadd.s32 v47, v57  }
0x2df: {  	v34 =	vor.u32 v34, v41;
	_ =	sdelay $0x1  }
0x2e0: {  	v12 =	vld [tilespmem:$0x1FF30];
	v27 =	vmul.f32 $8.000000000e+00, v27  }
0x2e1: {  	v8 =	vcombine.low v17, v18  }
0x2e2: {  	[tilespmem:v59+s14+$0x0] =	vst.idx.msk $0xffff, v27  }
0x2e3: {  	v27 =	vadd.s32 v8, v46;
	v18 =	vld.idx.msk [tilespmem:v34+s11+$0x0], $0xffff  }
0x2e4: {  	v60 =	vand.u32 $0xFFFFFF80, v27  }
0x2e5: {  	v13 =	vor.u32 s28, v12;
	v27 =	vand.u32 $0x7F, v27;
	v34 =	vadd.s32 v47, v60  }
0x2e6: {  	v27 =	vor.u32 v27, v34;
	_ =	sdelay $0x1  }
0x2e7: {  	v34 =	vld [tilespmem:$0x1FF40];
	v14 =	vmul.f32 $8.000000000e+00, v18  }
0x2e8: {  	v9 =	vcombine.low v19, v20  }
0x2e9: {  	[tilespmem:v13+s14+$0x0] =	vst.idx.msk $0xffff, v14  }
0x2ea: {  	v20 =	vadd.s32 v9, v46;
	v19 =	vld.idx.msk [tilespmem:v27+s11+$0x0], $0xffff  }
0x2eb: {  	v27 =	vand.u32 $0xFFFFFF80, v20  }
0x2ec: {  	v41 =	vor.u32 s28, v34;
	v20 =	vand.u32 $0x7F, v20;
	v27 =	vadd.s32 v47, v27  }
0x2ed: {  	v20 =	vor.u32 v20, v27;
	_ =	sdelay $0x1  }
0x2ee: {  	v42 =	vld [tilespmem:$0x1FF50];
	v27 =	vmul.f32 $8.000000000e+00, v19  }
0x2ef: {  	v19 =	vcombine.low v21, v22  }
0x2f0: {  	[tilespmem:v41+s14+$0x0] =	vst.idx.msk $0xffff, v27  }
0x2f1: {  	v21 =	vadd.s32 v19, v46;
	v20 =	vld.idx.msk [tilespmem:v20+s11+$0x0], $0xffff  }
0x2f2: {  	v22 =	vand.u32 $0xFFFFFF80, v21  }
0x2f3: {  	v27 =	vor.u32 s28, v42;
	v21 =	vand.u32 $0x7F, v21;
	v22 =	vadd.s32 v47, v22  }
0x2f4: {  	v21 =	vor.u32 v21, v22;
	_ =	sdelay $0x1  }
0x2f5: {  	v43 =	vld [tilespmem:$0x1FF60];
	v22 =	vmul.f32 $8.000000000e+00, v20  }
0x2f6: {  	v20 =	vcombine.low v23, v24  }
0x2f7: {  	[tilespmem:v27+s14+$0x0] =	vst.idx.msk $0xffff, v22  }
0x2f8: {  	v22 =	vadd.s32 v20, v46;
	v21 =	vld.idx.msk [tilespmem:v21+s11+$0x0], $0xffff  }
0x2f9: {  	v23 =	vand.u32 $0xFFFFFF80, v22  }
0x2fa: {  	v24 =	vor.u32 s28, v43;
	v22 =	vand.u32 $0x7F, v22;
	v23 =	vadd.s32 v47, v23  }
0x2fb: {  	v22 =	vor.u32 v22, v23;
	_ =	sdelay $0x1  }
0x2fc: {  	v45 =	vld [tilespmem:$0x1FF70];
	v23 =	vmul.f32 $8.000000000e+00, v21  }
0x2fd: {  	v21 =	vcombine.low v25, v26  }
0x2fe: {  	[tilespmem:v24+s14+$0x0] =	vst.idx.msk $0xffff, v23  }
0x2ff: {  	v23 =	vadd.s32 v21, v46;
	v22 =	vld.idx.msk [tilespmem:v22+s11+$0x0], $0xffff  }
0x300: {  	v24 =	vand.u32 $0xFFFFFF80, v23  }
0x301: {  	v25 =	vor.u32 s28, v45;
	v23 =	vand.u32 $0x7F, v23;
	v24 =	vadd.s32 v47, v24  }
0x302: {  	v23 =	vor.u32 v23, v24;
	_ =	sdelay $0x1  }
0x303: {  	v48 =	vld [tilespmem:$0x1FF80];
	v24 =	vmul.f32 $8.000000000e+00, v22  }
0x304: {  	v22 =	vcombine.low v28, v29  }
0x305: {  	[tilespmem:v25+s14+$0x0] =	vst.idx.msk $0xffff, v24  }
0x306: {  	v24 =	vadd.s32 v22, v46;
	v23 =	vld.idx.msk [tilespmem:v23+s11+$0x0], $0xffff  }
0x307: {  	v25 =	vand.u32 $0xFFFFFF80, v24  }
0x308: {  	v26 =	vor.u32 s28, v48;
	v24 =	vand.u32 $0x7F, v24;
	v25 =	vadd.s32 v47, v25  }
0x309: {  	v24 =	vor.u32 v24, v25;
	_ =	sdelay $0x1  }
0x30a: {  	v49 =	vld [tilespmem:$0x1FF90];
	v25 =	vmul.f32 $8.000000000e+00, v23  }
0x30b: {  	v23 =	vcombine.low v39, v40  }
0x30c: {  	[tilespmem:v26+s14+$0x0] =	vst.idx.msk $0xffff, v25  }
0x30d: {  	v25 =	vadd.s32 v23, v46;
	v24 =	vld.idx.msk [tilespmem:v24+s11+$0x0], $0xffff  }
0x30e: {  	v26 =	vand.u32 $0xFFFFFF80, v25  }
0x30f: {  	v27 =	vor.u32 s28, v49;
	v25 =	vand.u32 $0x7F, v25;
	v26 =	vadd.s32 v47, v26  }
0x310: {  	v2 =	vld [tilespmem:$0x1FCB0];
	v25 =	vor.u32 v25, v26  }
0x311: {  	v1 =	vld [tilespmem:$0x1FCA0]  }
0x312: {  	v50 =	vld [tilespmem:$0x1FFA0];
	v24 =	vmul.f32 $8.000000000e+00, v24  }
0x313: {  	v3 =	vld [tilespmem:$0x1FCC0]  }
0x314: {  	v4 =	vld [tilespmem:$0x1FCD0];
	[tilespmem:v27+s14+$0x0] =	vst.idx.msk $0xffff, v24;
	v24 =	vor.u32 $0x30, v51  }
0x315: {  	v25 =	vld.idx.msk [tilespmem:v25+s11+$0x0], $0xffff;
	v26 =	vadd.s32 v24, v46  }
0x316: {  	v27 =	vand.u32 $0xFFFFFF80, v26  }
0x317: {  	v28 =	vor.u32 s28, v50;
	v26 =	vand.u32 $0x7F, v26;
	v27 =	vadd.s32 v47, v27  }
0x318: {  	v26 =	vor.u32 v26, v27  }
0x319: {  	v6 =	vld [tilespmem:$0x1FCF0]  }
0x31a: {  	v58 =	vld [tilespmem:$0x1FD10];
	v42 =	vsel vm0, v2, v1;
	v43 =	vsel vm0, v4, v3;
	v27 =	vmul.f32 $8.000000000e+00, v25  }
0x31b: {  	v55 =	vld [tilespmem:$0x1FD00];
	v25 =	vcombine.low v43, v42  }
0x31c: {  	v57 =	vld [tilespmem:$0x1FCE0];
	[tilespmem:v28+s14+$0x0] =	vst.idx.msk $0xffff, v27  }
0x31d: {  	v28 =	vadd.s32 v25, v46;
	v27 =	vld.idx.msk [tilespmem:v26+s11+$0x0], $0xffff  }
0x31e: {  	v26 =	vor.u32 $0x1800, v44;
	v29 =	vand.u32 $0xFFFFFF80, v28  }
0x31f: {  	v60 =	vld [tilespmem:$0x1FFB0];
	v28 =	vand.u32 $0x7F, v28;
	v51 =	vor.u32 s28, v26;
	v29 =	vadd.s32 v47, v29  }
0x320: {  	v28 =	vor.u32 v28, v29  }
0x321: {  	v45 =	vsel vm0, v58, v55;
	v44 =	vsel vm0, v6, v57  }
0x322: {  	v10 =	vld [tilespmem:$0x1FD40];
	v29 =	vmul.f32 $8.000000000e+00, v27;
	v27 =	vcombine.low v45, v44  }
0x323: {  	v11 =	vld [tilespmem:$0x1FD50]  }
0x324: {  	v12 =	vor.u32 s28, v60;
	v60 =	vld [tilespmem:$0x1FD30];
	[tilespmem:v51+s14+$0x0] =	vst.idx.msk $0xffff, v29;
	v29 =	vadd.s32 v27, v46  }
0x325: {  	v28 =	vld.idx.msk [tilespmem:v28+s11+$0x0], $0xffff;
	v59 =	vand.u32 $0xFFFFFF80, v29  }
0x326: {  	v34 =	vadd.s32 v47, v59;
	v59 =	vld [tilespmem:$0x1FD20];
	_ =	sdelay $0x1  }
0x327: {  	v29 =	vand.u32 $0x7F, v29  }
0x328: {  	v29 =	vor.u32 v29, v34;
	_ =	sdelay $0x1  }
0x329: {  	v49 =	vsel vm0, v11, v10;
	v51 =	vld [tilespmem:$0x1FFC0];
	v13 =	vmul.f32 $8.000000000e+00, v28;
	v48 =	vsel vm0, v60, v59  }
0x32a: {  	v15 =	vld [tilespmem:$0x1FD90];
	v28 =	vcombine.low v49, v48  }
0x32b: {  	[tilespmem:v12+s14+$0x0] =	vst.idx.msk $0xffff, v13;
	v12 =	vld [tilespmem:$0x1FD60]  }
0x32c: {  	v29 =	vld.idx.msk [tilespmem:v29+s11+$0x0], $0xffff;
	v14 =	vadd.s32 v28, v46  }
0x32d: {  	v13 =	vld [tilespmem:$0x1FD70];
	v50 =	vand.u32 $0xFFFFFF80, v14  }
0x32e: {  	v40 =	vor.u32 s28, v51;
	v34 =	vand.u32 $0x7F, v14;
	v14 =	vld [tilespmem:$0x1FD80];
	v39 =	vadd.s32 v47, v50  }
0x32f: {  	v34 =	vor.u32 v34, v39;
	_ =	sdelay $0x1  }
0x330: {  	[tilespmem:$0x1F760] =	vst v0;
	v41 =	vld [tilespmem:$0x1FFD0];
	v0 =	vmul.f32 $8.000000000e+00, v29;
	_ =	sdelay $0x1  }
0x331: {  	v50 =	vsel vm0, v13, v12;
	v51 =	vsel vm0, v15, v14;
	[tilespmem:v40+s14+$0x0] =	vst.idx.msk $0xffff, v0  }
0x332: {  	v29 =	vcombine.low v51, v50;
	v34 =	vld.idx.msk [tilespmem:v34+s11+$0x0], $0xffff;
	_ =	sdelay $0x1  }
0x333: {  	v41 =	vor.u32 s28, v41;
	v39 =	vadd.s32 v29, v46  }
0x334: {  	v40 =	vand.u32 $0xFFFFFF80, v39  }
0x335: {  	v39 =	vand.u32 $0x7F, v39;
	v40 =	vadd.s32 v47, v40  }
0x336: {  	v39 =	vor.u32 v39, v40;
	v0 =	vmul.f32 $8.000000000e+00, v34  }
0x337: {  	v17 =	vmov v53  }
0x338: {  	v53 =	vsel vm0, v1, v4;
	v16 =	vmov v52;
	v52 =	vsel vm0, v3, v2;
	[tilespmem:v41+s14+$0x0] =	vst.idx.msk $0xffff, v0;
	v0 =	vld [tilespmem:$0x1FB30]  }
0x339: {  	v34 =	vcombine.low v53, v52;
	_ =	sdelay $0x1  }
0x33a: {  	v40 =	vadd.s32 v34, v46;
	v39 =	vld.idx.msk [tilespmem:v39+s11+$0x0], $0xffff  }
0x33b: {  	v41 =	vand.u32 $0xFFFFFF80, v40  }
0x33c: {  	v40 =	vand.u32 $0x7F, v40;
	v41 =	vadd.s32 v47, v41;
	v1 =	vor.u32 s28, v0  }
0x33d: {  	v40 =	vor.u32 v40, v41;
	_ =	sdelay $0x1  }
0x33e: {  	v5 =	vmovc v56;
	v56 =	vsel vm0, v57, v58;
	v55 =	vsel vm0, v55, v6;
	v58 =	vld [tilespmem:$0x1FB40];
	v2 =	vmul.f32 $8.000000000e+00, v39  }
0x33f: {  	v39 =	vcombine.low v56, v55  }
0x340: {  	[tilespmem:v1+s14+$0x0] =	vst.idx.msk $0xffff, v2  }
0x341: {  	v41 =	vadd.s32 v39, v46;
	v40 =	vld.idx.msk [tilespmem:v40+s11+$0x0], $0xffff  }
0x342: {  	v18 =	vmov v54;
	v54 =	vand.u32 $0xFFFFFF80, v41  }
0x343: {  	v57 =	vor.u32 s28, v58;
	v41 =	vand.u32 $0x7F, v41;
	v54 =	vadd.s32 v47, v54  }
0x344: {  	v41 =	vor.u32 v41, v54;
	_ =	sdelay $0x1  }
0x345: {  	v4 =	vld [tilespmem:$0x1FB50];
	v58 =	vsel vm0, v10, v60;
	v59 =	vsel vm0, v59, v11;
	v54 =	vmul.f32 $8.000000000e+00, v40  }
0x346: {  	v40 =	vcombine.low v59, v58  }
0x347: {  	[tilespmem:v57+s14+$0x0] =	vst.idx.msk $0xffff, v54  }
0x348: {  	v1 =	vadd.s32 v40, v46;
	v41 =	vld.idx.msk [tilespmem:v41+s11+$0x0], $0xffff  }
0x349: {  	v2 =	vand.u32 $0xFFFFFF80, v1  }
0x34a: {  	v60 =	vor.u32 s28, v4;
	v54 =	vand.u32 $0x7F, v1;
	v57 =	vadd.s32 v47, v2  }
0x34b: {  	v54 =	vor.u32 v54, v57;
	_ =	sdelay $0x1  }
0x34c: {  	v1 =	vsel vm0, v14, v13;
	v14 =	vld [tilespmem:$0x1FB60];
	v2 =	vsel vm0, v12, v15;
	v0 =	vmul.f32 $8.000000000e+00, v41  }
0x34d: {  	v41 =	vcombine.low v2, v1  }
0x34e: {  	[tilespmem:v60+s14+$0x0] =	vst.idx.msk $0xffff, v0  }
0x34f: {  	v12 =	vadd.s32 v41, v46;
	v54 =	vld.idx.msk [tilespmem:v54+s11+$0x0], $0xffff  }
0x350: {  	v13 =	vand.u32 $0xFFFFFF80, v12  }
0x351: {  	v3 =	vmovc v62;
	v62 =	vor.u32 s28, v14;
	v57 =	vand.u32 $0x7F, v12;
	v60 =	vadd.s32 v47, v13  }
0x352: {  	v57 =	vor.u32 v57, v60;
	_ =	sdelay $0x1  }
0x353: {  	v12 =	vld [tilespmem:$0x1FB70];
	v54 =	vmul.f32 $8.000000000e+00, v54  }
0x354: {  	v42 =	vcombine.low v42, v43  }
0x355: {  	[tilespmem:v62+s14+$0x0] =	vst.idx.msk $0xffff, v54  }
0x356: {  	v1 =	vadd.s32 v42, v46;
	v0 =	vld.idx.msk [tilespmem:v57+s11+$0x0], $0xffff  }
0x357: {  	v2 =	vand.u32 $0xFFFFFF80, v1  }
0x358: {  	v60 =	vor.u32 s28, v12;
	v54 =	vand.u32 $0x7F, v1;
	v57 =	vadd.s32 v47, v2  }
0x359: {  	v54 =	vor.u32 v54, v57;
	_ =	sdelay $0x1  }
0x35a: {  	v12 =	vld [tilespmem:$0x1FB80];
	v13 =	vmul.f32 $8.000000000e+00, v0  }
0x35b: {  	v43 =	vcombine.low v44, v45  }
0x35c: {  	[tilespmem:v60+s14+$0x0] =	vst.idx.msk $0xffff, v13  }
0x35d: {  	v45 =	vadd.s32 v43, v46;
	v14 =	vld.idx.msk [tilespmem:v54+s11+$0x0], $0xffff  }
0x35e: {  	v60 =	vand.u32 $0xFFFFFF80, v45  }
0x35f: {  	v13 =	vor.u32 s28, v12;
	v45 =	vand.u32 $0x7F, v45;
	v54 =	vadd.s32 v47, v60  }
0x360: {  	v45 =	vor.u32 v45, v54;
	_ =	sdelay $0x1  }
0x361: {  	v60 =	vmov v61;
	v61 =	vld [tilespmem:$0x1FB90];
	v14 =	vmul.f32 $8.000000000e+00, v14  }
0x362: {  	v44 =	vcombine.low v48, v49  }
0x363: {  	[tilespmem:v13+s14+$0x0] =	vst.idx.msk $0xffff, v14  }
0x364: {  	v48 =	vadd.s32 v44, v46;
	v45 =	vld.idx.msk [tilespmem:v45+s11+$0x0], $0xffff  }
0x365: {  	v57 =	vand.u32 $0xFFFFFF80, v48  }
0x366: {  	v48 =	vand.u32 $0x7F, v48;
	v49 =	vadd.s32 v47, v57;
	v12 =	vor.u32 s28, v61  }
0x367: {  	v48 =	vor.u32 v48, v49;
	_ =	sdelay $0x1  }
0x368: {  	v61 =	vld [tilespmem:$0x1FBA0];
	v13 =	vmul.f32 $8.000000000e+00, v45  }
0x369: {  	v45 =	vcombine.low v50, v51  }
0x36a: {  	[tilespmem:v12+s14+$0x0] =	vst.idx.msk $0xffff, v13  }
0x36b: {  	v14 =	vadd.s32 v45, v46;
	v48 =	vld.idx.msk [tilespmem:v48+s11+$0x0], $0xffff  }
0x36c: {  	v57 =	vand.u32 $0xFFFFFF80, v14  }
0x36d: {  	v12 =	vor.u32 s28, v61;
	v49 =	vand.u32 $0x7F, v14;
	v50 =	vadd.s32 v47, v57  }
0x36e: {  	v49 =	vor.u32 v49, v50;
	_ =	sdelay $0x1  }
0x36f: {  	v61 =	vld [tilespmem:$0x1FBB0];
	v13 =	vmul.f32 $8.000000000e+00, v48  }
0x370: {  	v48 =	vcombine.low v52, v53  }
0x371: {  	[tilespmem:v12+s14+$0x0] =	vst.idx.msk $0xffff, v13  }
0x372: {  	v14 =	vadd.s32 v48, v46;
	v49 =	vld.idx.msk [tilespmem:v49+s11+$0x0], $0xffff  }
0x373: {  	v57 =	vand.u32 $0xFFFFFF80, v14  }
0x374: {  	v12 =	vor.u32 s28, v61;
	v50 =	vand.u32 $0x7F, v14;
	v51 =	vadd.s32 v47, v57  }
0x375: {  	v50 =	vor.u32 v50, v51;
	_ =	sdelay $0x1  }
0x376: {  	v61 =	vld [tilespmem:$0x1FBC0];
	v13 =	vmul.f32 $8.000000000e+00, v49  }
0x377: {  	v49 =	vcombine.low v55, v56  }
0x378: {  	[tilespmem:v12+s14+$0x0] =	vst.idx.msk $0xffff, v13  }
0x379: {  	v14 =	vadd.s32 v49, v46;
	v50 =	vld.idx.msk [tilespmem:v50+s11+$0x0], $0xffff  }
0x37a: {  	v56 =	vand.u32 $0xFFFFFF80, v14  }
0x37b: {  	v1 =	vor.u32 s28, v61;
	v51 =	vand.u32 $0x7F, v14;
	v52 =	vadd.s32 v47, v56  }
0x37c: {  	v51 =	vor.u32 v51, v52;
	_ =	sdelay $0x1  }
0x37d: {  	v2 =	vmul.f32 $8.000000000e+00, v50  }
0x37e: {  	v50 =	vcombine.low v58, v59  }
0x37f: {  	[tilespmem:v1+s14+$0x0] =	vst.idx.msk $0xffff, v2  }
0x380: {  	v46 =	vadd.s32 v50, v46;
	v51 =	vld.idx.msk [tilespmem:v51+s11+$0x0], $0xffff  }
0x381: {  	v12 =	vand.u32 $0xFFFFFF80, v46  }
0x382: {  	v13 =	vor.u32 s28, v17;
	v46 =	vand.u32 $0x7F, v46;
	v47 =	vadd.s32 v47, v12  }
0x383: {  	v46 =	vor.u32 v46, v47;
	_ =	sdelay $0x1  }
0x384: {  	v14 =	vmul.f32 $8.000000000e+00, v51;
	_ =	sdelay $0x1  }
0x385: {  	v10 =	vld [tilespmem:$0x1FA90];
	[tilespmem:v13+s14+$0x0] =	vst.idx.msk $0xffff, v14  }
0x386: {  	v46 =	vld.idx.msk [tilespmem:v46+s11+$0x0], $0xffff  }
0x387: {  	v6 =	vld [tilespmem:$0x1FB20]  }
0x388: {  	p1 =	sne.s32 s28, $0x70;
	v4 =	vld [tilespmem:$0x1FAE0];
	v56 =	vor.u32 s28, v16  }
.Ltmp2:
0x389: {  	v62 =	vld [tilespmem:$0x1FA70];
	(pc) =	sbr.rel @p1 .LBB2_3-.Ltmp2, $4  }
0x38a: {  	v57 =	vmov v5;
	v5 =	vld [tilespmem:$0x1FB00]  }
0x38b: {  	v61 =	vld [tilespmem:$0x1FFE0];
	v46 =	vmul.f32 $8.000000000e+00, v46  }
0x38c: {  	v58 =	vld [tilespmem:$0x1FA60]  }
0x38d: {  	s29 =	sadd.s32 $0x10, s29;
	v54 =	vmovc v18;
	v53 =	vmovc v17;
	v55 =	vmov v3;
	s28 =	sadd.s32 $0x10, s28;
	v52 =	vmov v16;
	v59 =	vld [tilespmem:$0x1FFF0];
	v51 =	vlaneseq.u32;
	[tilespmem:v56+s14+$0x0] =	vst.idx.msk $0xffff, v46  }
0x38e: {  	s28 =	sshll.u32 s24, $0x10;
	s29 =	sand.u32 $0x2, s26  }
0x38f: {  	s28 =	sand.u32 $0x7E0000, s28;
	s29 =	sor.u32 s7, s29  }
0x390: {  	s29 =	sshll.u32 s29, $0x7;
	s28 =	sadd.s32 s2, s28  }
0x391: {  	p1 =	seq.s32 s24, $0x63;
	s29 =	sadd.s32 s29, s28  }
0x392: {  	[hbm4b:s29+s15] =	stream.strided.scatter [tilespmem:s14], [sflag:$0x3], $0x2000, s16, s15, $0x38;
	[tilespmem:$0x18800] =	vst v63  }
0x393: {  	s29 =	sshrl.u32 @!p1 s25, $0x2  }
0x394: {  	s30 =	simm.s32 @!p1 $0x80;
	s31 =	simm.s32 @!p1 $0xC800;
	s29 =	sadd.s32 @!p1 $0x100, s29  }
0x395: {  	[tilespmem:s31], [sflag:$0x1] =	stream.indirect.gather @!p1 [hbm4b:s4+s30], $0x80, s29, s30, $0xb8;
	[tilespmem:$0x18800] =	vst v63  }
0x396: {  	_ =	swait.ge [sflag:s17], $0x4000  }
0x397: {  	[sflag:s17] =	ssyncset.done $0x0  }
0x398: {  	s29 =	simm.s32 @!p0 $0x4;
	[sflag:s17] =	ssyncadd.s32 $0xFFFFC000  }
0x399: {  	_ =	swait.ge @!p0 [sflag:s29], $0x2000  }
0x39a: {  	v0 =	vld [tilespmem:$0x1F850]  }
0x39b: {  	v1 =	vld [tilespmem:$0x1F860]  }
0x39c: {  	s26 =	sor.u32 $0x1, s26;
	[sflag:s29] =	ssyncset.done @!p0 $0x0;
	v2 =	vld [tilespmem:$0x1F870]  }
0x39d: {  	v13 =	vmov v30;
	v14 =	vmov v31;
	s30 =	smov.u32 s23;
	v3 =	vld [tilespmem:$0x1F880];
	[sflag:s29] =	ssyncadd.s32 @!p0 $0xFFFFE000;
	s29 =	simm.s32 $0x0  }
.LBB2_5:
0x39e: {  	v46 =	vld [tilespmem:s30+$0x0];
	_ =	sdelay $0x3  }
0x39f: {  	v47 =	vmov s29;
	v51 =	vlaneseq.u32  }
0x3a0: {  	v47 =	vshll.u32 v47, $0x7;
	v51 =	vadd.s32 v51, v46  }
0x3a1: {  	v47 =	vor.u32 v54, v47;
	v52 =	vand.u32 $0xFFFFFF80, v51  }
0x3a2: {  	v51 =	vand.u32 $0x7F, v51;
	v52 =	vadd.s32 v47, v52  }
0x3a3: {  	v51 =	vor.u32 v51, v52;
	_ =	sdelay $0x1  }
0x3a4: {  	v54 =	vld [tilespmem:$0x1FDC0];
	_ =	sdelay $0x2  }
0x3a5: {  	v52 =	vadd.s32 v63, v46;
	v51 =	vld.idx.msk [tilespmem:v51+s12+$0x0], $0xffff  }
0x3a6: {  	v53 =	vand.u32 $0xFFFFFF80, v52  }
0x3a7: {  	v54 =	vor.u32 s29, v54;
	v52 =	vand.u32 $0x7F, v52;
	v53 =	vadd.s32 v47, v53  }
0x3a8: {  	v52 =	vor.u32 v52, v53  }
0x3a9: {  	v30 =	vld [tilespmem:$0x1F800]  }
0x3aa: {  	v51 =	vmul.f32 $8.000000000e+00, v51;
	_ =	sdelay $0x1  }
0x3ab: {  	[tilespmem:v54+s18+$0x0] =	vst.idx.msk $0xffff, v51  }
0x3ac: {  	v51 =	vld.idx.msk [tilespmem:v52+s12+$0x0], $0xffff  }
0x3ad: {  	v52 =	vadd.s32 v30, v46;
	v30 =	vld [tilespmem:$0x1F7F0];
	_ =	sdelay $0x3  }
0x3ae: {  	v53 =	vand.u32 $0xFFFFFF80, v52  }
0x3af: {  	v52 =	vand.u32 $0x7F, v52;
	v53 =	vadd.s32 v47, v53;
	v54 =	vor.u32 s29, v30  }
0x3b0: {  	v52 =	vor.u32 v52, v53;
	v30 =	vld [tilespmem:$0x1F810];
	_ =	sdelay $0x1  }
0x3b1: {  	v51 =	vmul.f32 $8.000000000e+00, v51;
	_ =	sdelay $0x1  }
0x3b2: {  	[tilespmem:v54+s18+$0x0] =	vst.idx.msk $0xffff, v51  }
0x3b3: {  	v51 =	vld.idx.msk [tilespmem:v52+s12+$0x0], $0xffff;
	v52 =	vadd.s32 v30, v46  }
0x3b4: {  	v53 =	vand.u32 $0xFFFFFF80, v52  }
0x3b5: {  	v54 =	vor.u32 s29, v61;
	v52 =	vand.u32 $0x7F, v52;
	v53 =	vadd.s32 v47, v53  }
0x3b6: {  	v52 =	vor.u32 v52, v53;
	_ =	sdelay $0x1  }
0x3b7: {  	v31 =	vld [tilespmem:$0x1F820];
	v51 =	vmul.f32 $8.000000000e+00, v51;
	_ =	sdelay $0x1  }
0x3b8: {  	[tilespmem:v54+s18+$0x0] =	vst.idx.msk $0xffff, v51  }
0x3b9: {  	v51 =	vld.idx.msk [tilespmem:v52+s12+$0x0], $0xffff;
	v52 =	vadd.s32 v59, v46  }
0x3ba: {  	v53 =	vand.u32 $0xFFFFFF80, v52  }
0x3bb: {  	v54 =	vor.u32 s29, v31;
	v52 =	vand.u32 $0x7F, v52;
	v53 =	vadd.s32 v47, v53  }
0x3bc: {  	v52 =	vor.u32 v52, v53  }
0x3bd: {  	v30 =	vld [tilespmem:$0x1F840]  }
0x3be: {  	v51 =	vmul.f32 $8.000000000e+00, v51;
	_ =	sdelay $0x1  }
0x3bf: {  	[tilespmem:v54+s18+$0x0] =	vst.idx.msk $0xffff, v51  }
0x3c0: {  	v51 =	vld.idx.msk [tilespmem:v52+s12+$0x0], $0xffff  }
0x3c1: {  	v52 =	vadd.s32 v30, v46;
	v30 =	vld [tilespmem:$0x1F830];
	_ =	sdelay $0x3  }
0x3c2: {  	v53 =	vand.u32 $0xFFFFFF80, v52  }
0x3c3: {  	v52 =	vand.u32 $0x7F, v52;
	v53 =	vadd.s32 v47, v53;
	v54 =	vor.u32 s29, v30  }
0x3c4: {  	v52 =	vor.u32 v52, v53;
	_ =	sdelay $0x1  }
0x3c5: {  	v51 =	vmul.f32 $8.000000000e+00, v51;
	_ =	sdelay $0x1  }
0x3c6: {  	[tilespmem:v54+s18+$0x0] =	vst.idx.msk $0xffff, v51  }
0x3c7: {  	v51 =	vld.idx.msk [tilespmem:v52+s12+$0x0], $0xffff;
	v52 =	vadd.s32 v60, v46  }
0x3c8: {  	v53 =	vand.u32 $0xFFFFFF80, v52  }
0x3c9: {  	v54 =	vor.u32 s29, v35;
	v52 =	vand.u32 $0x7F, v52;
	v53 =	vadd.s32 v47, v53  }
0x3ca: {  	v52 =	vor.u32 v52, v53;
	_ =	sdelay $0x1  }
0x3cb: {  	v51 =	vmul.f32 $8.000000000e+00, v51;
	_ =	sdelay $0x1  }
0x3cc: {  	[tilespmem:v54+s18+$0x0] =	vst.idx.msk $0xffff, v51  }
0x3cd: {  	v51 =	vld.idx.msk [tilespmem:v52+s12+$0x0], $0xffff;
	v52 =	vadd.s32 v62, v46  }
0x3ce: {  	v53 =	vand.u32 $0xFFFFFF80, v52  }
0x3cf: {  	v54 =	vor.u32 s29, v58;
	v52 =	vand.u32 $0x7F, v52;
	v53 =	vadd.s32 v47, v53  }
0x3d0: {  	v52 =	vor.u32 v52, v53;
	_ =	sdelay $0x1  }
0x3d1: {  	v51 =	vmul.f32 $8.000000000e+00, v51;
	_ =	sdelay $0x1  }
0x3d2: {  	[tilespmem:v54+s18+$0x0] =	vst.idx.msk $0xffff, v51  }
0x3d3: {  	v51 =	vld.idx.msk [tilespmem:v52+s12+$0x0], $0xffff;
	v52 =	vadd.s32 v10, v46  }
0x3d4: {  	v53 =	vand.u32 $0xFFFFFF80, v52  }
0x3d5: {  	v54 =	vor.u32 s29, v55;
	v52 =	vand.u32 $0x7F, v52;
	v53 =	vadd.s32 v47, v53  }
0x3d6: {  	v52 =	vor.u32 v52, v53;
	_ =	sdelay $0x1  }
0x3d7: {  	v51 =	vmul.f32 $8.000000000e+00, v51;
	_ =	sdelay $0x1  }
0x3d8: {  	[tilespmem:v54+s18+$0x0] =	vst.idx.msk $0xffff, v51  }
0x3d9: {  	v51 =	vld.idx.msk [tilespmem:v52+s12+$0x0], $0xffff;
	v52 =	vadd.s32 v57, v46  }
0x3da: {  	v53 =	vand.u32 $0xFFFFFF80, v52  }
0x3db: {  	v54 =	vor.u32 s29, v4;
	v52 =	vand.u32 $0x7F, v52;
	v53 =	vadd.s32 v47, v53  }
0x3dc: {  	v52 =	vor.u32 v52, v53;
	_ =	sdelay $0x1  }
0x3dd: {  	v51 =	vmul.f32 $8.000000000e+00, v51;
	_ =	sdelay $0x1  }
0x3de: {  	[tilespmem:v54+s18+$0x0] =	vst.idx.msk $0xffff, v51  }
0x3df: {  	v51 =	vld.idx.msk [tilespmem:v52+s12+$0x0], $0xffff;
	v52 =	vadd.s32 v38, v46  }
0x3e0: {  	v53 =	vand.u32 $0xFFFFFF80, v52  }
0x3e1: {  	v54 =	vor.u32 s29, v5;
	v52 =	vand.u32 $0x7F, v52;
	v53 =	vadd.s32 v47, v53  }
0x3e2: {  	v52 =	vor.u32 v52, v53;
	_ =	sdelay $0x1  }
0x3e3: {  	v51 =	vmul.f32 $8.000000000e+00, v51;
	_ =	sdelay $0x1  }
0x3e4: {  	[tilespmem:v54+s18+$0x0] =	vst.idx.msk $0xffff, v51  }
0x3e5: {  	v51 =	vld.idx.msk [tilespmem:v52+s12+$0x0], $0xffff;
	v52 =	vadd.s32 v0, v46  }
0x3e6: {  	v53 =	vand.u32 $0xFFFFFF80, v52  }
0x3e7: {  	v54 =	vor.u32 s29, v6;
	v52 =	vand.u32 $0x7F, v52;
	v53 =	vadd.s32 v47, v53  }
0x3e8: {  	v52 =	vor.u32 v52, v53;
	_ =	sdelay $0x1  }
0x3e9: {  	v51 =	vmul.f32 $8.000000000e+00, v51;
	_ =	sdelay $0x1  }
0x3ea: {  	[tilespmem:v54+s18+$0x0] =	vst.idx.msk $0xffff, v51  }
0x3eb: {  	v51 =	vld.idx.msk [tilespmem:v52+s12+$0x0], $0xffff;
	v52 =	vadd.s32 v2, v46  }
0x3ec: {  	v53 =	vand.u32 $0xFFFFFF80, v52  }
0x3ed: {  	v54 =	vor.u32 s29, v1;
	v52 =	vand.u32 $0x7F, v52;
	v53 =	vadd.s32 v47, v53  }
0x3ee: {  	v52 =	vor.u32 v52, v53;
	_ =	sdelay $0x1  }
0x3ef: {  	v56 =	vld [tilespmem:$0x1F890];
	v51 =	vmul.f32 $8.000000000e+00, v51;
	_ =	sdelay $0x1  }
0x3f0: {  	[tilespmem:v54+s18+$0x0] =	vst.idx.msk $0xffff, v51  }
0x3f1: {  	v51 =	vld.idx.msk [tilespmem:v52+s12+$0x0], $0xffff;
	_ =	sdelay $0x1  }
0x3f2: {  	v54 =	vor.u32 s29, v3;
	v52 =	vadd.s32 v56, v46  }
0x3f3: {  	v53 =	vand.u32 $0xFFFFFF80, v52  }
0x3f4: {  	v52 =	vand.u32 $0x7F, v52;
	v53 =	vadd.s32 v47, v53  }
0x3f5: {  	v52 =	vor.u32 v52, v53;
	v51 =	vmul.f32 $8.000000000e+00, v51  }
0x3f6: {  	v56 =	vld [tilespmem:$0x1F8B0]  }
0x3f7: {  	[tilespmem:v54+s18+$0x0] =	vst.idx.msk $0xffff, v51;
	v54 =	vld [tilespmem:$0x1F8A0];
	_ =	sdelay $0x2  }
0x3f8: {  	v51 =	vld.idx.msk [tilespmem:v52+s12+$0x0], $0xffff;
	_ =	sdelay $0x1  }
0x3f9: {  	v52 =	vadd.s32 v56, v46;
	v54 =	vor.u32 s29, v54  }
0x3fa: {  	v53 =	vand.u32 $0xFFFFFF80, v52  }
0x3fb: {  	v52 =	vand.u32 $0x7F, v52;
	v53 =	vadd.s32 v47, v53  }
0x3fc: {  	v52 =	vor.u32 v52, v53;
	v51 =	vmul.f32 $8.000000000e+00, v51  }
0x3fd: {  	v56 =	vld [tilespmem:$0x1F8D0]  }
0x3fe: {  	[tilespmem:v54+s18+$0x0] =	vst.idx.msk $0xffff, v51;
	v54 =	vld [tilespmem:$0x1F8C0];
	_ =	sdelay $0x2  }
0x3ff: {  	v51 =	vld.idx.msk [tilespmem:v52+s12+$0x0], $0xffff;
	_ =	sdelay $0x1  }
0x400: {  	v52 =	vadd.s32 v56, v46;
	v54 =	vor.u32 s29, v54  }
0x401: {  	v53 =	vand.u32 $0xFFFFFF80, v52  }
0x402: {  	v52 =	vand.u32 $0x7F, v52;
	v53 =	vadd.s32 v47, v53  }
0x403: {  	v52 =	vor.u32 v52, v53;
	v51 =	vmul.f32 $8.000000000e+00, v51  }
0x404: {  	v56 =	vld [tilespmem:$0x1FDB0]  }
0x405: {  	[tilespmem:v54+s18+$0x0] =	vst.idx.msk $0xffff, v51;
	v54 =	vld [tilespmem:$0x1F8E0];
	_ =	sdelay $0x2  }
0x406: {  	v51 =	vld.idx.msk [tilespmem:v52+s12+$0x0], $0xffff;
	_ =	sdelay $0x1  }
0x407: {  	v52 =	vadd.s32 v56, v46;
	v54 =	vor.u32 s29, v54  }
0x408: {  	v53 =	vand.u32 $0xFFFFFF80, v52  }
0x409: {  	v52 =	vand.u32 $0x7F, v52;
	v53 =	vadd.s32 v47, v53  }
0x40a: {  	v52 =	vor.u32 v52, v53;
	v51 =	vmul.f32 $8.000000000e+00, v51  }
0x40b: {  	v56 =	vld [tilespmem:$0x1FE00]  }
0x40c: {  	[tilespmem:v54+s18+$0x0] =	vst.idx.msk $0xffff, v51;
	v54 =	vld [tilespmem:$0x1FDD0];
	_ =	sdelay $0x2  }
0x40d: {  	v51 =	vld.idx.msk [tilespmem:v52+s12+$0x0], $0xffff;
	_ =	sdelay $0x1  }
0x40e: {  	v52 =	vadd.s32 v56, v46;
	v54 =	vor.u32 s29, v54  }
0x40f: {  	v53 =	vand.u32 $0xFFFFFF80, v52  }
0x410: {  	v52 =	vand.u32 $0x7F, v52;
	v53 =	vadd.s32 v47, v53  }
0x411: {  	v52 =	vor.u32 v52, v53;
	v51 =	vmul.f32 $8.000000000e+00, v51  }
0x412: {  	v56 =	vld [tilespmem:$0x1FE30]  }
0x413: {  	[tilespmem:v54+s18+$0x0] =	vst.idx.msk $0xffff, v51;
	v54 =	vld [tilespmem:$0x1F8F0];
	_ =	sdelay $0x2  }
0x414: {  	v51 =	vld.idx.msk [tilespmem:v52+s12+$0x0], $0xffff;
	_ =	sdelay $0x1  }
0x415: {  	v52 =	vadd.s32 v56, v46;
	v54 =	vor.u32 s29, v54  }
0x416: {  	v53 =	vand.u32 $0xFFFFFF80, v52  }
0x417: {  	v52 =	vand.u32 $0x7F, v52;
	v53 =	vadd.s32 v47, v53  }
0x418: {  	v52 =	vor.u32 v52, v53;
	v51 =	vmul.f32 $8.000000000e+00, v51  }
0x419: {  	v56 =	vld [tilespmem:$0x1F6F0]  }
0x41a: {  	[tilespmem:v54+s18+$0x0] =	vst.idx.msk $0xffff, v51;
	v54 =	vld [tilespmem:$0x1F900];
	_ =	sdelay $0x2  }
0x41b: {  	v51 =	vld.idx.msk [tilespmem:v52+s12+$0x0], $0xffff;
	_ =	sdelay $0x1  }
0x41c: {  	v52 =	vadd.s32 v56, v46;
	v54 =	vor.u32 s29, v54  }
0x41d: {  	v53 =	vand.u32 $0xFFFFFF80, v52  }
0x41e: {  	v52 =	vand.u32 $0x7F, v52;
	v53 =	vadd.s32 v47, v53  }
0x41f: {  	v52 =	vor.u32 v52, v53;
	v51 =	vmul.f32 $8.000000000e+00, v51  }
0x420: {  	v56 =	vld [tilespmem:$0x1F700]  }
0x421: {  	[tilespmem:v54+s18+$0x0] =	vst.idx.msk $0xffff, v51;
	v54 =	vld [tilespmem:$0x1F950];
	_ =	sdelay $0x2  }
0x422: {  	v51 =	vld.idx.msk [tilespmem:v52+s12+$0x0], $0xffff;
	_ =	sdelay $0x1  }
0x423: {  	v52 =	vadd.s32 v56, v46;
	v54 =	vor.u32 s29, v54  }
0x424: {  	v53 =	vand.u32 $0xFFFFFF80, v52  }
0x425: {  	v52 =	vand.u32 $0x7F, v52;
	v53 =	vadd.s32 v47, v53  }
0x426: {  	v52 =	vor.u32 v52, v53;
	v51 =	vmul.f32 $8.000000000e+00, v51  }
0x427: {  	v56 =	vld [tilespmem:$0x1F710]  }
0x428: {  	[tilespmem:v54+s18+$0x0] =	vst.idx.msk $0xffff, v51;
	v54 =	vld [tilespmem:$0x1F9A0];
	_ =	sdelay $0x2  }
0x429: {  	v51 =	vld.idx.msk [tilespmem:v52+s12+$0x0], $0xffff;
	_ =	sdelay $0x1  }
0x42a: {  	v52 =	vadd.s32 v56, v46;
	v54 =	vor.u32 s29, v54  }
0x42b: {  	v53 =	vand.u32 $0xFFFFFF80, v52  }
0x42c: {  	v52 =	vand.u32 $0x7F, v52;
	v53 =	vadd.s32 v47, v53  }
0x42d: {  	v52 =	vor.u32 v52, v53;
	v51 =	vmul.f32 $8.000000000e+00, v51  }
0x42e: {  	v56 =	vld [tilespmem:$0x1F720]  }
0x42f: {  	[tilespmem:v54+s18+$0x0] =	vst.idx.msk $0xffff, v51;
	v54 =	vld [tilespmem:$0x1F9B0];
	_ =	sdelay $0x2  }
0x430: {  	v51 =	vld.idx.msk [tilespmem:v52+s12+$0x0], $0xffff;
	_ =	sdelay $0x1  }
0x431: {  	v52 =	vadd.s32 v56, v46;
	v54 =	vor.u32 s29, v54  }
0x432: {  	v53 =	vand.u32 $0xFFFFFF80, v52  }
0x433: {  	v52 =	vand.u32 $0x7F, v52;
	v53 =	vadd.s32 v47, v53  }
0x434: {  	v52 =	vor.u32 v52, v53;
	v51 =	vmul.f32 $8.000000000e+00, v51  }
0x435: {  	v56 =	vld [tilespmem:$0x1F730]  }
0x436: {  	[tilespmem:v54+s18+$0x0] =	vst.idx.msk $0xffff, v51;
	v54 =	vld [tilespmem:$0x1F9C0];
	_ =	sdelay $0x2  }
0x437: {  	v51 =	vld.idx.msk [tilespmem:v52+s12+$0x0], $0xffff;
	_ =	sdelay $0x1  }
0x438: {  	v52 =	vadd.s32 v56, v46;
	v54 =	vor.u32 s29, v54  }
0x439: {  	v53 =	vand.u32 $0xFFFFFF80, v52  }
0x43a: {  	v52 =	vand.u32 $0x7F, v52;
	v53 =	vadd.s32 v47, v53  }
0x43b: {  	v52 =	vor.u32 v52, v53;
	v51 =	vmul.f32 $8.000000000e+00, v51  }
0x43c: {  	v56 =	vld [tilespmem:$0x1F740]  }
0x43d: {  	[tilespmem:v54+s18+$0x0] =	vst.idx.msk $0xffff, v51;
	v54 =	vld [tilespmem:$0x1F9D0];
	_ =	sdelay $0x2  }
0x43e: {  	v51 =	vld.idx.msk [tilespmem:v52+s12+$0x0], $0xffff;
	_ =	sdelay $0x1  }
0x43f: {  	v52 =	vadd.s32 v56, v46;
	v54 =	vor.u32 s29, v54  }
0x440: {  	v53 =	vand.u32 $0xFFFFFF80, v52  }
0x441: {  	v52 =	vand.u32 $0x7F, v52;
	v53 =	vadd.s32 v47, v53  }
0x442: {  	v52 =	vor.u32 v52, v53;
	v51 =	vmul.f32 $8.000000000e+00, v51  }
0x443: {  	v56 =	vld [tilespmem:$0x1F750]  }
0x444: {  	[tilespmem:v54+s18+$0x0] =	vst.idx.msk $0xffff, v51;
	v54 =	vld [tilespmem:$0x1F9E0];
	_ =	sdelay $0x2  }
0x445: {  	v51 =	vld.idx.msk [tilespmem:v52+s12+$0x0], $0xffff;
	_ =	sdelay $0x1  }
0x446: {  	v52 =	vadd.s32 v56, v46;
	v54 =	vor.u32 s29, v54  }
0x447: {  	v53 =	vand.u32 $0xFFFFFF80, v52  }
0x448: {  	v52 =	vand.u32 $0x7F, v52;
	v53 =	vadd.s32 v47, v53  }
0x449: {  	v52 =	vor.u32 v52, v53;
	v51 =	vmul.f32 $8.000000000e+00, v51  }
0x44a: {  	v56 =	vld [tilespmem:$0x1F760]  }
0x44b: {  	[tilespmem:v54+s18+$0x0] =	vst.idx.msk $0xffff, v51;
	v54 =	vld [tilespmem:$0x1F9F0];
	_ =	sdelay $0x2  }
0x44c: {  	v51 =	vld.idx.msk [tilespmem:v52+s12+$0x0], $0xffff;
	_ =	sdelay $0x1  }
0x44d: {  	v52 =	vadd.s32 v56, v46;
	v54 =	vor.u32 s29, v54  }
0x44e: {  	v53 =	vand.u32 $0xFFFFFF80, v52  }
0x44f: {  	v52 =	vand.u32 $0x7F, v52;
	v53 =	vadd.s32 v47, v53  }
0x450: {  	v52 =	vor.u32 v52, v53;
	v51 =	vmul.f32 $8.000000000e+00, v51  }
0x451: {  	v56 =	vld [tilespmem:$0x1F770]  }
0x452: {  	[tilespmem:v54+s18+$0x0] =	vst.idx.msk $0xffff, v51;
	v54 =	vld [tilespmem:$0x1FA00];
	_ =	sdelay $0x2  }
0x453: {  	v51 =	vld.idx.msk [tilespmem:v52+s12+$0x0], $0xffff;
	_ =	sdelay $0x1  }
0x454: {  	v52 =	vadd.s32 v56, v46;
	v54 =	vor.u32 s29, v54  }
0x455: {  	v53 =	vand.u32 $0xFFFFFF80, v52  }
0x456: {  	v52 =	vand.u32 $0x7F, v52;
	v53 =	vadd.s32 v47, v53  }
0x457: {  	v52 =	vor.u32 v52, v53;
	v51 =	vmul.f32 $8.000000000e+00, v51  }
0x458: {  	v56 =	vld [tilespmem:$0x1F780]  }
0x459: {  	[tilespmem:v54+s18+$0x0] =	vst.idx.msk $0xffff, v51;
	v54 =	vld [tilespmem:$0x1FA10];
	_ =	sdelay $0x2  }
0x45a: {  	v51 =	vld.idx.msk [tilespmem:v52+s12+$0x0], $0xffff;
	_ =	sdelay $0x1  }
0x45b: {  	v52 =	vadd.s32 v56, v46;
	v54 =	vor.u32 s29, v54  }
0x45c: {  	v53 =	vand.u32 $0xFFFFFF80, v52  }
0x45d: {  	v52 =	vand.u32 $0x7F, v52;
	v53 =	vadd.s32 v47, v53  }
0x45e: {  	v52 =	vor.u32 v52, v53;
	v51 =	vmul.f32 $8.000000000e+00, v51  }
0x45f: {  	v56 =	vld [tilespmem:$0x1F790]  }
0x460: {  	[tilespmem:v54+s18+$0x0] =	vst.idx.msk $0xffff, v51;
	v54 =	vld [tilespmem:$0x1FA20];
	_ =	sdelay $0x2  }
0x461: {  	v51 =	vld.idx.msk [tilespmem:v52+s12+$0x0], $0xffff;
	_ =	sdelay $0x1  }
0x462: {  	v52 =	vadd.s32 v56, v46;
	v54 =	vor.u32 s29, v54  }
0x463: {  	v53 =	vand.u32 $0xFFFFFF80, v52  }
0x464: {  	v52 =	vand.u32 $0x7F, v52;
	v53 =	vadd.s32 v47, v53  }
0x465: {  	v52 =	vor.u32 v52, v53;
	v51 =	vmul.f32 $8.000000000e+00, v51  }
0x466: {  	v56 =	vld [tilespmem:$0x1F7A0]  }
0x467: {  	[tilespmem:v54+s18+$0x0] =	vst.idx.msk $0xffff, v51;
	v54 =	vld [tilespmem:$0x1FA30];
	_ =	sdelay $0x2  }
0x468: {  	v51 =	vld.idx.msk [tilespmem:v52+s12+$0x0], $0xffff;
	_ =	sdelay $0x1  }
0x469: {  	v52 =	vadd.s32 v56, v46;
	v54 =	vor.u32 s29, v54  }
0x46a: {  	v53 =	vand.u32 $0xFFFFFF80, v52  }
0x46b: {  	v52 =	vand.u32 $0x7F, v52;
	v53 =	vadd.s32 v47, v53  }
0x46c: {  	v52 =	vor.u32 v52, v53;
	v51 =	vmul.f32 $8.000000000e+00, v51  }
0x46d: {  	v56 =	vld [tilespmem:$0x1F7B0]  }
0x46e: {  	[tilespmem:v54+s18+$0x0] =	vst.idx.msk $0xffff, v51;
	v54 =	vld [tilespmem:$0x1FA40];
	_ =	sdelay $0x2  }
0x46f: {  	v51 =	vld.idx.msk [tilespmem:v52+s12+$0x0], $0xffff;
	_ =	sdelay $0x1  }
0x470: {  	v52 =	vadd.s32 v56, v46;
	v54 =	vor.u32 s29, v54  }
0x471: {  	v53 =	vand.u32 $0xFFFFFF80, v52  }
0x472: {  	v52 =	vand.u32 $0x7F, v52;
	v53 =	vadd.s32 v47, v53  }
0x473: {  	v52 =	vor.u32 v52, v53;
	v51 =	vmul.f32 $8.000000000e+00, v51  }
0x474: {  	v56 =	vld [tilespmem:$0x1F7C0]  }
0x475: {  	[tilespmem:v54+s18+$0x0] =	vst.idx.msk $0xffff, v51;
	v54 =	vld [tilespmem:$0x1FA50];
	_ =	sdelay $0x2  }
0x476: {  	v51 =	vld.idx.msk [tilespmem:v52+s12+$0x0], $0xffff;
	_ =	sdelay $0x1  }
0x477: {  	v52 =	vadd.s32 v56, v46;
	v54 =	vor.u32 s29, v54  }
0x478: {  	v53 =	vand.u32 $0xFFFFFF80, v52  }
0x479: {  	v52 =	vand.u32 $0x7F, v52;
	v53 =	vadd.s32 v47, v53  }
0x47a: {  	v52 =	vor.u32 v52, v53;
	v51 =	vmul.f32 $8.000000000e+00, v51  }
0x47b: {  	v56 =	vld [tilespmem:$0x1F7D0]  }
0x47c: {  	[tilespmem:v54+s18+$0x0] =	vst.idx.msk $0xffff, v51;
	v54 =	vld [tilespmem:$0x1F7E0];
	_ =	sdelay $0x2  }
0x47d: {  	v51 =	vld.idx.msk [tilespmem:v52+s12+$0x0], $0xffff;
	_ =	sdelay $0x1  }
0x47e: {  	v52 =	vadd.s32 v56, v46;
	v54 =	vor.u32 s29, v54  }
0x47f: {  	v53 =	vand.u32 $0xFFFFFF80, v52  }
0x480: {  	v52 =	vand.u32 $0x7F, v52;
	v53 =	vadd.s32 v47, v53  }
0x481: {  	v52 =	vor.u32 v52, v53;
	v51 =	vmul.f32 $8.000000000e+00, v51;
	_ =	sdelay $0x1  }
0x482: {  	[tilespmem:v54+s18+$0x0] =	vst.idx.msk $0xffff, v51;
	v54 =	vld [tilespmem:$0x1FF00];
	_ =	sdelay $0x2  }
0x483: {  	v51 =	vld.idx.msk [tilespmem:v52+s12+$0x0], $0xffff;
	_ =	sdelay $0x1  }
0x484: {  	v52 =	vadd.s32 v33, v46;
	v54 =	vor.u32 s29, v54  }
0x485: {  	v53 =	vand.u32 $0xFFFFFF80, v52  }
0x486: {  	v52 =	vand.u32 $0x7F, v52;
	v53 =	vadd.s32 v47, v53  }
0x487: {  	v52 =	vor.u32 v52, v53;
	v51 =	vmul.f32 $8.000000000e+00, v51;
	_ =	sdelay $0x1  }
0x488: {  	[tilespmem:v54+s18+$0x0] =	vst.idx.msk $0xffff, v51;
	v54 =	vld [tilespmem:$0x1FF10];
	_ =	sdelay $0x2  }
0x489: {  	v51 =	vld.idx.msk [tilespmem:v52+s12+$0x0], $0xffff;
	_ =	sdelay $0x1  }
0x48a: {  	v52 =	vadd.s32 v36, v46;
	v54 =	vor.u32 s29, v54  }
0x48b: {  	v53 =	vand.u32 $0xFFFFFF80, v52  }
0x48c: {  	v52 =	vand.u32 $0x7F, v52;
	v53 =	vadd.s32 v47, v53  }
0x48d: {  	v52 =	vor.u32 v52, v53;
	v51 =	vmul.f32 $8.000000000e+00, v51;
	_ =	sdelay $0x1  }
0x48e: {  	[tilespmem:v54+s18+$0x0] =	vst.idx.msk $0xffff, v51;
	v54 =	vld [tilespmem:$0x1FAC0];
	_ =	sdelay $0x2  }
0x48f: {  	v51 =	vld.idx.msk [tilespmem:v52+s12+$0x0], $0xffff;
	_ =	sdelay $0x1  }
0x490: {  	v52 =	vadd.s32 v32, v46;
	v54 =	vor.u32 s29, v54  }
0x491: {  	v53 =	vand.u32 $0xFFFFFF80, v52  }
0x492: {  	v52 =	vand.u32 $0x7F, v52;
	v53 =	vadd.s32 v47, v53  }
0x493: {  	v52 =	vor.u32 v52, v53;
	v51 =	vmul.f32 $8.000000000e+00, v51;
	_ =	sdelay $0x1  }
0x494: {  	[tilespmem:v54+s18+$0x0] =	vst.idx.msk $0xffff, v51;
	v54 =	vld [tilespmem:$0x1FF20];
	_ =	sdelay $0x2  }
0x495: {  	v51 =	vld.idx.msk [tilespmem:v52+s12+$0x0], $0xffff;
	_ =	sdelay $0x1  }
0x496: {  	v52 =	vadd.s32 v13, v46;
	v54 =	vor.u32 s29, v54  }
0x497: {  	v53 =	vand.u32 $0xFFFFFF80, v52  }
0x498: {  	v52 =	vand.u32 $0x7F, v52;
	v53 =	vadd.s32 v47, v53  }
0x499: {  	v52 =	vor.u32 v52, v53;
	v51 =	vmul.f32 $8.000000000e+00, v51;
	_ =	sdelay $0x1  }
0x49a: {  	[tilespmem:v54+s18+$0x0] =	vst.idx.msk $0xffff, v51;
	v54 =	vld [tilespmem:$0x1FAD0];
	_ =	sdelay $0x2  }
0x49b: {  	v51 =	vld.idx.msk [tilespmem:v52+s12+$0x0], $0xffff;
	_ =	sdelay $0x1  }
0x49c: {  	v52 =	vadd.s32 v14, v46;
	v54 =	vor.u32 s29, v54  }
0x49d: {  	v53 =	vand.u32 $0xFFFFFF80, v52  }
0x49e: {  	v52 =	vand.u32 $0x7F, v52;
	v53 =	vadd.s32 v47, v53  }
0x49f: {  	v52 =	vor.u32 v52, v53;
	v51 =	vmul.f32 $8.000000000e+00, v51;
	_ =	sdelay $0x1  }
0x4a0: {  	[tilespmem:v54+s18+$0x0] =	vst.idx.msk $0xffff, v51;
	v54 =	vld [tilespmem:$0x1FAF0];
	_ =	sdelay $0x2  }
0x4a1: {  	v51 =	vld.idx.msk [tilespmem:v52+s12+$0x0], $0xffff;
	_ =	sdelay $0x1  }
0x4a2: {  	v52 =	vadd.s32 v37, v46;
	v54 =	vor.u32 s29, v54  }
0x4a3: {  	v53 =	vand.u32 $0xFFFFFF80, v52  }
0x4a4: {  	v52 =	vand.u32 $0x7F, v52;
	v53 =	vadd.s32 v47, v53  }
0x4a5: {  	v52 =	vor.u32 v52, v53;
	v51 =	vmul.f32 $8.000000000e+00, v51;
	_ =	sdelay $0x1  }
0x4a6: {  	[tilespmem:v54+s18+$0x0] =	vst.idx.msk $0xffff, v51;
	v54 =	vld [tilespmem:$0x1FB10];
	_ =	sdelay $0x2  }
0x4a7: {  	v51 =	vld.idx.msk [tilespmem:v52+s12+$0x0], $0xffff;
	_ =	sdelay $0x1  }
0x4a8: {  	v52 =	vadd.s32 v7, v46;
	v54 =	vor.u32 s29, v54  }
0x4a9: {  	v53 =	vand.u32 $0xFFFFFF80, v52  }
0x4aa: {  	v52 =	vand.u32 $0x7F, v52;
	v53 =	vadd.s32 v47, v53  }
0x4ab: {  	v52 =	vor.u32 v52, v53;
	v51 =	vmul.f32 $8.000000000e+00, v51;
	_ =	sdelay $0x1  }
0x4ac: {  	[tilespmem:v54+s18+$0x0] =	vst.idx.msk $0xffff, v51;
	v54 =	vld [tilespmem:$0x1FF30];
	_ =	sdelay $0x2  }
0x4ad: {  	v51 =	vld.idx.msk [tilespmem:v52+s12+$0x0], $0xffff;
	_ =	sdelay $0x1  }
0x4ae: {  	v52 =	vadd.s32 v8, v46;
	v54 =	vor.u32 s29, v54  }
0x4af: {  	v53 =	vand.u32 $0xFFFFFF80, v52  }
0x4b0: {  	v52 =	vand.u32 $0x7F, v52;
	v53 =	vadd.s32 v47, v53  }
0x4b1: {  	v52 =	vor.u32 v52, v53;
	v51 =	vmul.f32 $8.000000000e+00, v51;
	_ =	sdelay $0x1  }
0x4b2: {  	[tilespmem:v54+s18+$0x0] =	vst.idx.msk $0xffff, v51;
	v54 =	vld [tilespmem:$0x1FF40];
	_ =	sdelay $0x2  }
0x4b3: {  	v51 =	vld.idx.msk [tilespmem:v52+s12+$0x0], $0xffff;
	_ =	sdelay $0x1  }
0x4b4: {  	v52 =	vadd.s32 v9, v46;
	v54 =	vor.u32 s29, v54  }
0x4b5: {  	v53 =	vand.u32 $0xFFFFFF80, v52  }
0x4b6: {  	v52 =	vand.u32 $0x7F, v52;
	v53 =	vadd.s32 v47, v53  }
0x4b7: {  	v52 =	vor.u32 v52, v53;
	v51 =	vmul.f32 $8.000000000e+00, v51;
	_ =	sdelay $0x1  }
0x4b8: {  	[tilespmem:v54+s18+$0x0] =	vst.idx.msk $0xffff, v51;
	v54 =	vld [tilespmem:$0x1FF50];
	_ =	sdelay $0x2  }
0x4b9: {  	v51 =	vld.idx.msk [tilespmem:v52+s12+$0x0], $0xffff;
	_ =	sdelay $0x1  }
0x4ba: {  	v52 =	vadd.s32 v19, v46;
	v54 =	vor.u32 s29, v54  }
0x4bb: {  	v53 =	vand.u32 $0xFFFFFF80, v52  }
0x4bc: {  	v52 =	vand.u32 $0x7F, v52;
	v53 =	vadd.s32 v47, v53  }
0x4bd: {  	v52 =	vor.u32 v52, v53;
	v51 =	vmul.f32 $8.000000000e+00, v51;
	_ =	sdelay $0x1  }
0x4be: {  	[tilespmem:v54+s18+$0x0] =	vst.idx.msk $0xffff, v51;
	v54 =	vld [tilespmem:$0x1FF60];
	_ =	sdelay $0x2  }
0x4bf: {  	v51 =	vld.idx.msk [tilespmem:v52+s12+$0x0], $0xffff;
	_ =	sdelay $0x1  }
0x4c0: {  	v52 =	vadd.s32 v20, v46;
	v54 =	vor.u32 s29, v54  }
0x4c1: {  	v53 =	vand.u32 $0xFFFFFF80, v52  }
0x4c2: {  	v52 =	vand.u32 $0x7F, v52;
	v53 =	vadd.s32 v47, v53  }
0x4c3: {  	v52 =	vor.u32 v52, v53;
	v51 =	vmul.f32 $8.000000000e+00, v51;
	_ =	sdelay $0x1  }
0x4c4: {  	[tilespmem:v54+s18+$0x0] =	vst.idx.msk $0xffff, v51;
	v54 =	vld [tilespmem:$0x1FF70];
	_ =	sdelay $0x2  }
0x4c5: {  	v51 =	vld.idx.msk [tilespmem:v52+s12+$0x0], $0xffff;
	_ =	sdelay $0x1  }
0x4c6: {  	v52 =	vadd.s32 v21, v46;
	v54 =	vor.u32 s29, v54  }
0x4c7: {  	v53 =	vand.u32 $0xFFFFFF80, v52  }
0x4c8: {  	v52 =	vand.u32 $0x7F, v52;
	v53 =	vadd.s32 v47, v53  }
0x4c9: {  	v52 =	vor.u32 v52, v53;
	v51 =	vmul.f32 $8.000000000e+00, v51;
	_ =	sdelay $0x1  }
0x4ca: {  	[tilespmem:v54+s18+$0x0] =	vst.idx.msk $0xffff, v51;
	v54 =	vld [tilespmem:$0x1FF80];
	_ =	sdelay $0x2  }
0x4cb: {  	v51 =	vld.idx.msk [tilespmem:v52+s12+$0x0], $0xffff;
	_ =	sdelay $0x1  }
0x4cc: {  	v52 =	vadd.s32 v22, v46;
	v54 =	vor.u32 s29, v54  }
0x4cd: {  	v53 =	vand.u32 $0xFFFFFF80, v52  }
0x4ce: {  	v52 =	vand.u32 $0x7F, v52;
	v53 =	vadd.s32 v47, v53  }
0x4cf: {  	v52 =	vor.u32 v52, v53;
	v51 =	vmul.f32 $8.000000000e+00, v51;
	_ =	sdelay $0x1  }
0x4d0: {  	[tilespmem:v54+s18+$0x0] =	vst.idx.msk $0xffff, v51;
	v54 =	vld [tilespmem:$0x1FF90];
	_ =	sdelay $0x2  }
0x4d1: {  	v51 =	vld.idx.msk [tilespmem:v52+s12+$0x0], $0xffff;
	_ =	sdelay $0x1  }
0x4d2: {  	v52 =	vadd.s32 v23, v46;
	v54 =	vor.u32 s29, v54  }
0x4d3: {  	v53 =	vand.u32 $0xFFFFFF80, v52  }
0x4d4: {  	v52 =	vand.u32 $0x7F, v52;
	v53 =	vadd.s32 v47, v53  }
0x4d5: {  	v52 =	vor.u32 v52, v53;
	v51 =	vmul.f32 $8.000000000e+00, v51;
	_ =	sdelay $0x1  }
0x4d6: {  	[tilespmem:v54+s18+$0x0] =	vst.idx.msk $0xffff, v51;
	v54 =	vld [tilespmem:$0x1FFA0];
	_ =	sdelay $0x2  }
0x4d7: {  	v51 =	vld.idx.msk [tilespmem:v52+s12+$0x0], $0xffff;
	v52 =	vadd.s32 v24, v46  }
0x4d8: {  	v53 =	vand.u32 $0xFFFFFF80, v52  }
0x4d9: {  	v52 =	vand.u32 $0x7F, v52;
	v53 =	vadd.s32 v47, v53;
	v54 =	vor.u32 s29, v54  }
0x4da: {  	v52 =	vor.u32 v52, v53;
	_ =	sdelay $0x1  }
0x4db: {  	v51 =	vmul.f32 $8.000000000e+00, v51;
	_ =	sdelay $0x1  }
0x4dc: {  	[tilespmem:v54+s18+$0x0] =	vst.idx.msk $0xffff, v51  }
0x4dd: {  	v51 =	vld.idx.msk [tilespmem:v52+s12+$0x0], $0xffff;
	_ =	sdelay $0x1  }
0x4de: {  	v54 =	vor.u32 s29, v26;
	v52 =	vadd.s32 v25, v46  }
0x4df: {  	v53 =	vand.u32 $0xFFFFFF80, v52  }
0x4e0: {  	v52 =	vand.u32 $0x7F, v52;
	v53 =	vadd.s32 v47, v53  }
0x4e1: {  	v52 =	vor.u32 v52, v53;
	v51 =	vmul.f32 $8.000000000e+00, v51;
	_ =	sdelay $0x1  }
0x4e2: {  	[tilespmem:v54+s18+$0x0] =	vst.idx.msk $0xffff, v51;
	v54 =	vld [tilespmem:$0x1FFB0];
	_ =	sdelay $0x2  }
0x4e3: {  	v51 =	vld.idx.msk [tilespmem:v52+s12+$0x0], $0xffff;
	_ =	sdelay $0x1  }
0x4e4: {  	v52 =	vadd.s32 v27, v46;
	v54 =	vor.u32 s29, v54  }
0x4e5: {  	v53 =	vand.u32 $0xFFFFFF80, v52  }
0x4e6: {  	v52 =	vand.u32 $0x7F, v52;
	v53 =	vadd.s32 v47, v53  }
0x4e7: {  	v52 =	vor.u32 v52, v53;
	v51 =	vmul.f32 $8.000000000e+00, v51;
	_ =	sdelay $0x1  }
0x4e8: {  	[tilespmem:v54+s18+$0x0] =	vst.idx.msk $0xffff, v51;
	v54 =	vld [tilespmem:$0x1FFC0];
	_ =	sdelay $0x2  }
0x4e9: {  	v51 =	vld.idx.msk [tilespmem:v52+s12+$0x0], $0xffff;
	_ =	sdelay $0x1  }
0x4ea: {  	v52 =	vadd.s32 v28, v46;
	v54 =	vor.u32 s29, v54  }
0x4eb: {  	v53 =	vand.u32 $0xFFFFFF80, v52  }
0x4ec: {  	v52 =	vand.u32 $0x7F, v52;
	v53 =	vadd.s32 v47, v53  }
0x4ed: {  	v52 =	vor.u32 v52, v53;
	v51 =	vmul.f32 $8.000000000e+00, v51;
	_ =	sdelay $0x1  }
0x4ee: {  	[tilespmem:v54+s18+$0x0] =	vst.idx.msk $0xffff, v51;
	v54 =	vld [tilespmem:$0x1FFD0];
	_ =	sdelay $0x2  }
0x4ef: {  	v51 =	vld.idx.msk [tilespmem:v52+s12+$0x0], $0xffff;
	_ =	sdelay $0x1  }
0x4f0: {  	v52 =	vadd.s32 v29, v46;
	v54 =	vor.u32 s29, v54  }
0x4f1: {  	v53 =	vand.u32 $0xFFFFFF80, v52  }
0x4f2: {  	v52 =	vand.u32 $0x7F, v52;
	v53 =	vadd.s32 v47, v53  }
0x4f3: {  	v52 =	vor.u32 v52, v53;
	v51 =	vmul.f32 $8.000000000e+00, v51;
	_ =	sdelay $0x1  }
0x4f4: {  	[tilespmem:v54+s18+$0x0] =	vst.idx.msk $0xffff, v51;
	v54 =	vld [tilespmem:$0x1FB30];
	_ =	sdelay $0x2  }
0x4f5: {  	v51 =	vld.idx.msk [tilespmem:v52+s12+$0x0], $0xffff;
	_ =	sdelay $0x1  }
0x4f6: {  	v52 =	vadd.s32 v34, v46;
	v54 =	vor.u32 s29, v54  }
0x4f7: {  	v53 =	vand.u32 $0xFFFFFF80, v52  }
0x4f8: {  	v52 =	vand.u32 $0x7F, v52;
	v53 =	vadd.s32 v47, v53  }
0x4f9: {  	v52 =	vor.u32 v52, v53;
	v51 =	vmul.f32 $8.000000000e+00, v51;
	_ =	sdelay $0x1  }
0x4fa: {  	[tilespmem:v54+s18+$0x0] =	vst.idx.msk $0xffff, v51;
	v54 =	vld [tilespmem:$0x1FB40];
	_ =	sdelay $0x2  }
0x4fb: {  	v51 =	vld.idx.msk [tilespmem:v52+s12+$0x0], $0xffff;
	_ =	sdelay $0x1  }
0x4fc: {  	v52 =	vadd.s32 v39, v46;
	v54 =	vor.u32 s29, v54  }
0x4fd: {  	v53 =	vand.u32 $0xFFFFFF80, v52  }
0x4fe: {  	v52 =	vand.u32 $0x7F, v52;
	v53 =	vadd.s32 v47, v53  }
0x4ff: {  	v52 =	vor.u32 v52, v53;
	v51 =	vmul.f32 $8.000000000e+00, v51;
	_ =	sdelay $0x1  }
0x500: {  	[tilespmem:v54+s18+$0x0] =	vst.idx.msk $0xffff, v51;
	v54 =	vld [tilespmem:$0x1FB50];
	_ =	sdelay $0x2  }
0x501: {  	v51 =	vld.idx.msk [tilespmem:v52+s12+$0x0], $0xffff;
	_ =	sdelay $0x1  }
0x502: {  	v52 =	vadd.s32 v40, v46;
	v54 =	vor.u32 s29, v54  }
0x503: {  	v53 =	vand.u32 $0xFFFFFF80, v52  }
0x504: {  	v52 =	vand.u32 $0x7F, v52;
	v53 =	vadd.s32 v47, v53  }
0x505: {  	v52 =	vor.u32 v52, v53;
	v51 =	vmul.f32 $8.000000000e+00, v51;
	_ =	sdelay $0x1  }
0x506: {  	[tilespmem:v54+s18+$0x0] =	vst.idx.msk $0xffff, v51;
	v54 =	vld [tilespmem:$0x1FB60];
	_ =	sdelay $0x2  }
0x507: {  	v51 =	vld.idx.msk [tilespmem:v52+s12+$0x0], $0xffff;
	_ =	sdelay $0x1  }
0x508: {  	v52 =	vadd.s32 v41, v46;
	v54 =	vor.u32 s29, v54  }
0x509: {  	v53 =	vand.u32 $0xFFFFFF80, v52  }
0x50a: {  	v52 =	vand.u32 $0x7F, v52;
	v53 =	vadd.s32 v47, v53  }
0x50b: {  	v52 =	vor.u32 v52, v53;
	v51 =	vmul.f32 $8.000000000e+00, v51;
	_ =	sdelay $0x1  }
0x50c: {  	[tilespmem:v54+s18+$0x0] =	vst.idx.msk $0xffff, v51;
	v54 =	vld [tilespmem:$0x1FB70];
	_ =	sdelay $0x2  }
0x50d: {  	v51 =	vld.idx.msk [tilespmem:v52+s12+$0x0], $0xffff;
	_ =	sdelay $0x1  }
0x50e: {  	v52 =	vadd.s32 v42, v46;
	v54 =	vor.u32 s29, v54  }
0x50f: {  	v53 =	vand.u32 $0xFFFFFF80, v52  }
0x510: {  	v52 =	vand.u32 $0x7F, v52;
	v53 =	vadd.s32 v47, v53  }
0x511: {  	v52 =	vor.u32 v52, v53;
	v51 =	vmul.f32 $8.000000000e+00, v51;
	_ =	sdelay $0x1  }
0x512: {  	[tilespmem:v54+s18+$0x0] =	vst.idx.msk $0xffff, v51;
	v54 =	vld [tilespmem:$0x1FB80];
	_ =	sdelay $0x2  }
0x513: {  	v51 =	vld.idx.msk [tilespmem:v52+s12+$0x0], $0xffff;
	_ =	sdelay $0x1  }
0x514: {  	v52 =	vadd.s32 v43, v46;
	v54 =	vor.u32 s29, v54  }
0x515: {  	v53 =	vand.u32 $0xFFFFFF80, v52  }
0x516: {  	v52 =	vand.u32 $0x7F, v52;
	v53 =	vadd.s32 v47, v53  }
0x517: {  	v52 =	vor.u32 v52, v53;
	v51 =	vmul.f32 $8.000000000e+00, v51;
	_ =	sdelay $0x1  }
0x518: {  	[tilespmem:v54+s18+$0x0] =	vst.idx.msk $0xffff, v51;
	v54 =	vld [tilespmem:$0x1FB90];
	_ =	sdelay $0x2  }
0x519: {  	v51 =	vld.idx.msk [tilespmem:v52+s12+$0x0], $0xffff;
	_ =	sdelay $0x1  }
0x51a: {  	v52 =	vadd.s32 v44, v46;
	v54 =	vor.u32 s29, v54  }
0x51b: {  	v53 =	vand.u32 $0xFFFFFF80, v52  }
0x51c: {  	v52 =	vand.u32 $0x7F, v52;
	v53 =	vadd.s32 v47, v53  }
0x51d: {  	v52 =	vor.u32 v52, v53;
	v51 =	vmul.f32 $8.000000000e+00, v51;
	_ =	sdelay $0x1  }
0x51e: {  	[tilespmem:v54+s18+$0x0] =	vst.idx.msk $0xffff, v51;
	v54 =	vld [tilespmem:$0x1FBA0];
	_ =	sdelay $0x2  }
0x51f: {  	v51 =	vld.idx.msk [tilespmem:v52+s12+$0x0], $0xffff;
	_ =	sdelay $0x1  }
0x520: {  	v52 =	vadd.s32 v45, v46;
	v54 =	vor.u32 s29, v54  }
0x521: {  	v53 =	vand.u32 $0xFFFFFF80, v52  }
0x522: {  	v52 =	vand.u32 $0x7F, v52;
	v53 =	vadd.s32 v47, v53  }
0x523: {  	v52 =	vor.u32 v52, v53;
	v51 =	vmul.f32 $8.000000000e+00, v51;
	_ =	sdelay $0x1  }
0x524: {  	[tilespmem:v54+s18+$0x0] =	vst.idx.msk $0xffff, v51;
	v54 =	vld [tilespmem:$0x1FBB0];
	_ =	sdelay $0x2  }
0x525: {  	v51 =	vld.idx.msk [tilespmem:v52+s12+$0x0], $0xffff;
	_ =	sdelay $0x1  }
0x526: {  	v52 =	vadd.s32 v48, v46;
	v54 =	vor.u32 s29, v54  }
0x527: {  	v53 =	vand.u32 $0xFFFFFF80, v52  }
0x528: {  	v52 =	vand.u32 $0x7F, v52;
	v53 =	vadd.s32 v47, v53  }
0x529: {  	v52 =	vor.u32 v52, v53;
	v51 =	vmul.f32 $8.000000000e+00, v51;
	_ =	sdelay $0x1  }
0x52a: {  	[tilespmem:v54+s18+$0x0] =	vst.idx.msk $0xffff, v51;
	v54 =	vld [tilespmem:$0x1FBC0];
	_ =	sdelay $0x2  }
0x52b: {  	v51 =	vld.idx.msk [tilespmem:v52+s12+$0x0], $0xffff;
	v52 =	vadd.s32 v49, v46  }
0x52c: {  	v53 =	vand.u32 $0xFFFFFF80, v52  }
0x52d: {  	v52 =	vand.u32 $0x7F, v52;
	v53 =	vadd.s32 v47, v53;
	v54 =	vor.u32 s29, v54  }
0x52e: {  	v52 =	vor.u32 v52, v53;
	_ =	sdelay $0x1  }
0x52f: {  	v51 =	vmul.f32 $8.000000000e+00, v51;
	_ =	sdelay $0x1  }
0x530: {  	[tilespmem:v54+s18+$0x0] =	vst.idx.msk $0xffff, v51  }
0x531: {  	v46 =	vadd.s32 v50, v46;
	v51 =	vld.idx.msk [tilespmem:v52+s12+$0x0], $0xffff  }
0x532: {  	v56 =	vand.u32 $0xFFFFFF80, v46  }
0x533: {  	v46 =	vand.u32 $0x7F, v46;
	v47 =	vadd.s32 v47, v56;
	v56 =	vor.u32 s29, v17  }
0x534: {  	v46 =	vor.u32 v46, v47;
	_ =	sdelay $0x1  }
0x535: {  	v53 =	vmul.f32 $8.000000000e+00, v51;
	_ =	sdelay $0x1  }
0x536: {  	[tilespmem:v56+s18+$0x0] =	vst.idx.msk $0xffff, v53  }
0x537: {  	v46 =	vld.idx.msk [tilespmem:v46+s12+$0x0], $0xffff;
	_ =	sdelay $0x1  }
0x538: {  	p0 =	sne.s32 s29, $0x70;
	v56 =	vor.u32 s29, v16  }
.Ltmp3:
0x539: {  	_ = 	snop;
	(pc) =	sbr.rel @p0 .LBB2_5-.Ltmp3, $3  }
0x53a: {  	_ = 	snop  }
0x53b: {  	v46 =	vmul.f32 $8.000000000e+00, v46;
	_ =	sdelay $0x1  }
0x53c: {  	s30 =	sadd.s32 $0x10, s30;
	v54 =	vmov v18;
	s29 =	sadd.s32 $0x10, s29;
	[tilespmem:v56+s18+$0x0] =	vst.idx.msk $0xffff, v46  }
.Ltmp4:
0x53d: {  	s26 =	sand.u32 $0x3, s26;
	(pc) =	sbr.rel @p1 .LBB2_8-.Ltmp4, $4  }
0x53e: {  	s26 =	sor.u32 s7, s26  }
0x53f: {  	s26 =	sshll.u32 s26, $0x7  }
0x540: {  	s26 =	sadd.s32 s26, s28  }
0x541: {  	v52 =	vmov v16;
	[hbm4b:s26+s15] =	stream.strided.scatter [tilespmem:s18], [sflag:$0x4], $0x2000, s16, s15, $0x38;
	[tilespmem:$0x18800] =	vst v63  }
.Ltmp5:
0x542: {  	(pc) =	sbr.rel .LBB2_2-.Ltmp5, $4  }
0x543: {  	_ = 	snop  }
0x544: {  	s25 =	sshrl.u32 s25, $0x2;
	s24 =	sadd.s32 $0x1, s24  }
0x545: {  	s22 =	sadd.s32 $0x100, s22;
	s23 =	sadd.s32 $0x100, s23;
	s25 =	sadd.s32 $0x180, s25  }
0x546: {  	[tilespmem:s12], [sflag:$0x2] =	stream.indirect.gather [hbm4b:s4+s10], $0x80, s25, s10, $0xb8;
	[tilespmem:$0x18800] =	vst v63  }
.LBB2_9:
0x547: {  	_ =	sfence.sel $0x180000  }
0x548: {  	[bflag:$0x0] =	sbarrier.arrive $0xFFFF  }
0x549: {  	p0 =	sne.s32 s0, $0x0;
	_ =	strace $0x90000047  }
0x54a: {  	s0 =	sadd.s32 @!p0 $0x100000, s1;
	[bflag:$0x2] =	sbarrier.arrive $0xFFFF  }
0x54b: {  	[sflag:s0] =	ssyncadd.tile.s32 @!p0 $0x1;
	_ =	shalt  }
.Lfunc_end2:
_tile_overlayer_lowered:
.L_overlay_start_2:
0x54c: {  	(tag) =	ssettag $0x2  }
0x54d: {  	s0 =	rddreg [dreg:$0x0];
	s2 =	stileid.u32  }
0x54e: {  	s1 =	rddreg [dreg:$0x1];
	p0 =	sne.s32 s2, $0x0  }
0x54f: {  	s3 =	rddreg [dreg:$0x2];
	[bflag:$0x3] =	sbarrier.arrive $0xFFFF;
	s2 =	simm.s32 @!p0 $0x1C05  }
0x550: {  	[timem:s3], [sflag:s2] =	dma.local @!p0 [hbm:s0], s1  }
0x551: {  	s0 =	simm.s32 @!p0 $0x5  }
0x552: {  	_ =	swait.ge @!p0 [sflag:s0], s1  }
0x553: {  	s1 =	ssub.s32 @!p0 $0x0, s1;
	[sflag:s0] =	ssyncset.done @!p0 $0x0  }
0x554: {  	[sflag:s0] =	ssyncadd.s32 @!p0 s1  }
0x555: {  	[bflag:$0x3] =	sbarrier.arrive $0xFFFF  }
0x556: {  	_ =	shalt  }

</sc_bundles>
